<compile_context>
chip_gen: v7x
topology: tpu7x:2x2x1
jax: 0.10.2.dev20260603
libtpu: 0.0.44.dev20260713+nightly
codegen_flags: <defaults>
</compile_context>

<pallas_src>
import jax
import jax.numpy as jnp
from jax import lax
from jax.experimental import pallas as pl
from jax.experimental.pallas import tpu as pltpu
from jax.experimental.pallas import tpu_sc as plsc

_NC = 2
_NS = 16
_NW = _NC * _NS
_T = 8192
_CHUNK = _T // _NW
_RG = 2048
_R = 256


def _quant_body(w1_ref, w0_ref, w1q_ref, w0b_ref):
    w = w1_ref[...]
    bits = lax.bitcast_convert_type(jnp.abs(w), jnp.int32)
    e = (bits >> 23) - 127
    m = bits & 0x7FFFFF
    shift = e + jnp.where(m >= 0x3504F3, 1, 0)
    shift = jnp.clip(shift, -14, 0)
    pow2 = lax.bitcast_convert_type((shift + 127) << 23, jnp.float32)
    w1q = jnp.sign(w) * pow2
    w1q_ref[...] = w1q.astype(jnp.bfloat16)
    w0b_ref[...] = w0_ref[...].astype(jnp.bfloat16)


def _gate_body(x_ref, wg_ref, bg_ref, eid_ref):
    x = x_ref[...]
    logits = lax.dot_general(
        x.astype(jnp.bfloat16), wg_ref[...].astype(jnp.bfloat16),
        (((1,), (0,)), ((), ())),
        preferred_element_type=jnp.float32,
    ) + bg_ref[...]
    lt = jnp.transpose(logits)
    eid = (lt[1:2, :] > lt[0:1, :]).astype(jnp.int32)
    eid_ref[...] = eid.reshape(1, 1, _RG)


def _splat_total(v):
    r = lax.rev(plsc.cumsum(lax.rev(v, (0,))), (0,))
    return plsc.cumsum(v) + r - v


def _route_body(eid_hbm, xb_hbm, invp_hbm, n0_hbm, xs_hbm,
                eid_v, posflat, pos_rows2, n0_v, rb0, rb1,
                gs0, gs1, ws0, ws1):
    w = lax.axis_index("s") * _NC + lax.axis_index("c")
    base = w * _CHUNK

    pltpu.sync_copy(eid_hbm, eid_v)

    def count_step(i, carry):
        accb, acct = carry
        v = eid_v[pl.ds(i * 16, 16)]
        z = 1 - v
        li = i * 16 + lax.iota(jnp.int32, 16)
        accb = accb + jnp.where(li < base, z, 0)
        return accb, acct + z

    accb, acct = lax.fori_loop(
        0, _T // 16, count_step,
        (jnp.zeros((16,), jnp.int32), jnp.zeros((16,), jnp.int32)))
    base0 = _splat_total(accb)
    n0 = _splat_total(acct)
    base1 = n0 + base - base0

    zc = jnp.zeros((16,), jnp.int32)
    for j in range(_CHUNK // 16):
        v = eid_v[pl.ds(base + j * 16, 16)]
        z = 1 - v
        cz = plsc.cumsum(z)
        excl = cz - z
        li = j * 16 + lax.iota(jnp.int32, 16)
        pos = jnp.where(v == 0,
                        base0 + zc + excl,
                        base1 + li - (zc + excl))
        posflat[pl.ds(j * 16, 16)] = pos
        pos_rows2[j // 2, pl.ds((j % 2) * 16, 16)] = pos
        zc = zc + _splat_total(z)

    pltpu.sync_copy(posflat, invp_hbm.at[w])

    @pl.when(w == 0)
    def _():
        n0_v[pl.ds(0, 16)] = n0
        pltpu.sync_copy(n0_v, n0_hbm)

    bufs, gsems, wsems = (rb0, rb1), (gs0, gs1), (ws0, ws1)
    nch = _CHUNK // 32
    gd = [None, None]
    wd = [None, None]
    gd[0] = pltpu.async_copy(
        xb_hbm.at[pl.ds(base, 32)], bufs[0], gsems[0])
    for k in range(nch):
        b = k % 2
        nb = (k + 1) % 2
        gd[b].wait()
        if k + 1 < nch:
            if wd[nb] is not None:
                wd[nb].wait()
            gd[nb] = pltpu.async_copy(
                xb_hbm.at[pl.ds(base + (k + 1) * 32, 32)], bufs[nb],
                gsems[nb])
        wd[b] = pltpu.async_copy(
            bufs[b], xs_hbm.at[pos_rows2.at[k]], wsems[b])
    wd[(nch - 2) % 2].wait()
    wd[(nch - 1) % 2].wait()


def _mm_body(n0_ref, xs_ref, w0_ref, w1_ref, b0_ref, b1_ref, o_ref):
    n0 = n0_ref[0]
    lo = pl.program_id(0) * _R
    xb = xs_ref[...].astype(jnp.bfloat16)
    dims = (((1,), (0,)), ((), ()))

    @pl.when(lo + _R <= n0)
    def _():
        o_ref[...] = lax.dot_general(
            xb, w0_ref[...], dims, preferred_element_type=jnp.float32,
        ) + b0_ref[...]

    @pl.when(lo >= n0)
    def _():
        o_ref[...] = lax.dot_general(
            xb, w1_ref[...], dims, preferred_element_type=jnp.float32,
        ) + b1_ref[...]

    @pl.when(jnp.logical_and(lo < n0, lo + _R > n0))
    def _():
        out0 = lax.dot_general(
            xb, w0_ref[...], dims, preferred_element_type=jnp.float32,
        ) + b0_ref[...]
        out1 = lax.dot_general(
            xb, w1_ref[...], dims, preferred_element_type=jnp.float32,
        ) + b1_ref[...]
        rows = lo + lax.broadcasted_iota(jnp.int32, (_R, 1), 0)
        o_ref[...] = jnp.where(rows < n0, out0, out1)


def _unsort_body(ys_hbm, invp_hbm, y_hbm, idx_v, rb0, rb1,
                 gs0, gs1, ws0, ws1):
    w = lax.axis_index("s") * _NC + lax.axis_index("c")
    base = w * _CHUNK
    pltpu.sync_copy(invp_hbm.at[w], idx_v)
    bufs, gsems, wsems = (rb0, rb1), (gs0, gs1), (ws0, ws1)
    nch = _CHUNK // 8
    gd = [None, None]
    wd = [None, None]
    gd[0] = pltpu.async_copy(
        ys_hbm.at[idx_v.at[pl.ds(0, 8)]], bufs[0], gsems[0])
    for k in range(nch):
        b = k % 2
        nb = (k + 1) % 2
        gd[b].wait()
        if k + 1 < nch:
            if wd[nb] is not None:
                wd[nb].wait()
            gd[nb] = pltpu.async_copy(
                ys_hbm.at[idx_v.at[pl.ds((k + 1) * 8, 8)]], bufs[nb],
                gsems[nb])
        wd[b] = pltpu.async_copy(
            bufs[b], y_hbm.at[pl.ds(base + k * 8, 8)], wsems[b])
    wd[(nch - 2) % 2].wait()
    wd[(nch - 1) % 2].wait()


@jax.jit
def _run(x, Wg, bg, W0, b0, W1, b1):
    T, C = x.shape
    H = W0.shape[1]

    w1q, w0b = pl.pallas_call(
        _quant_body,
        grid=(4,),
        in_specs=[
            pl.BlockSpec((C, H // 4), lambda j: (0, j)),
            pl.BlockSpec((C, H // 4), lambda j: (0, j)),
        ],
        out_specs=[
            pl.BlockSpec((C, H // 4), lambda j: (0, j)),
            pl.BlockSpec((C, H // 4), lambda j: (0, j)),
        ],
        out_shape=[
            jax.ShapeDtypeStruct((C, H), jnp.bfloat16),
            jax.ShapeDtypeStruct((C, H), jnp.bfloat16),
        ],
    )(W1, W0)

    eid3 = pl.pallas_call(
        _gate_body,
        grid=(T // _RG,),
        in_specs=[
            pl.BlockSpec((_RG, C), lambda i: (i, 0)),
            pl.BlockSpec((C, 2), lambda i: (0, 0)),
            pl.BlockSpec((1, 2), lambda i: (0, 0)),
        ],
        out_specs=pl.BlockSpec((1, 1, _RG), lambda i: (i, 0, 0)),
        out_shape=jax.ShapeDtypeStruct((T // _RG, 1, _RG), jnp.int32),
    )(x, Wg, bg.reshape(1, 2))
    eid = eid3.reshape(T)

    mesh = plsc.VectorSubcoreMesh(
        core_axis_name="c", subcore_axis_name="s",
        num_cores=_NC, num_subcores=_NS)
    invp, n0a, xs = pl.kernel(
        _route_body,
        out_type=[
            jax.ShapeDtypeStruct((_NW, _CHUNK), jnp.int32),
            jax.ShapeDtypeStruct((16,), jnp.int32),
            jax.ShapeDtypeStruct((T, C), jnp.float32),
        ],
        mesh=mesh,
        scratch_types=[
            pltpu.VMEM((_T,), jnp.int32),
            pltpu.VMEM((_CHUNK,), jnp.int32),
            pltpu.VMEM((8, 32), jnp.int32),
            pltpu.VMEM((16,), jnp.int32),
            pltpu.VMEM((32, C), jnp.float32),
            pltpu.VMEM((32, C), jnp.float32),
            pltpu.SemaphoreType.DMA,
            pltpu.SemaphoreType.DMA,
            pltpu.SemaphoreType.DMA,
            pltpu.SemaphoreType.DMA,
        ],
        compiler_params=pltpu.CompilerParams(needs_layout_passes=False),
    )(eid, x)

    ys = pl.pallas_call(
        _mm_body,
        grid_spec=pltpu.PrefetchScalarGridSpec(
            num_scalar_prefetch=1,
            grid=(T // _R,),
            in_specs=[
                pl.BlockSpec((_R, C), lambda i, n0: (i, 0)),
                pl.BlockSpec((C, H), lambda i, n0: (0, 0)),
                pl.BlockSpec((C, H), lambda i, n0: (0, 0)),
                pl.BlockSpec((1, H), lambda i, n0: (0, 0)),
                pl.BlockSpec((1, H), lambda i, n0: (0, 0)),
            ],
            out_specs=pl.BlockSpec((_R, H), lambda i, n0: (i, 0)),
        ),
        out_shape=jax.ShapeDtypeStruct((T, H), jnp.float32),
    )(n0a, xs, w0b, w1q, b0.reshape(1, H), b1.reshape(1, H))

    y = pl.kernel(
        _unsort_body,
        out_type=jax.ShapeDtypeStruct((T, H), jnp.float32),
        mesh=mesh,
        scratch_types=[
            pltpu.VMEM((_CHUNK,), jnp.int32),
            pltpu.VMEM((8, H), jnp.float32),
            pltpu.VMEM((8, H), jnp.float32),
            pltpu.SemaphoreType.DMA,
            pltpu.SemaphoreType.DMA,
            pltpu.SemaphoreType.DMA,
            pltpu.SemaphoreType.DMA,
        ],
        compiler_params=pltpu.CompilerParams(needs_layout_passes=False),
    )(ys, invp)
    return y


def kernel(inp, Wg, bg, W0, b0, W1, b1):
    B, N, C = inp.shape
    x = inp.reshape(-1, C)
    y = _run(x, Wg, bg, W0, b0, W1, b1)
    return y.reshape(B, N, -1)

# --- scband reference (transcript-rebuilt; emitter-appended) ---
"""Pipeline reference for scband-py-torch-fmo-e-fc-40132174414265 (READ-ONLY COPY).

The authoritative reference and input builder live on the scoring server;
editing this copy changes nothing except your own understanding.
"""

import jax, jax.numpy as jnp
import numpy as np

WEIGHT_BITS = 5


def round_to_power_of_2(w):
    # DeepShift-style deterministic rounding of weights to signed powers of two
    sign = jnp.sign(w)
    absw = jnp.clip(jnp.abs(w), 1e-10, None)
    shift = jnp.round(jnp.log2(absw))
    shift = jnp.clip(shift, -(2 ** (WEIGHT_BITS - 1) - 2), 0.0)
    return sign * jnp.exp2(shift)


def setup_inputs(seed: int = 0) -> dict:
    key = jax.random.key(seed)
    ks = jax.random.split(key, 8)
    B, N, d_model, d_hidden, num_expert = 4, 2048, 1024, 4096, 2
    inp = jax.random.normal(ks[0], (B, N, d_model), dtype=jnp.float32)
    Wg = jax.random.normal(ks[1], (d_model, num_expert), dtype=jnp.float32) * 0.02
    bg = jnp.zeros((num_expert,), dtype=jnp.float32)
    W0 = jax.random.normal(ks[2], (d_model, d_hidden), dtype=jnp.float32) * 0.02
    b0 = jnp.zeros((d_hidden,), dtype=jnp.float32)
    W1 = jax.random.normal(ks[3], (d_model, d_hidden), dtype=jnp.float32) * 0.02
    b1 = jnp.zeros((d_hidden,), dtype=jnp.float32)
    return {"inp": inp, "Wg": Wg, "bg": bg, "W0": W0, "b0": b0, "W1": W1, "b1": b1}


def reference(inp, Wg, bg, W0, b0, W1, b1):
    num_expert, top_k = 2, 1
    B, N, C = inp.shape
    x = inp.reshape(-1, C)
    T = x.shape[0]
    # NaiveGate: linear -> top-k -> softmax over top-k -> dense sparse gate matrix
    logits = x @ Wg + bg
    top_vals, top_idx = jax.lax.top_k(logits, top_k)
    top_gates = jax.nn.softmax(top_vals, axis=-1)
    gates = jnp.zeros((T, num_expert), dtype=x.dtype).at[
        jnp.arange(T)[:, None], top_idx
    ].add(top_gates)
    # SparseDispatcher dispatch/combine is mathematically a gate-weighted sum of
    # per-expert outputs (gates are zero for unselected experts)
    out0 = x @ W0 + b0  # expert 0: plain nn.Linear
    W1q = round_to_power_of_2(W1)  # expert 1: LinearShift (power-of-2 weights)
    out1 = x @ W1q + b1
    y = gates[:, 0:1] * out0 + gates[:, 1:2] * out1
    return y.reshape(B, N, -1)

if __name__ == "__main__":
    import jax
    _d = setup_inputs()
    print(jax.jit(kernel)(*tuple(_d.values())))

</pallas_src>

<mosaic_0001>
#map = affine_map<(d0, d1) -> (0, 0)>
module attributes {stable_mosaic.version = 14 : i64} {
  func.func @_unsort_body(%arg0: i32, %arg1: i32, %arg2: memref<8192x4096xf32, #tpu.memory_space<hbm>>, %arg3: memref<32x256xi32, #tpu.memory_space<hbm>>, %arg4: memref<8192x4096xf32, #tpu.memory_space<hbm>>, %arg5: memref<256xi32, #tpu.memory_space<vmem>>, %arg6: memref<8x4096xf32, #tpu.memory_space<vmem>>, %arg7: memref<8x4096xf32, #tpu.memory_space<vmem>>, %arg8: memref<!tpu.dma_semaphore, #tpu.memory_space<semaphore_mem>>, %arg9: memref<!tpu.dma_semaphore, #tpu.memory_space<semaphore_mem>>, %arg10: memref<!tpu.dma_semaphore, #tpu.memory_space<semaphore_mem>>, %arg11: memref<!tpu.dma_semaphore, #tpu.memory_space<semaphore_mem>>) attributes {dimension_semantics = [#tpu.dimension_semantics<core_parallel>, #tpu.dimension_semantics<subcore_parallel>], iteration_bounds = array<i64: 2, 16>, scalar_prefetch = 0 : i64, scratch_operands = 7 : i64, tpu.core_type = #tpu.core_type<sc_vector_subcore>, window_params = [{transform_indices = #map}, {transform_indices = #map}, {transform_indices = #map}]} {
    %mul3A = arith.constant 2 : i32
    %mul3A_0 = arith.muli %arg1, %mul3A : i32
    %add3A = arith.addi %mul3A_0, %arg0 : i32
    %mul3A_1 = arith.constant 256 : i32
    %mul3A_2 = arith.muli %add3A, %mul3A_1 : i32
    "tpu.region"() ({
      %run_scoped3A = tpu.sem_alloc : memref<!tpu.dma_semaphore, #tpu.memory_space<semaphore_mem>>
      %dma_start3A_641 = arith.constant 0 : i32
      %dma_start3A_642 = tpu.memref_slice %arg3[%add3A, %dma_start3A_641] : memref<32x256xi32, #tpu.memory_space<hbm>> -> memref<1x256xi32, #tpu.memory_space<hbm>>
      %dma_start3A_643 = tpu.memref_squeeze %dma_start3A_642 : memref<1x256xi32, #tpu.memory_space<hbm>> -> memref<256xi32, #tpu.memory_space<hbm>>
      %dma_start3A_644 = arith.constant 0 : i32
      %dma_start3A_645 = tpu.memref_slice %arg3[%add3A, %dma_start3A_644] : memref<32x256xi32, #tpu.memory_space<hbm>> -> memref<1x256xi32, #tpu.memory_space<hbm>>
      %dma_start3A_646 = tpu.memref_squeeze %dma_start3A_645 : memref<1x256xi32, #tpu.memory_space<hbm>> -> memref<256xi32, #tpu.memory_space<hbm>>
      tpu.enqueue_dma source(%dma_start3A_646 : memref<256xi32, #tpu.memory_space<hbm>>) target(%arg5 : memref<256xi32, #tpu.memory_space<vmem>>) target_semaphore(%run_scoped3A : memref<!tpu.dma_semaphore, #tpu.memory_space<semaphore_mem>>)
      %dma_wait3A_647 = arith.constant 0 : i32
      %dma_wait3A_648 = tpu.memref_slice %arg3[%add3A, %dma_wait3A_647] : memref<32x256xi32, #tpu.memory_space<hbm>> -> memref<1x256xi32, #tpu.memory_space<hbm>>
      %dma_wait3A_649 = tpu.memref_squeeze %dma_wait3A_648 : memref<1x256xi32, #tpu.memory_space<hbm>> -> memref<256xi32, #tpu.memory_space<hbm>>
      %dma_wait3A_650 = arith.constant 0 : i32
      %dma_wait3A_651 = tpu.memref_slice %arg3[%add3A, %dma_wait3A_650] : memref<32x256xi32, #tpu.memory_space<hbm>> -> memref<1x256xi32, #tpu.memory_space<hbm>>
      %dma_wait3A_652 = tpu.memref_squeeze %dma_wait3A_651 : memref<1x256xi32, #tpu.memory_space<hbm>> -> memref<256xi32, #tpu.memory_space<hbm>>
      tpu.wait_dma2 semaphore(%run_scoped3A : memref<!tpu.dma_semaphore, #tpu.memory_space<semaphore_mem>>) src(%dma_wait3A_652 : memref<256xi32, #tpu.memory_space<hbm>>) dst(%arg5 : memref<256xi32, #tpu.memory_space<vmem>>)
      tpu.yield
    }) : () -> ()
    %dma_start3A = arith.constant 0 : i32
    %dma_start3A_3 = tpu.memref_slice %arg5[%dma_start3A] : memref<256xi32, #tpu.memory_space<vmem>> -> memref<8xi32, #tpu.memory_space<vmem>>
    %dma_start3A_4 = arith.constant 0 : i32
    %dma_start3A_5 = arith.constant 0 : i32
    %dma_start3A_6 = tpu.memref_slice %arg2[%dma_start3A_4, %dma_start3A_5] : memref<8192x4096xf32, #tpu.memory_space<hbm>> -> memref<8192x4096xf32, #tpu.memory_space<hbm>>
    tpu.enqueue_indirect_dma source(%dma_start3A_6 : memref<8192x4096xf32, #tpu.memory_space<hbm>>) target(%arg6 : memref<8x4096xf32, #tpu.memory_space<vmem>>) offsets(%dma_start3A_3 : memref<8xi32, #tpu.memory_space<vmem>>) semaphore(%arg8 : memref<!tpu.dma_semaphore, #tpu.memory_space<semaphore_mem>>)
    %dma_wait3A = arith.constant 0 : i32
    %dma_wait3A_7 = tpu.memref_slice %arg5[%dma_wait3A] : memref<256xi32, #tpu.memory_space<vmem>> -> memref<8xi32, #tpu.memory_space<vmem>>
    %dma_wait3A_8 = arith.constant 0 : i32
    %dma_wait3A_9 = arith.constant 0 : i32
    %dma_wait3A_10 = tpu.memref_slice %arg2[%dma_wait3A_8, %dma_wait3A_9] : memref<8192x4096xf32, #tpu.memory_space<hbm>> -> memref<8192x4096xf32, #tpu.memory_space<hbm>>
    tpu.wait_indirect_dma semaphore(%arg8 : memref<!tpu.dma_semaphore, #tpu.memory_space<semaphore_mem>>) src(%dma_wait3A_10 : memref<8192x4096xf32, #tpu.memory_space<hbm>>) dst(%arg6 : memref<8x4096xf32, #tpu.memory_space<vmem>>)
    %dma_start3A_11 = arith.constant 8 : i32
    %dma_start3A_12 = tpu.memref_slice %arg5[%dma_start3A_11] : memref<256xi32, #tpu.memory_space<vmem>> -> memref<8xi32, #tpu.memory_space<vmem>>
    %dma_start3A_13 = arith.constant 0 : i32
    %dma_start3A_14 = arith.constant 0 : i32
    %dma_start3A_15 = tpu.memref_slice %arg2[%dma_start3A_13, %dma_start3A_14] : memref<8192x4096xf32, #tpu.memory_space<hbm>> -> memref<8192x4096xf32, #tpu.memory_space<hbm>>
    tpu.enqueue_indirect_dma source(%dma_start3A_15 : memref<8192x4096xf32, #tpu.memory_space<hbm>>) target(%arg7 : memref<8x4096xf32, #tpu.memory_space<vmem>>) offsets(%dma_start3A_12 : memref<8xi32, #tpu.memory_space<vmem>>) semaphore(%arg9 : memref<!tpu.dma_semaphore, #tpu.memory_space<semaphore_mem>>)
    %add3A_16 = arith.constant 0 : i32
    %add3A_17 = arith.addi %mul3A_2, %add3A_16 : i32
    %dma_start3A_18 = arith.constant 0 : i32
    %dma_start3A_19 = tpu.memref_slice %arg4[%add3A_17, %dma_start3A_18] : memref<8192x4096xf32, #tpu.memory_space<hbm>> -> memref<8x4096xf32, #tpu.memory_space<hbm>>
    %dma_start3A_20 = arith.constant 0 : i32
    %dma_start3A_21 = tpu.memref_slice %arg4[%add3A_17, %dma_start3A_20] : memref<8192x4096xf32, #tpu.memory_space<hbm>> -> memref<8x4096xf32, #tpu.memory_space<hbm>>
    tpu.enqueue_dma source(%arg6 : memref<8x4096xf32, #tpu.memory_space<vmem>>) target(%dma_start3A_21 : memref<8x4096xf32, #tpu.memory_space<hbm>>) target_semaphore(%arg10 : memref<!tpu.dma_semaphore, #tpu.memory_space<semaphore_mem>>)
    %dma_wait3A_22 = arith.constant 8 : i32
    %dma_wait3A_23 = tpu.memref_slice %arg5[%dma_wait3A_22] : memref<256xi32, #tpu.memory_space<vmem>> -> memref<8xi32, #tpu.memory_space<vmem>>
    %dma_wait3A_24 = arith.constant 0 : i32
    %dma_wait3A_25 = arith.constant 0 : i32
    %dma_wait3A_26 = tpu.memref_slice %arg2[%dma_wait3A_24, %dma_wait3A_25] : memref<8192x4096xf32, #tpu.memory_space<hbm>> -> memref<8192x4096xf32, #tpu.memory_space<hbm>>
    tpu.wait_indirect_dma semaphore(%arg9 : memref<!tpu.dma_semaphore, #tpu.memory_space<semaphore_mem>>) src(%dma_wait3A_26 : memref<8192x4096xf32, #tpu.memory_space<hbm>>) dst(%arg7 : memref<8x4096xf32, #tpu.memory_space<vmem>>)
    %dma_wait3A_27 = arith.constant 0 : i32
    %dma_wait3A_28 = tpu.memref_slice %arg4[%add3A_17, %dma_wait3A_27] : memref<8192x4096xf32, #tpu.memory_space<hbm>> -> memref<8x4096xf32, #tpu.memory_space<hbm>>
    %dma_wait3A_29 = arith.constant 0 : i32
    %dma_wait3A_30 = tpu.memref_slice %arg4[%add3A_17, %dma_wait3A_29] : memref<8192x4096xf32, #tpu.memory_space<hbm>> -> memref<8x4096xf32, #tpu.memory_space<hbm>>
    tpu.wait_dma2 semaphore(%arg10 : memref<!tpu.dma_semaphore, #tpu.memory_space<semaphore_mem>>) src(%arg6 : memref<8x4096xf32, #tpu.memory_space<vmem>>) dst(%dma_wait3A_30 : memref<8x4096xf32, #tpu.memory_space<hbm>>)
    %dma_start3A_31 = arith.constant 16 : i32
    %dma_start3A_32 = tpu.memref_slice %arg5[%dma_start3A_31] : memref<256xi32, #tpu.memory_space<vmem>> -> memref<8xi32, #tpu.memory_space<vmem>>
    %dma_start3A_33 = arith.constant 0 : i32
    %dma_start3A_34 = arith.constant 0 : i32
    %dma_start3A_35 = tpu.memref_slice %arg2[%dma_start3A_33, %dma_start3A_34] : memref<8192x4096xf32, #tpu.memory_space<hbm>> -> memref<8192x4096xf32, #tpu.memory_space<hbm>>
    tpu.enqueue_indirect_dma source(%dma_start3A_35 : memref<8192x4096xf32, #tpu.memory_space<hbm>>) target(%arg6 : memref<8x4096xf32, #tpu.memory_space<vmem>>) offsets(%dma_start3A_32 : memref<8xi32, #tpu.memory_space<vmem>>) semaphore(%arg8 : memref<!tpu.dma_semaphore, #tpu.memory_space<semaphore_mem>>)
    %add3A_36 = arith.constant 8 : i32
    %add3A_37 = arith.addi %mul3A_2, %add3A_36 : i32
    %dma_start3A_38 = arith.constant 0 : i32
    %dma_start3A_39 = tpu.memref_slice %arg4[%add3A_37, %dma_start3A_38] : memref<8192x4096xf32, #tpu.memory_space<hbm>> -> memref<8x4096xf32, #tpu.memory_space<hbm>>
    %dma_start3A_40 = arith.constant 0 : i32
    %dma_start3A_41 = tpu.memref_slice %arg4[%add3A_37, %dma_start3A_40] : memref<8192x4096xf32, #tpu.memory_space<hbm>> -> memref<8x4096xf32, #tpu.memory_space<hbm>>
    tpu.enqueue_dma source(%arg7 : memref<8x4096xf32, #tpu.memory_space<vmem>>) target(%dma_start3A_41 : memref<8x4096xf32, #tpu.memory_space<hbm>>) target_semaphore(%arg11 : memref<!tpu.dma_semaphore, #tpu.memory_space<semaphore_mem>>)
    %dma_wait3A_42 = arith.constant 16 : i32
    %dma_wait3A_43 = tpu.memref_slice %arg5[%dma_wait3A_42] : memref<256xi32, #tpu.memory_space<vmem>> -> memref<8xi32, #tpu.memory_space<vmem>>
    %dma_wait3A_44 = arith.constant 0 : i32
    %dma_wait3A_45 = arith.constant 0 : i32
    %dma_wait3A_46 = tpu.memref_slice %arg2[%dma_wait3A_44, %dma_wait3A_45] : memref<8192x4096xf32, #tpu.memory_space<hbm>> -> memref<8192x4096xf32, #tpu.memory_space<hbm>>
    tpu.wait_indirect_dma semaphore(%arg8 : memref<!tpu.dma_semaphore, #tpu.memory_space<semaphore_mem>>) src(%dma_wait3A_46 : memref<8192x4096xf32, #tpu.memory_space<hbm>>) dst(%arg6 : memref<8x4096xf32, #tpu.memory_space<vmem>>)
    %dma_wait3A_47 = arith.constant 0 : i32
    %dma_wait3A_48 = tpu.memref_slice %arg4[%add3A_37, %dma_wait3A_47] : memref<8192x4096xf32, #tpu.memory_space<hbm>> -> memref<8x4096xf32, #tpu.memory_space<hbm>>
    %dma_wait3A_49 = arith.constant 0 : i32
    %dma_wait3A_50 = tpu.memref_slice %arg4[%add3A_37, %dma_wait3A_49] : memref<8192x4096xf32, #tpu.memory_space<hbm>> -> memref<8x4096xf32, #tpu.memory_space<hbm>>
    tpu.wait_dma2 semaphore(%arg11 : memref<!tpu.dma_semaphore, #tpu.memory_space<semaphore_mem>>) src(%arg7 : memref<8x4096xf32, #tpu.memory_space<vmem>>) dst(%dma_wait3A_50 : memref<8x4096xf32, #tpu.memory_space<hbm>>)
    %dma_start3A_51 = arith.constant 24 : i32
    %dma_start3A_52 = tpu.memref_slice %arg5[%dma_start3A_51] : memref<256xi32, #tpu.memory_space<vmem>> -> memref<8xi32, #tpu.memory_space<vmem>>
    %dma_start3A_53 = arith.constant 0 : i32
    %dma_start3A_54 = arith.constant 0 : i32
    %dma_start3A_55 = tpu.memref_slice %arg2[%dma_start3A_53, %dma_start3A_54] : memref<8192x4096xf32, #tpu.memory_space<hbm>> -> memref<8192x4096xf32, #tpu.memory_space<hbm>>
    tpu.enqueue_indirect_dma source(%dma_start3A_55 : memref<8192x4096xf32, #tpu.memory_space<hbm>>) target(%arg7 : memref<8x4096xf32, #tpu.memory_space<vmem>>) offsets(%dma_start3A_52 : memref<8xi32, #tpu.memory_space<vmem>>) semaphore(%arg9 : memref<!tpu.dma_semaphore, #tpu.memory_space<semaphore_mem>>)
    %add3A_56 = arith.constant 16 : i32
    %add3A_57 = arith.addi %mul3A_2, %add3A_56 : i32
    %dma_start3A_58 = arith.constant 0 : i32
    %dma_start3A_59 = tpu.memref_slice %arg4[%add3A_57, %dma_start3A_58] : memref<8192x4096xf32, #tpu.memory_space<hbm>> -> memref<8x4096xf32, #tpu.memory_space<hbm>>
    %dma_start3A_60 = arith.constant 0 : i32
    %dma_start3A_61 = tpu.memref_slice %arg4[%add3A_57, %dma_start3A_60] : memref<8192x4096xf32, #tpu.memory_space<hbm>> -> memref<8x4096xf32, #tpu.memory_space<hbm>>
    tpu.enqueue_dma source(%arg6 : memref<8x4096xf32, #tpu.memory_space<vmem>>) target(%dma_start3A_61 : memref<8x4096xf32, #tpu.memory_space<hbm>>) target_semaphore(%arg10 : memref<!tpu.dma_semaphore, #tpu.memory_space<semaphore_mem>>)
    %dma_wait3A_62 = arith.constant 24 : i32
    %dma_wait3A_63 = tpu.memref_slice %arg5[%dma_wait3A_62] : memref<256xi32, #tpu.memory_space<vmem>> -> memref<8xi32, #tpu.memory_space<vmem>>
    %dma_wait3A_64 = arith.constant 0 : i32
    %dma_wait3A_65 = arith.constant 0 : i32
    %dma_wait3A_66 = tpu.memref_slice %arg2[%dma_wait3A_64, %dma_wait3A_65] : memref<8192x4096xf32, #tpu.memory_space<hbm>> -> memref<8192x4096xf32, #tpu.memory_space<hbm>>
    tpu.wait_indirect_dma semaphore(%arg9 : memref<!tpu.dma_semaphore, #tpu.memory_space<semaphore_mem>>) src(%dma_wait3A_66 : memref<8192x4096xf32, #tpu.memory_space<hbm>>) dst(%arg7 : memref<8x4096xf32, #tpu.memory_space<vmem>>)
    %dma_wait3A_67 = arith.constant 0 : i32
    %dma_wait3A_68 = tpu.memref_slice %arg4[%add3A_57, %dma_wait3A_67] : memref<8192x4096xf32, #tpu.memory_space<hbm>> -> memref<8x4096xf32, #tpu.memory_space<hbm>>
    %dma_wait3A_69 = arith.constant 0 : i32
    %dma_wait3A_70 = tpu.memref_slice %arg4[%add3A_57, %dma_wait3A_69] : memref<8192x4096xf32, #tpu.memory_space<hbm>> -> memref<8x4096xf32, #tpu.memory_space<hbm>>
    tpu.wait_dma2 semaphore(%arg10 : memref<!tpu.dma_semaphore, #tpu.memory_space<semaphore_mem>>) src(%arg6 : memref<8x4096xf32, #tpu.memory_space<vmem>>) dst(%dma_wait3A_70 : memref<8x4096xf32, #tpu.memory_space<hbm>>)
    %dma_start3A_71 = arith.constant 32 : i32
    %dma_start3A_72 = tpu.memref_slice %arg5[%dma_start3A_71] : memref<256xi32, #tpu.memory_space<vmem>> -> memref<8xi32, #tpu.memory_space<vmem>>
    %dma_start3A_73 = arith.constant 0 : i32
    %dma_start3A_74 = arith.constant 0 : i32
    %dma_start3A_75 = tpu.memref_slice %arg2[%dma_start3A_73, %dma_start3A_74] : memref<8192x4096xf32, #tpu.memory_space<hbm>> -> memref<8192x4096xf32, #tpu.memory_space<hbm>>
    tpu.enqueue_indirect_dma source(%dma_start3A_75 : memref<8192x4096xf32, #tpu.memory_space<hbm>>) target(%arg6 : memref<8x4096xf32, #tpu.memory_space<vmem>>) offsets(%dma_start3A_72 : memref<8xi32, #tpu.memory_space<vmem>>) semaphore(%arg8 : memref<!tpu.dma_semaphore, #tpu.memory_space<semaphore_mem>>)
    %add3A_76 = arith.constant 24 : i32
    %add3A_77 = arith.addi %mul3A_2, %add3A_76 : i32
    %dma_start3A_78 = arith.constant 0 : i32
    %dma_start3A_79 = tpu.memref_slice %arg4[%add3A_77, %dma_start3A_78] : memref<8192x4096xf32, #tpu.memory_space<hbm>> -> memref<8x4096xf32, #tpu.memory_space<hbm>>
    %dma_start3A_80 = arith.constant 0 : i32
    %dma_start3A_81 = tpu.memref_slice %arg4[%add3A_77, %dma_start3A_80] : memref<8192x4096xf32, #tpu.memory_space<hbm>> -> memref<8x4096xf32, #tpu.memory_space<hbm>>
    tpu.enqueue_dma source(%arg7 : memref<8x4096xf32, #tpu.memory_space<vmem>>) target(%dma_start3A_81 : memref<8x4096xf32, #tpu.memory_space<hbm>>) target_semaphore(%arg11 : memref<!tpu.dma_semaphore, #tpu.memory_space<semaphore_mem>>)
    %dma_wait3A_82 = arith.constant 32 : i32
    %dma_wait3A_83 = tpu.memref_slice %arg5[%dma_wait3A_82] : memref<256xi32, #tpu.memory_space<vmem>> -> memref<8xi32, #tpu.memory_space<vmem>>
    %dma_wait3A_84 = arith.constant 0 : i32
    %dma_wait3A_85 = arith.constant 0 : i32
    %dma_wait3A_86 = tpu.memref_slice %arg2[%dma_wait3A_84, %dma_wait3A_85] : memref<8192x4096xf32, #tpu.memory_space<hbm>> -> memref<8192x4096xf32, #tpu.memory_space<hbm>>
    tpu.wait_indirect_dma semaphore(%arg8 : memref<!tpu.dma_semaphore, #tpu.memory_space<semaphore_mem>>) src(%dma_wait3A_86 : memref<8192x4096xf32, #tpu.memory_space<hbm>>) dst(%arg6 : memref<8x4096xf32, #tpu.memory_space<vmem>>)
    %dma_wait3A_87 = arith.constant 0 : i32
    %dma_wait3A_88 = tpu.memref_slice %arg4[%add3A_77, %dma_wait3A_87] : memref<8192x4096xf32, #tpu.memory_space<hbm>> -> memref<8x4096xf32, #tpu.memory_space<hbm>>
    %dma_wait3A_89 = arith.constant 0 : i32
    %dma_wait3A_90 = tpu.memref_slice %arg4[%add3A_77, %dma_wait3A_89] : memref<8192x4096xf32, #tpu.memory_space<hbm>> -> memref<8x4096xf32, #tpu.memory_space<hbm>>
    tpu.wait_dma2 semaphore(%arg11 : memref<!tpu.dma_semaphore, #tpu.memory_space<semaphore_mem>>) src(%arg7 : memref<8x4096xf32, #tpu.memory_space<vmem>>) dst(%dma_wait3A_90 : memref<8x4096xf32, #tpu.memory_space<hbm>>)
    %dma_start3A_91 = arith.constant 40 : i32
    %dma_start3A_92 = tpu.memref_slice %arg5[%dma_start3A_91] : memref<256xi32, #tpu.memory_space<vmem>> -> memref<8xi32, #tpu.memory_space<vmem>>
    %dma_start3A_93 = arith.constant 0 : i32
    %dma_start3A_94 = arith.constant 0 : i32
    %dma_start3A_95 = tpu.memref_slice %arg2[%dma_start3A_93, %dma_start3A_94] : memref<8192x4096xf32, #tpu.memory_space<hbm>> -> memref<8192x4096xf32, #tpu.memory_space<hbm>>
    tpu.enqueue_indirect_dma source(%dma_start3A_95 : memref<8192x4096xf32, #tpu.memory_space<hbm>>) target(%arg7 : memref<8x4096xf32, #tpu.memory_space<vmem>>) offsets(%dma_start3A_92 : memref<8xi32, #tpu.memory_space<vmem>>) semaphore(%arg9 : memref<!tpu.dma_semaphore, #tpu.memory_space<semaphore_mem>>)
    %add3A_96 = arith.constant 32 : i32
    %add3A_97 = arith.addi %mul3A_2, %add3A_96 : i32
    %dma_start3A_98 = arith.constant 0 : i32
    %dma_start3A_99 = tpu.memref_slice %arg4[%add3A_97, %dma_start3A_98] : memref<8192x4096xf32, #tpu.memory_space<hbm>> -> memref<8x4096xf32, #tpu.memory_space<hbm>>
    %dma_start3A_100 = arith.constant 0 : i32
    %dma_start3A_101 = tpu.memref_slice %arg4[%add3A_97, %dma_start3A_100] : memref<8192x4096xf32, #tpu.memory_space<hbm>> -> memref<8x4096xf32, #tpu.memory_space<hbm>>
    tpu.enqueue_dma source(%arg6 : memref<8x4096xf32, #tpu.memory_space<vmem>>) target(%dma_start3A_101 : memref<8x4096xf32, #tpu.memory_space<hbm>>) target_semaphore(%arg10 : memref<!tpu.dma_semaphore, #tpu.memory_space<semaphore_mem>>)
    %dma_wait3A_102 = arith.constant 40 : i32
    %dma_wait3A_103 = tpu.memref_slice %arg5[%dma_wait3A_102] : memref<256xi32, #tpu.memory_space<vmem>> -> memref<8xi32, #tpu.memory_space<vmem>>
    %dma_wait3A_104 = arith.constant 0 : i32
    %dma_wait3A_105 = arith.constant 0 : i32
    %dma_wait3A_106 = tpu.memref_slice %arg2[%dma_wait3A_104, %dma_wait3A_105] : memref<8192x4096xf32, #tpu.memory_space<hbm>> -> memref<8192x4096xf32, #tpu.memory_space<hbm>>
    tpu.wait_indirect_dma semaphore(%arg9 : memref<!tpu.dma_semaphore, #tpu.memory_space<semaphore_mem>>) src(%dma_wait3A_106 : memref<8192x4096xf32, #tpu.memory_space<hbm>>) dst(%arg7 : memref<8x4096xf32, #tpu.memory_space<vmem>>)
    %dma_wait3A_107 = arith.constant 0 : i32
    %dma_wait3A_108 = tpu.memref_slice %arg4[%add3A_97, %dma_wait3A_107] : memref<8192x4096xf32, #tpu.memory_space<hbm>> -> memref<8x4096xf32, #tpu.memory_space<hbm>>
    %dma_wait3A_109 = arith.constant 0 : i32
    %dma_wait3A_110 = tpu.memref_slice %arg4[%add3A_97, %dma_wait3A_109] : memref<8192x4096xf32, #tpu.memory_space<hbm>> -> memref<8x4096xf32, #tpu.memory_space<hbm>>
    tpu.wait_dma2 semaphore(%arg10 : memref<!tpu.dma_semaphore, #tpu.memory_space<semaphore_mem>>) src(%arg6 : memref<8x4096xf32, #tpu.memory_space<vmem>>) dst(%dma_wait3A_110 : memref<8x4096xf32, #tpu.memory_space<hbm>>)
    %dma_start3A_111 = arith.constant 48 : i32
    %dma_start3A_112 = tpu.memref_slice %arg5[%dma_start3A_111] : memref<256xi32, #tpu.memory_space<vmem>> -> memref<8xi32, #tpu.memory_space<vmem>>
    %dma_start3A_113 = arith.constant 0 : i32
    %dma_start3A_114 = arith.constant 0 : i32
    %dma_start3A_115 = tpu.memref_slice %arg2[%dma_start3A_113, %dma_start3A_114] : memref<8192x4096xf32, #tpu.memory_space<hbm>> -> memref<8192x4096xf32, #tpu.memory_space<hbm>>
    tpu.enqueue_indirect_dma source(%dma_start3A_115 : memref<8192x4096xf32, #tpu.memory_space<hbm>>) target(%arg6 : memref<8x4096xf32, #tpu.memory_space<vmem>>) offsets(%dma_start3A_112 : memref<8xi32, #tpu.memory_space<vmem>>) semaphore(%arg8 : memref<!tpu.dma_semaphore, #tpu.memory_space<semaphore_mem>>)
    %add3A_116 = arith.constant 40 : i32
    %add3A_117 = arith.addi %mul3A_2, %add3A_116 : i32
    %dma_start3A_118 = arith.constant 0 : i32
    %dma_start3A_119 = tpu.memref_slice %arg4[%add3A_117, %dma_start3A_118] : memref<8192x4096xf32, #tpu.memory_space<hbm>> -> memref<8x4096xf32, #tpu.memory_space<hbm>>
    %dma_start3A_120 = arith.constant 0 : i32
    %dma_start3A_121 = tpu.memref_slice %arg4[%add3A_117, %dma_start3A_120] : memref<8192x4096xf32, #tpu.memory_space<hbm>> -> memref<8x4096xf32, #tpu.memory_space<hbm>>
    tpu.enqueue_dma source(%arg7 : memref<8x4096xf32, #tpu.memory_space<vmem>>) target(%dma_start3A_121 : memref<8x4096xf32, #tpu.memory_space<hbm>>) target_semaphore(%arg11 : memref<!tpu.dma_semaphore, #tpu.memory_space<semaphore_mem>>)
    %dma_wait3A_122 = arith.constant 48 : i32
    %dma_wait3A_123 = tpu.memref_slice %arg5[%dma_wait3A_122] : memref<256xi32, #tpu.memory_space<vmem>> -> memref<8xi32, #tpu.memory_space<vmem>>
    %dma_wait3A_124 = arith.constant 0 : i32
    %dma_wait3A_125 = arith.constant 0 : i32
    %dma_wait3A_126 = tpu.memref_slice %arg2[%dma_wait3A_124, %dma_wait3A_125] : memref<8192x4096xf32, #tpu.memory_space<hbm>> -> memref<8192x4096xf32, #tpu.memory_space<hbm>>
    tpu.wait_indirect_dma semaphore(%arg8 : memref<!tpu.dma_semaphore, #tpu.memory_space<semaphore_mem>>) src(%dma_wait3A_126 : memref<8192x4096xf32, #tpu.memory_space<hbm>>) dst(%arg6 : memref<8x4096xf32, #tpu.memory_space<vmem>>)
    %dma_wait3A_127 = arith.constant 0 : i32
    %dma_wait3A_128 = tpu.memref_slice %arg4[%add3A_117, %dma_wait3A_127] : memref<8192x4096xf32, #tpu.memory_space<hbm>> -> memref<8x4096xf32, #tpu.memory_space<hbm>>
    %dma_wait3A_129 = arith.constant 0 : i32
    %dma_wait3A_130 = tpu.memref_slice %arg4[%add3A_117, %dma_wait3A_129] : memref<8192x4096xf32, #tpu.memory_space<hbm>> -> memref<8x4096xf32, #tpu.memory_space<hbm>>
    tpu.wait_dma2 semaphore(%arg11 : memref<!tpu.dma_semaphore, #tpu.memory_space<semaphore_mem>>) src(%arg7 : memref<8x4096xf32, #tpu.memory_space<vmem>>) dst(%dma_wait3A_130 : memref<8x4096xf32, #tpu.memory_space<hbm>>)
    %dma_start3A_131 = arith.constant 56 : i32
    %dma_start3A_132 = tpu.memref_slice %arg5[%dma_start3A_131] : memref<256xi32, #tpu.memory_space<vmem>> -> memref<8xi32, #tpu.memory_space<vmem>>
    %dma_start3A_133 = arith.constant 0 : i32
    %dma_start3A_134 = arith.constant 0 : i32
    %dma_start3A_135 = tpu.memref_slice %arg2[%dma_start3A_133, %dma_start3A_134] : memref<8192x4096xf32, #tpu.memory_space<hbm>> -> memref<8192x4096xf32, #tpu.memory_space<hbm>>
    tpu.enqueue_indirect_dma source(%dma_start3A_135 : memref<8192x4096xf32, #tpu.memory_space<hbm>>) target(%arg7 : memref<8x4096xf32, #tpu.memory_space<vmem>>) offsets(%dma_start3A_132 : memref<8xi32, #tpu.memory_space<vmem>>) semaphore(%arg9 : memref<!tpu.dma_semaphore, #tpu.memory_space<semaphore_mem>>)
    %add3A_136 = arith.constant 48 : i32
    %add3A_137 = arith.addi %mul3A_2, %add3A_136 : i32
    %dma_start3A_138 = arith.constant 0 : i32
    %dma_start3A_139 = tpu.memref_slice %arg4[%add3A_137, %dma_start3A_138] : memref<8192x4096xf32, #tpu.memory_space<hbm>> -> memref<8x4096xf32, #tpu.memory_space<hbm>>
    %dma_start3A_140 = arith.constant 0 : i32
    %dma_start3A_141 = tpu.memref_slice %arg4[%add3A_137, %dma_start3A_140] : memref<8192x4096xf32, #tpu.memory_space<hbm>> -> memref<8x4096xf32, #tpu.memory_space<hbm>>
    tpu.enqueue_dma source(%arg6 : memref<8x4096xf32, #tpu.memory_space<vmem>>) target(%dma_start3A_141 : memref<8x4096xf32, #tpu.memory_space<hbm>>) target_semaphore(%arg10 : memref<!tpu.dma_semaphore, #tpu.memory_space<semaphore_mem>>)
    %dma_wait3A_142 = arith.constant 56 : i32
    %dma_wait3A_143 = tpu.memref_slice %arg5[%dma_wait3A_142] : memref<256xi32, #tpu.memory_space<vmem>> -> memref<8xi32, #tpu.memory_space<vmem>>
    %dma_wait3A_144 = arith.constant 0 : i32
    %dma_wait3A_145 = arith.constant 0 : i32
    %dma_wait3A_146 = tpu.memref_slice %arg2[%dma_wait3A_144, %dma_wait3A_145] : memref<8192x4096xf32, #tpu.memory_space<hbm>> -> memref<8192x4096xf32, #tpu.memory_space<hbm>>
    tpu.wait_indirect_dma semaphore(%arg9 : memref<!tpu.dma_semaphore, #tpu.memory_space<semaphore_mem>>) src(%dma_wait3A_146 : memref<8192x4096xf32, #tpu.memory_space<hbm>>) dst(%arg7 : memref<8x4096xf32, #tpu.memory_space<vmem>>)
    %dma_wait3A_147 = arith.constant 0 : i32
    %dma_wait3A_148 = tpu.memref_slice %arg4[%add3A_137, %dma_wait3A_147] : memref<8192x4096xf32, #tpu.memory_space<hbm>> -> memref<8x4096xf32, #tpu.memory_space<hbm>>
    %dma_wait3A_149 = arith.constant 0 : i32
    %dma_wait3A_150 = tpu.memref_slice %arg4[%add3A_137, %dma_wait3A_149] : memref<8192x4096xf32, #tpu.memory_space<hbm>> -> memref<8x4096xf32, #tpu.memory_space<hbm>>
    tpu.wait_dma2 semaphore(%arg10 : memref<!tpu.dma_semaphore, #tpu.memory_space<semaphore_mem>>) src(%arg6 : memref<8x4096xf32, #tpu.memory_space<vmem>>) dst(%dma_wait3A_150 : memref<8x4096xf32, #tpu.memory_space<hbm>>)
    %dma_start3A_151 = arith.constant 64 : i32
    %dma_start3A_152 = tpu.memref_slice %arg5[%dma_start3A_151] : memref<256xi32, #tpu.memory_space<vmem>> -> memref<8xi32, #tpu.memory_space<vmem>>
    %dma_start3A_153 = arith.constant 0 : i32
    %dma_start3A_154 = arith.constant 0 : i32
    %dma_start3A_155 = tpu.memref_slice %arg2[%dma_start3A_153, %dma_start3A_154] : memref<8192x4096xf32, #tpu.memory_space<hbm>> -> memref<8192x4096xf32, #tpu.memory_space<hbm>>
    tpu.enqueue_indirect_dma source(%dma_start3A_155 : memref<8192x4096xf32, #tpu.memory_space<hbm>>) target(%arg6 : memref<8x4096xf32, #tpu.memory_space<vmem>>) offsets(%dma_start3A_152 : memref<8xi32, #tpu.memory_space<vmem>>) semaphore(%arg8 : memref<!tpu.dma_semaphore, #tpu.memory_space<semaphore_mem>>)
    %add3A_156 = arith.constant 56 : i32
    %add3A_157 = arith.addi %mul3A_2, %add3A_156 : i32
    %dma_start3A_158 = arith.constant 0 : i32
    %dma_start3A_159 = tpu.memref_slice %arg4[%add3A_157, %dma_start3A_158] : memref<8192x4096xf32, #tpu.memory_space<hbm>> -> memref<8x4096xf32, #tpu.memory_space<hbm>>
    %dma_start3A_160 = arith.constant 0 : i32
    %dma_start3A_161 = tpu.memref_slice %arg4[%add3A_157, %dma_start3A_160] : memref<8192x4096xf32, #tpu.memory_space<hbm>> -> memref<8x4096xf32, #tpu.memory_space<hbm>>
    tpu.enqueue_dma source(%arg7 : memref<8x4096xf32, #tpu.memory_space<vmem>>) target(%dma_start3A_161 : memref<8x4096xf32, #tpu.memory_space<hbm>>) target_semaphore(%arg11 : memref<!tpu.dma_semaphore, #tpu.memory_space<semaphore_mem>>)
    %dma_wait3A_162 = arith.constant 64 : i32
    %dma_wait3A_163 = tpu.memref_slice %arg5[%dma_wait3A_162] : memref<256xi32, #tpu.memory_space<vmem>> -> memref<8xi32, #tpu.memory_space<vmem>>
    %dma_wait3A_164 = arith.constant 0 : i32
    %dma_wait3A_165 = arith.constant 0 : i32
    %dma_wait3A_166 = tpu.memref_slice %arg2[%dma_wait3A_164, %dma_wait3A_165] : memref<8192x4096xf32, #tpu.memory_space<hbm>> -> memref<8192x4096xf32, #tpu.memory_space<hbm>>
    tpu.wait_indirect_dma semaphore(%arg8 : memref<!tpu.dma_semaphore, #tpu.memory_space<semaphore_mem>>) src(%dma_wait3A_166 : memref<8192x4096xf32, #tpu.memory_space<hbm>>) dst(%arg6 : memref<8x4096xf32, #tpu.memory_space<vmem>>)
    %dma_wait3A_167 = arith.constant 0 : i32
    %dma_wait3A_168 = tpu.memref_slice %arg4[%add3A_157, %dma_wait3A_167] : memref<8192x4096xf32, #tpu.memory_space<hbm>> -> memref<8x4096xf32, #tpu.memory_space<hbm>>
    %dma_wait3A_169 = arith.constant 0 : i32
    %dma_wait3A_170 = tpu.memref_slice %arg4[%add3A_157, %dma_wait3A_169] : memref<8192x4096xf32, #tpu.memory_space<hbm>> -> memref<8x4096xf32, #tpu.memory_space<hbm>>
    tpu.wait_dma2 semaphore(%arg11 : memref<!tpu.dma_semaphore, #tpu.memory_space<semaphore_mem>>) src(%arg7 : memref<8x4096xf32, #tpu.memory_space<vmem>>) dst(%dma_wait3A_170 : memref<8x4096xf32, #tpu.memory_space<hbm>>)
    %dma_start3A_171 = arith.constant 72 : i32
    %dma_start3A_172 = tpu.memref_slice %arg5[%dma_start3A_171] : memref<256xi32, #tpu.memory_space<vmem>> -> memref<8xi32, #tpu.memory_space<vmem>>
    %dma_start3A_173 = arith.constant 0 : i32
    %dma_start3A_174 = arith.constant 0 : i32
    %dma_start3A_175 = tpu.memref_slice %arg2[%dma_start3A_173, %dma_start3A_174] : memref<8192x4096xf32, #tpu.memory_space<hbm>> -> memref<8192x4096xf32, #tpu.memory_space<hbm>>
    tpu.enqueue_indirect_dma source(%dma_start3A_175 : memref<8192x4096xf32, #tpu.memory_space<hbm>>) target(%arg7 : memref<8x4096xf32, #tpu.memory_space<vmem>>) offsets(%dma_start3A_172 : memref<8xi32, #tpu.memory_space<vmem>>) semaphore(%arg9 : memref<!tpu.dma_semaphore, #tpu.memory_space<semaphore_mem>>)
    %add3A_176 = arith.constant 64 : i32
    %add3A_177 = arith.addi %mul3A_2, %add3A_176 : i32
    %dma_start3A_178 = arith.constant 0 : i32
    %dma_start3A_179 = tpu.memref_slice %arg4[%add3A_177, %dma_start3A_178] : memref<8192x4096xf32, #tpu.memory_space<hbm>> -> memref<8x4096xf32, #tpu.memory_space<hbm>>
    %dma_start3A_180 = arith.constant 0 : i32
    %dma_start3A_181 = tpu.memref_slice %arg4[%add3A_177, %dma_start3A_180] : memref<8192x4096xf32, #tpu.memory_space<hbm>> -> memref<8x4096xf32, #tpu.memory_space<hbm>>
    tpu.enqueue_dma source(%arg6 : memref<8x4096xf32, #tpu.memory_space<vmem>>) target(%dma_start3A_181 : memref<8x4096xf32, #tpu.memory_space<hbm>>) target_semaphore(%arg10 : memref<!tpu.dma_semaphore, #tpu.memory_space<semaphore_mem>>)
    %dma_wait3A_182 = arith.constant 72 : i32
    %dma_wait3A_183 = tpu.memref_slice %arg5[%dma_wait3A_182] : memref<256xi32, #tpu.memory_space<vmem>> -> memref<8xi32, #tpu.memory_space<vmem>>
    %dma_wait3A_184 = arith.constant 0 : i32
    %dma_wait3A_185 = arith.constant 0 : i32
    %dma_wait3A_186 = tpu.memref_slice %arg2[%dma_wait3A_184, %dma_wait3A_185] : memref<8192x4096xf32, #tpu.memory_space<hbm>> -> memref<8192x4096xf32, #tpu.memory_space<hbm>>
    tpu.wait_indirect_dma semaphore(%arg9 : memref<!tpu.dma_semaphore, #tpu.memory_space<semaphore_mem>>) src(%dma_wait3A_186 : memref<8192x4096xf32, #tpu.memory_space<hbm>>) dst(%arg7 : memref<8x4096xf32, #tpu.memory_space<vmem>>)
    %dma_wait3A_187 = arith.constant 0 : i32
    %dma_wait3A_188 = tpu.memref_slice %arg4[%add3A_177, %dma_wait3A_187] : memref<8192x4096xf32, #tpu.memory_space<hbm>> -> memref<8x4096xf32, #tpu.memory_space<hbm>>
    %dma_wait3A_189 = arith.constant 0 : i32
    %dma_wait3A_190 = tpu.memref_slice %arg4[%add3A_177, %dma_wait3A_189] : memref<8192x4096xf32, #tpu.memory_space<hbm>> -> memref<8x4096xf32, #tpu.memory_space<hbm>>
    tpu.wait_dma2 semaphore(%arg10 : memref<!tpu.dma_semaphore, #tpu.memory_space<semaphore_mem>>) src(%arg6 : memref<8x4096xf32, #tpu.memory_space<vmem>>) dst(%dma_wait3A_190 : memref<8x4096xf32, #tpu.memory_space<hbm>>)
    %dma_start3A_191 = arith.constant 80 : i32
    %dma_start3A_192 = tpu.memref_slice %arg5[%dma_start3A_191] : memref<256xi32, #tpu.memory_space<vmem>> -> memref<8xi32, #tpu.memory_space<vmem>>
    %dma_start3A_193 = arith.constant 0 : i32
    %dma_start3A_194 = arith.constant 0 : i32
    %dma_start3A_195 = tpu.memref_slice %arg2[%dma_start3A_193, %dma_start3A_194] : memref<8192x4096xf32, #tpu.memory_space<hbm>> -> memref<8192x4096xf32, #tpu.memory_space<hbm>>
    tpu.enqueue_indirect_dma source(%dma_start3A_195 : memref<8192x4096xf32, #tpu.memory_space<hbm>>) target(%arg6 : memref<8x4096xf32, #tpu.memory_space<vmem>>) offsets(%dma_start3A_192 : memref<8xi32, #tpu.memory_space<vmem>>) semaphore(%arg8 : memref<!tpu.dma_semaphore, #tpu.memory_space<semaphore_mem>>)
    %add3A_196 = arith.constant 72 : i32
    %add3A_197 = arith.addi %mul3A_2, %add3A_196 : i32
    %dma_start3A_198 = arith.constant 0 : i32
    %dma_start3A_199 = tpu.memref_slice %arg4[%add3A_197, %dma_start3A_198] : memref<8192x4096xf32, #tpu.memory_space<hbm>> -> memref<8x4096xf32, #tpu.memory_space<hbm>>
    %dma_start3A_200 = arith.constant 0 : i32
    %dma_start3A_201 = tpu.memref_slice %arg4[%add3A_197, %dma_start3A_200] : memref<8192x4096xf32, #tpu.memory_space<hbm>> -> memref<8x4096xf32, #tpu.memory_space<hbm>>
    tpu.enqueue_dma source(%arg7 : memref<8x4096xf32, #tpu.memory_space<vmem>>) target(%dma_start3A_201 : memref<8x4096xf32, #tpu.memory_space<hbm>>) target_semaphore(%arg11 : memref<!tpu.dma_semaphore, #tpu.memory_space<semaphore_mem>>)
    %dma_wait3A_202 = arith.constant 80 : i32
    %dma_wait3A_203 = tpu.memref_slice %arg5[%dma_wait3A_202] : memref<256xi32, #tpu.memory_space<vmem>> -> memref<8xi32, #tpu.memory_space<vmem>>
    %dma_wait3A_204 = arith.constant 0 : i32
    %dma_wait3A_205 = arith.constant 0 : i32
    %dma_wait3A_206 = tpu.memref_slice %arg2[%dma_wait3A_204, %dma_wait3A_205] : memref<8192x4096xf32, #tpu.memory_space<hbm>> -> memref<8192x4096xf32, #tpu.memory_space<hbm>>
    tpu.wait_indirect_dma semaphore(%arg8 : memref<!tpu.dma_semaphore, #tpu.memory_space<semaphore_mem>>) src(%dma_wait3A_206 : memref<8192x4096xf32, #tpu.memory_space<hbm>>) dst(%arg6 : memref<8x4096xf32, #tpu.memory_space<vmem>>)
    %dma_wait3A_207 = arith.constant 0 : i32
    %dma_wait3A_208 = tpu.memref_slice %arg4[%add3A_197, %dma_wait3A_207] : memref<8192x4096xf32, #tpu.memory_space<hbm>> -> memref<8x4096xf32, #tpu.memory_space<hbm>>
    %dma_wait3A_209 = arith.constant 0 : i32
    %dma_wait3A_210 = tpu.memref_slice %arg4[%add3A_197, %dma_wait3A_209] : memref<8192x4096xf32, #tpu.memory_space<hbm>> -> memref<8x4096xf32, #tpu.memory_space<hbm>>
    tpu.wait_dma2 semaphore(%arg11 : memref<!tpu.dma_semaphore, #tpu.memory_space<semaphore_mem>>) src(%arg7 : memref<8x4096xf32, #tpu.memory_space<vmem>>) dst(%dma_wait3A_210 : memref<8x4096xf32, #tpu.memory_space<hbm>>)
    %dma_start3A_211 = arith.constant 88 : i32
    %dma_start3A_212 = tpu.memref_slice %arg5[%dma_start3A_211] : memref<256xi32, #tpu.memory_space<vmem>> -> memref<8xi32, #tpu.memory_space<vmem>>
    %dma_start3A_213 = arith.constant 0 : i32
    %dma_start3A_214 = arith.constant 0 : i32
    %dma_start3A_215 = tpu.memref_slice %arg2[%dma_start3A_213, %dma_start3A_214] : memref<8192x4096xf32, #tpu.memory_space<hbm>> -> memref<8192x4096xf32, #tpu.memory_space<hbm>>
    tpu.enqueue_indirect_dma source(%dma_start3A_215 : memref<8192x4096xf32, #tpu.memory_space<hbm>>) target(%arg7 : memref<8x4096xf32, #tpu.memory_space<vmem>>) offsets(%dma_start3A_212 : memref<8xi32, #tpu.memory_space<vmem>>) semaphore(%arg9 : memref<!tpu.dma_semaphore, #tpu.memory_space<semaphore_mem>>)
    %add3A_216 = arith.constant 80 : i32
    %add3A_217 = arith.addi %mul3A_2, %add3A_216 : i32
    %dma_start3A_218 = arith.constant 0 : i32
    %dma_start3A_219 = tpu.memref_slice %arg4[%add3A_217, %dma_start3A_218] : memref<8192x4096xf32, #tpu.memory_space<hbm>> -> memref<8x4096xf32, #tpu.memory_space<hbm>>
    %dma_start3A_220 = arith.constant 0 : i32
    %dma_start3A_221 = tpu.memref_slice %arg4[%add3A_217, %dma_start3A_220] : memref<8192x4096xf32, #tpu.memory_space<hbm>> -> memref<8x4096xf32, #tpu.memory_space<hbm>>
    tpu.enqueue_dma source(%arg6 : memref<8x4096xf32, #tpu.memory_space<vmem>>) target(%dma_start3A_221 : memref<8x4096xf32, #tpu.memory_space<hbm>>) target_semaphore(%arg10 : memref<!tpu.dma_semaphore, #tpu.memory_space<semaphore_mem>>)
    %dma_wait3A_222 = arith.constant 88 : i32
    %dma_wait3A_223 = tpu.memref_slice %arg5[%dma_wait3A_222] : memref<256xi32, #tpu.memory_space<vmem>> -> memref<8xi32, #tpu.memory_space<vmem>>
    %dma_wait3A_224 = arith.constant 0 : i32
    %dma_wait3A_225 = arith.constant 0 : i32
    %dma_wait3A_226 = tpu.memref_slice %arg2[%dma_wait3A_224, %dma_wait3A_225] : memref<8192x4096xf32, #tpu.memory_space<hbm>> -> memref<8192x4096xf32, #tpu.memory_space<hbm>>
    tpu.wait_indirect_dma semaphore(%arg9 : memref<!tpu.dma_semaphore, #tpu.memory_space<semaphore_mem>>) src(%dma_wait3A_226 : memref<8192x4096xf32, #tpu.memory_space<hbm>>) dst(%arg7 : memref<8x4096xf32, #tpu.memory_space<vmem>>)
    %dma_wait3A_227 = arith.constant 0 : i32
    %dma_wait3A_228 = tpu.memref_slice %arg4[%add3A_217, %dma_wait3A_227] : memref<8192x4096xf32, #tpu.memory_space<hbm>> -> memref<8x4096xf32, #tpu.memory_space<hbm>>
    %dma_wait3A_229 = arith.constant 0 : i32
    %dma_wait3A_230 = tpu.memref_slice %arg4[%add3A_217, %dma_wait3A_229] : memref<8192x4096xf32, #tpu.memory_space<hbm>> -> memref<8x4096xf32, #tpu.memory_space<hbm>>
    tpu.wait_dma2 semaphore(%arg10 : memref<!tpu.dma_semaphore, #tpu.memory_space<semaphore_mem>>) src(%arg6 : memref<8x4096xf32, #tpu.memory_space<vmem>>) dst(%dma_wait3A_230 : memref<8x4096xf32, #tpu.memory_space<hbm>>)
    %dma_start3A_231 = arith.constant 96 : i32
    %dma_start3A_232 = tpu.memref_slice %arg5[%dma_start3A_231] : memref<256xi32, #tpu.memory_space<vmem>> -> memref<8xi32, #tpu.memory_space<vmem>>
    %dma_start3A_233 = arith.constant 0 : i32
    %dma_start3A_234 = arith.constant 0 : i32
    %dma_start3A_235 = tpu.memref_slice %arg2[%dma_start3A_233, %dma_start3A_234] : memref<8192x4096xf32, #tpu.memory_space<hbm>> -> memref<8192x4096xf32, #tpu.memory_space<hbm>>
    tpu.enqueue_indirect_dma source(%dma_start3A_235 : memref<8192x4096xf32, #tpu.memory_space<hbm>>) target(%arg6 : memref<8x4096xf32, #tpu.memory_space<vmem>>) offsets(%dma_start3A_232 : memref<8xi32, #tpu.memory_space<vmem>>) semaphore(%arg8 : memref<!tpu.dma_semaphore, #tpu.memory_space<semaphore_mem>>)
    %add3A_236 = arith.constant 88 : i32
    %add3A_237 = arith.addi %mul3A_2, %add3A_236 : i32
    %dma_start3A_238 = arith.constant 0 : i32
    %dma_start3A_239 = tpu.memref_slice %arg4[%add3A_237, %dma_start3A_238] : memref<8192x4096xf32, #tpu.memory_space<hbm>> -> memref<8x4096xf32, #tpu.memory_space<hbm>>
    %dma_start3A_240 = arith.constant 0 : i32
    %dma_start3A_241 = tpu.memref_slice %arg4[%add3A_237, %dma_start3A_240] : memref<8192x4096xf32, #tpu.memory_space<hbm>> -> memref<8x4096xf32, #tpu.memory_space<hbm>>
    tpu.enqueue_dma source(%arg7 : memref<8x4096xf32, #tpu.memory_space<vmem>>) target(%dma_start3A_241 : memref<8x4096xf32, #tpu.memory_space<hbm>>) target_semaphore(%arg11 : memref<!tpu.dma_semaphore, #tpu.memory_space<semaphore_mem>>)
    %dma_wait3A_242 = arith.constant 96 : i32
    %dma_wait3A_243 = tpu.memref_slice %arg5[%dma_wait3A_242] : memref<256xi32, #tpu.memory_space<vmem>> -> memref<8xi32, #tpu.memory_space<vmem>>
    %dma_wait3A_244 = arith.constant 0 : i32
    %dma_wait3A_245 = arith.constant 0 : i32
    %dma_wait3A_246 = tpu.memref_slice %arg2[%dma_wait3A_244, %dma_wait3A_245] : memref<8192x4096xf32, #tpu.memory_space<hbm>> -> memref<8192x4096xf32, #tpu.memory_space<hbm>>
    tpu.wait_indirect_dma semaphore(%arg8 : memref<!tpu.dma_semaphore, #tpu.memory_space<semaphore_mem>>) src(%dma_wait3A_246 : memref<8192x4096xf32, #tpu.memory_space<hbm>>) dst(%arg6 : memref<8x4096xf32, #tpu.memory_space<vmem>>)
    %dma_wait3A_247 = arith.constant 0 : i32
    %dma_wait3A_248 = tpu.memref_slice %arg4[%add3A_237, %dma_wait3A_247] : memref<8192x4096xf32, #tpu.memory_space<hbm>> -> memref<8x4096xf32, #tpu.memory_space<hbm>>
    %dma_wait3A_249 = arith.constant 0 : i32
    %dma_wait3A_250 = tpu.memref_slice %arg4[%add3A_237, %dma_wait3A_249] : memref<8192x4096xf32, #tpu.memory_space<hbm>> -> memref<8x4096xf32, #tpu.memory_space<hbm>>
    tpu.wait_dma2 semaphore(%arg11 : memref<!tpu.dma_semaphore, #tpu.memory_space<semaphore_mem>>) src(%arg7 : memref<8x4096xf32, #tpu.memory_space<vmem>>) dst(%dma_wait3A_250 : memref<8x4096xf32, #tpu.memory_space<hbm>>)
    %dma_start3A_251 = arith.constant 104 : i32
    %dma_start3A_252 = tpu.memref_slice %arg5[%dma_start3A_251] : memref<256xi32, #tpu.memory_space<vmem>> -> memref<8xi32, #tpu.memory_space<vmem>>
    %dma_start3A_253 = arith.constant 0 : i32
    %dma_start3A_254 = arith.constant 0 : i32
    %dma_start3A_255 = tpu.memref_slice %arg2[%dma_start3A_253, %dma_start3A_254] : memref<8192x4096xf32, #tpu.memory_space<hbm>> -> memref<8192x4096xf32, #tpu.memory_space<hbm>>
    tpu.enqueue_indirect_dma source(%dma_start3A_255 : memref<8192x4096xf32, #tpu.memory_space<hbm>>) target(%arg7 : memref<8x4096xf32, #tpu.memory_space<vmem>>) offsets(%dma_start3A_252 : memref<8xi32, #tpu.memory_space<vmem>>) semaphore(%arg9 : memref<!tpu.dma_semaphore, #tpu.memory_space<semaphore_mem>>)
    %add3A_256 = arith.constant 96 : i32
    %add3A_257 = arith.addi %mul3A_2, %add3A_256 : i32
    %dma_start3A_258 = arith.constant 0 : i32
    %dma_start3A_259 = tpu.memref_slice %arg4[%add3A_257, %dma_start3A_258] : memref<8192x4096xf32, #tpu.memory_space<hbm>> -> memref<8x4096xf32, #tpu.memory_space<hbm>>
    %dma_start3A_260 = arith.constant 0 : i32
    %dma_start3A_261 = tpu.memref_slice %arg4[%add3A_257, %dma_start3A_260] : memref<8192x4096xf32, #tpu.memory_space<hbm>> -> memref<8x4096xf32, #tpu.memory_space<hbm>>
    tpu.enqueue_dma source(%arg6 : memref<8x4096xf32, #tpu.memory_space<vmem>>) target(%dma_start3A_261 : memref<8x4096xf32, #tpu.memory_space<hbm>>) target_semaphore(%arg10 : memref<!tpu.dma_semaphore, #tpu.memory_space<semaphore_mem>>)
    %dma_wait3A_262 = arith.constant 104 : i32
    %dma_wait3A_263 = tpu.memref_slice %arg5[%dma_wait3A_262] : memref<256xi32, #tpu.memory_space<vmem>> -> memref<8xi32, #tpu.memory_space<vmem>>
    %dma_wait3A_264 = arith.constant 0 : i32
    %dma_wait3A_265 = arith.constant 0 : i32
    %dma_wait3A_266 = tpu.memref_slice %arg2[%dma_wait3A_264, %dma_wait3A_265] : memref<8192x4096xf32, #tpu.memory_space<hbm>> -> memref<8192x4096xf32, #tpu.memory_space<hbm>>
    tpu.wait_indirect_dma semaphore(%arg9 : memref<!tpu.dma_semaphore, #tpu.memory_space<semaphore_mem>>) src(%dma_wait3A_266 : memref<8192x4096xf32, #tpu.memory_space<hbm>>) dst(%arg7 : memref<8x4096xf32, #tpu.memory_space<vmem>>)
    %dma_wait3A_267 = arith.constant 0 : i32
    %dma_wait3A_268 = tpu.memref_slice %arg4[%add3A_257, %dma_wait3A_267] : memref<8192x4096xf32, #tpu.memory_space<hbm>> -> memref<8x4096xf32, #tpu.memory_space<hbm>>
    %dma_wait3A_269 = arith.constant 0 : i32
    %dma_wait3A_270 = tpu.memref_slice %arg4[%add3A_257, %dma_wait3A_269] : memref<8192x4096xf32, #tpu.memory_space<hbm>> -> memref<8x4096xf32, #tpu.memory_space<hbm>>
    tpu.wait_dma2 semaphore(%arg10 : memref<!tpu.dma_semaphore, #tpu.memory_space<semaphore_mem>>) src(%arg6 : memref<8x4096xf32, #tpu.memory_space<vmem>>) dst(%dma_wait3A_270 : memref<8x4096xf32, #tpu.memory_space<hbm>>)
    %dma_start3A_271 = arith.constant 112 : i32
    %dma_start3A_272 = tpu.memref_slice %arg5[%dma_start3A_271] : memref<256xi32, #tpu.memory_space<vmem>> -> memref<8xi32, #tpu.memory_space<vmem>>
    %dma_start3A_273 = arith.constant 0 : i32
    %dma_start3A_274 = arith.constant 0 : i32
    %dma_start3A_275 = tpu.memref_slice %arg2[%dma_start3A_273, %dma_start3A_274] : memref<8192x4096xf32, #tpu.memory_space<hbm>> -> memref<8192x4096xf32, #tpu.memory_space<hbm>>
    tpu.enqueue_indirect_dma source(%dma_start3A_275 : memref<8192x4096xf32, #tpu.memory_space<hbm>>) target(%arg6 : memref<8x4096xf32, #tpu.memory_space<vmem>>) offsets(%dma_start3A_272 : memref<8xi32, #tpu.memory_space<vmem>>) semaphore(%arg8 : memref<!tpu.dma_semaphore, #tpu.memory_space<semaphore_mem>>)
    %add3A_276 = arith.constant 104 : i32
    %add3A_277 = arith.addi %mul3A_2, %add3A_276 : i32
    %dma_start3A_278 = arith.constant 0 : i32
    %dma_start3A_279 = tpu.memref_slice %arg4[%add3A_277, %dma_start3A_278] : memref<8192x4096xf32, #tpu.memory_space<hbm>> -> memref<8x4096xf32, #tpu.memory_space<hbm>>
    %dma_start3A_280 = arith.constant 0 : i32
    %dma_start3A_281 = tpu.memref_slice %arg4[%add3A_277, %dma_start3A_280] : memref<8192x4096xf32, #tpu.memory_space<hbm>> -> memref<8x4096xf32, #tpu.memory_space<hbm>>
    tpu.enqueue_dma source(%arg7 : memref<8x4096xf32, #tpu.memory_space<vmem>>) target(%dma_start3A_281 : memref<8x4096xf32, #tpu.memory_space<hbm>>) target_semaphore(%arg11 : memref<!tpu.dma_semaphore, #tpu.memory_space<semaphore_mem>>)
    %dma_wait3A_282 = arith.constant 112 : i32
    %dma_wait3A_283 = tpu.memref_slice %arg5[%dma_wait3A_282] : memref<256xi32, #tpu.memory_space<vmem>> -> memref<8xi32, #tpu.memory_space<vmem>>
    %dma_wait3A_284 = arith.constant 0 : i32
    %dma_wait3A_285 = arith.constant 0 : i32
    %dma_wait3A_286 = tpu.memref_slice %arg2[%dma_wait3A_284, %dma_wait3A_285] : memref<8192x4096xf32, #tpu.memory_space<hbm>> -> memref<8192x4096xf32, #tpu.memory_space<hbm>>
    tpu.wait_indirect_dma semaphore(%arg8 : memref<!tpu.dma_semaphore, #tpu.memory_space<semaphore_mem>>) src(%dma_wait3A_286 : memref<8192x4096xf32, #tpu.memory_space<hbm>>) dst(%arg6 : memref<8x4096xf32, #tpu.memory_space<vmem>>)
    %dma_wait3A_287 = arith.constant 0 : i32
    %dma_wait3A_288 = tpu.memref_slice %arg4[%add3A_277, %dma_wait3A_287] : memref<8192x4096xf32, #tpu.memory_space<hbm>> -> memref<8x4096xf32, #tpu.memory_space<hbm>>
    %dma_wait3A_289 = arith.constant 0 : i32
    %dma_wait3A_290 = tpu.memref_slice %arg4[%add3A_277, %dma_wait3A_289] : memref<8192x4096xf32, #tpu.memory_space<hbm>> -> memref<8x4096xf32, #tpu.memory_space<hbm>>
    tpu.wait_dma2 semaphore(%arg11 : memref<!tpu.dma_semaphore, #tpu.memory_space<semaphore_mem>>) src(%arg7 : memref<8x4096xf32, #tpu.memory_space<vmem>>) dst(%dma_wait3A_290 : memref<8x4096xf32, #tpu.memory_space<hbm>>)
    %dma_start3A_291 = arith.constant 120 : i32
    %dma_start3A_292 = tpu.memref_slice %arg5[%dma_start3A_291] : memref<256xi32, #tpu.memory_space<vmem>> -> memref<8xi32, #tpu.memory_space<vmem>>
    %dma_start3A_293 = arith.constant 0 : i32
    %dma_start3A_294 = arith.constant 0 : i32
    %dma_start3A_295 = tpu.memref_slice %arg2[%dma_start3A_293, %dma_start3A_294] : memref<8192x4096xf32, #tpu.memory_space<hbm>> -> memref<8192x4096xf32, #tpu.memory_space<hbm>>
    tpu.enqueue_indirect_dma source(%dma_start3A_295 : memref<8192x4096xf32, #tpu.memory_space<hbm>>) target(%arg7 : memref<8x4096xf32, #tpu.memory_space<vmem>>) offsets(%dma_start3A_292 : memref<8xi32, #tpu.memory_space<vmem>>) semaphore(%arg9 : memref<!tpu.dma_semaphore, #tpu.memory_space<semaphore_mem>>)
    %add3A_296 = arith.constant 112 : i32
    %add3A_297 = arith.addi %mul3A_2, %add3A_296 : i32
    %dma_start3A_298 = arith.constant 0 : i32
    %dma_start3A_299 = tpu.memref_slice %arg4[%add3A_297, %dma_start3A_298] : memref<8192x4096xf32, #tpu.memory_space<hbm>> -> memref<8x4096xf32, #tpu.memory_space<hbm>>
    %dma_start3A_300 = arith.constant 0 : i32
    %dma_start3A_301 = tpu.memref_slice %arg4[%add3A_297, %dma_start3A_300] : memref<8192x4096xf32, #tpu.memory_space<hbm>> -> memref<8x4096xf32, #tpu.memory_space<hbm>>
    tpu.enqueue_dma source(%arg6 : memref<8x4096xf32, #tpu.memory_space<vmem>>) target(%dma_start3A_301 : memref<8x4096xf32, #tpu.memory_space<hbm>>) target_semaphore(%arg10 : memref<!tpu.dma_semaphore, #tpu.memory_space<semaphore_mem>>)
    %dma_wait3A_302 = arith.constant 120 : i32
    %dma_wait3A_303 = tpu.memref_slice %arg5[%dma_wait3A_302] : memref<256xi32, #tpu.memory_space<vmem>> -> memref<8xi32, #tpu.memory_space<vmem>>
    %dma_wait3A_304 = arith.constant 0 : i32
    %dma_wait3A_305 = arith.constant 0 : i32
    %dma_wait3A_306 = tpu.memref_slice %arg2[%dma_wait3A_304, %dma_wait3A_305] : memref<8192x4096xf32, #tpu.memory_space<hbm>> -> memref<8192x4096xf32, #tpu.memory_space<hbm>>
    tpu.wait_indirect_dma semaphore(%arg9 : memref<!tpu.dma_semaphore, #tpu.memory_space<semaphore_mem>>) src(%dma_wait3A_306 : memref<8192x4096xf32, #tpu.memory_space<hbm>>) dst(%arg7 : memref<8x4096xf32, #tpu.memory_space<vmem>>)
    %dma_wait3A_307 = arith.constant 0 : i32
    %dma_wait3A_308 = tpu.memref_slice %arg4[%add3A_297, %dma_wait3A_307] : memref<8192x4096xf32, #tpu.memory_space<hbm>> -> memref<8x4096xf32, #tpu.memory_space<hbm>>
    %dma_wait3A_309 = arith.constant 0 : i32
    %dma_wait3A_310 = tpu.memref_slice %arg4[%add3A_297, %dma_wait3A_309] : memref<8192x4096xf32, #tpu.memory_space<hbm>> -> memref<8x4096xf32, #tpu.memory_space<hbm>>
    tpu.wait_dma2 semaphore(%arg10 : memref<!tpu.dma_semaphore, #tpu.memory_space<semaphore_mem>>) src(%arg6 : memref<8x4096xf32, #tpu.memory_space<vmem>>) dst(%dma_wait3A_310 : memref<8x4096xf32, #tpu.memory_space<hbm>>)
    %dma_start3A_311 = arith.constant 128 : i32
    %dma_start3A_312 = tpu.memref_slice %arg5[%dma_start3A_311] : memref<256xi32, #tpu.memory_space<vmem>> -> memref<8xi32, #tpu.memory_space<vmem>>
    %dma_start3A_313 = arith.constant 0 : i32
    %dma_start3A_314 = arith.constant 0 : i32
    %dma_start3A_315 = tpu.memref_slice %arg2[%dma_start3A_313, %dma_start3A_314] : memref<8192x4096xf32, #tpu.memory_space<hbm>> -> memref<8192x4096xf32, #tpu.memory_space<hbm>>
    tpu.enqueue_indirect_dma source(%dma_start3A_315 : memref<8192x4096xf32, #tpu.memory_space<hbm>>) target(%arg6 : memref<8x4096xf32, #tpu.memory_space<vmem>>) offsets(%dma_start3A_312 : memref<8xi32, #tpu.memory_space<vmem>>) semaphore(%arg8 : memref<!tpu.dma_semaphore, #tpu.memory_space<semaphore_mem>>)
    %add3A_316 = arith.constant 120 : i32
    %add3A_317 = arith.addi %mul3A_2, %add3A_316 : i32
    %dma_start3A_318 = arith.constant 0 : i32
    %dma_start3A_319 = tpu.memref_slice %arg4[%add3A_317, %dma_start3A_318] : memref<8192x4096xf32, #tpu.memory_space<hbm>> -> memref<8x4096xf32, #tpu.memory_space<hbm>>
    %dma_start3A_320 = arith.constant 0 : i32
    %dma_start3A_321 = tpu.memref_slice %arg4[%add3A_317, %dma_start3A_320] : memref<8192x4096xf32, #tpu.memory_space<hbm>> -> memref<8x4096xf32, #tpu.memory_space<hbm>>
    tpu.enqueue_dma source(%arg7 : memref<8x4096xf32, #tpu.memory_space<vmem>>) target(%dma_start3A_321 : memref<8x4096xf32, #tpu.memory_space<hbm>>) target_semaphore(%arg11 : memref<!tpu.dma_semaphore, #tpu.memory_space<semaphore_mem>>)
    %dma_wait3A_322 = arith.constant 128 : i32
    %dma_wait3A_323 = tpu.memref_slice %arg5[%dma_wait3A_322] : memref<256xi32, #tpu.memory_space<vmem>> -> memref<8xi32, #tpu.memory_space<vmem>>
    %dma_wait3A_324 = arith.constant 0 : i32
    %dma_wait3A_325 = arith.constant 0 : i32
    %dma_wait3A_326 = tpu.memref_slice %arg2[%dma_wait3A_324, %dma_wait3A_325] : memref<8192x4096xf32, #tpu.memory_space<hbm>> -> memref<8192x4096xf32, #tpu.memory_space<hbm>>
    tpu.wait_indirect_dma semaphore(%arg8 : memref<!tpu.dma_semaphore, #tpu.memory_space<semaphore_mem>>) src(%dma_wait3A_326 : memref<8192x4096xf32, #tpu.memory_space<hbm>>) dst(%arg6 : memref<8x4096xf32, #tpu.memory_space<vmem>>)
    %dma_wait3A_327 = arith.constant 0 : i32
    %dma_wait3A_328 = tpu.memref_slice %arg4[%add3A_317, %dma_wait3A_327] : memref<8192x4096xf32, #tpu.memory_space<hbm>> -> memref<8x4096xf32, #tpu.memory_space<hbm>>
    %dma_wait3A_329 = arith.constant 0 : i32
    %dma_wait3A_330 = tpu.memref_slice %arg4[%add3A_317, %dma_wait3A_329] : memref<8192x4096xf32, #tpu.memory_space<hbm>> -> memref<8x4096xf32, #tpu.memory_space<hbm>>
    tpu.wait_dma2 semaphore(%arg11 : memref<!tpu.dma_semaphore, #tpu.memory_space<semaphore_mem>>) src(%arg7 : memref<8x4096xf32, #tpu.memory_space<vmem>>) dst(%dma_wait3A_330 : memref<8x4096xf32, #tpu.memory_space<hbm>>)
    %dma_start3A_331 = arith.constant 136 : i32
    %dma_start3A_332 = tpu.memref_slice %arg5[%dma_start3A_331] : memref<256xi32, #tpu.memory_space<vmem>> -> memref<8xi32, #tpu.memory_space<vmem>>
    %dma_start3A_333 = arith.constant 0 : i32
    %dma_start3A_334 = arith.constant 0 : i32
    %dma_start3A_335 = tpu.memref_slice %arg2[%dma_start3A_333, %dma_start3A_334] : memref<8192x4096xf32, #tpu.memory_space<hbm>> -> memref<8192x4096xf32, #tpu.memory_space<hbm>>
    tpu.enqueue_indirect_dma source(%dma_start3A_335 : memref<8192x4096xf32, #tpu.memory_space<hbm>>) target(%arg7 : memref<8x4096xf32, #tpu.memory_space<vmem>>) offsets(%dma_start3A_332 : memref<8xi32, #tpu.memory_space<vmem>>) semaphore(%arg9 : memref<!tpu.dma_semaphore, #tpu.memory_space<semaphore_mem>>)
    %add3A_336 = arith.constant 128 : i32
    %add3A_337 = arith.addi %mul3A_2, %add3A_336 : i32
    %dma_start3A_338 = arith.constant 0 : i32
    %dma_start3A_339 = tpu.memref_slice %arg4[%add3A_337, %dma_start3A_338] : memref<8192x4096xf32, #tpu.memory_space<hbm>> -> memref<8x4096xf32, #tpu.memory_space<hbm>>
    %dma_start3A_340 = arith.constant 0 : i32
    %dma_start3A_341 = tpu.memref_slice %arg4[%add3A_337, %dma_start3A_340] : memref<8192x4096xf32, #tpu.memory_space<hbm>> -> memref<8x4096xf32, #tpu.memory_space<hbm>>
    tpu.enqueue_dma source(%arg6 : memref<8x4096xf32, #tpu.memory_space<vmem>>) target(%dma_start3A_341 : memref<8x4096xf32, #tpu.memory_space<hbm>>) target_semaphore(%arg10 : memref<!tpu.dma_semaphore, #tpu.memory_space<semaphore_mem>>)
    %dma_wait3A_342 = arith.constant 136 : i32
    %dma_wait3A_343 = tpu.memref_slice %arg5[%dma_wait3A_342] : memref<256xi32, #tpu.memory_space<vmem>> -> memref<8xi32, #tpu.memory_space<vmem>>
    %dma_wait3A_344 = arith.constant 0 : i32
    %dma_wait3A_345 = arith.constant 0 : i32
    %dma_wait3A_346 = tpu.memref_slice %arg2[%dma_wait3A_344, %dma_wait3A_345] : memref<8192x4096xf32, #tpu.memory_space<hbm>> -> memref<8192x4096xf32, #tpu.memory_space<hbm>>
    tpu.wait_indirect_dma semaphore(%arg9 : memref<!tpu.dma_semaphore, #tpu.memory_space<semaphore_mem>>) src(%dma_wait3A_346 : memref<8192x4096xf32, #tpu.memory_space<hbm>>) dst(%arg7 : memref<8x4096xf32, #tpu.memory_space<vmem>>)
    %dma_wait3A_347 = arith.constant 0 : i32
    %dma_wait3A_348 = tpu.memref_slice %arg4[%add3A_337, %dma_wait3A_347] : memref<8192x4096xf32, #tpu.memory_space<hbm>> -> memref<8x4096xf32, #tpu.memory_space<hbm>>
    %dma_wait3A_349 = arith.constant 0 : i32
    %dma_wait3A_350 = tpu.memref_slice %arg4[%add3A_337, %dma_wait3A_349] : memref<8192x4096xf32, #tpu.memory_space<hbm>> -> memref<8x4096xf32, #tpu.memory_space<hbm>>
    tpu.wait_dma2 semaphore(%arg10 : memref<!tpu.dma_semaphore, #tpu.memory_space<semaphore_mem>>) src(%arg6 : memref<8x4096xf32, #tpu.memory_space<vmem>>) dst(%dma_wait3A_350 : memref<8x4096xf32, #tpu.memory_space<hbm>>)
    %dma_start3A_351 = arith.constant 144 : i32
    %dma_start3A_352 = tpu.memref_slice %arg5[%dma_start3A_351] : memref<256xi32, #tpu.memory_space<vmem>> -> memref<8xi32, #tpu.memory_space<vmem>>
    %dma_start3A_353 = arith.constant 0 : i32
    %dma_start3A_354 = arith.constant 0 : i32
    %dma_start3A_355 = tpu.memref_slice %arg2[%dma_start3A_353, %dma_start3A_354] : memref<8192x4096xf32, #tpu.memory_space<hbm>> -> memref<8192x4096xf32, #tpu.memory_space<hbm>>
    tpu.enqueue_indirect_dma source(%dma_start3A_355 : memref<8192x4096xf32, #tpu.memory_space<hbm>>) target(%arg6 : memref<8x4096xf32, #tpu.memory_space<vmem>>) offsets(%dma_start3A_352 : memref<8xi32, #tpu.memory_space<vmem>>) semaphore(%arg8 : memref<!tpu.dma_semaphore, #tpu.memory_space<semaphore_mem>>)
    %add3A_356 = arith.constant 136 : i32
    %add3A_357 = arith.addi %mul3A_2, %add3A_356 : i32
    %dma_start3A_358 = arith.constant 0 : i32
    %dma_start3A_359 = tpu.memref_slice %arg4[%add3A_357, %dma_start3A_358] : memref<8192x4096xf32, #tpu.memory_space<hbm>> -> memref<8x4096xf32, #tpu.memory_space<hbm>>
    %dma_start3A_360 = arith.constant 0 : i32
    %dma_start3A_361 = tpu.memref_slice %arg4[%add3A_357, %dma_start3A_360] : memref<8192x4096xf32, #tpu.memory_space<hbm>> -> memref<8x4096xf32, #tpu.memory_space<hbm>>
    tpu.enqueue_dma source(%arg7 : memref<8x4096xf32, #tpu.memory_space<vmem>>) target(%dma_start3A_361 : memref<8x4096xf32, #tpu.memory_space<hbm>>) target_semaphore(%arg11 : memref<!tpu.dma_semaphore, #tpu.memory_space<semaphore_mem>>)
    %dma_wait3A_362 = arith.constant 144 : i32
    %dma_wait3A_363 = tpu.memref_slice %arg5[%dma_wait3A_362] : memref<256xi32, #tpu.memory_space<vmem>> -> memref<8xi32, #tpu.memory_space<vmem>>
    %dma_wait3A_364 = arith.constant 0 : i32
    %dma_wait3A_365 = arith.constant 0 : i32
    %dma_wait3A_366 = tpu.memref_slice %arg2[%dma_wait3A_364, %dma_wait3A_365] : memref<8192x4096xf32, #tpu.memory_space<hbm>> -> memref<8192x4096xf32, #tpu.memory_space<hbm>>
    tpu.wait_indirect_dma semaphore(%arg8 : memref<!tpu.dma_semaphore, #tpu.memory_space<semaphore_mem>>) src(%dma_wait3A_366 : memref<8192x4096xf32, #tpu.memory_space<hbm>>) dst(%arg6 : memref<8x4096xf32, #tpu.memory_space<vmem>>)
    %dma_wait3A_367 = arith.constant 0 : i32
    %dma_wait3A_368 = tpu.memref_slice %arg4[%add3A_357, %dma_wait3A_367] : memref<8192x4096xf32, #tpu.memory_space<hbm>> -> memref<8x4096xf32, #tpu.memory_space<hbm>>
    %dma_wait3A_369 = arith.constant 0 : i32
    %dma_wait3A_370 = tpu.memref_slice %arg4[%add3A_357, %dma_wait3A_369] : memref<8192x4096xf32, #tpu.memory_space<hbm>> -> memref<8x4096xf32, #tpu.memory_space<hbm>>
    tpu.wait_dma2 semaphore(%arg11 : memref<!tpu.dma_semaphore, #tpu.memory_space<semaphore_mem>>) src(%arg7 : memref<8x4096xf32, #tpu.memory_space<vmem>>) dst(%dma_wait3A_370 : memref<8x4096xf32, #tpu.memory_space<hbm>>)
    %dma_start3A_371 = arith.constant 152 : i32
    %dma_start3A_372 = tpu.memref_slice %arg5[%dma_start3A_371] : memref<256xi32, #tpu.memory_space<vmem>> -> memref<8xi32, #tpu.memory_space<vmem>>
    %dma_start3A_373 = arith.constant 0 : i32
    %dma_start3A_374 = arith.constant 0 : i32
    %dma_start3A_375 = tpu.memref_slice %arg2[%dma_start3A_373, %dma_start3A_374] : memref<8192x4096xf32, #tpu.memory_space<hbm>> -> memref<8192x4096xf32, #tpu.memory_space<hbm>>
    tpu.enqueue_indirect_dma source(%dma_start3A_375 : memref<8192x4096xf32, #tpu.memory_space<hbm>>) target(%arg7 : memref<8x4096xf32, #tpu.memory_space<vmem>>) offsets(%dma_start3A_372 : memref<8xi32, #tpu.memory_space<vmem>>) semaphore(%arg9 : memref<!tpu.dma_semaphore, #tpu.memory_space<semaphore_mem>>)
    %add3A_376 = arith.constant 144 : i32
    %add3A_377 = arith.addi %mul3A_2, %add3A_376 : i32
    %dma_start3A_378 = arith.constant 0 : i32
    %dma_start3A_379 = tpu.memref_slice %arg4[%add3A_377, %dma_start3A_378] : memref<8192x4096xf32, #tpu.memory_space<hbm>> -> memref<8x4096xf32, #tpu.memory_space<hbm>>
    %dma_start3A_380 = arith.constant 0 : i32
    %dma_start3A_381 = tpu.memref_slice %arg4[%add3A_377, %dma_start3A_380] : memref<8192x4096xf32, #tpu.memory_space<hbm>> -> memref<8x4096xf32, #tpu.memory_space<hbm>>
    tpu.enqueue_dma source(%arg6 : memref<8x4096xf32, #tpu.memory_space<vmem>>) target(%dma_start3A_381 : memref<8x4096xf32, #tpu.memory_space<hbm>>) target_semaphore(%arg10 : memref<!tpu.dma_semaphore, #tpu.memory_space<semaphore_mem>>)
    %dma_wait3A_382 = arith.constant 152 : i32
    %dma_wait3A_383 = tpu.memref_slice %arg5[%dma_wait3A_382] : memref<256xi32, #tpu.memory_space<vmem>> -> memref<8xi32, #tpu.memory_space<vmem>>
    %dma_wait3A_384 = arith.constant 0 : i32
    %dma_wait3A_385 = arith.constant 0 : i32
    %dma_wait3A_386 = tpu.memref_slice %arg2[%dma_wait3A_384, %dma_wait3A_385] : memref<8192x4096xf32, #tpu.memory_space<hbm>> -> memref<8192x4096xf32, #tpu.memory_space<hbm>>
    tpu.wait_indirect_dma semaphore(%arg9 : memref<!tpu.dma_semaphore, #tpu.memory_space<semaphore_mem>>) src(%dma_wait3A_386 : memref<8192x4096xf32, #tpu.memory_space<hbm>>) dst(%arg7 : memref<8x4096xf32, #tpu.memory_space<vmem>>)
    %dma_wait3A_387 = arith.constant 0 : i32
    %dma_wait3A_388 = tpu.memref_slice %arg4[%add3A_377, %dma_wait3A_387] : memref<8192x4096xf32, #tpu.memory_space<hbm>> -> memref<8x4096xf32, #tpu.memory_space<hbm>>
    %dma_wait3A_389 = arith.constant 0 : i32
    %dma_wait3A_390 = tpu.memref_slice %arg4[%add3A_377, %dma_wait3A_389] : memref<8192x4096xf32, #tpu.memory_space<hbm>> -> memref<8x4096xf32, #tpu.memory_space<hbm>>
    tpu.wait_dma2 semaphore(%arg10 : memref<!tpu.dma_semaphore, #tpu.memory_space<semaphore_mem>>) src(%arg6 : memref<8x4096xf32, #tpu.memory_space<vmem>>) dst(%dma_wait3A_390 : memref<8x4096xf32, #tpu.memory_space<hbm>>)
    %dma_start3A_391 = arith.constant 160 : i32
    %dma_start3A_392 = tpu.memref_slice %arg5[%dma_start3A_391] : memref<256xi32, #tpu.memory_space<vmem>> -> memref<8xi32, #tpu.memory_space<vmem>>
    %dma_start3A_393 = arith.constant 0 : i32
    %dma_start3A_394 = arith.constant 0 : i32
    %dma_start3A_395 = tpu.memref_slice %arg2[%dma_start3A_393, %dma_start3A_394] : memref<8192x4096xf32, #tpu.memory_space<hbm>> -> memref<8192x4096xf32, #tpu.memory_space<hbm>>
    tpu.enqueue_indirect_dma source(%dma_start3A_395 : memref<8192x4096xf32, #tpu.memory_space<hbm>>) target(%arg6 : memref<8x4096xf32, #tpu.memory_space<vmem>>) offsets(%dma_start3A_392 : memref<8xi32, #tpu.memory_space<vmem>>) semaphore(%arg8 : memref<!tpu.dma_semaphore, #tpu.memory_space<semaphore_mem>>)
    %add3A_396 = arith.constant 152 : i32
    %add3A_397 = arith.addi %mul3A_2, %add3A_396 : i32
    %dma_start3A_398 = arith.constant 0 : i32
    %dma_start3A_399 = tpu.memref_slice %arg4[%add3A_397, %dma_start3A_398] : memref<8192x4096xf32, #tpu.memory_space<hbm>> -> memref<8x4096xf32, #tpu.memory_space<hbm>>
    %dma_start3A_400 = arith.constant 0 : i32
    %dma_start3A_401 = tpu.memref_slice %arg4[%add3A_397, %dma_start3A_400] : memref<8192x4096xf32, #tpu.memory_space<hbm>> -> memref<8x4096xf32, #tpu.memory_space<hbm>>
    tpu.enqueue_dma source(%arg7 : memref<8x4096xf32, #tpu.memory_space<vmem>>) target(%dma_start3A_401 : memref<8x4096xf32, #tpu.memory_space<hbm>>) target_semaphore(%arg11 : memref<!tpu.dma_semaphore, #tpu.memory_space<semaphore_mem>>)
    %dma_wait3A_402 = arith.constant 160 : i32
    %dma_wait3A_403 = tpu.memref_slice %arg5[%dma_wait3A_402] : memref<256xi32, #tpu.memory_space<vmem>> -> memref<8xi32, #tpu.memory_space<vmem>>
    %dma_wait3A_404 = arith.constant 0 : i32
    %dma_wait3A_405 = arith.constant 0 : i32
    %dma_wait3A_406 = tpu.memref_slice %arg2[%dma_wait3A_404, %dma_wait3A_405] : memref<8192x4096xf32, #tpu.memory_space<hbm>> -> memref<8192x4096xf32, #tpu.memory_space<hbm>>
    tpu.wait_indirect_dma semaphore(%arg8 : memref<!tpu.dma_semaphore, #tpu.memory_space<semaphore_mem>>) src(%dma_wait3A_406 : memref<8192x4096xf32, #tpu.memory_space<hbm>>) dst(%arg6 : memref<8x4096xf32, #tpu.memory_space<vmem>>)
    %dma_wait3A_407 = arith.constant 0 : i32
    %dma_wait3A_408 = tpu.memref_slice %arg4[%add3A_397, %dma_wait3A_407] : memref<8192x4096xf32, #tpu.memory_space<hbm>> -> memref<8x4096xf32, #tpu.memory_space<hbm>>
    %dma_wait3A_409 = arith.constant 0 : i32
    %dma_wait3A_410 = tpu.memref_slice %arg4[%add3A_397, %dma_wait3A_409] : memref<8192x4096xf32, #tpu.memory_space<hbm>> -> memref<8x4096xf32, #tpu.memory_space<hbm>>
    tpu.wait_dma2 semaphore(%arg11 : memref<!tpu.dma_semaphore, #tpu.memory_space<semaphore_mem>>) src(%arg7 : memref<8x4096xf32, #tpu.memory_space<vmem>>) dst(%dma_wait3A_410 : memref<8x4096xf32, #tpu.memory_space<hbm>>)
    %dma_start3A_411 = arith.constant 168 : i32
    %dma_start3A_412 = tpu.memref_slice %arg5[%dma_start3A_411] : memref<256xi32, #tpu.memory_space<vmem>> -> memref<8xi32, #tpu.memory_space<vmem>>
    %dma_start3A_413 = arith.constant 0 : i32
    %dma_start3A_414 = arith.constant 0 : i32
    %dma_start3A_415 = tpu.memref_slice %arg2[%dma_start3A_413, %dma_start3A_414] : memref<8192x4096xf32, #tpu.memory_space<hbm>> -> memref<8192x4096xf32, #tpu.memory_space<hbm>>
    tpu.enqueue_indirect_dma source(%dma_start3A_415 : memref<8192x4096xf32, #tpu.memory_space<hbm>>) target(%arg7 : memref<8x4096xf32, #tpu.memory_space<vmem>>) offsets(%dma_start3A_412 : memref<8xi32, #tpu.memory_space<vmem>>) semaphore(%arg9 : memref<!tpu.dma_semaphore, #tpu.memory_space<semaphore_mem>>)
    %add3A_416 = arith.constant 160 : i32
    %add3A_417 = arith.addi %mul3A_2, %add3A_416 : i32
    %dma_start3A_418 = arith.constant 0 : i32
    %dma_start3A_419 = tpu.memref_slice %arg4[%add3A_417, %dma_start3A_418] : memref<8192x4096xf32, #tpu.memory_space<hbm>> -> memref<8x4096xf32, #tpu.memory_space<hbm>>
    %dma_start3A_420 = arith.constant 0 : i32
    %dma_start3A_421 = tpu.memref_slice %arg4[%add3A_417, %dma_start3A_420] : memref<8192x4096xf32, #tpu.memory_space<hbm>> -> memref<8x4096xf32, #tpu.memory_space<hbm>>
    tpu.enqueue_dma source(%arg6 : memref<8x4096xf32, #tpu.memory_space<vmem>>) target(%dma_start3A_421 : memref<8x4096xf32, #tpu.memory_space<hbm>>) target_semaphore(%arg10 : memref<!tpu.dma_semaphore, #tpu.memory_space<semaphore_mem>>)
    %dma_wait3A_422 = arith.constant 168 : i32
    %dma_wait3A_423 = tpu.memref_slice %arg5[%dma_wait3A_422] : memref<256xi32, #tpu.memory_space<vmem>> -> memref<8xi32, #tpu.memory_space<vmem>>
    %dma_wait3A_424 = arith.constant 0 : i32
    %dma_wait3A_425 = arith.constant 0 : i32
    %dma_wait3A_426 = tpu.memref_slice %arg2[%dma_wait3A_424, %dma_wait3A_425] : memref<8192x4096xf32, #tpu.memory_space<hbm>> -> memref<8192x4096xf32, #tpu.memory_space<hbm>>
    tpu.wait_indirect_dma semaphore(%arg9 : memref<!tpu.dma_semaphore, #tpu.memory_space<semaphore_mem>>) src(%dma_wait3A_426 : memref<8192x4096xf32, #tpu.memory_space<hbm>>) dst(%arg7 : memref<8x4096xf32, #tpu.memory_space<vmem>>)
    %dma_wait3A_427 = arith.constant 0 : i32
    %dma_wait3A_428 = tpu.memref_slice %arg4[%add3A_417, %dma_wait3A_427] : memref<8192x4096xf32, #tpu.memory_space<hbm>> -> memref<8x4096xf32, #tpu.memory_space<hbm>>
    %dma_wait3A_429 = arith.constant 0 : i32
    %dma_wait3A_430 = tpu.memref_slice %arg4[%add3A_417, %dma_wait3A_429] : memref<8192x4096xf32, #tpu.memory_space<hbm>> -> memref<8x4096xf32, #tpu.memory_space<hbm>>
    tpu.wait_dma2 semaphore(%arg10 : memref<!tpu.dma_semaphore, #tpu.memory_space<semaphore_mem>>) src(%arg6 : memref<8x4096xf32, #tpu.memory_space<vmem>>) dst(%dma_wait3A_430 : memref<8x4096xf32, #tpu.memory_space<hbm>>)
    %dma_start3A_431 = arith.constant 176 : i32
    %dma_start3A_432 = tpu.memref_slice %arg5[%dma_start3A_431] : memref<256xi32, #tpu.memory_space<vmem>> -> memref<8xi32, #tpu.memory_space<vmem>>
    %dma_start3A_433 = arith.constant 0 : i32
    %dma_start3A_434 = arith.constant 0 : i32
    %dma_start3A_435 = tpu.memref_slice %arg2[%dma_start3A_433, %dma_start3A_434] : memref<8192x4096xf32, #tpu.memory_space<hbm>> -> memref<8192x4096xf32, #tpu.memory_space<hbm>>
    tpu.enqueue_indirect_dma source(%dma_start3A_435 : memref<8192x4096xf32, #tpu.memory_space<hbm>>) target(%arg6 : memref<8x4096xf32, #tpu.memory_space<vmem>>) offsets(%dma_start3A_432 : memref<8xi32, #tpu.memory_space<vmem>>) semaphore(%arg8 : memref<!tpu.dma_semaphore, #tpu.memory_space<semaphore_mem>>)
    %add3A_436 = arith.constant 168 : i32
    %add3A_437 = arith.addi %mul3A_2, %add3A_436 : i32
    %dma_start3A_438 = arith.constant 0 : i32
    %dma_start3A_439 = tpu.memref_slice %arg4[%add3A_437, %dma_start3A_438] : memref<8192x4096xf32, #tpu.memory_space<hbm>> -> memref<8x4096xf32, #tpu.memory_space<hbm>>
    %dma_start3A_440 = arith.constant 0 : i32
    %dma_start3A_441 = tpu.memref_slice %arg4[%add3A_437, %dma_start3A_440] : memref<8192x4096xf32, #tpu.memory_space<hbm>> -> memref<8x4096xf32, #tpu.memory_space<hbm>>
    tpu.enqueue_dma source(%arg7 : memref<8x4096xf32, #tpu.memory_space<vmem>>) target(%dma_start3A_441 : memref<8x4096xf32, #tpu.memory_space<hbm>>) target_semaphore(%arg11 : memref<!tpu.dma_semaphore, #tpu.memory_space<semaphore_mem>>)
    %dma_wait3A_442 = arith.constant 176 : i32
    %dma_wait3A_443 = tpu.memref_slice %arg5[%dma_wait3A_442] : memref<256xi32, #tpu.memory_space<vmem>> -> memref<8xi32, #tpu.memory_space<vmem>>
    %dma_wait3A_444 = arith.constant 0 : i32
    %dma_wait3A_445 = arith.constant 0 : i32
    %dma_wait3A_446 = tpu.memref_slice %arg2[%dma_wait3A_444, %dma_wait3A_445] : memref<8192x4096xf32, #tpu.memory_space<hbm>> -> memref<8192x4096xf32, #tpu.memory_space<hbm>>
    tpu.wait_indirect_dma semaphore(%arg8 : memref<!tpu.dma_semaphore, #tpu.memory_space<semaphore_mem>>) src(%dma_wait3A_446 : memref<8192x4096xf32, #tpu.memory_space<hbm>>) dst(%arg6 : memref<8x4096xf32, #tpu.memory_space<vmem>>)
    %dma_wait3A_447 = arith.constant 0 : i32
    %dma_wait3A_448 = tpu.memref_slice %arg4[%add3A_437, %dma_wait3A_447] : memref<8192x4096xf32, #tpu.memory_space<hbm>> -> memref<8x4096xf32, #tpu.memory_space<hbm>>
    %dma_wait3A_449 = arith.constant 0 : i32
    %dma_wait3A_450 = tpu.memref_slice %arg4[%add3A_437, %dma_wait3A_449] : memref<8192x4096xf32, #tpu.memory_space<hbm>> -> memref<8x4096xf32, #tpu.memory_space<hbm>>
    tpu.wait_dma2 semaphore(%arg11 : memref<!tpu.dma_semaphore, #tpu.memory_space<semaphore_mem>>) src(%arg7 : memref<8x4096xf32, #tpu.memory_space<vmem>>) dst(%dma_wait3A_450 : memref<8x4096xf32, #tpu.memory_space<hbm>>)
    %dma_start3A_451 = arith.constant 184 : i32
    %dma_start3A_452 = tpu.memref_slice %arg5[%dma_start3A_451] : memref<256xi32, #tpu.memory_space<vmem>> -> memref<8xi32, #tpu.memory_space<vmem>>
    %dma_start3A_453 = arith.constant 0 : i32
    %dma_start3A_454 = arith.constant 0 : i32
    %dma_start3A_455 = tpu.memref_slice %arg2[%dma_start3A_453, %dma_start3A_454] : memref<8192x4096xf32, #tpu.memory_space<hbm>> -> memref<8192x4096xf32, #tpu.memory_space<hbm>>
    tpu.enqueue_indirect_dma source(%dma_start3A_455 : memref<8192x4096xf32, #tpu.memory_space<hbm>>) target(%arg7 : memref<8x4096xf32, #tpu.memory_space<vmem>>) offsets(%dma_start3A_452 : memref<8xi32, #tpu.memory_space<vmem>>) semaphore(%arg9 : memref<!tpu.dma_semaphore, #tpu.memory_space<semaphore_mem>>)
    %add3A_456 = arith.constant 176 : i32
    %add3A_457 = arith.addi %mul3A_2, %add3A_456 : i32
    %dma_start3A_458 = arith.constant 0 : i32
    %dma_start3A_459 = tpu.memref_slice %arg4[%add3A_457, %dma_start3A_458] : memref<8192x4096xf32, #tpu.memory_space<hbm>> -> memref<8x4096xf32, #tpu.memory_space<hbm>>
    %dma_start3A_460 = arith.constant 0 : i32
    %dma_start3A_461 = tpu.memref_slice %arg4[%add3A_457, %dma_start3A_460] : memref<8192x4096xf32, #tpu.memory_space<hbm>> -> memref<8x4096xf32, #tpu.memory_space<hbm>>
    tpu.enqueue_dma source(%arg6 : memref<8x4096xf32, #tpu.memory_space<vmem>>) target(%dma_start3A_461 : memref<8x4096xf32, #tpu.memory_space<hbm>>) target_semaphore(%arg10 : memref<!tpu.dma_semaphore, #tpu.memory_space<semaphore_mem>>)
    %dma_wait3A_462 = arith.constant 184 : i32
    %dma_wait3A_463 = tpu.memref_slice %arg5[%dma_wait3A_462] : memref<256xi32, #tpu.memory_space<vmem>> -> memref<8xi32, #tpu.memory_space<vmem>>
    %dma_wait3A_464 = arith.constant 0 : i32
    %dma_wait3A_465 = arith.constant 0 : i32
    %dma_wait3A_466 = tpu.memref_slice %arg2[%dma_wait3A_464, %dma_wait3A_465] : memref<8192x4096xf32, #tpu.memory_space<hbm>> -> memref<8192x4096xf32, #tpu.memory_space<hbm>>
    tpu.wait_indirect_dma semaphore(%arg9 : memref<!tpu.dma_semaphore, #tpu.memory_space<semaphore_mem>>) src(%dma_wait3A_466 : memref<8192x4096xf32, #tpu.memory_space<hbm>>) dst(%arg7 : memref<8x4096xf32, #tpu.memory_space<vmem>>)
    %dma_wait3A_467 = arith.constant 0 : i32
    %dma_wait3A_468 = tpu.memref_slice %arg4[%add3A_457, %dma_wait3A_467] : memref<8192x4096xf32, #tpu.memory_space<hbm>> -> memref<8x4096xf32, #tpu.memory_space<hbm>>
    %dma_wait3A_469 = arith.constant 0 : i32
    %dma_wait3A_470 = tpu.memref_slice %arg4[%add3A_457, %dma_wait3A_469] : memref<8192x4096xf32, #tpu.memory_space<hbm>> -> memref<8x4096xf32, #tpu.memory_space<hbm>>
    tpu.wait_dma2 semaphore(%arg10 : memref<!tpu.dma_semaphore, #tpu.memory_space<semaphore_mem>>) src(%arg6 : memref<8x4096xf32, #tpu.memory_space<vmem>>) dst(%dma_wait3A_470 : memref<8x4096xf32, #tpu.memory_space<hbm>>)
    %dma_start3A_471 = arith.constant 192 : i32
    %dma_start3A_472 = tpu.memref_slice %arg5[%dma_start3A_471] : memref<256xi32, #tpu.memory_space<vmem>> -> memref<8xi32, #tpu.memory_space<vmem>>
    %dma_start3A_473 = arith.constant 0 : i32
    %dma_start3A_474 = arith.constant 0 : i32
    %dma_start3A_475 = tpu.memref_slice %arg2[%dma_start3A_473, %dma_start3A_474] : memref<8192x4096xf32, #tpu.memory_space<hbm>> -> memref<8192x4096xf32, #tpu.memory_space<hbm>>
    tpu.enqueue_indirect_dma source(%dma_start3A_475 : memref<8192x4096xf32, #tpu.memory_space<hbm>>) target(%arg6 : memref<8x4096xf32, #tpu.memory_space<vmem>>) offsets(%dma_start3A_472 : memref<8xi32, #tpu.memory_space<vmem>>) semaphore(%arg8 : memref<!tpu.dma_semaphore, #tpu.memory_space<semaphore_mem>>)
    %add3A_476 = arith.constant 184 : i32
    %add3A_477 = arith.addi %mul3A_2, %add3A_476 : i32
    %dma_start3A_478 = arith.constant 0 : i32
    %dma_start3A_479 = tpu.memref_slice %arg4[%add3A_477, %dma_start3A_478] : memref<8192x4096xf32, #tpu.memory_space<hbm>> -> memref<8x4096xf32, #tpu.memory_space<hbm>>
    %dma_start3A_480 = arith.constant 0 : i32
    %dma_start3A_481 = tpu.memref_slice %arg4[%add3A_477, %dma_start3A_480] : memref<8192x4096xf32, #tpu.memory_space<hbm>> -> memref<8x4096xf32, #tpu.memory_space<hbm>>
    tpu.enqueue_dma source(%arg7 : memref<8x4096xf32, #tpu.memory_space<vmem>>) target(%dma_start3A_481 : memref<8x4096xf32, #tpu.memory_space<hbm>>) target_semaphore(%arg11 : memref<!tpu.dma_semaphore, #tpu.memory_space<semaphore_mem>>)
    %dma_wait3A_482 = arith.constant 192 : i32
    %dma_wait3A_483 = tpu.memref_slice %arg5[%dma_wait3A_482] : memref<256xi32, #tpu.memory_space<vmem>> -> memref<8xi32, #tpu.memory_space<vmem>>
    %dma_wait3A_484 = arith.constant 0 : i32
    %dma_wait3A_485 = arith.constant 0 : i32
    %dma_wait3A_486 = tpu.memref_slice %arg2[%dma_wait3A_484, %dma_wait3A_485] : memref<8192x4096xf32, #tpu.memory_space<hbm>> -> memref<8192x4096xf32, #tpu.memory_space<hbm>>
    tpu.wait_indirect_dma semaphore(%arg8 : memref<!tpu.dma_semaphore, #tpu.memory_space<semaphore_mem>>) src(%dma_wait3A_486 : memref<8192x4096xf32, #tpu.memory_space<hbm>>) dst(%arg6 : memref<8x4096xf32, #tpu.memory_space<vmem>>)
    %dma_wait3A_487 = arith.constant 0 : i32
    %dma_wait3A_488 = tpu.memref_slice %arg4[%add3A_477, %dma_wait3A_487] : memref<8192x4096xf32, #tpu.memory_space<hbm>> -> memref<8x4096xf32, #tpu.memory_space<hbm>>
    %dma_wait3A_489 = arith.constant 0 : i32
    %dma_wait3A_490 = tpu.memref_slice %arg4[%add3A_477, %dma_wait3A_489] : memref<8192x4096xf32, #tpu.memory_space<hbm>> -> memref<8x4096xf32, #tpu.memory_space<hbm>>
    tpu.wait_dma2 semaphore(%arg11 : memref<!tpu.dma_semaphore, #tpu.memory_space<semaphore_mem>>) src(%arg7 : memref<8x4096xf32, #tpu.memory_space<vmem>>) dst(%dma_wait3A_490 : memref<8x4096xf32, #tpu.memory_space<hbm>>)
    %dma_start3A_491 = arith.constant 200 : i32
    %dma_start3A_492 = tpu.memref_slice %arg5[%dma_start3A_491] : memref<256xi32, #tpu.memory_space<vmem>> -> memref<8xi32, #tpu.memory_space<vmem>>
    %dma_start3A_493 = arith.constant 0 : i32
    %dma_start3A_494 = arith.constant 0 : i32
    %dma_start3A_495 = tpu.memref_slice %arg2[%dma_start3A_493, %dma_start3A_494] : memref<8192x4096xf32, #tpu.memory_space<hbm>> -> memref<8192x4096xf32, #tpu.memory_space<hbm>>
    tpu.enqueue_indirect_dma source(%dma_start3A_495 : memref<8192x4096xf32, #tpu.memory_space<hbm>>) target(%arg7 : memref<8x4096xf32, #tpu.memory_space<vmem>>) offsets(%dma_start3A_492 : memref<8xi32, #tpu.memory_space<vmem>>) semaphore(%arg9 : memref<!tpu.dma_semaphore, #tpu.memory_space<semaphore_mem>>)
    %add3A_496 = arith.constant 192 : i32
    %add3A_497 = arith.addi %mul3A_2, %add3A_496 : i32
    %dma_start3A_498 = arith.constant 0 : i32
    %dma_start3A_499 = tpu.memref_slice %arg4[%add3A_497, %dma_start3A_498] : memref<8192x4096xf32, #tpu.memory_space<hbm>> -> memref<8x4096xf32, #tpu.memory_space<hbm>>
    %dma_start3A_500 = arith.constant 0 : i32
    %dma_start3A_501 = tpu.memref_slice %arg4[%add3A_497, %dma_start3A_500] : memref<8192x4096xf32, #tpu.memory_space<hbm>> -> memref<8x4096xf32, #tpu.memory_space<hbm>>
    tpu.enqueue_dma source(%arg6 : memref<8x4096xf32, #tpu.memory_space<vmem>>) target(%dma_start3A_501 : memref<8x4096xf32, #tpu.memory_space<hbm>>) target_semaphore(%arg10 : memref<!tpu.dma_semaphore, #tpu.memory_space<semaphore_mem>>)
    %dma_wait3A_502 = arith.constant 200 : i32
    %dma_wait3A_503 = tpu.memref_slice %arg5[%dma_wait3A_502] : memref<256xi32, #tpu.memory_space<vmem>> -> memref<8xi32, #tpu.memory_space<vmem>>
    %dma_wait3A_504 = arith.constant 0 : i32
    %dma_wait3A_505 = arith.constant 0 : i32
    %dma_wait3A_506 = tpu.memref_slice %arg2[%dma_wait3A_504, %dma_wait3A_505] : memref<8192x4096xf32, #tpu.memory_space<hbm>> -> memref<8192x4096xf32, #tpu.memory_space<hbm>>
    tpu.wait_indirect_dma semaphore(%arg9 : memref<!tpu.dma_semaphore, #tpu.memory_space<semaphore_mem>>) src(%dma_wait3A_506 : memref<8192x4096xf32, #tpu.memory_space<hbm>>) dst(%arg7 : memref<8x4096xf32, #tpu.memory_space<vmem>>)
    %dma_wait3A_507 = arith.constant 0 : i32
    %dma_wait3A_508 = tpu.memref_slice %arg4[%add3A_497, %dma_wait3A_507] : memref<8192x4096xf32, #tpu.memory_space<hbm>> -> memref<8x4096xf32, #tpu.memory_space<hbm>>
    %dma_wait3A_509 = arith.constant 0 : i32
    %dma_wait3A_510 = tpu.memref_slice %arg4[%add3A_497, %dma_wait3A_509] : memref<8192x4096xf32, #tpu.memory_space<hbm>> -> memref<8x4096xf32, #tpu.memory_space<hbm>>
    tpu.wait_dma2 semaphore(%arg10 : memref<!tpu.dma_semaphore, #tpu.memory_space<semaphore_mem>>) src(%arg6 : memref<8x4096xf32, #tpu.memory_space<vmem>>) dst(%dma_wait3A_510 : memref<8x4096xf32, #tpu.memory_space<hbm>>)
    %dma_start3A_511 = arith.constant 208 : i32
    %dma_start3A_512 = tpu.memref_slice %arg5[%dma_start3A_511] : memref<256xi32, #tpu.memory_space<vmem>> -> memref<8xi32, #tpu.memory_space<vmem>>
    %dma_start3A_513 = arith.constant 0 : i32
    %dma_start3A_514 = arith.constant 0 : i32
    %dma_start3A_515 = tpu.memref_slice %arg2[%dma_start3A_513, %dma_start3A_514] : memref<8192x4096xf32, #tpu.memory_space<hbm>> -> memref<8192x4096xf32, #tpu.memory_space<hbm>>
    tpu.enqueue_indirect_dma source(%dma_start3A_515 : memref<8192x4096xf32, #tpu.memory_space<hbm>>) target(%arg6 : memref<8x4096xf32, #tpu.memory_space<vmem>>) offsets(%dma_start3A_512 : memref<8xi32, #tpu.memory_space<vmem>>) semaphore(%arg8 : memref<!tpu.dma_semaphore, #tpu.memory_space<semaphore_mem>>)
    %add3A_516 = arith.constant 200 : i32
    %add3A_517 = arith.addi %mul3A_2, %add3A_516 : i32
    %dma_start3A_518 = arith.constant 0 : i32
    %dma_start3A_519 = tpu.memref_slice %arg4[%add3A_517, %dma_start3A_518] : memref<8192x4096xf32, #tpu.memory_space<hbm>> -> memref<8x4096xf32, #tpu.memory_space<hbm>>
    %dma_start3A_520 = arith.constant 0 : i32
    %dma_start3A_521 = tpu.memref_slice %arg4[%add3A_517, %dma_start3A_520] : memref<8192x4096xf32, #tpu.memory_space<hbm>> -> memref<8x4096xf32, #tpu.memory_space<hbm>>
    tpu.enqueue_dma source(%arg7 : memref<8x4096xf32, #tpu.memory_space<vmem>>) target(%dma_start3A_521 : memref<8x4096xf32, #tpu.memory_space<hbm>>) target_semaphore(%arg11 : memref<!tpu.dma_semaphore, #tpu.memory_space<semaphore_mem>>)
    %dma_wait3A_522 = arith.constant 208 : i32
    %dma_wait3A_523 = tpu.memref_slice %arg5[%dma_wait3A_522] : memref<256xi32, #tpu.memory_space<vmem>> -> memref<8xi32, #tpu.memory_space<vmem>>
    %dma_wait3A_524 = arith.constant 0 : i32
    %dma_wait3A_525 = arith.constant 0 : i32
    %dma_wait3A_526 = tpu.memref_slice %arg2[%dma_wait3A_524, %dma_wait3A_525] : memref<8192x4096xf32, #tpu.memory_space<hbm>> -> memref<8192x4096xf32, #tpu.memory_space<hbm>>
    tpu.wait_indirect_dma semaphore(%arg8 : memref<!tpu.dma_semaphore, #tpu.memory_space<semaphore_mem>>) src(%dma_wait3A_526 : memref<8192x4096xf32, #tpu.memory_space<hbm>>) dst(%arg6 : memref<8x4096xf32, #tpu.memory_space<vmem>>)
    %dma_wait3A_527 = arith.constant 0 : i32
    %dma_wait3A_528 = tpu.memref_slice %arg4[%add3A_517, %dma_wait3A_527] : memref<8192x4096xf32, #tpu.memory_space<hbm>> -> memref<8x4096xf32, #tpu.memory_space<hbm>>
    %dma_wait3A_529 = arith.constant 0 : i32
    %dma_wait3A_530 = tpu.memref_slice %arg4[%add3A_517, %dma_wait3A_529] : memref<8192x4096xf32, #tpu.memory_space<hbm>> -> memref<8x4096xf32, #tpu.memory_space<hbm>>
    tpu.wait_dma2 semaphore(%arg11 : memref<!tpu.dma_semaphore, #tpu.memory_space<semaphore_mem>>) src(%arg7 : memref<8x4096xf32, #tpu.memory_space<vmem>>) dst(%dma_wait3A_530 : memref<8x4096xf32, #tpu.memory_space<hbm>>)
    %dma_start3A_531 = arith.constant 216 : i32
    %dma_start3A_532 = tpu.memref_slice %arg5[%dma_start3A_531] : memref<256xi32, #tpu.memory_space<vmem>> -> memref<8xi32, #tpu.memory_space<vmem>>
    %dma_start3A_533 = arith.constant 0 : i32
    %dma_start3A_534 = arith.constant 0 : i32
    %dma_start3A_535 = tpu.memref_slice %arg2[%dma_start3A_533, %dma_start3A_534] : memref<8192x4096xf32, #tpu.memory_space<hbm>> -> memref<8192x4096xf32, #tpu.memory_space<hbm>>
    tpu.enqueue_indirect_dma source(%dma_start3A_535 : memref<8192x4096xf32, #tpu.memory_space<hbm>>) target(%arg7 : memref<8x4096xf32, #tpu.memory_space<vmem>>) offsets(%dma_start3A_532 : memref<8xi32, #tpu.memory_space<vmem>>) semaphore(%arg9 : memref<!tpu.dma_semaphore, #tpu.memory_space<semaphore_mem>>)
    %add3A_536 = arith.constant 208 : i32
    %add3A_537 = arith.addi %mul3A_2, %add3A_536 : i32
    %dma_start3A_538 = arith.constant 0 : i32
    %dma_start3A_539 = tpu.memref_slice %arg4[%add3A_537, %dma_start3A_538] : memref<8192x4096xf32, #tpu.memory_space<hbm>> -> memref<8x4096xf32, #tpu.memory_space<hbm>>
    %dma_start3A_540 = arith.constant 0 : i32
    %dma_start3A_541 = tpu.memref_slice %arg4[%add3A_537, %dma_start3A_540] : memref<8192x4096xf32, #tpu.memory_space<hbm>> -> memref<8x4096xf32, #tpu.memory_space<hbm>>
    tpu.enqueue_dma source(%arg6 : memref<8x4096xf32, #tpu.memory_space<vmem>>) target(%dma_start3A_541 : memref<8x4096xf32, #tpu.memory_space<hbm>>) target_semaphore(%arg10 : memref<!tpu.dma_semaphore, #tpu.memory_space<semaphore_mem>>)
    %dma_wait3A_542 = arith.constant 216 : i32
    %dma_wait3A_543 = tpu.memref_slice %arg5[%dma_wait3A_542] : memref<256xi32, #tpu.memory_space<vmem>> -> memref<8xi32, #tpu.memory_space<vmem>>
    %dma_wait3A_544 = arith.constant 0 : i32
    %dma_wait3A_545 = arith.constant 0 : i32
    %dma_wait3A_546 = tpu.memref_slice %arg2[%dma_wait3A_544, %dma_wait3A_545] : memref<8192x4096xf32, #tpu.memory_space<hbm>> -> memref<8192x4096xf32, #tpu.memory_space<hbm>>
    tpu.wait_indirect_dma semaphore(%arg9 : memref<!tpu.dma_semaphore, #tpu.memory_space<semaphore_mem>>) src(%dma_wait3A_546 : memref<8192x4096xf32, #tpu.memory_space<hbm>>) dst(%arg7 : memref<8x4096xf32, #tpu.memory_space<vmem>>)
    %dma_wait3A_547 = arith.constant 0 : i32
    %dma_wait3A_548 = tpu.memref_slice %arg4[%add3A_537, %dma_wait3A_547] : memref<8192x4096xf32, #tpu.memory_space<hbm>> -> memref<8x4096xf32, #tpu.memory_space<hbm>>
    %dma_wait3A_549 = arith.constant 0 : i32
    %dma_wait3A_550 = tpu.memref_slice %arg4[%add3A_537, %dma_wait3A_549] : memref<8192x4096xf32, #tpu.memory_space<hbm>> -> memref<8x4096xf32, #tpu.memory_space<hbm>>
    tpu.wait_dma2 semaphore(%arg10 : memref<!tpu.dma_semaphore, #tpu.memory_space<semaphore_mem>>) src(%arg6 : memref<8x4096xf32, #tpu.memory_space<vmem>>) dst(%dma_wait3A_550 : memref<8x4096xf32, #tpu.memory_space<hbm>>)
    %dma_start3A_551 = arith.constant 224 : i32
    %dma_start3A_552 = tpu.memref_slice %arg5[%dma_start3A_551] : memref<256xi32, #tpu.memory_space<vmem>> -> memref<8xi32, #tpu.memory_space<vmem>>
    %dma_start3A_553 = arith.constant 0 : i32
    %dma_start3A_554 = arith.constant 0 : i32
    %dma_start3A_555 = tpu.memref_slice %arg2[%dma_start3A_553, %dma_start3A_554] : memref<8192x4096xf32, #tpu.memory_space<hbm>> -> memref<8192x4096xf32, #tpu.memory_space<hbm>>
    tpu.enqueue_indirect_dma source(%dma_start3A_555 : memref<8192x4096xf32, #tpu.memory_space<hbm>>) target(%arg6 : memref<8x4096xf32, #tpu.memory_space<vmem>>) offsets(%dma_start3A_552 : memref<8xi32, #tpu.memory_space<vmem>>) semaphore(%arg8 : memref<!tpu.dma_semaphore, #tpu.memory_space<semaphore_mem>>)
    %add3A_556 = arith.constant 216 : i32
    %add3A_557 = arith.addi %mul3A_2, %add3A_556 : i32
    %dma_start3A_558 = arith.constant 0 : i32
    %dma_start3A_559 = tpu.memref_slice %arg4[%add3A_557, %dma_start3A_558] : memref<8192x4096xf32, #tpu.memory_space<hbm>> -> memref<8x4096xf32, #tpu.memory_space<hbm>>
    %dma_start3A_560 = arith.constant 0 : i32
    %dma_start3A_561 = tpu.memref_slice %arg4[%add3A_557, %dma_start3A_560] : memref<8192x4096xf32, #tpu.memory_space<hbm>> -> memref<8x4096xf32, #tpu.memory_space<hbm>>
    tpu.enqueue_dma source(%arg7 : memref<8x4096xf32, #tpu.memory_space<vmem>>) target(%dma_start3A_561 : memref<8x4096xf32, #tpu.memory_space<hbm>>) target_semaphore(%arg11 : memref<!tpu.dma_semaphore, #tpu.memory_space<semaphore_mem>>)
    %dma_wait3A_562 = arith.constant 224 : i32
    %dma_wait3A_563 = tpu.memref_slice %arg5[%dma_wait3A_562] : memref<256xi32, #tpu.memory_space<vmem>> -> memref<8xi32, #tpu.memory_space<vmem>>
    %dma_wait3A_564 = arith.constant 0 : i32
    %dma_wait3A_565 = arith.constant 0 : i32
    %dma_wait3A_566 = tpu.memref_slice %arg2[%dma_wait3A_564, %dma_wait3A_565] : memref<8192x4096xf32, #tpu.memory_space<hbm>> -> memref<8192x4096xf32, #tpu.memory_space<hbm>>
    tpu.wait_indirect_dma semaphore(%arg8 : memref<!tpu.dma_semaphore, #tpu.memory_space<semaphore_mem>>) src(%dma_wait3A_566 : memref<8192x4096xf32, #tpu.memory_space<hbm>>) dst(%arg6 : memref<8x4096xf32, #tpu.memory_space<vmem>>)
    %dma_wait3A_567 = arith.constant 0 : i32
    %dma_wait3A_568 = tpu.memref_slice %arg4[%add3A_557, %dma_wait3A_567] : memref<8192x4096xf32, #tpu.memory_space<hbm>> -> memref<8x4096xf32, #tpu.memory_space<hbm>>
    %dma_wait3A_569 = arith.constant 0 : i32
    %dma_wait3A_570 = tpu.memref_slice %arg4[%add3A_557, %dma_wait3A_569] : memref<8192x4096xf32, #tpu.memory_space<hbm>> -> memref<8x4096xf32, #tpu.memory_space<hbm>>
    tpu.wait_dma2 semaphore(%arg11 : memref<!tpu.dma_semaphore, #tpu.memory_space<semaphore_mem>>) src(%arg7 : memref<8x4096xf32, #tpu.memory_space<vmem>>) dst(%dma_wait3A_570 : memref<8x4096xf32, #tpu.memory_space<hbm>>)
    %dma_start3A_571 = arith.constant 232 : i32
    %dma_start3A_572 = tpu.memref_slice %arg5[%dma_start3A_571] : memref<256xi32, #tpu.memory_space<vmem>> -> memref<8xi32, #tpu.memory_space<vmem>>
    %dma_start3A_573 = arith.constant 0 : i32
    %dma_start3A_574 = arith.constant 0 : i32
    %dma_start3A_575 = tpu.memref_slice %arg2[%dma_start3A_573, %dma_start3A_574] : memref<8192x4096xf32, #tpu.memory_space<hbm>> -> memref<8192x4096xf32, #tpu.memory_space<hbm>>
    tpu.enqueue_indirect_dma source(%dma_start3A_575 : memref<8192x4096xf32, #tpu.memory_space<hbm>>) target(%arg7 : memref<8x4096xf32, #tpu.memory_space<vmem>>) offsets(%dma_start3A_572 : memref<8xi32, #tpu.memory_space<vmem>>) semaphore(%arg9 : memref<!tpu.dma_semaphore, #tpu.memory_space<semaphore_mem>>)
    %add3A_576 = arith.constant 224 : i32
    %add3A_577 = arith.addi %mul3A_2, %add3A_576 : i32
    %dma_start3A_578 = arith.constant 0 : i32
    %dma_start3A_579 = tpu.memref_slice %arg4[%add3A_577, %dma_start3A_578] : memref<8192x4096xf32, #tpu.memory_space<hbm>> -> memref<8x4096xf32, #tpu.memory_space<hbm>>
    %dma_start3A_580 = arith.constant 0 : i32
    %dma_start3A_581 = tpu.memref_slice %arg4[%add3A_577, %dma_start3A_580] : memref<8192x4096xf32, #tpu.memory_space<hbm>> -> memref<8x4096xf32, #tpu.memory_space<hbm>>
    tpu.enqueue_dma source(%arg6 : memref<8x4096xf32, #tpu.memory_space<vmem>>) target(%dma_start3A_581 : memref<8x4096xf32, #tpu.memory_space<hbm>>) target_semaphore(%arg10 : memref<!tpu.dma_semaphore, #tpu.memory_space<semaphore_mem>>)
    %dma_wait3A_582 = arith.constant 232 : i32
    %dma_wait3A_583 = tpu.memref_slice %arg5[%dma_wait3A_582] : memref<256xi32, #tpu.memory_space<vmem>> -> memref<8xi32, #tpu.memory_space<vmem>>
    %dma_wait3A_584 = arith.constant 0 : i32
    %dma_wait3A_585 = arith.constant 0 : i32
    %dma_wait3A_586 = tpu.memref_slice %arg2[%dma_wait3A_584, %dma_wait3A_585] : memref<8192x4096xf32, #tpu.memory_space<hbm>> -> memref<8192x4096xf32, #tpu.memory_space<hbm>>
    tpu.wait_indirect_dma semaphore(%arg9 : memref<!tpu.dma_semaphore, #tpu.memory_space<semaphore_mem>>) src(%dma_wait3A_586 : memref<8192x4096xf32, #tpu.memory_space<hbm>>) dst(%arg7 : memref<8x4096xf32, #tpu.memory_space<vmem>>)
    %dma_wait3A_587 = arith.constant 0 : i32
    %dma_wait3A_588 = tpu.memref_slice %arg4[%add3A_577, %dma_wait3A_587] : memref<8192x4096xf32, #tpu.memory_space<hbm>> -> memref<8x4096xf32, #tpu.memory_space<hbm>>
    %dma_wait3A_589 = arith.constant 0 : i32
    %dma_wait3A_590 = tpu.memref_slice %arg4[%add3A_577, %dma_wait3A_589] : memref<8192x4096xf32, #tpu.memory_space<hbm>> -> memref<8x4096xf32, #tpu.memory_space<hbm>>
    tpu.wait_dma2 semaphore(%arg10 : memref<!tpu.dma_semaphore, #tpu.memory_space<semaphore_mem>>) src(%arg6 : memref<8x4096xf32, #tpu.memory_space<vmem>>) dst(%dma_wait3A_590 : memref<8x4096xf32, #tpu.memory_space<hbm>>)
    %dma_start3A_591 = arith.constant 240 : i32
    %dma_start3A_592 = tpu.memref_slice %arg5[%dma_start3A_591] : memref<256xi32, #tpu.memory_space<vmem>> -> memref<8xi32, #tpu.memory_space<vmem>>
    %dma_start3A_593 = arith.constant 0 : i32
    %dma_start3A_594 = arith.constant 0 : i32
    %dma_start3A_595 = tpu.memref_slice %arg2[%dma_start3A_593, %dma_start3A_594] : memref<8192x4096xf32, #tpu.memory_space<hbm>> -> memref<8192x4096xf32, #tpu.memory_space<hbm>>
    tpu.enqueue_indirect_dma source(%dma_start3A_595 : memref<8192x4096xf32, #tpu.memory_space<hbm>>) target(%arg6 : memref<8x4096xf32, #tpu.memory_space<vmem>>) offsets(%dma_start3A_592 : memref<8xi32, #tpu.memory_space<vmem>>) semaphore(%arg8 : memref<!tpu.dma_semaphore, #tpu.memory_space<semaphore_mem>>)
    %add3A_596 = arith.constant 232 : i32
    %add3A_597 = arith.addi %mul3A_2, %add3A_596 : i32
    %dma_start3A_598 = arith.constant 0 : i32
    %dma_start3A_599 = tpu.memref_slice %arg4[%add3A_597, %dma_start3A_598] : memref<8192x4096xf32, #tpu.memory_space<hbm>> -> memref<8x4096xf32, #tpu.memory_space<hbm>>
    %dma_start3A_600 = arith.constant 0 : i32
    %dma_start3A_601 = tpu.memref_slice %arg4[%add3A_597, %dma_start3A_600] : memref<8192x4096xf32, #tpu.memory_space<hbm>> -> memref<8x4096xf32, #tpu.memory_space<hbm>>
    tpu.enqueue_dma source(%arg7 : memref<8x4096xf32, #tpu.memory_space<vmem>>) target(%dma_start3A_601 : memref<8x4096xf32, #tpu.memory_space<hbm>>) target_semaphore(%arg11 : memref<!tpu.dma_semaphore, #tpu.memory_space<semaphore_mem>>)
    %dma_wait3A_602 = arith.constant 240 : i32
    %dma_wait3A_603 = tpu.memref_slice %arg5[%dma_wait3A_602] : memref<256xi32, #tpu.memory_space<vmem>> -> memref<8xi32, #tpu.memory_space<vmem>>
    %dma_wait3A_604 = arith.constant 0 : i32
    %dma_wait3A_605 = arith.constant 0 : i32
    %dma_wait3A_606 = tpu.memref_slice %arg2[%dma_wait3A_604, %dma_wait3A_605] : memref<8192x4096xf32, #tpu.memory_space<hbm>> -> memref<8192x4096xf32, #tpu.memory_space<hbm>>
    tpu.wait_indirect_dma semaphore(%arg8 : memref<!tpu.dma_semaphore, #tpu.memory_space<semaphore_mem>>) src(%dma_wait3A_606 : memref<8192x4096xf32, #tpu.memory_space<hbm>>) dst(%arg6 : memref<8x4096xf32, #tpu.memory_space<vmem>>)
    %dma_wait3A_607 = arith.constant 0 : i32
    %dma_wait3A_608 = tpu.memref_slice %arg4[%add3A_597, %dma_wait3A_607] : memref<8192x4096xf32, #tpu.memory_space<hbm>> -> memref<8x4096xf32, #tpu.memory_space<hbm>>
    %dma_wait3A_609 = arith.constant 0 : i32
    %dma_wait3A_610 = tpu.memref_slice %arg4[%add3A_597, %dma_wait3A_609] : memref<8192x4096xf32, #tpu.memory_space<hbm>> -> memref<8x4096xf32, #tpu.memory_space<hbm>>
    tpu.wait_dma2 semaphore(%arg11 : memref<!tpu.dma_semaphore, #tpu.memory_space<semaphore_mem>>) src(%arg7 : memref<8x4096xf32, #tpu.memory_space<vmem>>) dst(%dma_wait3A_610 : memref<8x4096xf32, #tpu.memory_space<hbm>>)
    %dma_start3A_611 = arith.constant 248 : i32
    %dma_start3A_612 = tpu.memref_slice %arg5[%dma_start3A_611] : memref<256xi32, #tpu.memory_space<vmem>> -> memref<8xi32, #tpu.memory_space<vmem>>
    %dma_start3A_613 = arith.constant 0 : i32
    %dma_start3A_614 = arith.constant 0 : i32
    %dma_start3A_615 = tpu.memref_slice %arg2[%dma_start3A_613, %dma_start3A_614] : memref<8192x4096xf32, #tpu.memory_space<hbm>> -> memref<8192x4096xf32, #tpu.memory_space<hbm>>
    tpu.enqueue_indirect_dma source(%dma_start3A_615 : memref<8192x4096xf32, #tpu.memory_space<hbm>>) target(%arg7 : memref<8x4096xf32, #tpu.memory_space<vmem>>) offsets(%dma_start3A_612 : memref<8xi32, #tpu.memory_space<vmem>>) semaphore(%arg9 : memref<!tpu.dma_semaphore, #tpu.memory_space<semaphore_mem>>)
    %add3A_616 = arith.constant 240 : i32
    %add3A_617 = arith.addi %mul3A_2, %add3A_616 : i32
    %dma_start3A_618 = arith.constant 0 : i32
    %dma_start3A_619 = tpu.memref_slice %arg4[%add3A_617, %dma_start3A_618] : memref<8192x4096xf32, #tpu.memory_space<hbm>> -> memref<8x4096xf32, #tpu.memory_space<hbm>>
    %dma_start3A_620 = arith.constant 0 : i32
    %dma_start3A_621 = tpu.memref_slice %arg4[%add3A_617, %dma_start3A_620] : memref<8192x4096xf32, #tpu.memory_space<hbm>> -> memref<8x4096xf32, #tpu.memory_space<hbm>>
    tpu.enqueue_dma source(%arg6 : memref<8x4096xf32, #tpu.memory_space<vmem>>) target(%dma_start3A_621 : memref<8x4096xf32, #tpu.memory_space<hbm>>) target_semaphore(%arg10 : memref<!tpu.dma_semaphore, #tpu.memory_space<semaphore_mem>>)
    %dma_wait3A_622 = arith.constant 248 : i32
    %dma_wait3A_623 = tpu.memref_slice %arg5[%dma_wait3A_622] : memref<256xi32, #tpu.memory_space<vmem>> -> memref<8xi32, #tpu.memory_space<vmem>>
    %dma_wait3A_624 = arith.constant 0 : i32
    %dma_wait3A_625 = arith.constant 0 : i32
    %dma_wait3A_626 = tpu.memref_slice %arg2[%dma_wait3A_624, %dma_wait3A_625] : memref<8192x4096xf32, #tpu.memory_space<hbm>> -> memref<8192x4096xf32, #tpu.memory_space<hbm>>
    tpu.wait_indirect_dma semaphore(%arg9 : memref<!tpu.dma_semaphore, #tpu.memory_space<semaphore_mem>>) src(%dma_wait3A_626 : memref<8192x4096xf32, #tpu.memory_space<hbm>>) dst(%arg7 : memref<8x4096xf32, #tpu.memory_space<vmem>>)
    %add3A_627 = arith.constant 248 : i32
    %add3A_628 = arith.addi %mul3A_2, %add3A_627 : i32
    %dma_start3A_629 = arith.constant 0 : i32
    %dma_start3A_630 = tpu.memref_slice %arg4[%add3A_628, %dma_start3A_629] : memref<8192x4096xf32, #tpu.memory_space<hbm>> -> memref<8x4096xf32, #tpu.memory_space<hbm>>
    %dma_start3A_631 = arith.constant 0 : i32
    %dma_start3A_632 = tpu.memref_slice %arg4[%add3A_628, %dma_start3A_631] : memref<8192x4096xf32, #tpu.memory_space<hbm>> -> memref<8x4096xf32, #tpu.memory_space<hbm>>
    tpu.enqueue_dma source(%arg7 : memref<8x4096xf32, #tpu.memory_space<vmem>>) target(%dma_start3A_632 : memref<8x4096xf32, #tpu.memory_space<hbm>>) target_semaphore(%arg11 : memref<!tpu.dma_semaphore, #tpu.memory_space<semaphore_mem>>)
    %dma_wait3A_633 = arith.constant 0 : i32
    %dma_wait3A_634 = tpu.memref_slice %arg4[%add3A_617, %dma_wait3A_633] : memref<8192x4096xf32, #tpu.memory_space<hbm>> -> memref<8x4096xf32, #tpu.memory_space<hbm>>
    %dma_wait3A_635 = arith.constant 0 : i32
    %dma_wait3A_636 = tpu.memref_slice %arg4[%add3A_617, %dma_wait3A_635] : memref<8192x4096xf32, #tpu.memory_space<hbm>> -> memref<8x4096xf32, #tpu.memory_space<hbm>>
    tpu.wait_dma2 semaphore(%arg10 : memref<!tpu.dma_semaphore, #tpu.memory_space<semaphore_mem>>) src(%arg6 : memref<8x4096xf32, #tpu.memory_space<vmem>>) dst(%dma_wait3A_636 : memref<8x4096xf32, #tpu.memory_space<hbm>>)
    %dma_wait3A_637 = arith.constant 0 : i32
    %dma_wait3A_638 = tpu.memref_slice %arg4[%add3A_628, %dma_wait3A_637] : memref<8192x4096xf32, #tpu.memory_space<hbm>> -> memref<8x4096xf32, #tpu.memory_space<hbm>>
    %dma_wait3A_639 = arith.constant 0 : i32
    %dma_wait3A_640 = tpu.memref_slice %arg4[%add3A_628, %dma_wait3A_639] : memref<8192x4096xf32, #tpu.memory_space<hbm>> -> memref<8x4096xf32, #tpu.memory_space<hbm>>
    tpu.wait_dma2 semaphore(%arg11 : memref<!tpu.dma_semaphore, #tpu.memory_space<semaphore_mem>>) src(%arg7 : memref<8x4096xf32, #tpu.memory_space<vmem>>) dst(%dma_wait3A_640 : memref<8x4096xf32, #tpu.memory_space<hbm>>)
    return
  }
}

#map = affine_map<(d0, d1) -> (0)>
#map1 = affine_map<(d0, d1) -> (0, 0)>
module attributes {stable_mosaic.version = 14 : i64} {
  func.func @_route_body(%arg0: i32, %arg1: i32, %arg2: memref<8192xi32, #tpu.memory_space<hbm>>, %arg3: memref<8192x1024xf32, #tpu.memory_space<hbm>>, %arg4: memref<32x256xi32, #tpu.memory_space<hbm>>, %arg5: memref<16xi32, #tpu.memory_space<hbm>>, %arg6: memref<8192x1024xf32, #tpu.memory_space<hbm>>, %arg7: memref<8192xi32, #tpu.memory_space<vmem>>, %arg8: memref<256xi32, #tpu.memory_space<vmem>>, %arg9: memref<8x32xi32, #tpu.memory_space<vmem>>, %arg10: memref<16xi32, #tpu.memory_space<vmem>>, %arg11: memref<32x1024xf32, #tpu.memory_space<vmem>>, %arg12: memref<32x1024xf32, #tpu.memory_space<vmem>>, %arg13: memref<!tpu.dma_semaphore, #tpu.memory_space<semaphore_mem>>, %arg14: memref<!tpu.dma_semaphore, #tpu.memory_space<semaphore_mem>>, %arg15: memref<!tpu.dma_semaphore, #tpu.memory_space<semaphore_mem>>, %arg16: memref<!tpu.dma_semaphore, #tpu.memory_space<semaphore_mem>>) attributes {dimension_semantics = [#tpu.dimension_semantics<core_parallel>, #tpu.dimension_semantics<subcore_parallel>], iteration_bounds = array<i64: 2, 16>, scalar_prefetch = 0 : i64, scratch_operands = 10 : i64, tpu.core_type = #tpu.core_type<sc_vector_subcore>, window_params = [{transform_indices = #map}, {transform_indices = #map1}, {transform_indices = #map1}, {transform_indices = #map}, {transform_indices = #map1}]} {
    %mul3A = arith.constant 2 : i32
    %mul3A_0 = arith.muli %arg1, %mul3A : i32
    %add3A = arith.addi %mul3A_0, %arg0 : i32
    %mul3A_1 = arith.constant 256 : i32
    %mul3A_2 = arith.muli %add3A, %mul3A_1 : i32
    "tpu.region"() ({
      %run_scoped3A = tpu.sem_alloc : memref<!tpu.dma_semaphore, #tpu.memory_space<semaphore_mem>>
      tpu.enqueue_dma source(%arg2 : memref<8192xi32, #tpu.memory_space<hbm>>) target(%arg7 : memref<8192xi32, #tpu.memory_space<vmem>>) target_semaphore(%run_scoped3A : memref<!tpu.dma_semaphore, #tpu.memory_space<semaphore_mem>>)
      tpu.wait_dma2 semaphore(%run_scoped3A : memref<!tpu.dma_semaphore, #tpu.memory_space<semaphore_mem>>) src(%arg2 : memref<8192xi32, #tpu.memory_space<hbm>>) dst(%arg7 : memref<8192xi32, #tpu.memory_space<vmem>>)
      tpu.yield
    }) : () -> ()
    %broadcast_in_dim3A = arith.constant 0 : i32
    %broadcast_in_dim3A_3 = vector.broadcast %broadcast_in_dim3A : i32 to vector<16xi32>
    %broadcast_in_dim3A_4 = arith.constant 0 : i32
    %broadcast_in_dim3A_5 = vector.broadcast %broadcast_in_dim3A_4 : i32 to vector<16xi32>
    %scan3A = arith.constant 0 : i32
    %scan3A_6 = arith.constant 512 : i32
    %scan3A_7 = arith.addi %scan3A, %scan3A_6 : i32
    %scan3A_8 = arith.constant 1 : i32
    %scan3A_9:2 = scf.for %scan3A_1019 = %scan3A to %scan3A_7 step %scan3A_8 iter_args(%scan3A_1020 = %broadcast_in_dim3A_3, %scan3A_1021 = %broadcast_in_dim3A_5) -> (vector<16xi32>, vector<16xi32>)  : i32 {
      %mul3A_1022 = arith.constant 16 : i32
      %mul3A_1023 = arith.muli %scan3A_1019, %mul3A_1022 : i32
      %get3A_1024 = arith.index_cast %mul3A_1023 : i32 to index
      %get3A_1025 = tpu.vector_load %arg7[%get3A_1024] {strides = array<i32>} : memref<8192xi32, #tpu.memory_space<vmem>>, vector<16xi32>,
      %sub3A_1026 = arith.constant 1 : i32
      %sub3A_1027 = vector.broadcast %sub3A_1026 : i32 to vector<16xi32>
      %sub3A_1028 = arith.subi %sub3A_1027, %get3A_1025 : vector<16xi32>
      %mul3A_1029 = arith.constant 16 : i32
      %mul3A_1030 = arith.muli %scan3A_1019, %mul3A_1029 : i32
      %iota3A_1031 = tpu.iota {dimensions = array<i32: 0>} : vector<16xi32>
      %add3A_1032 = vector.broadcast %mul3A_1030 : i32 to vector<16xi32>
      %add3A_1033 = arith.addi %add3A_1032, %iota3A_1031 : vector<16xi32>
      %lt3A = vector.broadcast %mul3A_2 : i32 to vector<16xi32>
      %lt3A_1034 = arith.cmpi slt, %add3A_1033, %lt3A : vector<16xi32>
      %jit3A = arith.constant 0 : i32
      %broadcast_in_dim3A_1035 = vector.broadcast %jit3A : i32 to vector<16xi32>
      %select_n3A_1036 = arith.select %lt3A_1034, %sub3A_1028, %broadcast_in_dim3A_1035 : vector<16xi1>, vector<16xi32>
      %add3A_1037 = arith.addi %scan3A_1020, %select_n3A_1036 : vector<16xi32>
      %add3A_1038 = arith.addi %scan3A_1021, %sub3A_1028 : vector<16xi32>
      scf.yield %add3A_1037, %add3A_1038 : vector<16xi32>, vector<16xi32>
    }
    %scan3A_10 = arith.constant 512 : i32
    %rev3A = arith.constant 15 : i32
    %rev3A_11 = vector.broadcast %rev3A : i32 to vector<16xi32>
    %rev3A_12 = tpu.iota {dimensions = array<i32: 0>} : vector<16xi32>
    %rev3A_13 = arith.subi %rev3A_11, %rev3A_12 : vector<16xi32>
    %rev3A_14 = tpu.dynamic_gather %scan3A_9#0[%rev3A_13] in [0] : vector<16xi32>, vector<16xi32> -> vector<16xi32>
    %broadcast_in_dim3A_15 = arith.constant true
    %broadcast_in_dim3A_16 = vector.broadcast %broadcast_in_dim3A_15 : i1 to vector<16xi1>
    %masked_cumsum3A = tpu.scan <sum>, %rev3A_14 masked %broadcast_in_dim3A_16 : vector<16xi32>, vector<16xi1> -> vector<16xi32>
    %rev3A_17 = arith.constant 15 : i32
    %rev3A_18 = vector.broadcast %rev3A_17 : i32 to vector<16xi32>
    %rev3A_19 = tpu.iota {dimensions = array<i32: 0>} : vector<16xi32>
    %rev3A_20 = arith.subi %rev3A_18, %rev3A_19 : vector<16xi32>
    %rev3A_21 = tpu.dynamic_gather %masked_cumsum3A[%rev3A_20] in [0] : vector<16xi32>, vector<16xi32> -> vector<16xi32>
    %broadcast_in_dim3A_22 = arith.constant true
    %broadcast_in_dim3A_23 = vector.broadcast %broadcast_in_dim3A_22 : i1 to vector<16xi1>
    %masked_cumsum3A_24 = tpu.scan <sum>, %scan3A_9#0 masked %broadcast_in_dim3A_23 : vector<16xi32>, vector<16xi1> -> vector<16xi32>
    %add3A_25 = arith.addi %masked_cumsum3A_24, %rev3A_21 : vector<16xi32>
    %sub3A = arith.subi %add3A_25, %scan3A_9#0 : vector<16xi32>
    %rev3A_26 = arith.constant 15 : i32
    %rev3A_27 = vector.broadcast %rev3A_26 : i32 to vector<16xi32>
    %rev3A_28 = tpu.iota {dimensions = array<i32: 0>} : vector<16xi32>
    %rev3A_29 = arith.subi %rev3A_27, %rev3A_28 : vector<16xi32>
    %rev3A_30 = tpu.dynamic_gather %scan3A_9#1[%rev3A_29] in [0] : vector<16xi32>, vector<16xi32> -> vector<16xi32>
    %broadcast_in_dim3A_31 = arith.constant true
    %broadcast_in_dim3A_32 = vector.broadcast %broadcast_in_dim3A_31 : i1 to vector<16xi1>
    %masked_cumsum3A_33 = tpu.scan <sum>, %rev3A_30 masked %broadcast_in_dim3A_32 : vector<16xi32>, vector<16xi1> -> vector<16xi32>
    %rev3A_34 = arith.constant 15 : i32
    %rev3A_35 = vector.broadcast %rev3A_34 : i32 to vector<16xi32>
    %rev3A_36 = tpu.iota {dimensions = array<i32: 0>} : vector<16xi32>
    %rev3A_37 = arith.subi %rev3A_35, %rev3A_36 : vector<16xi32>
    %rev3A_38 = tpu.dynamic_gather %masked_cumsum3A_33[%rev3A_37] in [0] : vector<16xi32>, vector<16xi32> -> vector<16xi32>
    %broadcast_in_dim3A_39 = arith.constant true
    %broadcast_in_dim3A_40 = vector.broadcast %broadcast_in_dim3A_39 : i1 to vector<16xi1>
    %masked_cumsum3A_41 = tpu.scan <sum>, %scan3A_9#1 masked %broadcast_in_dim3A_40 : vector<16xi32>, vector<16xi1> -> vector<16xi32>
    %add3A_42 = arith.addi %masked_cumsum3A_41, %rev3A_38 : vector<16xi32>
    %sub3A_43 = arith.subi %add3A_42, %scan3A_9#1 : vector<16xi32>
    %add3A_44 = vector.broadcast %mul3A_2 : i32 to vector<16xi32>
    %add3A_45 = arith.addi %sub3A_43, %add3A_44 : vector<16xi32>
    %sub3A_46 = arith.subi %add3A_45, %sub3A : vector<16xi32>
    %broadcast_in_dim3A_47 = arith.constant 0 : i32
    %broadcast_in_dim3A_48 = vector.broadcast %broadcast_in_dim3A_47 : i32 to vector<16xi32>
    %add3A_49 = arith.constant 0 : i32
    %add3A_50 = arith.addi %mul3A_2, %add3A_49 : i32
    %get3A = arith.index_cast %add3A_50 : i32 to index
    %get3A_51 = tpu.vector_load %arg7[%get3A] {strides = array<i32>} : memref<8192xi32, #tpu.memory_space<vmem>>, vector<16xi32>,
    %sub3A_52 = arith.constant 1 : i32
    %sub3A_53 = vector.broadcast %sub3A_52 : i32 to vector<16xi32>
    %sub3A_54 = arith.subi %sub3A_53, %get3A_51 : vector<16xi32>
    %broadcast_in_dim3A_55 = arith.constant true
    %broadcast_in_dim3A_56 = vector.broadcast %broadcast_in_dim3A_55 : i1 to vector<16xi1>
    %masked_cumsum3A_57 = tpu.scan <sum>, %sub3A_54 masked %broadcast_in_dim3A_56 : vector<16xi32>, vector<16xi1> -> vector<16xi32>
    %sub3A_58 = arith.subi %masked_cumsum3A_57, %sub3A_54 : vector<16xi32>
    %iota3A = tpu.iota {dimensions = array<i32: 0>} : vector<16xi32>
    %add3A_59 = arith.constant 0 : i32
    %add3A_60 = vector.broadcast %add3A_59 : i32 to vector<16xi32>
    %add3A_61 = arith.addi %add3A_60, %iota3A : vector<16xi32>
    %eq3A = arith.constant 0 : i32
    %eq3A_62 = vector.broadcast %eq3A : i32 to vector<16xi32>
    %eq3A_63 = arith.cmpi eq, %get3A_51, %eq3A_62 : vector<16xi32>
    %add3A_64 = arith.addi %sub3A, %broadcast_in_dim3A_48 : vector<16xi32>
    %add3A_65 = arith.addi %add3A_64, %sub3A_58 : vector<16xi32>
    %add3A_66 = arith.addi %sub3A_46, %add3A_61 : vector<16xi32>
    %add3A_67 = arith.addi %broadcast_in_dim3A_48, %sub3A_58 : vector<16xi32>
    %sub3A_68 = arith.subi %add3A_66, %add3A_67 : vector<16xi32>
    %select_n3A = arith.select %eq3A_63, %add3A_65, %sub3A_68 : vector<16xi1>, vector<16xi32>
    %swap3A = arith.constant 0 : index
    %swap3A_69 = tpu.vector_load %arg8[%swap3A] {strides = array<i32>} : memref<256xi32, #tpu.memory_space<vmem>>, vector<16xi32>,
    tpu.vector_store %arg8[%swap3A], %select_n3A {strides = array<i32>} : memref<256xi32, #tpu.memory_space<vmem>>, vector<16xi32>,
    %swap3A_70 = arith.constant 0 : i32
    %swap3A_71 = arith.index_cast %swap3A_70 : i32 to index
    %swap3A_72 = arith.constant 0 : index
    %swap3A_73 = tpu.vector_load %arg9[%swap3A_71, %swap3A_72] {strides = array<i32>} : memref<8x32xi32, #tpu.memory_space<vmem>>, vector<16xi32>,
    tpu.vector_store %arg9[%swap3A_71, %swap3A_72], %select_n3A {strides = array<i32>} : memref<8x32xi32, #tpu.memory_space<vmem>>, vector<16xi32>,
    %rev3A_74 = arith.constant 15 : i32
    %rev3A_75 = vector.broadcast %rev3A_74 : i32 to vector<16xi32>
    %rev3A_76 = tpu.iota {dimensions = array<i32: 0>} : vector<16xi32>
    %rev3A_77 = arith.subi %rev3A_75, %rev3A_76 : vector<16xi32>
    %rev3A_78 = tpu.dynamic_gather %sub3A_54[%rev3A_77] in [0] : vector<16xi32>, vector<16xi32> -> vector<16xi32>
    %broadcast_in_dim3A_79 = arith.constant true
    %broadcast_in_dim3A_80 = vector.broadcast %broadcast_in_dim3A_79 : i1 to vector<16xi1>
    %masked_cumsum3A_81 = tpu.scan <sum>, %rev3A_78 masked %broadcast_in_dim3A_80 : vector<16xi32>, vector<16xi1> -> vector<16xi32>
    %rev3A_82 = arith.constant 15 : i32
    %rev3A_83 = vector.broadcast %rev3A_82 : i32 to vector<16xi32>
    %rev3A_84 = tpu.iota {dimensions = array<i32: 0>} : vector<16xi32>
    %rev3A_85 = arith.subi %rev3A_83, %rev3A_84 : vector<16xi32>
    %rev3A_86 = tpu.dynamic_gather %masked_cumsum3A_81[%rev3A_85] in [0] : vector<16xi32>, vector<16xi32> -> vector<16xi32>
    %broadcast_in_dim3A_87 = arith.constant true
    %broadcast_in_dim3A_88 = vector.broadcast %broadcast_in_dim3A_87 : i1 to vector<16xi1>
    %masked_cumsum3A_89 = tpu.scan <sum>, %sub3A_54 masked %broadcast_in_dim3A_88 : vector<16xi32>, vector<16xi1> -> vector<16xi32>
    %add3A_90 = arith.addi %masked_cumsum3A_89, %rev3A_86 : vector<16xi32>
    %sub3A_91 = arith.subi %add3A_90, %sub3A_54 : vector<16xi32>
    %add3A_92 = arith.addi %broadcast_in_dim3A_48, %sub3A_91 : vector<16xi32>
    %add3A_93 = arith.constant 16 : i32
    %add3A_94 = arith.addi %mul3A_2, %add3A_93 : i32
    %get3A_95 = arith.index_cast %add3A_94 : i32 to index
    %get3A_96 = tpu.vector_load %arg7[%get3A_95] {strides = array<i32>} : memref<8192xi32, #tpu.memory_space<vmem>>, vector<16xi32>,
    %sub3A_97 = arith.constant 1 : i32
    %sub3A_98 = vector.broadcast %sub3A_97 : i32 to vector<16xi32>
    %sub3A_99 = arith.subi %sub3A_98, %get3A_96 : vector<16xi32>
    %broadcast_in_dim3A_100 = arith.constant true
    %broadcast_in_dim3A_101 = vector.broadcast %broadcast_in_dim3A_100 : i1 to vector<16xi1>
    %masked_cumsum3A_102 = tpu.scan <sum>, %sub3A_99 masked %broadcast_in_dim3A_101 : vector<16xi32>, vector<16xi1> -> vector<16xi32>
    %sub3A_103 = arith.subi %masked_cumsum3A_102, %sub3A_99 : vector<16xi32>
    %iota3A_104 = tpu.iota {dimensions = array<i32: 0>} : vector<16xi32>
    %add3A_105 = arith.constant 16 : i32
    %add3A_106 = vector.broadcast %add3A_105 : i32 to vector<16xi32>
    %add3A_107 = arith.addi %add3A_106, %iota3A_104 : vector<16xi32>
    %eq3A_108 = arith.constant 0 : i32
    %eq3A_109 = vector.broadcast %eq3A_108 : i32 to vector<16xi32>
    %eq3A_110 = arith.cmpi eq, %get3A_96, %eq3A_109 : vector<16xi32>
    %add3A_111 = arith.addi %sub3A, %add3A_92 : vector<16xi32>
    %add3A_112 = arith.addi %add3A_111, %sub3A_103 : vector<16xi32>
    %add3A_113 = arith.addi %sub3A_46, %add3A_107 : vector<16xi32>
    %add3A_114 = arith.addi %add3A_92, %sub3A_103 : vector<16xi32>
    %sub3A_115 = arith.subi %add3A_113, %add3A_114 : vector<16xi32>
    %select_n3A_116 = arith.select %eq3A_110, %add3A_112, %sub3A_115 : vector<16xi1>, vector<16xi32>
    %swap3A_117 = arith.constant 16 : index
    %swap3A_118 = tpu.vector_load %arg8[%swap3A_117] {strides = array<i32>} : memref<256xi32, #tpu.memory_space<vmem>>, vector<16xi32>,
    tpu.vector_store %arg8[%swap3A_117], %select_n3A_116 {strides = array<i32>} : memref<256xi32, #tpu.memory_space<vmem>>, vector<16xi32>,
    %swap3A_119 = arith.constant 0 : i32
    %swap3A_120 = arith.index_cast %swap3A_119 : i32 to index
    %swap3A_121 = arith.constant 16 : index
    %swap3A_122 = tpu.vector_load %arg9[%swap3A_120, %swap3A_121] {strides = array<i32>} : memref<8x32xi32, #tpu.memory_space<vmem>>, vector<16xi32>,
    tpu.vector_store %arg9[%swap3A_120, %swap3A_121], %select_n3A_116 {strides = array<i32>} : memref<8x32xi32, #tpu.memory_space<vmem>>, vector<16xi32>,
    %rev3A_123 = arith.constant 15 : i32
    %rev3A_124 = vector.broadcast %rev3A_123 : i32 to vector<16xi32>
    %rev3A_125 = tpu.iota {dimensions = array<i32: 0>} : vector<16xi32>
    %rev3A_126 = arith.subi %rev3A_124, %rev3A_125 : vector<16xi32>
    %rev3A_127 = tpu.dynamic_gather %sub3A_99[%rev3A_126] in [0] : vector<16xi32>, vector<16xi32> -> vector<16xi32>
    %broadcast_in_dim3A_128 = arith.constant true
    %broadcast_in_dim3A_129 = vector.broadcast %broadcast_in_dim3A_128 : i1 to vector<16xi1>
    %masked_cumsum3A_130 = tpu.scan <sum>, %rev3A_127 masked %broadcast_in_dim3A_129 : vector<16xi32>, vector<16xi1> -> vector<16xi32>
    %rev3A_131 = arith.constant 15 : i32
    %rev3A_132 = vector.broadcast %rev3A_131 : i32 to vector<16xi32>
    %rev3A_133 = tpu.iota {dimensions = array<i32: 0>} : vector<16xi32>
    %rev3A_134 = arith.subi %rev3A_132, %rev3A_133 : vector<16xi32>
    %rev3A_135 = tpu.dynamic_gather %masked_cumsum3A_130[%rev3A_134] in [0] : vector<16xi32>, vector<16xi32> -> vector<16xi32>
    %broadcast_in_dim3A_136 = arith.constant true
    %broadcast_in_dim3A_137 = vector.broadcast %broadcast_in_dim3A_136 : i1 to vector<16xi1>
    %masked_cumsum3A_138 = tpu.scan <sum>, %sub3A_99 masked %broadcast_in_dim3A_137 : vector<16xi32>, vector<16xi1> -> vector<16xi32>
    %add3A_139 = arith.addi %masked_cumsum3A_138, %rev3A_135 : vector<16xi32>
    %sub3A_140 = arith.subi %add3A_139, %sub3A_99 : vector<16xi32>
    %add3A_141 = arith.addi %add3A_92, %sub3A_140 : vector<16xi32>
    %add3A_142 = arith.constant 32 : i32
    %add3A_143 = arith.addi %mul3A_2, %add3A_142 : i32
    %get3A_144 = arith.index_cast %add3A_143 : i32 to index
    %get3A_145 = tpu.vector_load %arg7[%get3A_144] {strides = array<i32>} : memref<8192xi32, #tpu.memory_space<vmem>>, vector<16xi32>,
    %sub3A_146 = arith.constant 1 : i32
    %sub3A_147 = vector.broadcast %sub3A_146 : i32 to vector<16xi32>
    %sub3A_148 = arith.subi %sub3A_147, %get3A_145 : vector<16xi32>
    %broadcast_in_dim3A_149 = arith.constant true
    %broadcast_in_dim3A_150 = vector.broadcast %broadcast_in_dim3A_149 : i1 to vector<16xi1>
    %masked_cumsum3A_151 = tpu.scan <sum>, %sub3A_148 masked %broadcast_in_dim3A_150 : vector<16xi32>, vector<16xi1> -> vector<16xi32>
    %sub3A_152 = arith.subi %masked_cumsum3A_151, %sub3A_148 : vector<16xi32>
    %iota3A_153 = tpu.iota {dimensions = array<i32: 0>} : vector<16xi32>
    %add3A_154 = arith.constant 32 : i32
    %add3A_155 = vector.broadcast %add3A_154 : i32 to vector<16xi32>
    %add3A_156 = arith.addi %add3A_155, %iota3A_153 : vector<16xi32>
    %eq3A_157 = arith.constant 0 : i32
    %eq3A_158 = vector.broadcast %eq3A_157 : i32 to vector<16xi32>
    %eq3A_159 = arith.cmpi eq, %get3A_145, %eq3A_158 : vector<16xi32>
    %add3A_160 = arith.addi %sub3A, %add3A_141 : vector<16xi32>
    %add3A_161 = arith.addi %add3A_160, %sub3A_152 : vector<16xi32>
    %add3A_162 = arith.addi %sub3A_46, %add3A_156 : vector<16xi32>
    %add3A_163 = arith.addi %add3A_141, %sub3A_152 : vector<16xi32>
    %sub3A_164 = arith.subi %add3A_162, %add3A_163 : vector<16xi32>
    %select_n3A_165 = arith.select %eq3A_159, %add3A_161, %sub3A_164 : vector<16xi1>, vector<16xi32>
    %swap3A_166 = arith.constant 32 : index
    %swap3A_167 = tpu.vector_load %arg8[%swap3A_166] {strides = array<i32>} : memref<256xi32, #tpu.memory_space<vmem>>, vector<16xi32>,
    tpu.vector_store %arg8[%swap3A_166], %select_n3A_165 {strides = array<i32>} : memref<256xi32, #tpu.memory_space<vmem>>, vector<16xi32>,
    %swap3A_168 = arith.constant 1 : i32
    %swap3A_169 = arith.index_cast %swap3A_168 : i32 to index
    %swap3A_170 = arith.constant 0 : index
    %swap3A_171 = tpu.vector_load %arg9[%swap3A_169, %swap3A_170] {strides = array<i32>} : memref<8x32xi32, #tpu.memory_space<vmem>>, vector<16xi32>,
    tpu.vector_store %arg9[%swap3A_169, %swap3A_170], %select_n3A_165 {strides = array<i32>} : memref<8x32xi32, #tpu.memory_space<vmem>>, vector<16xi32>,
    %rev3A_172 = arith.constant 15 : i32
    %rev3A_173 = vector.broadcast %rev3A_172 : i32 to vector<16xi32>
    %rev3A_174 = tpu.iota {dimensions = array<i32: 0>} : vector<16xi32>
    %rev3A_175 = arith.subi %rev3A_173, %rev3A_174 : vector<16xi32>
    %rev3A_176 = tpu.dynamic_gather %sub3A_148[%rev3A_175] in [0] : vector<16xi32>, vector<16xi32> -> vector<16xi32>
    %broadcast_in_dim3A_177 = arith.constant true
    %broadcast_in_dim3A_178 = vector.broadcast %broadcast_in_dim3A_177 : i1 to vector<16xi1>
    %masked_cumsum3A_179 = tpu.scan <sum>, %rev3A_176 masked %broadcast_in_dim3A_178 : vector<16xi32>, vector<16xi1> -> vector<16xi32>
    %rev3A_180 = arith.constant 15 : i32
    %rev3A_181 = vector.broadcast %rev3A_180 : i32 to vector<16xi32>
    %rev3A_182 = tpu.iota {dimensions = array<i32: 0>} : vector<16xi32>
    %rev3A_183 = arith.subi %rev3A_181, %rev3A_182 : vector<16xi32>
    %rev3A_184 = tpu.dynamic_gather %masked_cumsum3A_179[%rev3A_183] in [0] : vector<16xi32>, vector<16xi32> -> vector<16xi32>
    %broadcast_in_dim3A_185 = arith.constant true
    %broadcast_in_dim3A_186 = vector.broadcast %broadcast_in_dim3A_185 : i1 to vector<16xi1>
    %masked_cumsum3A_187 = tpu.scan <sum>, %sub3A_148 masked %broadcast_in_dim3A_186 : vector<16xi32>, vector<16xi1> -> vector<16xi32>
    %add3A_188 = arith.addi %masked_cumsum3A_187, %rev3A_184 : vector<16xi32>
    %sub3A_189 = arith.subi %add3A_188, %sub3A_148 : vector<16xi32>
    %add3A_190 = arith.addi %add3A_141, %sub3A_189 : vector<16xi32>
    %add3A_191 = arith.constant 48 : i32
    %add3A_192 = arith.addi %mul3A_2, %add3A_191 : i32
    %get3A_193 = arith.index_cast %add3A_192 : i32 to index
    %get3A_194 = tpu.vector_load %arg7[%get3A_193] {strides = array<i32>} : memref<8192xi32, #tpu.memory_space<vmem>>, vector<16xi32>,
    %sub3A_195 = arith.constant 1 : i32
    %sub3A_196 = vector.broadcast %sub3A_195 : i32 to vector<16xi32>
    %sub3A_197 = arith.subi %sub3A_196, %get3A_194 : vector<16xi32>
    %broadcast_in_dim3A_198 = arith.constant true
    %broadcast_in_dim3A_199 = vector.broadcast %broadcast_in_dim3A_198 : i1 to vector<16xi1>
    %masked_cumsum3A_200 = tpu.scan <sum>, %sub3A_197 masked %broadcast_in_dim3A_199 : vector<16xi32>, vector<16xi1> -> vector<16xi32>
    %sub3A_201 = arith.subi %masked_cumsum3A_200, %sub3A_197 : vector<16xi32>
    %iota3A_202 = tpu.iota {dimensions = array<i32: 0>} : vector<16xi32>
    %add3A_203 = arith.constant 48 : i32
    %add3A_204 = vector.broadcast %add3A_203 : i32 to vector<16xi32>
    %add3A_205 = arith.addi %add3A_204, %iota3A_202 : vector<16xi32>
    %eq3A_206 = arith.constant 0 : i32
    %eq3A_207 = vector.broadcast %eq3A_206 : i32 to vector<16xi32>
    %eq3A_208 = arith.cmpi eq, %get3A_194, %eq3A_207 : vector<16xi32>
    %add3A_209 = arith.addi %sub3A, %add3A_190 : vector<16xi32>
    %add3A_210 = arith.addi %add3A_209, %sub3A_201 : vector<16xi32>
    %add3A_211 = arith.addi %sub3A_46, %add3A_205 : vector<16xi32>
    %add3A_212 = arith.addi %add3A_190, %sub3A_201 : vector<16xi32>
    %sub3A_213 = arith.subi %add3A_211, %add3A_212 : vector<16xi32>
    %select_n3A_214 = arith.select %eq3A_208, %add3A_210, %sub3A_213 : vector<16xi1>, vector<16xi32>
    %swap3A_215 = arith.constant 48 : index
    %swap3A_216 = tpu.vector_load %arg8[%swap3A_215] {strides = array<i32>} : memref<256xi32, #tpu.memory_space<vmem>>, vector<16xi32>,
    tpu.vector_store %arg8[%swap3A_215], %select_n3A_214 {strides = array<i32>} : memref<256xi32, #tpu.memory_space<vmem>>, vector<16xi32>,
    %swap3A_217 = arith.constant 1 : i32
    %swap3A_218 = arith.index_cast %swap3A_217 : i32 to index
    %swap3A_219 = arith.constant 16 : index
    %swap3A_220 = tpu.vector_load %arg9[%swap3A_218, %swap3A_219] {strides = array<i32>} : memref<8x32xi32, #tpu.memory_space<vmem>>, vector<16xi32>,
    tpu.vector_store %arg9[%swap3A_218, %swap3A_219], %select_n3A_214 {strides = array<i32>} : memref<8x32xi32, #tpu.memory_space<vmem>>, vector<16xi32>,
    %rev3A_221 = arith.constant 15 : i32
    %rev3A_222 = vector.broadcast %rev3A_221 : i32 to vector<16xi32>
    %rev3A_223 = tpu.iota {dimensions = array<i32: 0>} : vector<16xi32>
    %rev3A_224 = arith.subi %rev3A_222, %rev3A_223 : vector<16xi32>
    %rev3A_225 = tpu.dynamic_gather %sub3A_197[%rev3A_224] in [0] : vector<16xi32>, vector<16xi32> -> vector<16xi32>
    %broadcast_in_dim3A_226 = arith.constant true
    %broadcast_in_dim3A_227 = vector.broadcast %broadcast_in_dim3A_226 : i1 to vector<16xi1>
    %masked_cumsum3A_228 = tpu.scan <sum>, %rev3A_225 masked %broadcast_in_dim3A_227 : vector<16xi32>, vector<16xi1> -> vector<16xi32>
    %rev3A_229 = arith.constant 15 : i32
    %rev3A_230 = vector.broadcast %rev3A_229 : i32 to vector<16xi32>
    %rev3A_231 = tpu.iota {dimensions = array<i32: 0>} : vector<16xi32>
    %rev3A_232 = arith.subi %rev3A_230, %rev3A_231 : vector<16xi32>
    %rev3A_233 = tpu.dynamic_gather %masked_cumsum3A_228[%rev3A_232] in [0] : vector<16xi32>, vector<16xi32> -> vector<16xi32>
    %broadcast_in_dim3A_234 = arith.constant true
    %broadcast_in_dim3A_235 = vector.broadcast %broadcast_in_dim3A_234 : i1 to vector<16xi1>
    %masked_cumsum3A_236 = tpu.scan <sum>, %sub3A_197 masked %broadcast_in_dim3A_235 : vector<16xi32>, vector<16xi1> -> vector<16xi32>
    %add3A_237 = arith.addi %masked_cumsum3A_236, %rev3A_233 : vector<16xi32>
    %sub3A_238 = arith.subi %add3A_237, %sub3A_197 : vector<16xi32>
    %add3A_239 = arith.addi %add3A_190, %sub3A_238 : vector<16xi32>
    %add3A_240 = arith.constant 64 : i32
    %add3A_241 = arith.addi %mul3A_2, %add3A_240 : i32
    %get3A_242 = arith.index_cast %add3A_241 : i32 to index
    %get3A_243 = tpu.vector_load %arg7[%get3A_242] {strides = array<i32>} : memref<8192xi32, #tpu.memory_space<vmem>>, vector<16xi32>,
    %sub3A_244 = arith.constant 1 : i32
    %sub3A_245 = vector.broadcast %sub3A_244 : i32 to vector<16xi32>
    %sub3A_246 = arith.subi %sub3A_245, %get3A_243 : vector<16xi32>
    %broadcast_in_dim3A_247 = arith.constant true
    %broadcast_in_dim3A_248 = vector.broadcast %broadcast_in_dim3A_247 : i1 to vector<16xi1>
    %masked_cumsum3A_249 = tpu.scan <sum>, %sub3A_246 masked %broadcast_in_dim3A_248 : vector<16xi32>, vector<16xi1> -> vector<16xi32>
    %sub3A_250 = arith.subi %masked_cumsum3A_249, %sub3A_246 : vector<16xi32>
    %iota3A_251 = tpu.iota {dimensions = array<i32: 0>} : vector<16xi32>
    %add3A_252 = arith.constant 64 : i32
    %add3A_253 = vector.broadcast %add3A_252 : i32 to vector<16xi32>
    %add3A_254 = arith.addi %add3A_253, %iota3A_251 : vector<16xi32>
    %eq3A_255 = arith.constant 0 : i32
    %eq3A_256 = vector.broadcast %eq3A_255 : i32 to vector<16xi32>
    %eq3A_257 = arith.cmpi eq, %get3A_243, %eq3A_256 : vector<16xi32>
    %add3A_258 = arith.addi %sub3A, %add3A_239 : vector<16xi32>
    %add3A_259 = arith.addi %add3A_258, %sub3A_250 : vector<16xi32>
    %add3A_260 = arith.addi %sub3A_46, %add3A_254 : vector<16xi32>
    %add3A_261 = arith.addi %add3A_239, %sub3A_250 : vector<16xi32>
    %sub3A_262 = arith.subi %add3A_260, %add3A_261 : vector<16xi32>
    %select_n3A_263 = arith.select %eq3A_257, %add3A_259, %sub3A_262 : vector<16xi1>, vector<16xi32>
    %swap3A_264 = arith.constant 64 : index
    %swap3A_265 = tpu.vector_load %arg8[%swap3A_264] {strides = array<i32>} : memref<256xi32, #tpu.memory_space<vmem>>, vector<16xi32>,
    tpu.vector_store %arg8[%swap3A_264], %select_n3A_263 {strides = array<i32>} : memref<256xi32, #tpu.memory_space<vmem>>, vector<16xi32>,
    %swap3A_266 = arith.constant 2 : i32
    %swap3A_267 = arith.index_cast %swap3A_266 : i32 to index
    %swap3A_268 = arith.constant 0 : index
    %swap3A_269 = tpu.vector_load %arg9[%swap3A_267, %swap3A_268] {strides = array<i32>} : memref<8x32xi32, #tpu.memory_space<vmem>>, vector<16xi32>,
    tpu.vector_store %arg9[%swap3A_267, %swap3A_268], %select_n3A_263 {strides = array<i32>} : memref<8x32xi32, #tpu.memory_space<vmem>>, vector<16xi32>,
    %rev3A_270 = arith.constant 15 : i32
    %rev3A_271 = vector.broadcast %rev3A_270 : i32 to vector<16xi32>
    %rev3A_272 = tpu.iota {dimensions = array<i32: 0>} : vector<16xi32>
    %rev3A_273 = arith.subi %rev3A_271, %rev3A_272 : vector<16xi32>
    %rev3A_274 = tpu.dynamic_gather %sub3A_246[%rev3A_273] in [0] : vector<16xi32>, vector<16xi32> -> vector<16xi32>
    %broadcast_in_dim3A_275 = arith.constant true
    %broadcast_in_dim3A_276 = vector.broadcast %broadcast_in_dim3A_275 : i1 to vector<16xi1>
    %masked_cumsum3A_277 = tpu.scan <sum>, %rev3A_274 masked %broadcast_in_dim3A_276 : vector<16xi32>, vector<16xi1> -> vector<16xi32>
    %rev3A_278 = arith.constant 15 : i32
    %rev3A_279 = vector.broadcast %rev3A_278 : i32 to vector<16xi32>
    %rev3A_280 = tpu.iota {dimensions = array<i32: 0>} : vector<16xi32>
    %rev3A_281 = arith.subi %rev3A_279, %rev3A_280 : vector<16xi32>
    %rev3A_282 = tpu.dynamic_gather %masked_cumsum3A_277[%rev3A_281] in [0] : vector<16xi32>, vector<16xi32> -> vector<16xi32>
    %broadcast_in_dim3A_283 = arith.constant true
    %broadcast_in_dim3A_284 = vector.broadcast %broadcast_in_dim3A_283 : i1 to vector<16xi1>
    %masked_cumsum3A_285 = tpu.scan <sum>, %sub3A_246 masked %broadcast_in_dim3A_284 : vector<16xi32>, vector<16xi1> -> vector<16xi32>
    %add3A_286 = arith.addi %masked_cumsum3A_285, %rev3A_282 : vector<16xi32>
    %sub3A_287 = arith.subi %add3A_286, %sub3A_246 : vector<16xi32>
    %add3A_288 = arith.addi %add3A_239, %sub3A_287 : vector<16xi32>
    %add3A_289 = arith.constant 80 : i32
    %add3A_290 = arith.addi %mul3A_2, %add3A_289 : i32
    %get3A_291 = arith.index_cast %add3A_290 : i32 to index
    %get3A_292 = tpu.vector_load %arg7[%get3A_291] {strides = array<i32>} : memref<8192xi32, #tpu.memory_space<vmem>>, vector<16xi32>,
    %sub3A_293 = arith.constant 1 : i32
    %sub3A_294 = vector.broadcast %sub3A_293 : i32 to vector<16xi32>
    %sub3A_295 = arith.subi %sub3A_294, %get3A_292 : vector<16xi32>
    %broadcast_in_dim3A_296 = arith.constant true
    %broadcast_in_dim3A_297 = vector.broadcast %broadcast_in_dim3A_296 : i1 to vector<16xi1>
    %masked_cumsum3A_298 = tpu.scan <sum>, %sub3A_295 masked %broadcast_in_dim3A_297 : vector<16xi32>, vector<16xi1> -> vector<16xi32>
    %sub3A_299 = arith.subi %masked_cumsum3A_298, %sub3A_295 : vector<16xi32>
    %iota3A_300 = tpu.iota {dimensions = array<i32: 0>} : vector<16xi32>
    %add3A_301 = arith.constant 80 : i32
    %add3A_302 = vector.broadcast %add3A_301 : i32 to vector<16xi32>
    %add3A_303 = arith.addi %add3A_302, %iota3A_300 : vector<16xi32>
    %eq3A_304 = arith.constant 0 : i32
    %eq3A_305 = vector.broadcast %eq3A_304 : i32 to vector<16xi32>
    %eq3A_306 = arith.cmpi eq, %get3A_292, %eq3A_305 : vector<16xi32>
    %add3A_307 = arith.addi %sub3A, %add3A_288 : vector<16xi32>
    %add3A_308 = arith.addi %add3A_307, %sub3A_299 : vector<16xi32>
    %add3A_309 = arith.addi %sub3A_46, %add3A_303 : vector<16xi32>
    %add3A_310 = arith.addi %add3A_288, %sub3A_299 : vector<16xi32>
    %sub3A_311 = arith.subi %add3A_309, %add3A_310 : vector<16xi32>
    %select_n3A_312 = arith.select %eq3A_306, %add3A_308, %sub3A_311 : vector<16xi1>, vector<16xi32>
    %swap3A_313 = arith.constant 80 : index
    %swap3A_314 = tpu.vector_load %arg8[%swap3A_313] {strides = array<i32>} : memref<256xi32, #tpu.memory_space<vmem>>, vector<16xi32>,
    tpu.vector_store %arg8[%swap3A_313], %select_n3A_312 {strides = array<i32>} : memref<256xi32, #tpu.memory_space<vmem>>, vector<16xi32>,
    %swap3A_315 = arith.constant 2 : i32
    %swap3A_316 = arith.index_cast %swap3A_315 : i32 to index
    %swap3A_317 = arith.constant 16 : index
    %swap3A_318 = tpu.vector_load %arg9[%swap3A_316, %swap3A_317] {strides = array<i32>} : memref<8x32xi32, #tpu.memory_space<vmem>>, vector<16xi32>,
    tpu.vector_store %arg9[%swap3A_316, %swap3A_317], %select_n3A_312 {strides = array<i32>} : memref<8x32xi32, #tpu.memory_space<vmem>>, vector<16xi32>,
    %rev3A_319 = arith.constant 15 : i32
    %rev3A_320 = vector.broadcast %rev3A_319 : i32 to vector<16xi32>
    %rev3A_321 = tpu.iota {dimensions = array<i32: 0>} : vector<16xi32>
    %rev3A_322 = arith.subi %rev3A_320, %rev3A_321 : vector<16xi32>
    %rev3A_323 = tpu.dynamic_gather %sub3A_295[%rev3A_322] in [0] : vector<16xi32>, vector<16xi32> -> vector<16xi32>
    %broadcast_in_dim3A_324 = arith.constant true
    %broadcast_in_dim3A_325 = vector.broadcast %broadcast_in_dim3A_324 : i1 to vector<16xi1>
    %masked_cumsum3A_326 = tpu.scan <sum>, %rev3A_323 masked %broadcast_in_dim3A_325 : vector<16xi32>, vector<16xi1> -> vector<16xi32>
    %rev3A_327 = arith.constant 15 : i32
    %rev3A_328 = vector.broadcast %rev3A_327 : i32 to vector<16xi32>
    %rev3A_329 = tpu.iota {dimensions = array<i32: 0>} : vector<16xi32>
    %rev3A_330 = arith.subi %rev3A_328, %rev3A_329 : vector<16xi32>
    %rev3A_331 = tpu.dynamic_gather %masked_cumsum3A_326[%rev3A_330] in [0] : vector<16xi32>, vector<16xi32> -> vector<16xi32>
    %broadcast_in_dim3A_332 = arith.constant true
    %broadcast_in_dim3A_333 = vector.broadcast %broadcast_in_dim3A_332 : i1 to vector<16xi1>
    %masked_cumsum3A_334 = tpu.scan <sum>, %sub3A_295 masked %broadcast_in_dim3A_333 : vector<16xi32>, vector<16xi1> -> vector<16xi32>
    %add3A_335 = arith.addi %masked_cumsum3A_334, %rev3A_331 : vector<16xi32>
    %sub3A_336 = arith.subi %add3A_335, %sub3A_295 : vector<16xi32>
    %add3A_337 = arith.addi %add3A_288, %sub3A_336 : vector<16xi32>
    %add3A_338 = arith.constant 96 : i32
    %add3A_339 = arith.addi %mul3A_2, %add3A_338 : i32
    %get3A_340 = arith.index_cast %add3A_339 : i32 to index
    %get3A_341 = tpu.vector_load %arg7[%get3A_340] {strides = array<i32>} : memref<8192xi32, #tpu.memory_space<vmem>>, vector<16xi32>,
    %sub3A_342 = arith.constant 1 : i32
    %sub3A_343 = vector.broadcast %sub3A_342 : i32 to vector<16xi32>
    %sub3A_344 = arith.subi %sub3A_343, %get3A_341 : vector<16xi32>
    %broadcast_in_dim3A_345 = arith.constant true
    %broadcast_in_dim3A_346 = vector.broadcast %broadcast_in_dim3A_345 : i1 to vector<16xi1>
    %masked_cumsum3A_347 = tpu.scan <sum>, %sub3A_344 masked %broadcast_in_dim3A_346 : vector<16xi32>, vector<16xi1> -> vector<16xi32>
    %sub3A_348 = arith.subi %masked_cumsum3A_347, %sub3A_344 : vector<16xi32>
    %iota3A_349 = tpu.iota {dimensions = array<i32: 0>} : vector<16xi32>
    %add3A_350 = arith.constant 96 : i32
    %add3A_351 = vector.broadcast %add3A_350 : i32 to vector<16xi32>
    %add3A_352 = arith.addi %add3A_351, %iota3A_349 : vector<16xi32>
    %eq3A_353 = arith.constant 0 : i32
    %eq3A_354 = vector.broadcast %eq3A_353 : i32 to vector<16xi32>
    %eq3A_355 = arith.cmpi eq, %get3A_341, %eq3A_354 : vector<16xi32>
    %add3A_356 = arith.addi %sub3A, %add3A_337 : vector<16xi32>
    %add3A_357 = arith.addi %add3A_356, %sub3A_348 : vector<16xi32>
    %add3A_358 = arith.addi %sub3A_46, %add3A_352 : vector<16xi32>
    %add3A_359 = arith.addi %add3A_337, %sub3A_348 : vector<16xi32>
    %sub3A_360 = arith.subi %add3A_358, %add3A_359 : vector<16xi32>
    %select_n3A_361 = arith.select %eq3A_355, %add3A_357, %sub3A_360 : vector<16xi1>, vector<16xi32>
    %swap3A_362 = arith.constant 96 : index
    %swap3A_363 = tpu.vector_load %arg8[%swap3A_362] {strides = array<i32>} : memref<256xi32, #tpu.memory_space<vmem>>, vector<16xi32>,
    tpu.vector_store %arg8[%swap3A_362], %select_n3A_361 {strides = array<i32>} : memref<256xi32, #tpu.memory_space<vmem>>, vector<16xi32>,
    %swap3A_364 = arith.constant 3 : i32
    %swap3A_365 = arith.index_cast %swap3A_364 : i32 to index
    %swap3A_366 = arith.constant 0 : index
    %swap3A_367 = tpu.vector_load %arg9[%swap3A_365, %swap3A_366] {strides = array<i32>} : memref<8x32xi32, #tpu.memory_space<vmem>>, vector<16xi32>,
    tpu.vector_store %arg9[%swap3A_365, %swap3A_366], %select_n3A_361 {strides = array<i32>} : memref<8x32xi32, #tpu.memory_space<vmem>>, vector<16xi32>,
    %rev3A_368 = arith.constant 15 : i32
    %rev3A_369 = vector.broadcast %rev3A_368 : i32 to vector<16xi32>
    %rev3A_370 = tpu.iota {dimensions = array<i32: 0>} : vector<16xi32>
    %rev3A_371 = arith.subi %rev3A_369, %rev3A_370 : vector<16xi32>
    %rev3A_372 = tpu.dynamic_gather %sub3A_344[%rev3A_371] in [0] : vector<16xi32>, vector<16xi32> -> vector<16xi32>
    %broadcast_in_dim3A_373 = arith.constant true
    %broadcast_in_dim3A_374 = vector.broadcast %broadcast_in_dim3A_373 : i1 to vector<16xi1>
    %masked_cumsum3A_375 = tpu.scan <sum>, %rev3A_372 masked %broadcast_in_dim3A_374 : vector<16xi32>, vector<16xi1> -> vector<16xi32>
    %rev3A_376 = arith.constant 15 : i32
    %rev3A_377 = vector.broadcast %rev3A_376 : i32 to vector<16xi32>
    %rev3A_378 = tpu.iota {dimensions = array<i32: 0>} : vector<16xi32>
    %rev3A_379 = arith.subi %rev3A_377, %rev3A_378 : vector<16xi32>
    %rev3A_380 = tpu.dynamic_gather %masked_cumsum3A_375[%rev3A_379] in [0] : vector<16xi32>, vector<16xi32> -> vector<16xi32>
    %broadcast_in_dim3A_381 = arith.constant true
    %broadcast_in_dim3A_382 = vector.broadcast %broadcast_in_dim3A_381 : i1 to vector<16xi1>
    %masked_cumsum3A_383 = tpu.scan <sum>, %sub3A_344 masked %broadcast_in_dim3A_382 : vector<16xi32>, vector<16xi1> -> vector<16xi32>
    %add3A_384 = arith.addi %masked_cumsum3A_383, %rev3A_380 : vector<16xi32>
    %sub3A_385 = arith.subi %add3A_384, %sub3A_344 : vector<16xi32>
    %add3A_386 = arith.addi %add3A_337, %sub3A_385 : vector<16xi32>
    %add3A_387 = arith.constant 112 : i32
    %add3A_388 = arith.addi %mul3A_2, %add3A_387 : i32
    %get3A_389 = arith.index_cast %add3A_388 : i32 to index
    %get3A_390 = tpu.vector_load %arg7[%get3A_389] {strides = array<i32>} : memref<8192xi32, #tpu.memory_space<vmem>>, vector<16xi32>,
    %sub3A_391 = arith.constant 1 : i32
    %sub3A_392 = vector.broadcast %sub3A_391 : i32 to vector<16xi32>
    %sub3A_393 = arith.subi %sub3A_392, %get3A_390 : vector<16xi32>
    %broadcast_in_dim3A_394 = arith.constant true
    %broadcast_in_dim3A_395 = vector.broadcast %broadcast_in_dim3A_394 : i1 to vector<16xi1>
    %masked_cumsum3A_396 = tpu.scan <sum>, %sub3A_393 masked %broadcast_in_dim3A_395 : vector<16xi32>, vector<16xi1> -> vector<16xi32>
    %sub3A_397 = arith.subi %masked_cumsum3A_396, %sub3A_393 : vector<16xi32>
    %iota3A_398 = tpu.iota {dimensions = array<i32: 0>} : vector<16xi32>
    %add3A_399 = arith.constant 112 : i32
    %add3A_400 = vector.broadcast %add3A_399 : i32 to vector<16xi32>
    %add3A_401 = arith.addi %add3A_400, %iota3A_398 : vector<16xi32>
    %eq3A_402 = arith.constant 0 : i32
    %eq3A_403 = vector.broadcast %eq3A_402 : i32 to vector<16xi32>
    %eq3A_404 = arith.cmpi eq, %get3A_390, %eq3A_403 : vector<16xi32>
    %add3A_405 = arith.addi %sub3A, %add3A_386 : vector<16xi32>
    %add3A_406 = arith.addi %add3A_405, %sub3A_397 : vector<16xi32>
    %add3A_407 = arith.addi %sub3A_46, %add3A_401 : vector<16xi32>
    %add3A_408 = arith.addi %add3A_386, %sub3A_397 : vector<16xi32>
    %sub3A_409 = arith.subi %add3A_407, %add3A_408 : vector<16xi32>
    %select_n3A_410 = arith.select %eq3A_404, %add3A_406, %sub3A_409 : vector<16xi1>, vector<16xi32>
    %swap3A_411 = arith.constant 112 : index
    %swap3A_412 = tpu.vector_load %arg8[%swap3A_411] {strides = array<i32>} : memref<256xi32, #tpu.memory_space<vmem>>, vector<16xi32>,
    tpu.vector_store %arg8[%swap3A_411], %select_n3A_410 {strides = array<i32>} : memref<256xi32, #tpu.memory_space<vmem>>, vector<16xi32>,
    %swap3A_413 = arith.constant 3 : i32
    %swap3A_414 = arith.index_cast %swap3A_413 : i32 to index
    %swap3A_415 = arith.constant 16 : index
    %swap3A_416 = tpu.vector_load %arg9[%swap3A_414, %swap3A_415] {strides = array<i32>} : memref<8x32xi32, #tpu.memory_space<vmem>>, vector<16xi32>,
    tpu.vector_store %arg9[%swap3A_414, %swap3A_415], %select_n3A_410 {strides = array<i32>} : memref<8x32xi32, #tpu.memory_space<vmem>>, vector<16xi32>,
    %rev3A_417 = arith.constant 15 : i32
    %rev3A_418 = vector.broadcast %rev3A_417 : i32 to vector<16xi32>
    %rev3A_419 = tpu.iota {dimensions = array<i32: 0>} : vector<16xi32>
    %rev3A_420 = arith.subi %rev3A_418, %rev3A_419 : vector<16xi32>
    %rev3A_421 = tpu.dynamic_gather %sub3A_393[%rev3A_420] in [0] : vector<16xi32>, vector<16xi32> -> vector<16xi32>
    %broadcast_in_dim3A_422 = arith.constant true
    %broadcast_in_dim3A_423 = vector.broadcast %broadcast_in_dim3A_422 : i1 to vector<16xi1>
    %masked_cumsum3A_424 = tpu.scan <sum>, %rev3A_421 masked %broadcast_in_dim3A_423 : vector<16xi32>, vector<16xi1> -> vector<16xi32>
    %rev3A_425 = arith.constant 15 : i32
    %rev3A_426 = vector.broadcast %rev3A_425 : i32 to vector<16xi32>
    %rev3A_427 = tpu.iota {dimensions = array<i32: 0>} : vector<16xi32>
    %rev3A_428 = arith.subi %rev3A_426, %rev3A_427 : vector<16xi32>
    %rev3A_429 = tpu.dynamic_gather %masked_cumsum3A_424[%rev3A_428] in [0] : vector<16xi32>, vector<16xi32> -> vector<16xi32>
    %broadcast_in_dim3A_430 = arith.constant true
    %broadcast_in_dim3A_431 = vector.broadcast %broadcast_in_dim3A_430 : i1 to vector<16xi1>
    %masked_cumsum3A_432 = tpu.scan <sum>, %sub3A_393 masked %broadcast_in_dim3A_431 : vector<16xi32>, vector<16xi1> -> vector<16xi32>
    %add3A_433 = arith.addi %masked_cumsum3A_432, %rev3A_429 : vector<16xi32>
    %sub3A_434 = arith.subi %add3A_433, %sub3A_393 : vector<16xi32>
    %add3A_435 = arith.addi %add3A_386, %sub3A_434 : vector<16xi32>
    %add3A_436 = arith.constant 128 : i32
    %add3A_437 = arith.addi %mul3A_2, %add3A_436 : i32
    %get3A_438 = arith.index_cast %add3A_437 : i32 to index
    %get3A_439 = tpu.vector_load %arg7[%get3A_438] {strides = array<i32>} : memref<8192xi32, #tpu.memory_space<vmem>>, vector<16xi32>,
    %sub3A_440 = arith.constant 1 : i32
    %sub3A_441 = vector.broadcast %sub3A_440 : i32 to vector<16xi32>
    %sub3A_442 = arith.subi %sub3A_441, %get3A_439 : vector<16xi32>
    %broadcast_in_dim3A_443 = arith.constant true
    %broadcast_in_dim3A_444 = vector.broadcast %broadcast_in_dim3A_443 : i1 to vector<16xi1>
    %masked_cumsum3A_445 = tpu.scan <sum>, %sub3A_442 masked %broadcast_in_dim3A_444 : vector<16xi32>, vector<16xi1> -> vector<16xi32>
    %sub3A_446 = arith.subi %masked_cumsum3A_445, %sub3A_442 : vector<16xi32>
    %iota3A_447 = tpu.iota {dimensions = array<i32: 0>} : vector<16xi32>
    %add3A_448 = arith.constant 128 : i32
    %add3A_449 = vector.broadcast %add3A_448 : i32 to vector<16xi32>
    %add3A_450 = arith.addi %add3A_449, %iota3A_447 : vector<16xi32>
    %eq3A_451 = arith.constant 0 : i32
    %eq3A_452 = vector.broadcast %eq3A_451 : i32 to vector<16xi32>
    %eq3A_453 = arith.cmpi eq, %get3A_439, %eq3A_452 : vector<16xi32>
    %add3A_454 = arith.addi %sub3A, %add3A_435 : vector<16xi32>
    %add3A_455 = arith.addi %add3A_454, %sub3A_446 : vector<16xi32>
    %add3A_456 = arith.addi %sub3A_46, %add3A_450 : vector<16xi32>
    %add3A_457 = arith.addi %add3A_435, %sub3A_446 : vector<16xi32>
    %sub3A_458 = arith.subi %add3A_456, %add3A_457 : vector<16xi32>
    %select_n3A_459 = arith.select %eq3A_453, %add3A_455, %sub3A_458 : vector<16xi1>, vector<16xi32>
    %swap3A_460 = arith.constant 128 : index
    %swap3A_461 = tpu.vector_load %arg8[%swap3A_460] {strides = array<i32>} : memref<256xi32, #tpu.memory_space<vmem>>, vector<16xi32>,
    tpu.vector_store %arg8[%swap3A_460], %select_n3A_459 {strides = array<i32>} : memref<256xi32, #tpu.memory_space<vmem>>, vector<16xi32>,
    %swap3A_462 = arith.constant 4 : i32
    %swap3A_463 = arith.index_cast %swap3A_462 : i32 to index
    %swap3A_464 = arith.constant 0 : index
    %swap3A_465 = tpu.vector_load %arg9[%swap3A_463, %swap3A_464] {strides = array<i32>} : memref<8x32xi32, #tpu.memory_space<vmem>>, vector<16xi32>,
    tpu.vector_store %arg9[%swap3A_463, %swap3A_464], %select_n3A_459 {strides = array<i32>} : memref<8x32xi32, #tpu.memory_space<vmem>>, vector<16xi32>,
    %rev3A_466 = arith.constant 15 : i32
    %rev3A_467 = vector.broadcast %rev3A_466 : i32 to vector<16xi32>
    %rev3A_468 = tpu.iota {dimensions = array<i32: 0>} : vector<16xi32>
    %rev3A_469 = arith.subi %rev3A_467, %rev3A_468 : vector<16xi32>
    %rev3A_470 = tpu.dynamic_gather %sub3A_442[%rev3A_469] in [0] : vector<16xi32>, vector<16xi32> -> vector<16xi32>
    %broadcast_in_dim3A_471 = arith.constant true
    %broadcast_in_dim3A_472 = vector.broadcast %broadcast_in_dim3A_471 : i1 to vector<16xi1>
    %masked_cumsum3A_473 = tpu.scan <sum>, %rev3A_470 masked %broadcast_in_dim3A_472 : vector<16xi32>, vector<16xi1> -> vector<16xi32>
    %rev3A_474 = arith.constant 15 : i32
    %rev3A_475 = vector.broadcast %rev3A_474 : i32 to vector<16xi32>
    %rev3A_476 = tpu.iota {dimensions = array<i32: 0>} : vector<16xi32>
    %rev3A_477 = arith.subi %rev3A_475, %rev3A_476 : vector<16xi32>
    %rev3A_478 = tpu.dynamic_gather %masked_cumsum3A_473[%rev3A_477] in [0] : vector<16xi32>, vector<16xi32> -> vector<16xi32>
    %broadcast_in_dim3A_479 = arith.constant true
    %broadcast_in_dim3A_480 = vector.broadcast %broadcast_in_dim3A_479 : i1 to vector<16xi1>
    %masked_cumsum3A_481 = tpu.scan <sum>, %sub3A_442 masked %broadcast_in_dim3A_480 : vector<16xi32>, vector<16xi1> -> vector<16xi32>
    %add3A_482 = arith.addi %masked_cumsum3A_481, %rev3A_478 : vector<16xi32>
    %sub3A_483 = arith.subi %add3A_482, %sub3A_442 : vector<16xi32>
    %add3A_484 = arith.addi %add3A_435, %sub3A_483 : vector<16xi32>
    %add3A_485 = arith.constant 144 : i32
    %add3A_486 = arith.addi %mul3A_2, %add3A_485 : i32
    %get3A_487 = arith.index_cast %add3A_486 : i32 to index
    %get3A_488 = tpu.vector_load %arg7[%get3A_487] {strides = array<i32>} : memref<8192xi32, #tpu.memory_space<vmem>>, vector<16xi32>,
    %sub3A_489 = arith.constant 1 : i32
    %sub3A_490 = vector.broadcast %sub3A_489 : i32 to vector<16xi32>
    %sub3A_491 = arith.subi %sub3A_490, %get3A_488 : vector<16xi32>
    %broadcast_in_dim3A_492 = arith.constant true
    %broadcast_in_dim3A_493 = vector.broadcast %broadcast_in_dim3A_492 : i1 to vector<16xi1>
    %masked_cumsum3A_494 = tpu.scan <sum>, %sub3A_491 masked %broadcast_in_dim3A_493 : vector<16xi32>, vector<16xi1> -> vector<16xi32>
    %sub3A_495 = arith.subi %masked_cumsum3A_494, %sub3A_491 : vector<16xi32>
    %iota3A_496 = tpu.iota {dimensions = array<i32: 0>} : vector<16xi32>
    %add3A_497 = arith.constant 144 : i32
    %add3A_498 = vector.broadcast %add3A_497 : i32 to vector<16xi32>
    %add3A_499 = arith.addi %add3A_498, %iota3A_496 : vector<16xi32>
    %eq3A_500 = arith.constant 0 : i32
    %eq3A_501 = vector.broadcast %eq3A_500 : i32 to vector<16xi32>
    %eq3A_502 = arith.cmpi eq, %get3A_488, %eq3A_501 : vector<16xi32>
    %add3A_503 = arith.addi %sub3A, %add3A_484 : vector<16xi32>
    %add3A_504 = arith.addi %add3A_503, %sub3A_495 : vector<16xi32>
    %add3A_505 = arith.addi %sub3A_46, %add3A_499 : vector<16xi32>
    %add3A_506 = arith.addi %add3A_484, %sub3A_495 : vector<16xi32>
    %sub3A_507 = arith.subi %add3A_505, %add3A_506 : vector<16xi32>
    %select_n3A_508 = arith.select %eq3A_502, %add3A_504, %sub3A_507 : vector<16xi1>, vector<16xi32>
    %swap3A_509 = arith.constant 144 : index
    %swap3A_510 = tpu.vector_load %arg8[%swap3A_509] {strides = array<i32>} : memref<256xi32, #tpu.memory_space<vmem>>, vector<16xi32>,
    tpu.vector_store %arg8[%swap3A_509], %select_n3A_508 {strides = array<i32>} : memref<256xi32, #tpu.memory_space<vmem>>, vector<16xi32>,
    %swap3A_511 = arith.constant 4 : i32
    %swap3A_512 = arith.index_cast %swap3A_511 : i32 to index
    %swap3A_513 = arith.constant 16 : index
    %swap3A_514 = tpu.vector_load %arg9[%swap3A_512, %swap3A_513] {strides = array<i32>} : memref<8x32xi32, #tpu.memory_space<vmem>>, vector<16xi32>,
    tpu.vector_store %arg9[%swap3A_512, %swap3A_513], %select_n3A_508 {strides = array<i32>} : memref<8x32xi32, #tpu.memory_space<vmem>>, vector<16xi32>,
    %rev3A_515 = arith.constant 15 : i32
    %rev3A_516 = vector.broadcast %rev3A_515 : i32 to vector<16xi32>
    %rev3A_517 = tpu.iota {dimensions = array<i32: 0>} : vector<16xi32>
    %rev3A_518 = arith.subi %rev3A_516, %rev3A_517 : vector<16xi32>
    %rev3A_519 = tpu.dynamic_gather %sub3A_491[%rev3A_518] in [0] : vector<16xi32>, vector<16xi32> -> vector<16xi32>
    %broadcast_in_dim3A_520 = arith.constant true
    %broadcast_in_dim3A_521 = vector.broadcast %broadcast_in_dim3A_520 : i1 to vector<16xi1>
    %masked_cumsum3A_522 = tpu.scan <sum>, %rev3A_519 masked %broadcast_in_dim3A_521 : vector<16xi32>, vector<16xi1> -> vector<16xi32>
    %rev3A_523 = arith.constant 15 : i32
    %rev3A_524 = vector.broadcast %rev3A_523 : i32 to vector<16xi32>
    %rev3A_525 = tpu.iota {dimensions = array<i32: 0>} : vector<16xi32>
    %rev3A_526 = arith.subi %rev3A_524, %rev3A_525 : vector<16xi32>
    %rev3A_527 = tpu.dynamic_gather %masked_cumsum3A_522[%rev3A_526] in [0] : vector<16xi32>, vector<16xi32> -> vector<16xi32>
    %broadcast_in_dim3A_528 = arith.constant true
    %broadcast_in_dim3A_529 = vector.broadcast %broadcast_in_dim3A_528 : i1 to vector<16xi1>
    %masked_cumsum3A_530 = tpu.scan <sum>, %sub3A_491 masked %broadcast_in_dim3A_529 : vector<16xi32>, vector<16xi1> -> vector<16xi32>
    %add3A_531 = arith.addi %masked_cumsum3A_530, %rev3A_527 : vector<16xi32>
    %sub3A_532 = arith.subi %add3A_531, %sub3A_491 : vector<16xi32>
    %add3A_533 = arith.addi %add3A_484, %sub3A_532 : vector<16xi32>
    %add3A_534 = arith.constant 160 : i32
    %add3A_535 = arith.addi %mul3A_2, %add3A_534 : i32
    %get3A_536 = arith.index_cast %add3A_535 : i32 to index
    %get3A_537 = tpu.vector_load %arg7[%get3A_536] {strides = array<i32>} : memref<8192xi32, #tpu.memory_space<vmem>>, vector<16xi32>,
    %sub3A_538 = arith.constant 1 : i32
    %sub3A_539 = vector.broadcast %sub3A_538 : i32 to vector<16xi32>
    %sub3A_540 = arith.subi %sub3A_539, %get3A_537 : vector<16xi32>
    %broadcast_in_dim3A_541 = arith.constant true
    %broadcast_in_dim3A_542 = vector.broadcast %broadcast_in_dim3A_541 : i1 to vector<16xi1>
    %masked_cumsum3A_543 = tpu.scan <sum>, %sub3A_540 masked %broadcast_in_dim3A_542 : vector<16xi32>, vector<16xi1> -> vector<16xi32>
    %sub3A_544 = arith.subi %masked_cumsum3A_543, %sub3A_540 : vector<16xi32>
    %iota3A_545 = tpu.iota {dimensions = array<i32: 0>} : vector<16xi32>
    %add3A_546 = arith.constant 160 : i32
    %add3A_547 = vector.broadcast %add3A_546 : i32 to vector<16xi32>
    %add3A_548 = arith.addi %add3A_547, %iota3A_545 : vector<16xi32>
    %eq3A_549 = arith.constant 0 : i32
    %eq3A_550 = vector.broadcast %eq3A_549 : i32 to vector<16xi32>
    %eq3A_551 = arith.cmpi eq, %get3A_537, %eq3A_550 : vector<16xi32>
    %add3A_552 = arith.addi %sub3A, %add3A_533 : vector<16xi32>
    %add3A_553 = arith.addi %add3A_552, %sub3A_544 : vector<16xi32>
    %add3A_554 = arith.addi %sub3A_46, %add3A_548 : vector<16xi32>
    %add3A_555 = arith.addi %add3A_533, %sub3A_544 : vector<16xi32>
    %sub3A_556 = arith.subi %add3A_554, %add3A_555 : vector<16xi32>
    %select_n3A_557 = arith.select %eq3A_551, %add3A_553, %sub3A_556 : vector<16xi1>, vector<16xi32>
    %swap3A_558 = arith.constant 160 : index
    %swap3A_559 = tpu.vector_load %arg8[%swap3A_558] {strides = array<i32>} : memref<256xi32, #tpu.memory_space<vmem>>, vector<16xi32>,
    tpu.vector_store %arg8[%swap3A_558], %select_n3A_557 {strides = array<i32>} : memref<256xi32, #tpu.memory_space<vmem>>, vector<16xi32>,
    %swap3A_560 = arith.constant 5 : i32
    %swap3A_561 = arith.index_cast %swap3A_560 : i32 to index
    %swap3A_562 = arith.constant 0 : index
    %swap3A_563 = tpu.vector_load %arg9[%swap3A_561, %swap3A_562] {strides = array<i32>} : memref<8x32xi32, #tpu.memory_space<vmem>>, vector<16xi32>,
    tpu.vector_store %arg9[%swap3A_561, %swap3A_562], %select_n3A_557 {strides = array<i32>} : memref<8x32xi32, #tpu.memory_space<vmem>>, vector<16xi32>,
    %rev3A_564 = arith.constant 15 : i32
    %rev3A_565 = vector.broadcast %rev3A_564 : i32 to vector<16xi32>
    %rev3A_566 = tpu.iota {dimensions = array<i32: 0>} : vector<16xi32>
    %rev3A_567 = arith.subi %rev3A_565, %rev3A_566 : vector<16xi32>
    %rev3A_568 = tpu.dynamic_gather %sub3A_540[%rev3A_567] in [0] : vector<16xi32>, vector<16xi32> -> vector<16xi32>
    %broadcast_in_dim3A_569 = arith.constant true
    %broadcast_in_dim3A_570 = vector.broadcast %broadcast_in_dim3A_569 : i1 to vector<16xi1>
    %masked_cumsum3A_571 = tpu.scan <sum>, %rev3A_568 masked %broadcast_in_dim3A_570 : vector<16xi32>, vector<16xi1> -> vector<16xi32>
    %rev3A_572 = arith.constant 15 : i32
    %rev3A_573 = vector.broadcast %rev3A_572 : i32 to vector<16xi32>
    %rev3A_574 = tpu.iota {dimensions = array<i32: 0>} : vector<16xi32>
    %rev3A_575 = arith.subi %rev3A_573, %rev3A_574 : vector<16xi32>
    %rev3A_576 = tpu.dynamic_gather %masked_cumsum3A_571[%rev3A_575] in [0] : vector<16xi32>, vector<16xi32> -> vector<16xi32>
    %broadcast_in_dim3A_577 = arith.constant true
    %broadcast_in_dim3A_578 = vector.broadcast %broadcast_in_dim3A_577 : i1 to vector<16xi1>
    %masked_cumsum3A_579 = tpu.scan <sum>, %sub3A_540 masked %broadcast_in_dim3A_578 : vector<16xi32>, vector<16xi1> -> vector<16xi32>
    %add3A_580 = arith.addi %masked_cumsum3A_579, %rev3A_576 : vector<16xi32>
    %sub3A_581 = arith.subi %add3A_580, %sub3A_540 : vector<16xi32>
    %add3A_582 = arith.addi %add3A_533, %sub3A_581 : vector<16xi32>
    %add3A_583 = arith.constant 176 : i32
    %add3A_584 = arith.addi %mul3A_2, %add3A_583 : i32
    %get3A_585 = arith.index_cast %add3A_584 : i32 to index
    %get3A_586 = tpu.vector_load %arg7[%get3A_585] {strides = array<i32>} : memref<8192xi32, #tpu.memory_space<vmem>>, vector<16xi32>,
    %sub3A_587 = arith.constant 1 : i32
    %sub3A_588 = vector.broadcast %sub3A_587 : i32 to vector<16xi32>
    %sub3A_589 = arith.subi %sub3A_588, %get3A_586 : vector<16xi32>
    %broadcast_in_dim3A_590 = arith.constant true
    %broadcast_in_dim3A_591 = vector.broadcast %broadcast_in_dim3A_590 : i1 to vector<16xi1>
    %masked_cumsum3A_592 = tpu.scan <sum>, %sub3A_589 masked %broadcast_in_dim3A_591 : vector<16xi32>, vector<16xi1> -> vector<16xi32>
    %sub3A_593 = arith.subi %masked_cumsum3A_592, %sub3A_589 : vector<16xi32>
    %iota3A_594 = tpu.iota {dimensions = array<i32: 0>} : vector<16xi32>
    %add3A_595 = arith.constant 176 : i32
    %add3A_596 = vector.broadcast %add3A_595 : i32 to vector<16xi32>
    %add3A_597 = arith.addi %add3A_596, %iota3A_594 : vector<16xi32>
    %eq3A_598 = arith.constant 0 : i32
    %eq3A_599 = vector.broadcast %eq3A_598 : i32 to vector<16xi32>
    %eq3A_600 = arith.cmpi eq, %get3A_586, %eq3A_599 : vector<16xi32>
    %add3A_601 = arith.addi %sub3A, %add3A_582 : vector<16xi32>
    %add3A_602 = arith.addi %add3A_601, %sub3A_593 : vector<16xi32>
    %add3A_603 = arith.addi %sub3A_46, %add3A_597 : vector<16xi32>
    %add3A_604 = arith.addi %add3A_582, %sub3A_593 : vector<16xi32>
    %sub3A_605 = arith.subi %add3A_603, %add3A_604 : vector<16xi32>
    %select_n3A_606 = arith.select %eq3A_600, %add3A_602, %sub3A_605 : vector<16xi1>, vector<16xi32>
    %swap3A_607 = arith.constant 176 : index
    %swap3A_608 = tpu.vector_load %arg8[%swap3A_607] {strides = array<i32>} : memref<256xi32, #tpu.memory_space<vmem>>, vector<16xi32>,
    tpu.vector_store %arg8[%swap3A_607], %select_n3A_606 {strides = array<i32>} : memref<256xi32, #tpu.memory_space<vmem>>, vector<16xi32>,
    %swap3A_609 = arith.constant 5 : i32
    %swap3A_610 = arith.index_cast %swap3A_609 : i32 to index
    %swap3A_611 = arith.constant 16 : index
    %swap3A_612 = tpu.vector_load %arg9[%swap3A_610, %swap3A_611] {strides = array<i32>} : memref<8x32xi32, #tpu.memory_space<vmem>>, vector<16xi32>,
    tpu.vector_store %arg9[%swap3A_610, %swap3A_611], %select_n3A_606 {strides = array<i32>} : memref<8x32xi32, #tpu.memory_space<vmem>>, vector<16xi32>,
    %rev3A_613 = arith.constant 15 : i32
    %rev3A_614 = vector.broadcast %rev3A_613 : i32 to vector<16xi32>
    %rev3A_615 = tpu.iota {dimensions = array<i32: 0>} : vector<16xi32>
    %rev3A_616 = arith.subi %rev3A_614, %rev3A_615 : vector<16xi32>
    %rev3A_617 = tpu.dynamic_gather %sub3A_589[%rev3A_616] in [0] : vector<16xi32>, vector<16xi32> -> vector<16xi32>
    %broadcast_in_dim3A_618 = arith.constant true
    %broadcast_in_dim3A_619 = vector.broadcast %broadcast_in_dim3A_618 : i1 to vector<16xi1>
    %masked_cumsum3A_620 = tpu.scan <sum>, %rev3A_617 masked %broadcast_in_dim3A_619 : vector<16xi32>, vector<16xi1> -> vector<16xi32>
    %rev3A_621 = arith.constant 15 : i32
    %rev3A_622 = vector.broadcast %rev3A_621 : i32 to vector<16xi32>
    %rev3A_623 = tpu.iota {dimensions = array<i32: 0>} : vector<16xi32>
    %rev3A_624 = arith.subi %rev3A_622, %rev3A_623 : vector<16xi32>
    %rev3A_625 = tpu.dynamic_gather %masked_cumsum3A_620[%rev3A_624] in [0] : vector<16xi32>, vector<16xi32> -> vector<16xi32>
    %broadcast_in_dim3A_626 = arith.constant true
    %broadcast_in_dim3A_627 = vector.broadcast %broadcast_in_dim3A_626 : i1 to vector<16xi1>
    %masked_cumsum3A_628 = tpu.scan <sum>, %sub3A_589 masked %broadcast_in_dim3A_627 : vector<16xi32>, vector<16xi1> -> vector<16xi32>
    %add3A_629 = arith.addi %masked_cumsum3A_628, %rev3A_625 : vector<16xi32>
    %sub3A_630 = arith.subi %add3A_629, %sub3A_589 : vector<16xi32>
    %add3A_631 = arith.addi %add3A_582, %sub3A_630 : vector<16xi32>
    %add3A_632 = arith.constant 192 : i32
    %add3A_633 = arith.addi %mul3A_2, %add3A_632 : i32
    %get3A_634 = arith.index_cast %add3A_633 : i32 to index
    %get3A_635 = tpu.vector_load %arg7[%get3A_634] {strides = array<i32>} : memref<8192xi32, #tpu.memory_space<vmem>>, vector<16xi32>,
    %sub3A_636 = arith.constant 1 : i32
    %sub3A_637 = vector.broadcast %sub3A_636 : i32 to vector<16xi32>
    %sub3A_638 = arith.subi %sub3A_637, %get3A_635 : vector<16xi32>
    %broadcast_in_dim3A_639 = arith.constant true
    %broadcast_in_dim3A_640 = vector.broadcast %broadcast_in_dim3A_639 : i1 to vector<16xi1>
    %masked_cumsum3A_641 = tpu.scan <sum>, %sub3A_638 masked %broadcast_in_dim3A_640 : vector<16xi32>, vector<16xi1> -> vector<16xi32>
    %sub3A_642 = arith.subi %masked_cumsum3A_641, %sub3A_638 : vector<16xi32>
    %iota3A_643 = tpu.iota {dimensions = array<i32: 0>} : vector<16xi32>
    %add3A_644 = arith.constant 192 : i32
    %add3A_645 = vector.broadcast %add3A_644 : i32 to vector<16xi32>
    %add3A_646 = arith.addi %add3A_645, %iota3A_643 : vector<16xi32>
    %eq3A_647 = arith.constant 0 : i32
    %eq3A_648 = vector.broadcast %eq3A_647 : i32 to vector<16xi32>
    %eq3A_649 = arith.cmpi eq, %get3A_635, %eq3A_648 : vector<16xi32>
    %add3A_650 = arith.addi %sub3A, %add3A_631 : vector<16xi32>
    %add3A_651 = arith.addi %add3A_650, %sub3A_642 : vector<16xi32>
    %add3A_652 = arith.addi %sub3A_46, %add3A_646 : vector<16xi32>
    %add3A_653 = arith.addi %add3A_631, %sub3A_642 : vector<16xi32>
    %sub3A_654 = arith.subi %add3A_652, %add3A_653 : vector<16xi32>
    %select_n3A_655 = arith.select %eq3A_649, %add3A_651, %sub3A_654 : vector<16xi1>, vector<16xi32>
    %swap3A_656 = arith.constant 192 : index
    %swap3A_657 = tpu.vector_load %arg8[%swap3A_656] {strides = array<i32>} : memref<256xi32, #tpu.memory_space<vmem>>, vector<16xi32>,
    tpu.vector_store %arg8[%swap3A_656], %select_n3A_655 {strides = array<i32>} : memref<256xi32, #tpu.memory_space<vmem>>, vector<16xi32>,
    %swap3A_658 = arith.constant 6 : i32
    %swap3A_659 = arith.index_cast %swap3A_658 : i32 to index
    %swap3A_660 = arith.constant 0 : index
    %swap3A_661 = tpu.vector_load %arg9[%swap3A_659, %swap3A_660] {strides = array<i32>} : memref<8x32xi32, #tpu.memory_space<vmem>>, vector<16xi32>,
    tpu.vector_store %arg9[%swap3A_659, %swap3A_660], %select_n3A_655 {strides = array<i32>} : memref<8x32xi32, #tpu.memory_space<vmem>>, vector<16xi32>,
    %rev3A_662 = arith.constant 15 : i32
    %rev3A_663 = vector.broadcast %rev3A_662 : i32 to vector<16xi32>
    %rev3A_664 = tpu.iota {dimensions = array<i32: 0>} : vector<16xi32>
    %rev3A_665 = arith.subi %rev3A_663, %rev3A_664 : vector<16xi32>
    %rev3A_666 = tpu.dynamic_gather %sub3A_638[%rev3A_665] in [0] : vector<16xi32>, vector<16xi32> -> vector<16xi32>
    %broadcast_in_dim3A_667 = arith.constant true
    %broadcast_in_dim3A_668 = vector.broadcast %broadcast_in_dim3A_667 : i1 to vector<16xi1>
    %masked_cumsum3A_669 = tpu.scan <sum>, %rev3A_666 masked %broadcast_in_dim3A_668 : vector<16xi32>, vector<16xi1> -> vector<16xi32>
    %rev3A_670 = arith.constant 15 : i32
    %rev3A_671 = vector.broadcast %rev3A_670 : i32 to vector<16xi32>
    %rev3A_672 = tpu.iota {dimensions = array<i32: 0>} : vector<16xi32>
    %rev3A_673 = arith.subi %rev3A_671, %rev3A_672 : vector<16xi32>
    %rev3A_674 = tpu.dynamic_gather %masked_cumsum3A_669[%rev3A_673] in [0] : vector<16xi32>, vector<16xi32> -> vector<16xi32>
    %broadcast_in_dim3A_675 = arith.constant true
    %broadcast_in_dim3A_676 = vector.broadcast %broadcast_in_dim3A_675 : i1 to vector<16xi1>
    %masked_cumsum3A_677 = tpu.scan <sum>, %sub3A_638 masked %broadcast_in_dim3A_676 : vector<16xi32>, vector<16xi1> -> vector<16xi32>
    %add3A_678 = arith.addi %masked_cumsum3A_677, %rev3A_674 : vector<16xi32>
    %sub3A_679 = arith.subi %add3A_678, %sub3A_638 : vector<16xi32>
    %add3A_680 = arith.addi %add3A_631, %sub3A_679 : vector<16xi32>
    %add3A_681 = arith.constant 208 : i32
    %add3A_682 = arith.addi %mul3A_2, %add3A_681 : i32
    %get3A_683 = arith.index_cast %add3A_682 : i32 to index
    %get3A_684 = tpu.vector_load %arg7[%get3A_683] {strides = array<i32>} : memref<8192xi32, #tpu.memory_space<vmem>>, vector<16xi32>,
    %sub3A_685 = arith.constant 1 : i32
    %sub3A_686 = vector.broadcast %sub3A_685 : i32 to vector<16xi32>
    %sub3A_687 = arith.subi %sub3A_686, %get3A_684 : vector<16xi32>
    %broadcast_in_dim3A_688 = arith.constant true
    %broadcast_in_dim3A_689 = vector.broadcast %broadcast_in_dim3A_688 : i1 to vector<16xi1>
    %masked_cumsum3A_690 = tpu.scan <sum>, %sub3A_687 masked %broadcast_in_dim3A_689 : vector<16xi32>, vector<16xi1> -> vector<16xi32>
    %sub3A_691 = arith.subi %masked_cumsum3A_690, %sub3A_687 : vector<16xi32>
    %iota3A_692 = tpu.iota {dimensions = array<i32: 0>} : vector<16xi32>
    %add3A_693 = arith.constant 208 : i32
    %add3A_694 = vector.broadcast %add3A_693 : i32 to vector<16xi32>
    %add3A_695 = arith.addi %add3A_694, %iota3A_692 : vector<16xi32>
    %eq3A_696 = arith.constant 0 : i32
    %eq3A_697 = vector.broadcast %eq3A_696 : i32 to vector<16xi32>
    %eq3A_698 = arith.cmpi eq, %get3A_684, %eq3A_697 : vector<16xi32>
    %add3A_699 = arith.addi %sub3A, %add3A_680 : vector<16xi32>
    %add3A_700 = arith.addi %add3A_699, %sub3A_691 : vector<16xi32>
    %add3A_701 = arith.addi %sub3A_46, %add3A_695 : vector<16xi32>
    %add3A_702 = arith.addi %add3A_680, %sub3A_691 : vector<16xi32>
    %sub3A_703 = arith.subi %add3A_701, %add3A_702 : vector<16xi32>
    %select_n3A_704 = arith.select %eq3A_698, %add3A_700, %sub3A_703 : vector<16xi1>, vector<16xi32>
    %swap3A_705 = arith.constant 208 : index
    %swap3A_706 = tpu.vector_load %arg8[%swap3A_705] {strides = array<i32>} : memref<256xi32, #tpu.memory_space<vmem>>, vector<16xi32>,
    tpu.vector_store %arg8[%swap3A_705], %select_n3A_704 {strides = array<i32>} : memref<256xi32, #tpu.memory_space<vmem>>, vector<16xi32>,
    %swap3A_707 = arith.constant 6 : i32
    %swap3A_708 = arith.index_cast %swap3A_707 : i32 to index
    %swap3A_709 = arith.constant 16 : index
    %swap3A_710 = tpu.vector_load %arg9[%swap3A_708, %swap3A_709] {strides = array<i32>} : memref<8x32xi32, #tpu.memory_space<vmem>>, vector<16xi32>,
    tpu.vector_store %arg9[%swap3A_708, %swap3A_709], %select_n3A_704 {strides = array<i32>} : memref<8x32xi32, #tpu.memory_space<vmem>>, vector<16xi32>,
    %rev3A_711 = arith.constant 15 : i32
    %rev3A_712 = vector.broadcast %rev3A_711 : i32 to vector<16xi32>
    %rev3A_713 = tpu.iota {dimensions = array<i32: 0>} : vector<16xi32>
    %rev3A_714 = arith.subi %rev3A_712, %rev3A_713 : vector<16xi32>
    %rev3A_715 = tpu.dynamic_gather %sub3A_687[%rev3A_714] in [0] : vector<16xi32>, vector<16xi32> -> vector<16xi32>
    %broadcast_in_dim3A_716 = arith.constant true
    %broadcast_in_dim3A_717 = vector.broadcast %broadcast_in_dim3A_716 : i1 to vector<16xi1>
    %masked_cumsum3A_718 = tpu.scan <sum>, %rev3A_715 masked %broadcast_in_dim3A_717 : vector<16xi32>, vector<16xi1> -> vector<16xi32>
    %rev3A_719 = arith.constant 15 : i32
    %rev3A_720 = vector.broadcast %rev3A_719 : i32 to vector<16xi32>
    %rev3A_721 = tpu.iota {dimensions = array<i32: 0>} : vector<16xi32>
    %rev3A_722 = arith.subi %rev3A_720, %rev3A_721 : vector<16xi32>
    %rev3A_723 = tpu.dynamic_gather %masked_cumsum3A_718[%rev3A_722] in [0] : vector<16xi32>, vector<16xi32> -> vector<16xi32>
    %broadcast_in_dim3A_724 = arith.constant true
    %broadcast_in_dim3A_725 = vector.broadcast %broadcast_in_dim3A_724 : i1 to vector<16xi1>
    %masked_cumsum3A_726 = tpu.scan <sum>, %sub3A_687 masked %broadcast_in_dim3A_725 : vector<16xi32>, vector<16xi1> -> vector<16xi32>
    %add3A_727 = arith.addi %masked_cumsum3A_726, %rev3A_723 : vector<16xi32>
    %sub3A_728 = arith.subi %add3A_727, %sub3A_687 : vector<16xi32>
    %add3A_729 = arith.addi %add3A_680, %sub3A_728 : vector<16xi32>
    %add3A_730 = arith.constant 224 : i32
    %add3A_731 = arith.addi %mul3A_2, %add3A_730 : i32
    %get3A_732 = arith.index_cast %add3A_731 : i32 to index
    %get3A_733 = tpu.vector_load %arg7[%get3A_732] {strides = array<i32>} : memref<8192xi32, #tpu.memory_space<vmem>>, vector<16xi32>,
    %sub3A_734 = arith.constant 1 : i32
    %sub3A_735 = vector.broadcast %sub3A_734 : i32 to vector<16xi32>
    %sub3A_736 = arith.subi %sub3A_735, %get3A_733 : vector<16xi32>
    %broadcast_in_dim3A_737 = arith.constant true
    %broadcast_in_dim3A_738 = vector.broadcast %broadcast_in_dim3A_737 : i1 to vector<16xi1>
    %masked_cumsum3A_739 = tpu.scan <sum>, %sub3A_736 masked %broadcast_in_dim3A_738 : vector<16xi32>, vector<16xi1> -> vector<16xi32>
    %sub3A_740 = arith.subi %masked_cumsum3A_739, %sub3A_736 : vector<16xi32>
    %iota3A_741 = tpu.iota {dimensions = array<i32: 0>} : vector<16xi32>
    %add3A_742 = arith.constant 224 : i32
    %add3A_743 = vector.broadcast %add3A_742 : i32 to vector<16xi32>
    %add3A_744 = arith.addi %add3A_743, %iota3A_741 : vector<16xi32>
    %eq3A_745 = arith.constant 0 : i32
    %eq3A_746 = vector.broadcast %eq3A_745 : i32 to vector<16xi32>
    %eq3A_747 = arith.cmpi eq, %get3A_733, %eq3A_746 : vector<16xi32>
    %add3A_748 = arith.addi %sub3A, %add3A_729 : vector<16xi32>
    %add3A_749 = arith.addi %add3A_748, %sub3A_740 : vector<16xi32>
    %add3A_750 = arith.addi %sub3A_46, %add3A_744 : vector<16xi32>
    %add3A_751 = arith.addi %add3A_729, %sub3A_740 : vector<16xi32>
    %sub3A_752 = arith.subi %add3A_750, %add3A_751 : vector<16xi32>
    %select_n3A_753 = arith.select %eq3A_747, %add3A_749, %sub3A_752 : vector<16xi1>, vector<16xi32>
    %swap3A_754 = arith.constant 224 : index
    %swap3A_755 = tpu.vector_load %arg8[%swap3A_754] {strides = array<i32>} : memref<256xi32, #tpu.memory_space<vmem>>, vector<16xi32>,
    tpu.vector_store %arg8[%swap3A_754], %select_n3A_753 {strides = array<i32>} : memref<256xi32, #tpu.memory_space<vmem>>, vector<16xi32>,
    %swap3A_756 = arith.constant 7 : i32
    %swap3A_757 = arith.index_cast %swap3A_756 : i32 to index
    %swap3A_758 = arith.constant 0 : index
    %swap3A_759 = tpu.vector_load %arg9[%swap3A_757, %swap3A_758] {strides = array<i32>} : memref<8x32xi32, #tpu.memory_space<vmem>>, vector<16xi32>,
    tpu.vector_store %arg9[%swap3A_757, %swap3A_758], %select_n3A_753 {strides = array<i32>} : memref<8x32xi32, #tpu.memory_space<vmem>>, vector<16xi32>,
    %rev3A_760 = arith.constant 15 : i32
    %rev3A_761 = vector.broadcast %rev3A_760 : i32 to vector<16xi32>
    %rev3A_762 = tpu.iota {dimensions = array<i32: 0>} : vector<16xi32>
    %rev3A_763 = arith.subi %rev3A_761, %rev3A_762 : vector<16xi32>
    %rev3A_764 = tpu.dynamic_gather %sub3A_736[%rev3A_763] in [0] : vector<16xi32>, vector<16xi32> -> vector<16xi32>
    %broadcast_in_dim3A_765 = arith.constant true
    %broadcast_in_dim3A_766 = vector.broadcast %broadcast_in_dim3A_765 : i1 to vector<16xi1>
    %masked_cumsum3A_767 = tpu.scan <sum>, %rev3A_764 masked %broadcast_in_dim3A_766 : vector<16xi32>, vector<16xi1> -> vector<16xi32>
    %rev3A_768 = arith.constant 15 : i32
    %rev3A_769 = vector.broadcast %rev3A_768 : i32 to vector<16xi32>
    %rev3A_770 = tpu.iota {dimensions = array<i32: 0>} : vector<16xi32>
    %rev3A_771 = arith.subi %rev3A_769, %rev3A_770 : vector<16xi32>
    %rev3A_772 = tpu.dynamic_gather %masked_cumsum3A_767[%rev3A_771] in [0] : vector<16xi32>, vector<16xi32> -> vector<16xi32>
    %broadcast_in_dim3A_773 = arith.constant true
    %broadcast_in_dim3A_774 = vector.broadcast %broadcast_in_dim3A_773 : i1 to vector<16xi1>
    %masked_cumsum3A_775 = tpu.scan <sum>, %sub3A_736 masked %broadcast_in_dim3A_774 : vector<16xi32>, vector<16xi1> -> vector<16xi32>
    %add3A_776 = arith.addi %masked_cumsum3A_775, %rev3A_772 : vector<16xi32>
    %sub3A_777 = arith.subi %add3A_776, %sub3A_736 : vector<16xi32>
    %add3A_778 = arith.addi %add3A_729, %sub3A_777 : vector<16xi32>
    %add3A_779 = arith.constant 240 : i32
    %add3A_780 = arith.addi %mul3A_2, %add3A_779 : i32
    %get3A_781 = arith.index_cast %add3A_780 : i32 to index
    %get3A_782 = tpu.vector_load %arg7[%get3A_781] {strides = array<i32>} : memref<8192xi32, #tpu.memory_space<vmem>>, vector<16xi32>,
    %sub3A_783 = arith.constant 1 : i32
    %sub3A_784 = vector.broadcast %sub3A_783 : i32 to vector<16xi32>
    %sub3A_785 = arith.subi %sub3A_784, %get3A_782 : vector<16xi32>
    %broadcast_in_dim3A_786 = arith.constant true
    %broadcast_in_dim3A_787 = vector.broadcast %broadcast_in_dim3A_786 : i1 to vector<16xi1>
    %masked_cumsum3A_788 = tpu.scan <sum>, %sub3A_785 masked %broadcast_in_dim3A_787 : vector<16xi32>, vector<16xi1> -> vector<16xi32>
    %sub3A_789 = arith.subi %masked_cumsum3A_788, %sub3A_785 : vector<16xi32>
    %iota3A_790 = tpu.iota {dimensions = array<i32: 0>} : vector<16xi32>
    %add3A_791 = arith.constant 240 : i32
    %add3A_792 = vector.broadcast %add3A_791 : i32 to vector<16xi32>
    %add3A_793 = arith.addi %add3A_792, %iota3A_790 : vector<16xi32>
    %eq3A_794 = arith.constant 0 : i32
    %eq3A_795 = vector.broadcast %eq3A_794 : i32 to vector<16xi32>
    %eq3A_796 = arith.cmpi eq, %get3A_782, %eq3A_795 : vector<16xi32>
    %add3A_797 = arith.addi %sub3A, %add3A_778 : vector<16xi32>
    %add3A_798 = arith.addi %add3A_797, %sub3A_789 : vector<16xi32>
    %add3A_799 = arith.addi %sub3A_46, %add3A_793 : vector<16xi32>
    %add3A_800 = arith.addi %add3A_778, %sub3A_789 : vector<16xi32>
    %sub3A_801 = arith.subi %add3A_799, %add3A_800 : vector<16xi32>
    %select_n3A_802 = arith.select %eq3A_796, %add3A_798, %sub3A_801 : vector<16xi1>, vector<16xi32>
    %swap3A_803 = arith.constant 240 : index
    %swap3A_804 = tpu.vector_load %arg8[%swap3A_803] {strides = array<i32>} : memref<256xi32, #tpu.memory_space<vmem>>, vector<16xi32>,
    tpu.vector_store %arg8[%swap3A_803], %select_n3A_802 {strides = array<i32>} : memref<256xi32, #tpu.memory_space<vmem>>, vector<16xi32>,
    %swap3A_805 = arith.constant 7 : i32
    %swap3A_806 = arith.index_cast %swap3A_805 : i32 to index
    %swap3A_807 = arith.constant 16 : index
    %swap3A_808 = tpu.vector_load %arg9[%swap3A_806, %swap3A_807] {strides = array<i32>} : memref<8x32xi32, #tpu.memory_space<vmem>>, vector<16xi32>,
    tpu.vector_store %arg9[%swap3A_806, %swap3A_807], %select_n3A_802 {strides = array<i32>} : memref<8x32xi32, #tpu.memory_space<vmem>>, vector<16xi32>,
    %rev3A_809 = arith.constant 15 : i32
    %rev3A_810 = vector.broadcast %rev3A_809 : i32 to vector<16xi32>
    %rev3A_811 = tpu.iota {dimensions = array<i32: 0>} : vector<16xi32>
    %rev3A_812 = arith.subi %rev3A_810, %rev3A_811 : vector<16xi32>
    %rev3A_813 = tpu.dynamic_gather %sub3A_785[%rev3A_812] in [0] : vector<16xi32>, vector<16xi32> -> vector<16xi32>
    %broadcast_in_dim3A_814 = arith.constant true
    %broadcast_in_dim3A_815 = vector.broadcast %broadcast_in_dim3A_814 : i1 to vector<16xi1>
    %masked_cumsum3A_816 = tpu.scan <sum>, %rev3A_813 masked %broadcast_in_dim3A_815 : vector<16xi32>, vector<16xi1> -> vector<16xi32>
    %rev3A_817 = arith.constant 15 : i32
    %rev3A_818 = vector.broadcast %rev3A_817 : i32 to vector<16xi32>
    %rev3A_819 = tpu.iota {dimensions = array<i32: 0>} : vector<16xi32>
    %rev3A_820 = arith.subi %rev3A_818, %rev3A_819 : vector<16xi32>
    %rev3A_821 = tpu.dynamic_gather %masked_cumsum3A_816[%rev3A_820] in [0] : vector<16xi32>, vector<16xi32> -> vector<16xi32>
    %broadcast_in_dim3A_822 = arith.constant true
    %broadcast_in_dim3A_823 = vector.broadcast %broadcast_in_dim3A_822 : i1 to vector<16xi1>
    %masked_cumsum3A_824 = tpu.scan <sum>, %sub3A_785 masked %broadcast_in_dim3A_823 : vector<16xi32>, vector<16xi1> -> vector<16xi32>
    %add3A_825 = arith.addi %masked_cumsum3A_824, %rev3A_821 : vector<16xi32>
    %sub3A_826 = arith.subi %add3A_825, %sub3A_785 : vector<16xi32>
    %add3A_827 = arith.addi %add3A_778, %sub3A_826 : vector<16xi32>
    "tpu.region"() ({
      %run_scoped3A = tpu.sem_alloc : memref<!tpu.dma_semaphore, #tpu.memory_space<semaphore_mem>>
      %dma_start3A_1019 = arith.constant 0 : i32
      %dma_start3A_1020 = tpu.memref_slice %arg4[%add3A, %dma_start3A_1019] : memref<32x256xi32, #tpu.memory_space<hbm>> -> memref<1x256xi32, #tpu.memory_space<hbm>>
      %dma_start3A_1021 = tpu.memref_squeeze %dma_start3A_1020 : memref<1x256xi32, #tpu.memory_space<hbm>> -> memref<256xi32, #tpu.memory_space<hbm>>
      %dma_start3A_1022 = arith.constant 0 : i32
      %dma_start3A_1023 = tpu.memref_slice %arg4[%add3A, %dma_start3A_1022] : memref<32x256xi32, #tpu.memory_space<hbm>> -> memref<1x256xi32, #tpu.memory_space<hbm>>
      %dma_start3A_1024 = tpu.memref_squeeze %dma_start3A_1023 : memref<1x256xi32, #tpu.memory_space<hbm>> -> memref<256xi32, #tpu.memory_space<hbm>>
      tpu.enqueue_dma source(%arg8 : memref<256xi32, #tpu.memory_space<vmem>>) target(%dma_start3A_1024 : memref<256xi32, #tpu.memory_space<hbm>>) target_semaphore(%run_scoped3A : memref<!tpu.dma_semaphore, #tpu.memory_space<semaphore_mem>>)
      %dma_wait3A_1025 = arith.constant 0 : i32
      %dma_wait3A_1026 = tpu.memref_slice %arg4[%add3A, %dma_wait3A_1025] : memref<32x256xi32, #tpu.memory_space<hbm>> -> memref<1x256xi32, #tpu.memory_space<hbm>>
      %dma_wait3A_1027 = tpu.memref_squeeze %dma_wait3A_1026 : memref<1x256xi32, #tpu.memory_space<hbm>> -> memref<256xi32, #tpu.memory_space<hbm>>
      %dma_wait3A_1028 = arith.constant 0 : i32
      %dma_wait3A_1029 = tpu.memref_slice %arg4[%add3A, %dma_wait3A_1028] : memref<32x256xi32, #tpu.memory_space<hbm>> -> memref<1x256xi32, #tpu.memory_space<hbm>>
      %dma_wait3A_1030 = tpu.memref_squeeze %dma_wait3A_1029 : memref<1x256xi32, #tpu.memory_space<hbm>> -> memref<256xi32, #tpu.memory_space<hbm>>
      tpu.wait_dma2 semaphore(%run_scoped3A : memref<!tpu.dma_semaphore, #tpu.memory_space<semaphore_mem>>) src(%arg8 : memref<256xi32, #tpu.memory_space<vmem>>) dst(%dma_wait3A_1030 : memref<256xi32, #tpu.memory_space<hbm>>)
      tpu.yield
    }) : () -> ()
    %eq3A_828 = arith.constant 0 : i32
    %eq3A_829 = arith.cmpi eq, %add3A, %eq3A_828 : i32
    %convert_element_type3A = arith.extui %eq3A_829 : i1 to i32
    %cond3A = arith.constant 0 : i32
    %cond3A_830 = arith.cmpi ne, %convert_element_type3A, %cond3A : i32
    scf.if %cond3A_830 {
      %swap3A_1019 = arith.constant 0 : index
      %swap3A_1020 = tpu.vector_load %arg10[%swap3A_1019] {strides = array<i32>} : memref<16xi32, #tpu.memory_space<vmem>>, vector<16xi32>,
      tpu.vector_store %arg10[%swap3A_1019], %sub3A_43 {strides = array<i32>} : memref<16xi32, #tpu.memory_space<vmem>>, vector<16xi32>,
      "tpu.region"() ({
        %run_scoped3A = tpu.sem_alloc : memref<!tpu.dma_semaphore, #tpu.memory_space<semaphore_mem>>
        tpu.enqueue_dma source(%arg10 : memref<16xi32, #tpu.memory_space<vmem>>) target(%arg5 : memref<16xi32, #tpu.memory_space<hbm>>) target_semaphore(%run_scoped3A : memref<!tpu.dma_semaphore, #tpu.memory_space<semaphore_mem>>)
        tpu.wait_dma2 semaphore(%run_scoped3A : memref<!tpu.dma_semaphore, #tpu.memory_space<semaphore_mem>>) src(%arg10 : memref<16xi32, #tpu.memory_space<vmem>>) dst(%arg5 : memref<16xi32, #tpu.memory_space<hbm>>)
        tpu.yield
      }) : () -> ()
    } else {
    }
    %dma_start3A = arith.constant 0 : i32
    %dma_start3A_831 = tpu.memref_slice %arg3[%mul3A_2, %dma_start3A] : memref<8192x1024xf32, #tpu.memory_space<hbm>> -> memref<32x1024xf32, #tpu.memory_space<hbm>>
    %dma_start3A_832 = arith.constant 0 : i32
    %dma_start3A_833 = tpu.memref_slice %arg3[%mul3A_2, %dma_start3A_832] : memref<8192x1024xf32, #tpu.memory_space<hbm>> -> memref<32x1024xf32, #tpu.memory_space<hbm>>
    tpu.enqueue_dma source(%dma_start3A_833 : memref<32x1024xf32, #tpu.memory_space<hbm>>) target(%arg11 : memref<32x1024xf32, #tpu.memory_space<vmem>>) target_semaphore(%arg13 : memref<!tpu.dma_semaphore, #tpu.memory_space<semaphore_mem>>)
    %dma_wait3A = arith.constant 0 : i32
    %dma_wait3A_834 = tpu.memref_slice %arg3[%mul3A_2, %dma_wait3A] : memref<8192x1024xf32, #tpu.memory_space<hbm>> -> memref<32x1024xf32, #tpu.memory_space<hbm>>
    %dma_wait3A_835 = arith.constant 0 : i32
    %dma_wait3A_836 = tpu.memref_slice %arg3[%mul3A_2, %dma_wait3A_835] : memref<8192x1024xf32, #tpu.memory_space<hbm>> -> memref<32x1024xf32, #tpu.memory_space<hbm>>
    tpu.wait_dma2 semaphore(%arg13 : memref<!tpu.dma_semaphore, #tpu.memory_space<semaphore_mem>>) src(%dma_wait3A_836 : memref<32x1024xf32, #tpu.memory_space<hbm>>) dst(%arg11 : memref<32x1024xf32, #tpu.memory_space<vmem>>)
    %add3A_837 = arith.constant 32 : i32
    %add3A_838 = arith.addi %mul3A_2, %add3A_837 : i32
    %dma_start3A_839 = arith.constant 0 : i32
    %dma_start3A_840 = tpu.memref_slice %arg3[%add3A_838, %dma_start3A_839] : memref<8192x1024xf32, #tpu.memory_space<hbm>> -> memref<32x1024xf32, #tpu.memory_space<hbm>>
    %dma_start3A_841 = arith.constant 0 : i32
    %dma_start3A_842 = tpu.memref_slice %arg3[%add3A_838, %dma_start3A_841] : memref<8192x1024xf32, #tpu.memory_space<hbm>> -> memref<32x1024xf32, #tpu.memory_space<hbm>>
    tpu.enqueue_dma source(%dma_start3A_842 : memref<32x1024xf32, #tpu.memory_space<hbm>>) target(%arg12 : memref<32x1024xf32, #tpu.memory_space<vmem>>) target_semaphore(%arg14 : memref<!tpu.dma_semaphore, #tpu.memory_space<semaphore_mem>>)
    %dma_start3A_843 = arith.constant 0 : i32
    %dma_start3A_844 = arith.constant 0 : i32
    %dma_start3A_845 = tpu.memref_slice %arg9[%dma_start3A_843, %dma_start3A_844] : memref<8x32xi32, #tpu.memory_space<vmem>> -> memref<1x32xi32, #tpu.memory_space<vmem>>
    %dma_start3A_846 = tpu.memref_squeeze %dma_start3A_845 : memref<1x32xi32, #tpu.memory_space<vmem>> -> memref<32xi32, #tpu.memory_space<vmem>>
    %dma_start3A_847 = arith.constant 0 : i32
    %dma_start3A_848 = arith.constant 0 : i32
    %dma_start3A_849 = tpu.memref_slice %arg6[%dma_start3A_847, %dma_start3A_848] : memref<8192x1024xf32, #tpu.memory_space<hbm>> -> memref<8192x1024xf32, #tpu.memory_space<hbm>>
    tpu.enqueue_indirect_dma source(%arg11 : memref<32x1024xf32, #tpu.memory_space<vmem>>) target(%dma_start3A_849 : memref<8192x1024xf32, #tpu.memory_space<hbm>>) offsets(%dma_start3A_846 : memref<32xi32, #tpu.memory_space<vmem>>) semaphore(%arg15 : memref<!tpu.dma_semaphore, #tpu.memory_space<semaphore_mem>>)
    %dma_wait3A_850 = arith.constant 0 : i32
    %dma_wait3A_851 = tpu.memref_slice %arg3[%add3A_838, %dma_wait3A_850] : memref<8192x1024xf32, #tpu.memory_space<hbm>> -> memref<32x1024xf32, #tpu.memory_space<hbm>>
    %dma_wait3A_852 = arith.constant 0 : i32
    %dma_wait3A_853 = tpu.memref_slice %arg3[%add3A_838, %dma_wait3A_852] : memref<8192x1024xf32, #tpu.memory_space<hbm>> -> memref<32x1024xf32, #tpu.memory_space<hbm>>
    tpu.wait_dma2 semaphore(%arg14 : memref<!tpu.dma_semaphore, #tpu.memory_space<semaphore_mem>>) src(%dma_wait3A_853 : memref<32x1024xf32, #tpu.memory_space<hbm>>) dst(%arg12 : memref<32x1024xf32, #tpu.memory_space<vmem>>)
    %dma_wait3A_854 = arith.constant 0 : i32
    %dma_wait3A_855 = arith.constant 0 : i32
    %dma_wait3A_856 = tpu.memref_slice %arg9[%dma_wait3A_854, %dma_wait3A_855] : memref<8x32xi32, #tpu.memory_space<vmem>> -> memref<1x32xi32, #tpu.memory_space<vmem>>
    %dma_wait3A_857 = tpu.memref_squeeze %dma_wait3A_856 : memref<1x32xi32, #tpu.memory_space<vmem>> -> memref<32xi32, #tpu.memory_space<vmem>>
    %dma_wait3A_858 = arith.constant 0 : i32
    %dma_wait3A_859 = arith.constant 0 : i32
    %dma_wait3A_860 = tpu.memref_slice %arg6[%dma_wait3A_858, %dma_wait3A_859] : memref<8192x1024xf32, #tpu.memory_space<hbm>> -> memref<8192x1024xf32, #tpu.memory_space<hbm>>
    tpu.wait_indirect_dma semaphore(%arg15 : memref<!tpu.dma_semaphore, #tpu.memory_space<semaphore_mem>>) src(%arg11 : memref<32x1024xf32, #tpu.memory_space<vmem>>) dst(%dma_wait3A_860 : memref<8192x1024xf32, #tpu.memory_space<hbm>>)
    %add3A_861 = arith.constant 64 : i32
    %add3A_862 = arith.addi %mul3A_2, %add3A_861 : i32
    %dma_start3A_863 = arith.constant 0 : i32
    %dma_start3A_864 = tpu.memref_slice %arg3[%add3A_862, %dma_start3A_863] : memref<8192x1024xf32, #tpu.memory_space<hbm>> -> memref<32x1024xf32, #tpu.memory_space<hbm>>
    %dma_start3A_865 = arith.constant 0 : i32
    %dma_start3A_866 = tpu.memref_slice %arg3[%add3A_862, %dma_start3A_865] : memref<8192x1024xf32, #tpu.memory_space<hbm>> -> memref<32x1024xf32, #tpu.memory_space<hbm>>
    tpu.enqueue_dma source(%dma_start3A_866 : memref<32x1024xf32, #tpu.memory_space<hbm>>) target(%arg11 : memref<32x1024xf32, #tpu.memory_space<vmem>>) target_semaphore(%arg13 : memref<!tpu.dma_semaphore, #tpu.memory_space<semaphore_mem>>)
    %dma_start3A_867 = arith.constant 1 : i32
    %dma_start3A_868 = arith.constant 0 : i32
    %dma_start3A_869 = tpu.memref_slice %arg9[%dma_start3A_867, %dma_start3A_868] : memref<8x32xi32, #tpu.memory_space<vmem>> -> memref<1x32xi32, #tpu.memory_space<vmem>>
    %dma_start3A_870 = tpu.memref_squeeze %dma_start3A_869 : memref<1x32xi32, #tpu.memory_space<vmem>> -> memref<32xi32, #tpu.memory_space<vmem>>
    %dma_start3A_871 = arith.constant 0 : i32
    %dma_start3A_872 = arith.constant 0 : i32
    %dma_start3A_873 = tpu.memref_slice %arg6[%dma_start3A_871, %dma_start3A_872] : memref<8192x1024xf32, #tpu.memory_space<hbm>> -> memref<8192x1024xf32, #tpu.memory_space<hbm>>
    tpu.enqueue_indirect_dma source(%arg12 : memref<32x1024xf32, #tpu.memory_space<vmem>>) target(%dma_start3A_873 : memref<8192x1024xf32, #tpu.memory_space<hbm>>) offsets(%dma_start3A_870 : memref<32xi32, #tpu.memory_space<vmem>>) semaphore(%arg16 : memref<!tpu.dma_semaphore, #tpu.memory_space<semaphore_mem>>)
    %dma_wait3A_874 = arith.constant 0 : i32
    %dma_wait3A_875 = tpu.memref_slice %arg3[%add3A_862, %dma_wait3A_874] : memref<8192x1024xf32, #tpu.memory_space<hbm>> -> memref<32x1024xf32, #tpu.memory_space<hbm>>
    %dma_wait3A_876 = arith.constant 0 : i32
    %dma_wait3A_877 = tpu.memref_slice %arg3[%add3A_862, %dma_wait3A_876] : memref<8192x1024xf32, #tpu.memory_space<hbm>> -> memref<32x1024xf32, #tpu.memory_space<hbm>>
    tpu.wait_dma2 semaphore(%arg13 : memref<!tpu.dma_semaphore, #tpu.memory_space<semaphore_mem>>) src(%dma_wait3A_877 : memref<32x1024xf32, #tpu.memory_space<hbm>>) dst(%arg11 : memref<32x1024xf32, #tpu.memory_space<vmem>>)
    %dma_wait3A_878 = arith.constant 1 : i32
    %dma_wait3A_879 = arith.constant 0 : i32
    %dma_wait3A_880 = tpu.memref_slice %arg9[%dma_wait3A_878, %dma_wait3A_879] : memref<8x32xi32, #tpu.memory_space<vmem>> -> memref<1x32xi32, #tpu.memory_space<vmem>>
    %dma_wait3A_881 = tpu.memref_squeeze %dma_wait3A_880 : memref<1x32xi32, #tpu.memory_space<vmem>> -> memref<32xi32, #tpu.memory_space<vmem>>
    %dma_wait3A_882 = arith.constant 0 : i32
    %dma_wait3A_883 = arith.constant 0 : i32
    %dma_wait3A_884 = tpu.memref_slice %arg6[%dma_wait3A_882, %dma_wait3A_883] : memref<8192x1024xf32, #tpu.memory_space<hbm>> -> memref<8192x1024xf32, #tpu.memory_space<hbm>>
    tpu.wait_indirect_dma semaphore(%arg16 : memref<!tpu.dma_semaphore, #tpu.memory_space<semaphore_mem>>) src(%arg12 : memref<32x1024xf32, #tpu.memory_space<vmem>>) dst(%dma_wait3A_884 : memref<8192x1024xf32, #tpu.memory_space<hbm>>)
    %add3A_885 = arith.constant 96 : i32
    %add3A_886 = arith.addi %mul3A_2, %add3A_885 : i32
    %dma_start3A_887 = arith.constant 0 : i32
    %dma_start3A_888 = tpu.memref_slice %arg3[%add3A_886, %dma_start3A_887] : memref<8192x1024xf32, #tpu.memory_space<hbm>> -> memref<32x1024xf32, #tpu.memory_space<hbm>>
    %dma_start3A_889 = arith.constant 0 : i32
    %dma_start3A_890 = tpu.memref_slice %arg3[%add3A_886, %dma_start3A_889] : memref<8192x1024xf32, #tpu.memory_space<hbm>> -> memref<32x1024xf32, #tpu.memory_space<hbm>>
    tpu.enqueue_dma source(%dma_start3A_890 : memref<32x1024xf32, #tpu.memory_space<hbm>>) target(%arg12 : memref<32x1024xf32, #tpu.memory_space<vmem>>) target_semaphore(%arg14 : memref<!tpu.dma_semaphore, #tpu.memory_space<semaphore_mem>>)
    %dma_start3A_891 = arith.constant 2 : i32
    %dma_start3A_892 = arith.constant 0 : i32
    %dma_start3A_893 = tpu.memref_slice %arg9[%dma_start3A_891, %dma_start3A_892] : memref<8x32xi32, #tpu.memory_space<vmem>> -> memref<1x32xi32, #tpu.memory_space<vmem>>
    %dma_start3A_894 = tpu.memref_squeeze %dma_start3A_893 : memref<1x32xi32, #tpu.memory_space<vmem>> -> memref<32xi32, #tpu.memory_space<vmem>>
    %dma_start3A_895 = arith.constant 0 : i32
    %dma_start3A_896 = arith.constant 0 : i32
    %dma_start3A_897 = tpu.memref_slice %arg6[%dma_start3A_895, %dma_start3A_896] : memref<8192x1024xf32, #tpu.memory_space<hbm>> -> memref<8192x1024xf32, #tpu.memory_space<hbm>>
    tpu.enqueue_indirect_dma source(%arg11 : memref<32x1024xf32, #tpu.memory_space<vmem>>) target(%dma_start3A_897 : memref<8192x1024xf32, #tpu.memory_space<hbm>>) offsets(%dma_start3A_894 : memref<32xi32, #tpu.memory_space<vmem>>) semaphore(%arg15 : memref<!tpu.dma_semaphore, #tpu.memory_space<semaphore_mem>>)
    %dma_wait3A_898 = arith.constant 0 : i32
    %dma_wait3A_899 = tpu.memref_slice %arg3[%add3A_886, %dma_wait3A_898] : memref<8192x1024xf32, #tpu.memory_space<hbm>> -> memref<32x1024xf32, #tpu.memory_space<hbm>>
    %dma_wait3A_900 = arith.constant 0 : i32
    %dma_wait3A_901 = tpu.memref_slice %arg3[%add3A_886, %dma_wait3A_900] : memref<8192x1024xf32, #tpu.memory_space<hbm>> -> memref<32x1024xf32, #tpu.memory_space<hbm>>
    tpu.wait_dma2 semaphore(%arg14 : memref<!tpu.dma_semaphore, #tpu.memory_space<semaphore_mem>>) src(%dma_wait3A_901 : memref<32x1024xf32, #tpu.memory_space<hbm>>) dst(%arg12 : memref<32x1024xf32, #tpu.memory_space<vmem>>)
    %dma_wait3A_902 = arith.constant 2 : i32
    %dma_wait3A_903 = arith.constant 0 : i32
    %dma_wait3A_904 = tpu.memref_slice %arg9[%dma_wait3A_902, %dma_wait3A_903] : memref<8x32xi32, #tpu.memory_space<vmem>> -> memref<1x32xi32, #tpu.memory_space<vmem>>
    %dma_wait3A_905 = tpu.memref_squeeze %dma_wait3A_904 : memref<1x32xi32, #tpu.memory_space<vmem>> -> memref<32xi32, #tpu.memory_space<vmem>>
    %dma_wait3A_906 = arith.constant 0 : i32
    %dma_wait3A_907 = arith.constant 0 : i32
    %dma_wait3A_908 = tpu.memref_slice %arg6[%dma_wait3A_906, %dma_wait3A_907] : memref<8192x1024xf32, #tpu.memory_space<hbm>> -> memref<8192x1024xf32, #tpu.memory_space<hbm>>
    tpu.wait_indirect_dma semaphore(%arg15 : memref<!tpu.dma_semaphore, #tpu.memory_space<semaphore_mem>>) src(%arg11 : memref<32x1024xf32, #tpu.memory_space<vmem>>) dst(%dma_wait3A_908 : memref<8192x1024xf32, #tpu.memory_space<hbm>>)
    %add3A_909 = arith.constant 128 : i32
    %add3A_910 = arith.addi %mul3A_2, %add3A_909 : i32
    %dma_start3A_911 = arith.constant 0 : i32
    %dma_start3A_912 = tpu.memref_slice %arg3[%add3A_910, %dma_start3A_911] : memref<8192x1024xf32, #tpu.memory_space<hbm>> -> memref<32x1024xf32, #tpu.memory_space<hbm>>
    %dma_start3A_913 = arith.constant 0 : i32
    %dma_start3A_914 = tpu.memref_slice %arg3[%add3A_910, %dma_start3A_913] : memref<8192x1024xf32, #tpu.memory_space<hbm>> -> memref<32x1024xf32, #tpu.memory_space<hbm>>
    tpu.enqueue_dma source(%dma_start3A_914 : memref<32x1024xf32, #tpu.memory_space<hbm>>) target(%arg11 : memref<32x1024xf32, #tpu.memory_space<vmem>>) target_semaphore(%arg13 : memref<!tpu.dma_semaphore, #tpu.memory_space<semaphore_mem>>)
    %dma_start3A_915 = arith.constant 3 : i32
    %dma_start3A_916 = arith.constant 0 : i32
    %dma_start3A_917 = tpu.memref_slice %arg9[%dma_start3A_915, %dma_start3A_916] : memref<8x32xi32, #tpu.memory_space<vmem>> -> memref<1x32xi32, #tpu.memory_space<vmem>>
    %dma_start3A_918 = tpu.memref_squeeze %dma_start3A_917 : memref<1x32xi32, #tpu.memory_space<vmem>> -> memref<32xi32, #tpu.memory_space<vmem>>
    %dma_start3A_919 = arith.constant 0 : i32
    %dma_start3A_920 = arith.constant 0 : i32
    %dma_start3A_921 = tpu.memref_slice %arg6[%dma_start3A_919, %dma_start3A_920] : memref<8192x1024xf32, #tpu.memory_space<hbm>> -> memref<8192x1024xf32, #tpu.memory_space<hbm>>
    tpu.enqueue_indirect_dma source(%arg12 : memref<32x1024xf32, #tpu.memory_space<vmem>>) target(%dma_start3A_921 : memref<8192x1024xf32, #tpu.memory_space<hbm>>) offsets(%dma_start3A_918 : memref<32xi32, #tpu.memory_space<vmem>>) semaphore(%arg16 : memref<!tpu.dma_semaphore, #tpu.memory_space<semaphore_mem>>)
    %dma_wait3A_922 = arith.constant 0 : i32
    %dma_wait3A_923 = tpu.memref_slice %arg3[%add3A_910, %dma_wait3A_922] : memref<8192x1024xf32, #tpu.memory_space<hbm>> -> memref<32x1024xf32, #tpu.memory_space<hbm>>
    %dma_wait3A_924 = arith.constant 0 : i32
    %dma_wait3A_925 = tpu.memref_slice %arg3[%add3A_910, %dma_wait3A_924] : memref<8192x1024xf32, #tpu.memory_space<hbm>> -> memref<32x1024xf32, #tpu.memory_space<hbm>>
    tpu.wait_dma2 semaphore(%arg13 : memref<!tpu.dma_semaphore, #tpu.memory_space<semaphore_mem>>) src(%dma_wait3A_925 : memref<32x1024xf32, #tpu.memory_space<hbm>>) dst(%arg11 : memref<32x1024xf32, #tpu.memory_space<vmem>>)
    %dma_wait3A_926 = arith.constant 3 : i32
    %dma_wait3A_927 = arith.constant 0 : i32
    %dma_wait3A_928 = tpu.memref_slice %arg9[%dma_wait3A_926, %dma_wait3A_927] : memref<8x32xi32, #tpu.memory_space<vmem>> -> memref<1x32xi32, #tpu.memory_space<vmem>>
    %dma_wait3A_929 = tpu.memref_squeeze %dma_wait3A_928 : memref<1x32xi32, #tpu.memory_space<vmem>> -> memref<32xi32, #tpu.memory_space<vmem>>
    %dma_wait3A_930 = arith.constant 0 : i32
    %dma_wait3A_931 = arith.constant 0 : i32
    %dma_wait3A_932 = tpu.memref_slice %arg6[%dma_wait3A_930, %dma_wait3A_931] : memref<8192x1024xf32, #tpu.memory_space<hbm>> -> memref<8192x1024xf32, #tpu.memory_space<hbm>>
    tpu.wait_indirect_dma semaphore(%arg16 : memref<!tpu.dma_semaphore, #tpu.memory_space<semaphore_mem>>) src(%arg12 : memref<32x1024xf32, #tpu.memory_space<vmem>>) dst(%dma_wait3A_932 : memref<8192x1024xf32, #tpu.memory_space<hbm>>)
    %add3A_933 = arith.constant 160 : i32
    %add3A_934 = arith.addi %mul3A_2, %add3A_933 : i32
    %dma_start3A_935 = arith.constant 0 : i32
    %dma_start3A_936 = tpu.memref_slice %arg3[%add3A_934, %dma_start3A_935] : memref<8192x1024xf32, #tpu.memory_space<hbm>> -> memref<32x1024xf32, #tpu.memory_space<hbm>>
    %dma_start3A_937 = arith.constant 0 : i32
    %dma_start3A_938 = tpu.memref_slice %arg3[%add3A_934, %dma_start3A_937] : memref<8192x1024xf32, #tpu.memory_space<hbm>> -> memref<32x1024xf32, #tpu.memory_space<hbm>>
    tpu.enqueue_dma source(%dma_start3A_938 : memref<32x1024xf32, #tpu.memory_space<hbm>>) target(%arg12 : memref<32x1024xf32, #tpu.memory_space<vmem>>) target_semaphore(%arg14 : memref<!tpu.dma_semaphore, #tpu.memory_space<semaphore_mem>>)
    %dma_start3A_939 = arith.constant 4 : i32
    %dma_start3A_940 = arith.constant 0 : i32
    %dma_start3A_941 = tpu.memref_slice %arg9[%dma_start3A_939, %dma_start3A_940] : memref<8x32xi32, #tpu.memory_space<vmem>> -> memref<1x32xi32, #tpu.memory_space<vmem>>
    %dma_start3A_942 = tpu.memref_squeeze %dma_start3A_941 : memref<1x32xi32, #tpu.memory_space<vmem>> -> memref<32xi32, #tpu.memory_space<vmem>>
    %dma_start3A_943 = arith.constant 0 : i32
    %dma_start3A_944 = arith.constant 0 : i32
    %dma_start3A_945 = tpu.memref_slice %arg6[%dma_start3A_943, %dma_start3A_944] : memref<8192x1024xf32, #tpu.memory_space<hbm>> -> memref<8192x1024xf32, #tpu.memory_space<hbm>>
    tpu.enqueue_indirect_dma source(%arg11 : memref<32x1024xf32, #tpu.memory_space<vmem>>) target(%dma_start3A_945 : memref<8192x1024xf32, #tpu.memory_space<hbm>>) offsets(%dma_start3A_942 : memref<32xi32, #tpu.memory_space<vmem>>) semaphore(%arg15 : memref<!tpu.dma_semaphore, #tpu.memory_space<semaphore_mem>>)
    %dma_wait3A_946 = arith.constant 0 : i32
    %dma_wait3A_947 = tpu.memref_slice %arg3[%add3A_934, %dma_wait3A_946] : memref<8192x1024xf32, #tpu.memory_space<hbm>> -> memref<32x1024xf32, #tpu.memory_space<hbm>>
    %dma_wait3A_948 = arith.constant 0 : i32
    %dma_wait3A_949 = tpu.memref_slice %arg3[%add3A_934, %dma_wait3A_948] : memref<8192x1024xf32, #tpu.memory_space<hbm>> -> memref<32x1024xf32, #tpu.memory_space<hbm>>
    tpu.wait_dma2 semaphore(%arg14 : memref<!tpu.dma_semaphore, #tpu.memory_space<semaphore_mem>>) src(%dma_wait3A_949 : memref<32x1024xf32, #tpu.memory_space<hbm>>) dst(%arg12 : memref<32x1024xf32, #tpu.memory_space<vmem>>)
    %dma_wait3A_950 = arith.constant 4 : i32
    %dma_wait3A_951 = arith.constant 0 : i32
    %dma_wait3A_952 = tpu.memref_slice %arg9[%dma_wait3A_950, %dma_wait3A_951] : memref<8x32xi32, #tpu.memory_space<vmem>> -> memref<1x32xi32, #tpu.memory_space<vmem>>
    %dma_wait3A_953 = tpu.memref_squeeze %dma_wait3A_952 : memref<1x32xi32, #tpu.memory_space<vmem>> -> memref<32xi32, #tpu.memory_space<vmem>>
    %dma_wait3A_954 = arith.constant 0 : i32
    %dma_wait3A_955 = arith.constant 0 : i32
    %dma_wait3A_956 = tpu.memref_slice %arg6[%dma_wait3A_954, %dma_wait3A_955] : memref<8192x1024xf32, #tpu.memory_space<hbm>> -> memref<8192x1024xf32, #tpu.memory_space<hbm>>
    tpu.wait_indirect_dma semaphore(%arg15 : memref<!tpu.dma_semaphore, #tpu.memory_space<semaphore_mem>>) src(%arg11 : memref<32x1024xf32, #tpu.memory_space<vmem>>) dst(%dma_wait3A_956 : memref<8192x1024xf32, #tpu.memory_space<hbm>>)
    %add3A_957 = arith.constant 192 : i32
    %add3A_958 = arith.addi %mul3A_2, %add3A_957 : i32
    %dma_start3A_959 = arith.constant 0 : i32
    %dma_start3A_960 = tpu.memref_slice %arg3[%add3A_958, %dma_start3A_959] : memref<8192x1024xf32, #tpu.memory_space<hbm>> -> memref<32x1024xf32, #tpu.memory_space<hbm>>
    %dma_start3A_961 = arith.constant 0 : i32
    %dma_start3A_962 = tpu.memref_slice %arg3[%add3A_958, %dma_start3A_961] : memref<8192x1024xf32, #tpu.memory_space<hbm>> -> memref<32x1024xf32, #tpu.memory_space<hbm>>
    tpu.enqueue_dma source(%dma_start3A_962 : memref<32x1024xf32, #tpu.memory_space<hbm>>) target(%arg11 : memref<32x1024xf32, #tpu.memory_space<vmem>>) target_semaphore(%arg13 : memref<!tpu.dma_semaphore, #tpu.memory_space<semaphore_mem>>)
    %dma_start3A_963 = arith.constant 5 : i32
    %dma_start3A_964 = arith.constant 0 : i32
    %dma_start3A_965 = tpu.memref_slice %arg9[%dma_start3A_963, %dma_start3A_964] : memref<8x32xi32, #tpu.memory_space<vmem>> -> memref<1x32xi32, #tpu.memory_space<vmem>>
    %dma_start3A_966 = tpu.memref_squeeze %dma_start3A_965 : memref<1x32xi32, #tpu.memory_space<vmem>> -> memref<32xi32, #tpu.memory_space<vmem>>
    %dma_start3A_967 = arith.constant 0 : i32
    %dma_start3A_968 = arith.constant 0 : i32
    %dma_start3A_969 = tpu.memref_slice %arg6[%dma_start3A_967, %dma_start3A_968] : memref<8192x1024xf32, #tpu.memory_space<hbm>> -> memref<8192x1024xf32, #tpu.memory_space<hbm>>
    tpu.enqueue_indirect_dma source(%arg12 : memref<32x1024xf32, #tpu.memory_space<vmem>>) target(%dma_start3A_969 : memref<8192x1024xf32, #tpu.memory_space<hbm>>) offsets(%dma_start3A_966 : memref<32xi32, #tpu.memory_space<vmem>>) semaphore(%arg16 : memref<!tpu.dma_semaphore, #tpu.memory_space<semaphore_mem>>)
    %dma_wait3A_970 = arith.constant 0 : i32
    %dma_wait3A_971 = tpu.memref_slice %arg3[%add3A_958, %dma_wait3A_970] : memref<8192x1024xf32, #tpu.memory_space<hbm>> -> memref<32x1024xf32, #tpu.memory_space<hbm>>
    %dma_wait3A_972 = arith.constant 0 : i32
    %dma_wait3A_973 = tpu.memref_slice %arg3[%add3A_958, %dma_wait3A_972] : memref<8192x1024xf32, #tpu.memory_space<hbm>> -> memref<32x1024xf32, #tpu.memory_space<hbm>>
    tpu.wait_dma2 semaphore(%arg13 : memref<!tpu.dma_semaphore, #tpu.memory_space<semaphore_mem>>) src(%dma_wait3A_973 : memref<32x1024xf32, #tpu.memory_space<hbm>>) dst(%arg11 : memref<32x1024xf32, #tpu.memory_space<vmem>>)
    %dma_wait3A_974 = arith.constant 5 : i32
    %dma_wait3A_975 = arith.constant 0 : i32
    %dma_wait3A_976 = tpu.memref_slice %arg9[%dma_wait3A_974, %dma_wait3A_975] : memref<8x32xi32, #tpu.memory_space<vmem>> -> memref<1x32xi32, #tpu.memory_space<vmem>>
    %dma_wait3A_977 = tpu.memref_squeeze %dma_wait3A_976 : memref<1x32xi32, #tpu.memory_space<vmem>> -> memref<32xi32, #tpu.memory_space<vmem>>
    %dma_wait3A_978 = arith.constant 0 : i32
    %dma_wait3A_979 = arith.constant 0 : i32
    %dma_wait3A_980 = tpu.memref_slice %arg6[%dma_wait3A_978, %dma_wait3A_979] : memref<8192x1024xf32, #tpu.memory_space<hbm>> -> memref<8192x1024xf32, #tpu.memory_space<hbm>>
    tpu.wait_indirect_dma semaphore(%arg16 : memref<!tpu.dma_semaphore, #tpu.memory_space<semaphore_mem>>) src(%arg12 : memref<32x1024xf32, #tpu.memory_space<vmem>>) dst(%dma_wait3A_980 : memref<8192x1024xf32, #tpu.memory_space<hbm>>)
    %add3A_981 = arith.constant 224 : i32
    %add3A_982 = arith.addi %mul3A_2, %add3A_981 : i32
    %dma_start3A_983 = arith.constant 0 : i32
    %dma_start3A_984 = tpu.memref_slice %arg3[%add3A_982, %dma_start3A_983] : memref<8192x1024xf32, #tpu.memory_space<hbm>> -> memref<32x1024xf32, #tpu.memory_space<hbm>>
    %dma_start3A_985 = arith.constant 0 : i32
    %dma_start3A_986 = tpu.memref_slice %arg3[%add3A_982, %dma_start3A_985] : memref<8192x1024xf32, #tpu.memory_space<hbm>> -> memref<32x1024xf32, #tpu.memory_space<hbm>>
    tpu.enqueue_dma source(%dma_start3A_986 : memref<32x1024xf32, #tpu.memory_space<hbm>>) target(%arg12 : memref<32x1024xf32, #tpu.memory_space<vmem>>) target_semaphore(%arg14 : memref<!tpu.dma_semaphore, #tpu.memory_space<semaphore_mem>>)
    %dma_start3A_987 = arith.constant 6 : i32
    %dma_start3A_988 = arith.constant 0 : i32
    %dma_start3A_989 = tpu.memref_slice %arg9[%dma_start3A_987, %dma_start3A_988] : memref<8x32xi32, #tpu.memory_space<vmem>> -> memref<1x32xi32, #tpu.memory_space<vmem>>
    %dma_start3A_990 = tpu.memref_squeeze %dma_start3A_989 : memref<1x32xi32, #tpu.memory_space<vmem>> -> memref<32xi32, #tpu.memory_space<vmem>>
    %dma_start3A_991 = arith.constant 0 : i32
    %dma_start3A_992 = arith.constant 0 : i32
    %dma_start3A_993 = tpu.memref_slice %arg6[%dma_start3A_991, %dma_start3A_992] : memref<8192x1024xf32, #tpu.memory_space<hbm>> -> memref<8192x1024xf32, #tpu.memory_space<hbm>>
    tpu.enqueue_indirect_dma source(%arg11 : memref<32x1024xf32, #tpu.memory_space<vmem>>) target(%dma_start3A_993 : memref<8192x1024xf32, #tpu.memory_space<hbm>>) offsets(%dma_start3A_990 : memref<32xi32, #tpu.memory_space<vmem>>) semaphore(%arg15 : memref<!tpu.dma_semaphore, #tpu.memory_space<semaphore_mem>>)
    %dma_wait3A_994 = arith.constant 0 : i32
    %dma_wait3A_995 = tpu.memref_slice %arg3[%add3A_982, %dma_wait3A_994] : memref<8192x1024xf32, #tpu.memory_space<hbm>> -> memref<32x1024xf32, #tpu.memory_space<hbm>>
    %dma_wait3A_996 = arith.constant 0 : i32
    %dma_wait3A_997 = tpu.memref_slice %arg3[%add3A_982, %dma_wait3A_996] : memref<8192x1024xf32, #tpu.memory_space<hbm>> -> memref<32x1024xf32, #tpu.memory_space<hbm>>
    tpu.wait_dma2 semaphore(%arg14 : memref<!tpu.dma_semaphore, #tpu.memory_space<semaphore_mem>>) src(%dma_wait3A_997 : memref<32x1024xf32, #tpu.memory_space<hbm>>) dst(%arg12 : memref<32x1024xf32, #tpu.memory_space<vmem>>)
    %dma_start3A_998 = arith.constant 7 : i32
    %dma_start3A_999 = arith.constant 0 : i32
    %dma_start3A_1000 = tpu.memref_slice %arg9[%dma_start3A_998, %dma_start3A_999] : memref<8x32xi32, #tpu.memory_space<vmem>> -> memref<1x32xi32, #tpu.memory_space<vmem>>
    %dma_start3A_1001 = tpu.memref_squeeze %dma_start3A_1000 : memref<1x32xi32, #tpu.memory_space<vmem>> -> memref<32xi32, #tpu.memory_space<vmem>>
    %dma_start3A_1002 = arith.constant 0 : i32
    %dma_start3A_1003 = arith.constant 0 : i32
    %dma_start3A_1004 = tpu.memref_slice %arg6[%dma_start3A_1002, %dma_start3A_1003] : memref<8192x1024xf32, #tpu.memory_space<hbm>> -> memref<8192x1024xf32, #tpu.memory_space<hbm>>
    tpu.enqueue_indirect_dma source(%arg12 : memref<32x1024xf32, #tpu.memory_space<vmem>>) target(%dma_start3A_1004 : memref<8192x1024xf32, #tpu.memory_space<hbm>>) offsets(%dma_start3A_1001 : memref<32xi32, #tpu.memory_space<vmem>>) semaphore(%arg16 : memref<!tpu.dma_semaphore, #tpu.memory_space<semaphore_mem>>)
    %dma_wait3A_1005 = arith.constant 6 : i32
    %dma_wait3A_1006 = arith.constant 0 : i32
    %dma_wait3A_1007 = tpu.memref_slice %arg9[%dma_wait3A_1005, %dma_wait3A_1006] : memref<8x32xi32, #tpu.memory_space<vmem>> -> memref<1x32xi32, #tpu.memory_space<vmem>>
    %dma_wait3A_1008 = tpu.memref_squeeze %dma_wait3A_1007 : memref<1x32xi32, #tpu.memory_space<vmem>> -> memref<32xi32, #tpu.memory_space<vmem>>
    %dma_wait3A_1009 = arith.constant 0 : i32
    %dma_wait3A_1010 = arith.constant 0 : i32
    %dma_wait3A_1011 = tpu.memref_slice %arg6[%dma_wait3A_1009, %dma_wait3A_1010] : memref<8192x1024xf32, #tpu.memory_space<hbm>> -> memref<8192x1024xf32, #tpu.memory_space<hbm>>
    tpu.wait_indirect_dma semaphore(%arg15 : memref<!tpu.dma_semaphore, #tpu.memory_space<semaphore_mem>>) src(%arg11 : memref<32x1024xf32, #tpu.memory_space<vmem>>) dst(%dma_wait3A_1011 : memref<8192x1024xf32, #tpu.memory_space<hbm>>)
    %dma_wait3A_1012 = arith.constant 7 : i32
    %dma_wait3A_1013 = arith.constant 0 : i32
    %dma_wait3A_1014 = tpu.memref_slice %arg9[%dma_wait3A_1012, %dma_wait3A_1013] : memref<8x32xi32, #tpu.memory_space<vmem>> -> memref<1x32xi32, #tpu.memory_space<vmem>>
    %dma_wait3A_1015 = tpu.memref_squeeze %dma_wait3A_1014 : memref<1x32xi32, #tpu.memory_space<vmem>> -> memref<32xi32, #tpu.memory_space<vmem>>
    %dma_wait3A_1016 = arith.constant 0 : i32
    %dma_wait3A_1017 = arith.constant 0 : i32
    %dma_wait3A_1018 = tpu.memref_slice %arg6[%dma_wait3A_1016, %dma_wait3A_1017] : memref<8192x1024xf32, #tpu.memory_space<hbm>> -> memref<8192x1024xf32, #tpu.memory_space<hbm>>
    tpu.wait_indirect_dma semaphore(%arg16 : memref<!tpu.dma_semaphore, #tpu.memory_space<semaphore_mem>>) src(%arg12 : memref<32x1024xf32, #tpu.memory_space<vmem>>) dst(%dma_wait3A_1018 : memref<8192x1024xf32, #tpu.memory_space<hbm>>)
    return
  }
}

module attributes {stable_mosaic.version = 14 : i64} {
  func.func @_quant_body(%arg0: i32, %arg1: memref<1024x1024xf32, #tpu.memory_space<vmem>>, %arg2: memref<1024x1024xf32, #tpu.memory_space<vmem>>, %arg3: memref<1024x1024xbf16, #tpu.memory_space<vmem>>, %arg4: memref<1024x1024xbf16, #tpu.memory_space<vmem>>) attributes {dimension_semantics = [#tpu.dimension_semantics<arbitrary>], iteration_bounds = array<i64: 4>, scalar_prefetch = 0 : i64, scratch_operands = 0 : i64, tpu.core_type = #tpu.core_type<tc>, window_params = [{transform_indices = @transform_0, window_bounds = array<i64: 1024, 1024>}, {transform_indices = @transform_1, window_bounds = array<i64: 1024, 1024>}, {transform_indices = @transform_2, window_bounds = array<i64: 1024, 1024>}, {transform_indices = @transform_3, window_bounds = array<i64: 1024, 1024>}]} {
    %get3A = arith.constant 0 : index
    %get3A_0 = arith.constant 0 : index
    %get3A_1 = vector.load %arg1[%get3A, %get3A_0] : memref<1024x1024xf32, #tpu.memory_space<vmem>>, vector<1024x1024xf32>
    %abs3A = math.absf %get3A_1 : vector<1024x1024xf32>
    %bitcast_convert_type3A = tpu.bitcast %abs3A : vector<1024x1024xf32> -> vector<1024x1024xi32>
    %shift_right_arithmetic3A = arith.constant 23 : i32
    %shift_right_arithmetic3A_2 = vector.broadcast %shift_right_arithmetic3A : i32 to vector<1024x1024xi32>
    %shift_right_arithmetic3A_3 = arith.shrsi %bitcast_convert_type3A, %shift_right_arithmetic3A_2 : vector<1024x1024xi32>
    %sub3A = arith.constant 127 : i32
    %sub3A_4 = vector.broadcast %sub3A : i32 to vector<1024x1024xi32>
    %sub3A_5 = arith.subi %shift_right_arithmetic3A_3, %sub3A_4 : vector<1024x1024xi32>
    %and3A = arith.constant 8388607 : i32
    %and3A_6 = vector.broadcast %and3A : i32 to vector<1024x1024xi32>
    %and3A_7 = arith.andi %bitcast_convert_type3A, %and3A_6 : vector<1024x1024xi32>
    %ge3A = arith.constant 3474675 : i32
    %ge3A_8 = vector.broadcast %ge3A : i32 to vector<1024x1024xi32>
    %ge3A_9 = arith.cmpi sge, %and3A_7, %ge3A_8 : vector<1024x1024xi32>
    %jit3A = arith.constant 1 : i32
    %jit3A_10 = arith.constant 0 : i32
    %broadcast_in_dim3A = vector.broadcast %jit3A : i32 to vector<1024x1024xi32>
    %broadcast_in_dim3A_11 = vector.broadcast %jit3A_10 : i32 to vector<1024x1024xi32>
    %select_n3A = arith.select %ge3A_9, %broadcast_in_dim3A, %broadcast_in_dim3A_11 : vector<1024x1024xi1>, vector<1024x1024xi32>
    %add3A = arith.addi %sub3A_5, %select_n3A : vector<1024x1024xi32>
    %jit3A_12 = arith.constant -14 : i32
    %jit3A_13 = arith.constant 0 : i32
    %max3A = vector.broadcast %jit3A_12 : i32 to vector<1024x1024xi32>
    %max3A_14 = arith.maxsi %max3A, %add3A : vector<1024x1024xi32>
    %min3A = vector.broadcast %jit3A_13 : i32 to vector<1024x1024xi32>
    %min3A_15 = arith.minsi %min3A, %max3A_14 : vector<1024x1024xi32>
    %add3A_16 = arith.constant 127 : i32
    %add3A_17 = vector.broadcast %add3A_16 : i32 to vector<1024x1024xi32>
    %add3A_18 = arith.addi %min3A_15, %add3A_17 : vector<1024x1024xi32>
    %shift_left3A = arith.constant 23 : i32
    %shift_left3A_19 = vector.broadcast %shift_left3A : i32 to vector<1024x1024xi32>
    %shift_left3A_20 = arith.shli %add3A_18, %shift_left3A_19 : vector<1024x1024xi32>
    %bitcast_convert_type3A_21 = tpu.bitcast %shift_left3A_20 : vector<1024x1024xi32> -> vector<1024x1024xf32>
    %sign3A = tpu.bitcast %get3A_1 : vector<1024x1024xf32> -> vector<1024x1024xi32>
    %sign3A_22 = arith.constant -2147483648 : i32
    %sign3A_23 = vector.broadcast %sign3A_22 : i32 to vector<1024x1024xi32>
    %sign3A_24 = arith.andi %sign3A, %sign3A_23 : vector<1024x1024xi32>
    %sign3A_25 = arith.constant 1065353216 : i32
    %sign3A_26 = vector.broadcast %sign3A_25 : i32 to vector<1024x1024xi32>
    %sign3A_27 = arith.ori %sign3A_26, %sign3A_24 : vector<1024x1024xi32>
    %sign3A_28 = tpu.bitcast %sign3A_27 : vector<1024x1024xi32> -> vector<1024x1024xf32>
    %sign3A_29 = math.absf %get3A_1 : vector<1024x1024xf32>
    %sign3A_30 = arith.constant 0.000000e+00 : f32
    %sign3A_31 = vector.broadcast %sign3A_30 : f32 to vector<1024x1024xf32>
    %sign3A_32 = arith.cmpf ogt, %sign3A_29, %sign3A_31 : vector<1024x1024xf32>
    %sign3A_33 = arith.select %sign3A_32, %sign3A_28, %get3A_1 : vector<1024x1024xi1>, vector<1024x1024xf32>
    %mul3A = arith.mulf %sign3A_33, %bitcast_convert_type3A_21 : vector<1024x1024xf32>
    %convert_element_type3A = arith.truncf %mul3A : vector<1024x1024xf32> to vector<1024x1024xbf16>
    %swap3A = arith.constant 0 : index
    %swap3A_34 = arith.constant 0 : index
    %swap3A_35 = vector.load %arg3[%swap3A, %swap3A_34] : memref<1024x1024xbf16, #tpu.memory_space<vmem>>, vector<1024x1024xbf16>
    tpu.vector_store %arg3[%swap3A, %swap3A_34], %convert_element_type3A {strides = array<i32>} : memref<1024x1024xbf16, #tpu.memory_space<vmem>>, vector<1024x1024xbf16>,
    %get3A_36 = arith.constant 0 : index
    %get3A_37 = arith.constant 0 : index
    %get3A_38 = vector.load %arg2[%get3A_36, %get3A_37] : memref<1024x1024xf32, #tpu.memory_space<vmem>>, vector<1024x1024xf32>
    %convert_element_type3A_39 = arith.truncf %get3A_38 : vector<1024x1024xf32> to vector<1024x1024xbf16>
    %swap3A_40 = arith.constant 0 : index
    %swap3A_41 = arith.constant 0 : index
    %swap3A_42 = vector.load %arg4[%swap3A_40, %swap3A_41] : memref<1024x1024xbf16, #tpu.memory_space<vmem>>, vector<1024x1024xbf16>
    tpu.vector_store %arg4[%swap3A_40, %swap3A_41], %convert_element_type3A_39 {strides = array<i32>} : memref<1024x1024xbf16, #tpu.memory_space<vmem>>, vector<1024x1024xbf16>,
    return
  }
  func.func @transform_0(%arg0: i32) -> (i32, i32) {
    %c0_i32 = arith.constant 0 : i32
    %c0_i32_0 = arith.constant 0 : i32
    return %c0_i32, %arg0 : i32, i32
  }
  func.func @transform_1(%arg0: i32) -> (i32, i32) {
    %c0_i32 = arith.constant 0 : i32
    %c0_i32_0 = arith.constant 0 : i32
    return %c0_i32, %arg0 : i32, i32
  }
  func.func @transform_2(%arg0: i32) -> (i32, i32) {
    %c0_i32 = arith.constant 0 : i32
    %c0_i32_0 = arith.constant 0 : i32
    return %c0_i32, %arg0 : i32, i32
  }
  func.func @transform_3(%arg0: i32) -> (i32, i32) {
    %c0_i32 = arith.constant 0 : i32
    %c0_i32_0 = arith.constant 0 : i32
    return %c0_i32, %arg0 : i32, i32
  }
}

module attributes {stable_mosaic.version = 14 : i64} {
  func.func @_gate_body(%arg0: i32, %arg1: memref<2048x1024xf32, #tpu.memory_space<vmem>>, %arg2: memref<1024x2xf32, #tpu.memory_space<vmem>>, %arg3: memref<1x2xf32, #tpu.memory_space<vmem>>, %arg4: memref<1x1x2048xi32, #tpu.memory_space<vmem>>) attributes {dimension_semantics = [#tpu.dimension_semantics<arbitrary>], iteration_bounds = array<i64: 4>, scalar_prefetch = 0 : i64, scratch_operands = 0 : i64, tpu.core_type = #tpu.core_type<tc>, window_params = [{transform_indices = @transform_0, window_bounds = array<i64: 2048, 1024>}, {pipeline_mode = #tpu.pipeline_mode<synchronous>, transform_indices = @transform_1, window_bounds = array<i64: 1024, 2>}, {pipeline_mode = #tpu.pipeline_mode<synchronous>, transform_indices = @transform_2, window_bounds = array<i64: 1, 2>}, {transform_indices = @transform_3, window_bounds = array<i64: 1, 1, 2048>}]} {
    %get3A = arith.constant 0 : index
    %get3A_0 = arith.constant 0 : index
    %get3A_1 = vector.load %arg1[%get3A, %get3A_0] : memref<2048x1024xf32, #tpu.memory_space<vmem>>, vector<2048x1024xf32>
    %convert_element_type3A = arith.truncf %get3A_1 : vector<2048x1024xf32> to vector<2048x1024xbf16>
    %get3A_2 = arith.constant 0 : index
    %get3A_3 = arith.constant 0 : index
    %get3A_4 = vector.load %arg2[%get3A_2, %get3A_3] : memref<1024x2xf32, #tpu.memory_space<vmem>>, vector<1024x2xf32>
    %convert_element_type3A_5 = arith.truncf %get3A_4 : vector<1024x2xf32> to vector<1024x2xbf16>
    %dot_general3A = arith.constant dense<0.000000e+00> : vector<2048x2xf32>
    %dot_general3A_6 = tpu.matmul %convert_element_type3A, %convert_element_type3A_5, %dot_general3A {dimension_numbers = #tpu.dot_dimension_numbers<[1], [0], [0], [1], [0, 0, 1, 1], [], []>, transpose_lhs_hint = false} : vector<2048x1024xbf16>, vector<1024x2xbf16>, vector<2048x2xf32> -> vector<2048x2xf32>
    %get3A_7 = arith.constant 0 : index
    %get3A_8 = arith.constant 0 : index
    %get3A_9 = vector.load %arg3[%get3A_7, %get3A_8] : memref<1x2xf32, #tpu.memory_space<vmem>>, vector<1x2xf32>
    %add3A = vector.broadcast %get3A_9 : vector<1x2xf32> to vector<2048x2xf32>
    %add3A_10 = arith.addf %dot_general3A_6, %add3A : vector<2048x2xf32>
    %transpose3A = tpu.transpose %add3A_10, [1, 0] : vector<2048x2xf32> -> vector<2x2048xf32>
    %slice3A = vector.extract_strided_slice %transpose3A {offsets = [1, 0], sizes = [1, 2048], strides = [1, 1]} : vector<2x2048xf32> to vector<1x2048xf32>
    %slice3A_11 = vector.extract_strided_slice %transpose3A {offsets = [0, 0], sizes = [1, 2048], strides = [1, 1]} : vector<2x2048xf32> to vector<1x2048xf32>
    %gt3A = arith.cmpf ogt, %slice3A, %slice3A_11 : vector<1x2048xf32>
    %convert_element_type3A_12 = arith.extui %gt3A : vector<1x2048xi1> to vector<1x2048xi32>
    %reshape3A = vector.shape_cast %convert_element_type3A_12 : vector<1x2048xi32> to vector<1x1x2048xi32>
    %swap3A = arith.constant 0 : index
    %swap3A_13 = arith.constant 0 : index
    %swap3A_14 = arith.constant 0 : index
    %swap3A_15 = vector.load %arg4[%swap3A, %swap3A_13, %swap3A_14] : memref<1x1x2048xi32, #tpu.memory_space<vmem>>, vector<1x1x2048xi32>
    tpu.vector_store %arg4[%swap3A, %swap3A_13, %swap3A_14], %reshape3A {strides = array<i32>} : memref<1x1x2048xi32, #tpu.memory_space<vmem>>, vector<1x1x2048xi32>,
    return
  }
  func.func @transform_0(%arg0: i32) -> (i32, i32) {
    %c0_i32 = arith.constant 0 : i32
    %c0_i32_0 = arith.constant 0 : i32
    return %arg0, %c0_i32 : i32, i32
  }
  func.func @transform_1(%arg0: i32) -> (i32, i32) {
    %c0_i32 = arith.constant 0 : i32
    %c0_i32_0 = arith.constant 0 : i32
    %c0_i32_1 = arith.constant 0 : i32
    return %c0_i32, %c0_i32_0 : i32, i32
  }
  func.func @transform_2(%arg0: i32) -> (i32, i32) {
    %c0_i32 = arith.constant 0 : i32
    %c0_i32_0 = arith.constant 0 : i32
    %c0_i32_1 = arith.constant 0 : i32
    return %c0_i32, %c0_i32_0 : i32, i32
  }
  func.func @transform_3(%arg0: i32) -> (i32, i32, i32) {
    %c0_i32 = arith.constant 0 : i32
    %c0_i32_0 = arith.constant 0 : i32
    %c0_i32_1 = arith.constant 0 : i32
    return %arg0, %c0_i32, %c0_i32_0 : i32, i32, i32
  }
}

module attributes {stable_mosaic.version = 14 : i64} {
  func.func @_mm_body(%arg0: i32, %arg1: memref<16xi32, #tpu.memory_space<smem>>, %arg2: memref<256x1024xf32, #tpu.memory_space<vmem>>, %arg3: memref<1024x4096xbf16, #tpu.memory_space<vmem>>, %arg4: memref<1024x4096xbf16, #tpu.memory_space<vmem>>, %arg5: memref<1x4096xf32, #tpu.memory_space<vmem>>, %arg6: memref<1x4096xf32, #tpu.memory_space<vmem>>, %arg7: memref<256x4096xf32, #tpu.memory_space<vmem>>) attributes {dimension_semantics = [#tpu.dimension_semantics<arbitrary>], iteration_bounds = array<i64: 32>, scalar_prefetch = 1 : i64, scratch_operands = 0 : i64, tpu.core_type = #tpu.core_type<tc>, window_params = [{transform_indices = @transform_0, window_bounds = array<i64: 256, 1024>}, {pipeline_mode = #tpu.pipeline_mode<synchronous>, transform_indices = @transform_1, window_bounds = array<i64: 1024, 4096>}, {pipeline_mode = #tpu.pipeline_mode<synchronous>, transform_indices = @transform_2, window_bounds = array<i64: 1024, 4096>}, {pipeline_mode = #tpu.pipeline_mode<synchronous>, transform_indices = @transform_3, window_bounds = array<i64: 1, 4096>}, {pipeline_mode = #tpu.pipeline_mode<synchronous>, transform_indices = @transform_4, window_bounds = array<i64: 1, 4096>}, {transform_indices = @transform_5, window_bounds = array<i64: 256, 4096>}]} {
    %get3A = arith.constant 0 : index
    %get3A_0 = memref.load %arg1[%get3A] : memref<16xi32, #tpu.memory_space<smem>>
    %mul3A = arith.constant 256 : i32
    %mul3A_1 = arith.muli %arg0, %mul3A : i32
    %get3A_2 = arith.constant 0 : index
    %get3A_3 = arith.constant 0 : index
    %get3A_4 = vector.load %arg2[%get3A_2, %get3A_3] : memref<256x1024xf32, #tpu.memory_space<vmem>>, vector<256x1024xf32>
    %convert_element_type3A = arith.truncf %get3A_4 : vector<256x1024xf32> to vector<256x1024xbf16>
    %add3A = arith.constant 256 : i32
    %add3A_5 = arith.addi %mul3A_1, %add3A : i32
    %le3A = arith.cmpi sle, %add3A_5, %get3A_0 : i32
    %convert_element_type3A_6 = arith.extui %le3A : i1 to i32
    %cond3A = arith.constant 0 : i32
    %cond3A_7 = arith.cmpi ne, %convert_element_type3A_6, %cond3A : i32
    scf.if %cond3A_7 {
      %get3A_16 = arith.constant 0 : index
      %get3A_17 = arith.constant 0 : index
      %get3A_18 = vector.load %arg3[%get3A_16, %get3A_17] : memref<1024x4096xbf16, #tpu.memory_space<vmem>>, vector<1024x4096xbf16>
      %dot_general3A = arith.constant dense<0.000000e+00> : vector<256x4096xf32>
      %dot_general3A_19 = tpu.matmul %convert_element_type3A, %get3A_18, %dot_general3A {dimension_numbers = #tpu.dot_dimension_numbers<[1], [0], [0], [1], [0, 0, 1, 1], [], []>, transpose_lhs_hint = false} : vector<256x1024xbf16>, vector<1024x4096xbf16>, vector<256x4096xf32> -> vector<256x4096xf32>
      %get3A_20 = arith.constant 0 : index
      %get3A_21 = arith.constant 0 : index
      %get3A_22 = vector.load %arg5[%get3A_20, %get3A_21] : memref<1x4096xf32, #tpu.memory_space<vmem>>, vector<1x4096xf32>
      %add3A_23 = vector.broadcast %get3A_22 : vector<1x4096xf32> to vector<256x4096xf32>
      %add3A_24 = arith.addf %dot_general3A_19, %add3A_23 : vector<256x4096xf32>
      %swap3A = arith.constant 0 : index
      %swap3A_25 = arith.constant 0 : index
      %swap3A_26 = vector.load %arg7[%swap3A, %swap3A_25] : memref<256x4096xf32, #tpu.memory_space<vmem>>, vector<256x4096xf32>
      tpu.vector_store %arg7[%swap3A, %swap3A_25], %add3A_24 {strides = array<i32>} : memref<256x4096xf32, #tpu.memory_space<vmem>>, vector<256x4096xf32>,
    } else {
    }
    %ge3A = arith.cmpi sge, %mul3A_1, %get3A_0 : i32
    %convert_element_type3A_8 = arith.extui %ge3A : i1 to i32
    %cond3A_9 = arith.constant 0 : i32
    %cond3A_10 = arith.cmpi ne, %convert_element_type3A_8, %cond3A_9 : i32
    scf.if %cond3A_10 {
      %get3A_16 = arith.constant 0 : index
      %get3A_17 = arith.constant 0 : index
      %get3A_18 = vector.load %arg4[%get3A_16, %get3A_17] : memref<1024x4096xbf16, #tpu.memory_space<vmem>>, vector<1024x4096xbf16>
      %dot_general3A = arith.constant dense<0.000000e+00> : vector<256x4096xf32>
      %dot_general3A_19 = tpu.matmul %convert_element_type3A, %get3A_18, %dot_general3A {dimension_numbers = #tpu.dot_dimension_numbers<[1], [0], [0], [1], [0, 0, 1, 1], [], []>, transpose_lhs_hint = false} : vector<256x1024xbf16>, vector<1024x4096xbf16>, vector<256x4096xf32> -> vector<256x4096xf32>
      %get3A_20 = arith.constant 0 : index
      %get3A_21 = arith.constant 0 : index
      %get3A_22 = vector.load %arg6[%get3A_20, %get3A_21] : memref<1x4096xf32, #tpu.memory_space<vmem>>, vector<1x4096xf32>
      %add3A_23 = vector.broadcast %get3A_22 : vector<1x4096xf32> to vector<256x4096xf32>
      %add3A_24 = arith.addf %dot_general3A_19, %add3A_23 : vector<256x4096xf32>
      %swap3A = arith.constant 0 : index
      %swap3A_25 = arith.constant 0 : index
      %swap3A_26 = vector.load %arg7[%swap3A, %swap3A_25] : memref<256x4096xf32, #tpu.memory_space<vmem>>, vector<256x4096xf32>
      tpu.vector_store %arg7[%swap3A, %swap3A_25], %add3A_24 {strides = array<i32>} : memref<256x4096xf32, #tpu.memory_space<vmem>>, vector<256x4096xf32>,
    } else {
    }
    %lt3A = arith.cmpi slt, %mul3A_1, %get3A_0 : i32
    %add3A_11 = arith.constant 256 : i32
    %add3A_12 = arith.addi %mul3A_1, %add3A_11 : i32
    %gt3A = arith.cmpi sgt, %add3A_12, %get3A_0 : i32
    %and3A = arith.andi %lt3A, %gt3A : i1
    %convert_element_type3A_13 = arith.extui %and3A : i1 to i32
    %cond3A_14 = arith.constant 0 : i32
    %cond3A_15 = arith.cmpi ne, %convert_element_type3A_13, %cond3A_14 : i32
    scf.if %cond3A_15 {
      %get3A_16 = arith.constant 0 : index
      %get3A_17 = arith.constant 0 : index
      %get3A_18 = vector.load %arg3[%get3A_16, %get3A_17] : memref<1024x4096xbf16, #tpu.memory_space<vmem>>, vector<1024x4096xbf16>
      %dot_general3A = arith.constant dense<0.000000e+00> : vector<256x4096xf32>
      %dot_general3A_19 = tpu.matmul %convert_element_type3A, %get3A_18, %dot_general3A {dimension_numbers = #tpu.dot_dimension_numbers<[1], [0], [0], [1], [0, 0, 1, 1], [], []>, transpose_lhs_hint = false} : vector<256x1024xbf16>, vector<1024x4096xbf16>, vector<256x4096xf32> -> vector<256x4096xf32>
      %get3A_20 = arith.constant 0 : index
      %get3A_21 = arith.constant 0 : index
      %get3A_22 = vector.load %arg5[%get3A_20, %get3A_21] : memref<1x4096xf32, #tpu.memory_space<vmem>>, vector<1x4096xf32>
      %add3A_23 = vector.broadcast %get3A_22 : vector<1x4096xf32> to vector<256x4096xf32>
      %add3A_24 = arith.addf %dot_general3A_19, %add3A_23 : vector<256x4096xf32>
      %get3A_25 = arith.constant 0 : index
      %get3A_26 = arith.constant 0 : index
      %get3A_27 = vector.load %arg4[%get3A_25, %get3A_26] : memref<1024x4096xbf16, #tpu.memory_space<vmem>>, vector<1024x4096xbf16>
      %dot_general3A_28 = arith.constant dense<0.000000e+00> : vector<256x4096xf32>
      %dot_general3A_29 = tpu.matmul %convert_element_type3A, %get3A_27, %dot_general3A_28 {dimension_numbers = #tpu.dot_dimension_numbers<[1], [0], [0], [1], [0, 0, 1, 1], [], []>, transpose_lhs_hint = false} : vector<256x1024xbf16>, vector<1024x4096xbf16>, vector<256x4096xf32> -> vector<256x4096xf32>
      %get3A_30 = arith.constant 0 : index
      %get3A_31 = arith.constant 0 : index
      %get3A_32 = vector.load %arg6[%get3A_30, %get3A_31] : memref<1x4096xf32, #tpu.memory_space<vmem>>, vector<1x4096xf32>
      %add3A_33 = vector.broadcast %get3A_32 : vector<1x4096xf32> to vector<256x4096xf32>
      %add3A_34 = arith.addf %dot_general3A_29, %add3A_33 : vector<256x4096xf32>
      %iota3A = tpu.iota {dimensions = array<i32: 0>} : vector<256x1xi32>
      %add3A_35 = vector.broadcast %mul3A_1 : i32 to vector<256x1xi32>
      %add3A_36 = arith.addi %add3A_35, %iota3A : vector<256x1xi32>
      %lt3A_37 = vector.broadcast %get3A_0 : i32 to vector<256x1xi32>
      %lt3A_38 = arith.cmpi slt, %add3A_36, %lt3A_37 : vector<256x1xi32>
      %broadcast_in_dim3A = vector.shape_cast %lt3A_38 : vector<256x1xi1> to vector<256x1xi1>
      %broadcast_in_dim3A_39 = vector.broadcast %broadcast_in_dim3A : vector<256x1xi1> to vector<256x4096xi1>
      %select_n3A = arith.select %broadcast_in_dim3A_39, %add3A_24, %add3A_34 : vector<256x4096xi1>, vector<256x4096xf32>
      %swap3A = arith.constant 0 : index
      %swap3A_40 = arith.constant 0 : index
      %swap3A_41 = vector.load %arg7[%swap3A, %swap3A_40] : memref<256x4096xf32, #tpu.memory_space<vmem>>, vector<256x4096xf32>
      tpu.vector_store %arg7[%swap3A, %swap3A_40], %select_n3A {strides = array<i32>} : memref<256x4096xf32, #tpu.memory_space<vmem>>, vector<256x4096xf32>,
    } else {
    }
    return
  }
  func.func @transform_0(%arg0: i32, %arg1: memref<16xi32, #tpu.memory_space<smem>>) -> (i32, i32) {
    %c0_i32 = arith.constant 0 : i32
    %c0_i32_0 = arith.constant 0 : i32
    return %arg0, %c0_i32 : i32, i32
  }
  func.func @transform_1(%arg0: i32, %arg1: memref<16xi32, #tpu.memory_space<smem>>) -> (i32, i32) {
    %c0_i32 = arith.constant 0 : i32
    %c0_i32_0 = arith.constant 0 : i32
    %c0_i32_1 = arith.constant 0 : i32
    return %c0_i32, %c0_i32_0 : i32, i32
  }
  func.func @transform_2(%arg0: i32, %arg1: memref<16xi32, #tpu.memory_space<smem>>) -> (i32, i32) {
    %c0_i32 = arith.constant 0 : i32
    %c0_i32_0 = arith.constant 0 : i32
    %c0_i32_1 = arith.constant 0 : i32
    return %c0_i32, %c0_i32_0 : i32, i32
  }
  func.func @transform_3(%arg0: i32, %arg1: memref<16xi32, #tpu.memory_space<smem>>) -> (i32, i32) {
    %c0_i32 = arith.constant 0 : i32
    %c0_i32_0 = arith.constant 0 : i32
    %c0_i32_1 = arith.constant 0 : i32
    return %c0_i32, %c0_i32_0 : i32, i32
  }
  func.func @transform_4(%arg0: i32, %arg1: memref<16xi32, #tpu.memory_space<smem>>) -> (i32, i32) {
    %c0_i32 = arith.constant 0 : i32
    %c0_i32_0 = arith.constant 0 : i32
    %c0_i32_1 = arith.constant 0 : i32
    return %c0_i32, %c0_i32_0 : i32, i32
  }
  func.func @transform_5(%arg0: i32, %arg1: memref<16xi32, #tpu.memory_space<smem>>) -> (i32, i32) {
    %c0_i32 = arith.constant 0 : i32
    %c0_i32_0 = arith.constant 0 : i32
    return %arg0, %c0_i32 : i32, i32
  }
}

</mosaic_0001>

<sc_bundles>
// kernel: _run.10.cloned.1.call-start
scs
__scs_entry_jumppad:
0x0: {  	(pc) =	sbr.rel $0x88, $3  }
0x1: {  	(tag) =	ssettag $0x0;
	lr =	simm.s32 $0x1  }
0x2: {  	[smem:$0x3F9A] =	sst lr;
	_ =	strace $0xD0000000  }
0x3: {  	_ = 	snop  }
0x4: {  	_ = 	snop  }
0x5: {  	_ = 	snop  }
0x6: {  	_ = 	snop  }
0x7: {  	_ = 	snop  }
__scs_overlays_trampoline_lowered:
0x8: {  	[smem:$0x3FA9] =	sst s0  }
0x9: {  	[smem:$0x3FAA] =	sst s1  }
0xa: {  	[smem:$0x3FAB] =	sst s2  }
0xb: {  	[smem:$0x3FAC] =	sst s3  }
0xc: {  	[smem:$0x3FAD] =	sst s4  }
0xd: {  	[smem:$0x3FAE] =	sst s5  }
0xe: {  	[smem:$0x3FAF] =	sst s6  }
0xf: {  	[smem:$0x3FB0] =	sst s7  }
0x10: {  	[smem:$0x3FB1] =	sst s8  }
0x11: {  	[smem:$0x3FB2] =	sst s9;
	s0 =	simm.s32 @!p0 $0x0  }
0x12: {  	s1 =	sld [smem:$0x3F98];
	s0 =	simm.s32 @p0 $0x1  }
0x13: {  	[smem:$0x3FB3] =	sst s0;
	s0 =	simm.s32 @!p1 $0x0  }
0x14: {  	s2 =	sld [smem:$0x3F97];
	s0 =	simm.s32 @p1 $0x1  }
0x15: {  	[smem:$0x3FB4] =	sst s0;
	s0 =	simm.s32 @!p2 $0x0  }
0x16: {  	s3 =	sld [smem:$0x3FDB];
	s0 =	simm.s32 @p2 $0x1  }
0x17: {  	s4 =	simm.s32 $0x1BF5;
	[smem:$0x3FB6] =	sst s0  }
0x18: {  	s0 =	sld [smem:$0x3F99];
	_ =	swait.ge [sflag:s4], $0x0  }
0x19: {  	s7 =	sld [smem:$0x3F9A]  }
0x1a: {  	s8 =	sadd.s32 $0xFFFFE003, lr  }
0x1b: {  	s9 =	sadd.s32 $0xFFFFFEF7, lr;
	s5 =	simm.s32 $0xFFFFFFFF;
	p2 =	slt.u32 s8, $0xFFFFF086  }
0x1c: {  	p1 =	slt.u32 s9, $0xF7A;
	s5 =	simm.s32 @!p2 $0x0  }
0x1d: {  	s5 =	simm.s32 @p1 $0x1;
	p0 =	seq.s32 s7, s2  }
0x1e: {  	s7 =	smul.u32 @!p0 $0xF7A, s2;
	p2 =	seq.s32 @!p0 s5, $0x0  }
0x1f: {  	s9 =	smul.u32 $0xF7A, s1;
	s8 =	simm.s32 @!p0 $0x1BF5;
	p2 =	por !p2, p0  }
0x20: {  	[sflag:s8] =	ssyncset.s32 @!p0 $0xFFFFF086;
	s6 =	sadd.s32 @!p0 s3, s7;
	s7 =	simm.s32 @!p0 $0x108  }
0x21: {  	s3 =	sadd.s32 s3, s9;
	s6 =	sadd.s32 @!p0 $0x88, s6;
	s7 =	simm.s32 @p2 $0x1082  }
0x22: {  	[simem:s7], [sflag:s8] =	dma.local @!p0 [hbm:s6], $0xF7A  }
0x23: {  	s9 =	sor.u32 $0xD0000000, s2;
	s6 =	simm.s32 $0x108;
	_ =	swait.ge @!p0 [sflag:s8], $0x0  }
0x24: {  	s3 =	sadd.s32 $0x88, s3;
	s6 =	simm.s32 @!p1 $0x1082;
	[sflag:s4] =	ssyncset.s32 $0xFFFFF086  }
0x25: {  	[simem:s6], [sflag:s4] =	dma.local [hbm:s3], $0xF7A  }
0x26: {  	[smem:$0x3F9A] =	sst s1;
	(tag) =	ssettag s2;
	_ =	strace s9  }
0x27: {  	s1 =	sld [smem:$0x3FAA]  }
0x28: {  	s2 =	sld [smem:$0x3FAB]  }
0x29: {  	s4 =	sld [smem:$0x3FAD]  }
0x2a: {  	p0 =	seq.s32 s5, $0x0;
	s5 =	sld [smem:$0x3FAE]  }
0x2b: {  	s6 =	sld [smem:$0x3FAF]  }
0x2c: {  	s7 =	sld [smem:$0x3FB0]  }
0x2d: {  	s3 =	simm.s32 $0x108;
	s8 =	sld [smem:$0x3FB1]  }
0x2e: {  	s3 =	simm.s32 @!p0 $0x1082;
	s9 =	sld [smem:$0x3FB2]  }
0x2f: {  	lr =	sadd.s32 s0, s3;
	s0 =	sld [smem:$0x3FA9]  }
0x30: {  	s3 =	sld [smem:$0x3FAC]  }
0x31: {  	[smem:$0x3FB5] =	sst s10  }
0x32: {  	s10 =	sld [smem:$0x3FB3];
	_ =	sdelay $0x3  }
0x33: {  	p0 =	seq.s32 s10, $0x1;
	s10 =	sld [smem:$0x3FB5];
	_ =	sdelay $0x3  }
0x34: {  	[smem:$0x3FB5] =	sst s10  }
0x35: {  	s10 =	sld [smem:$0x3FB4];
	_ =	sdelay $0x3  }
0x36: {  	p1 =	seq.s32 s10, $0x1;
	s10 =	sld [smem:$0x3FB5];
	_ =	sdelay $0x3  }
0x37: {  	[smem:$0x3FB5] =	sst s10  }
0x38: {  	s10 =	sld [smem:$0x3FB6]  }
0x39: {  	_ = 	snop;
	(pc) =	sbr.ind lr, $3  }
0x3a: {  	_ = 	snop  }
0x3b: {  	_ = 	snop  }
0x3c: {  	p2 =	seq.s32 s10, $0x1;
	s10 =	sld [smem:$0x3FB5]  }
0x3d: {  	_ =	shalt  }
0x3e: {  	_ =	shalt  }
0x3f: {  	_ =	shalt  }
0x40: {  	_ =	shalt  }
0x41: {  	_ =	shalt  }
0x42: {  	_ =	shalt  }
0x43: {  	_ =	shalt  }
0x44: {  	_ =	shalt  }
0x45: {  	_ =	shalt  }
0x46: {  	_ =	shalt  }
0x47: {  	_ =	shalt  }
0x48: {  	_ =	shalt  }
0x49: {  	_ =	shalt  }
0x4a: {  	_ =	shalt  }
0x4b: {  	_ =	shalt  }
0x4c: {  	_ =	shalt  }
0x4d: {  	_ =	shalt  }
0x4e: {  	_ =	shalt  }
0x4f: {  	_ =	shalt  }
0x50: {  	_ =	shalt  }
0x51: {  	_ =	shalt  }
0x52: {  	_ =	shalt  }
0x53: {  	_ =	shalt  }
0x54: {  	_ =	shalt  }
0x55: {  	_ =	shalt  }
0x56: {  	_ =	shalt  }
0x57: {  	_ =	shalt  }
0x58: {  	_ =	shalt  }
0x59: {  	_ =	shalt  }
0x5a: {  	_ =	shalt  }
0x5b: {  	_ =	shalt  }
0x5c: {  	_ =	shalt  }
0x5d: {  	_ =	shalt  }
0x5e: {  	_ =	shalt  }
0x5f: {  	_ =	shalt  }
0x60: {  	_ =	shalt  }
0x61: {  	_ =	shalt  }
0x62: {  	_ =	shalt  }
0x63: {  	_ =	shalt  }
0x64: {  	_ =	shalt  }
0x65: {  	_ =	shalt  }
0x66: {  	_ =	shalt  }
0x67: {  	_ =	shalt  }
0x68: {  	_ =	shalt  }
0x69: {  	_ =	shalt  }
0x6a: {  	_ =	shalt  }
0x6b: {  	_ =	shalt  }
0x6c: {  	_ =	shalt  }
0x6d: {  	_ =	shalt  }
0x6e: {  	_ =	shalt  }
0x6f: {  	_ =	shalt  }
0x70: {  	_ =	shalt  }
0x71: {  	_ =	shalt  }
0x72: {  	_ =	shalt  }
0x73: {  	_ =	shalt  }
0x74: {  	_ =	shalt  }
0x75: {  	_ =	shalt  }
0x76: {  	_ =	shalt  }
0x77: {  	_ =	shalt  }
0x78: {  	_ =	shalt  }
0x79: {  	_ =	shalt  }
0x7a: {  	_ =	shalt  }
0x7b: {  	_ =	shalt  }
0x7c: {  	_ =	shalt  }
0x7d: {  	_ =	shalt  }
0x7e: {  	_ =	shalt  }
0x7f: {  	_ =	shalt  }
0x80: {  	_ =	shalt  }
0x81: {  	_ =	shalt  }
0x82: {  	_ =	shalt  }
0x83: {  	_ =	shalt  }
0x84: {  	_ =	shalt  }
0x85: {  	_ =	shalt  }
0x86: {  	_ =	shalt  }
0x87: {  	_ =	shalt  }
.Lfunc_end0:
.L_simem_size_0:
called_computation.1_lowered:
.L_overlay_start_0:
0x88: {  	s2 =	sld [smem:$0x3FD9]  }
0x89: {  	s3 =	sld [smem:$0x3FFE];
	_ =	sdelay $0x1  }
0x8a: {  	s1 =	srdreg.scid  }
0x8b: {  	s0 =	sand.u32 $0x1, s1  }
0x8c: {  	s17 =	sshll.u32 s0, $0xA;
	s2 =	sadd.s32 s3, s2  }
0x8d: {  	s2 =	sadd.s32 s2, s17  }
0x8e: {  	[smem:$0x3FC1] =	sst s2  }
0x8f: {  	_ = 	snop  }
0x90: {  	s2 =	sld [smem:$0x3FD0];
	(tm) =	ssettm $0x1  }
0x91: {  	s18 =	sld [smem:$0x3FFB];
	_ =	sdelay $0x3  }
0x92: {  	_ =	strace s18  }
0x93: {  	s3 =	sld [smem:$0x3FFC];
	_ =	sdelay $0x3  }
0x94: {  	_ =	strace s3  }
0x95: {  	s3 =	sld [smem:$0x3FFD];
	_ =	sdelay $0x3  }
0x96: {  	_ =	strace s3  }
0x97: {  	_ =	strace $0x8FFFFFFF  }
0x98: {  	s19 =	sld [smem:$0x3FDB];
	_ =	sdelay $0x1  }
0x99: {  	s4 =	simm.s32 $_scs_section_size  }
0x9a: {  	s5 =	simm.s32 $_size__tile_overlayer_lowered;
	s6 =	simm.s32 $_tile_overlayer_lowered  }
0x9b: {  	s22 =	simm.s32 $0x1BFF;
	s21 =	sshll.u32 s6, $0x1;
	s3 =	sadd.s32 s4, s19  }
0x9c: {  	s7 =	simm.s32 $0x0;
	s20 =	sshll.u32 s5, $0x1;
	s5 =	sadd.s32 s21, s3  }
0x9d: {  	[timem:s7], [sflag:s22] =	dma.local [hbm:s5], s20  }
0x9e: {  	_ =	swait.ge [sflag:s22], s20  }
0x9f: {  	s4 =	ssub.s32 $0x0, s20;
	[sflag:s22] =	ssyncset.done $0x0  }
0xa0: {  	[sflag:s22] =	ssyncadd.s32 s4;
	_ =	sdelay $0x1  }
0xa1: {  	s23 =	simm.s32 $0x1B8B  }
0xa2: {  	_ =	swait.ge [sflag:s23], $0x1  }
0xa3: {  	[sflag:s23] =	ssyncset.done $0x0  }
0xa4: {  	s25 =	simm.s32 $0x1B8E;
	s24 =	sld [smem:$0x3FFE];
	[sflag:s23] =	ssyncadd.s32 $0xFFFFFFFF  }
0xa5: {  	s26 =	simm.s32 $execute0_lowered;
	[smem:$0x3FD2] =	sst s25  }
0xa6: {  	s5 =	sshll.u32 s26, $0x1;
	_ =	strace $0x80000049;
	[dreg:$0x1] =	wrdreg $0xFFFFFFFF  }
0xa7: {  	s28 =	simm.s32 $_size_execute0_lowered;
	s3 =	sadd.s32 s3, s5;
	[dreg:$0x0] =	wrdreg $0x0  }
0xa8: {  	s5 =	sshll.u32 s28, $0x1;
	[dreg:$0x2] =	wrdreg s3  }
0xa9: {  	[dreg:$0x3] =	wrdreg s5  }
0xaa: {  	[dreg:$0x4] =	wrdreg $0xC0  }
0xab: {  	_ =	task [dreg:s7], $0x5FFFF  }
0xac: {  	[dreg:$0x1] =	wrdreg $0xFFFFFFFF  }
0xad: {  	[dreg:$0x0] =	wrdreg $0x60  }
0xae: {  	[dreg:$0x2] =	wrdreg s24  }
0xaf: {  	[dreg:$0x3] =	wrdreg s2  }
0xb0: {  	[dreg:$0x4] =	wrdreg $0x9  }
0xb1: {  	_ =	task.clear_ibuf [dreg:s7], $0x5FFFF;
	_ =	strace $0x90000049  }
0xb2: {  	s29 =	simm.s32 $0x9;
	_ =	strace $0x8000004B  }
0xb3: {  	_ =	swait.ge [sflag:s29], $0x1  }
0xb4: {  	[sflag:s29] =	ssyncadd.s32 $0xFFFFFFFF  }
0xb5: {  	_ =	strace $0x9000004B  }
0xb6: {  	_ =	sfence  }
0xb7: {  	s30 =	sld [smem:$0x0];
	_ =	sdelay $0x2  }
0xb8: {  	s31 =	sshll.u32 s1, $0xD;
	s1 =	sshrl.u32 s1, $0x2  }
0xb9: {  	s3 =	sand.u32 $0x4000, s31;
	s1 =	sadd.s32 s1, s30  }
0xba: {  	s0 =	sor.u32 s3, s0;
	s1 =	sshll.u32 s1, $0x11  }
0xbb: {  	s0 =	sor.u32 s1, s0  }
0xbc: {  	s0 =	sadd.s32 $0x8F2B, s0  }
0xbd: {  	[sflag:s0] =	ssyncadd.remote.s32 $0x1  }
0xbe: {  	_ =	sfence.sel $0xFFFF  }
0xbf: {  	[dreg:$0x0] =	wrdreg $0xFFFFFFFF;
	(pc) =	sbr.abs _section_cstart, $3  }
0xc0: {  	[dreg:$0x1] =	wrdreg $0xFFFFFFFF  }
0xc1: {  	_ =	task.clear_ibuf [dreg:s7], $0x2FFFF;
	_ =	strace $0x9FFFFFFF  }
0xc2: {  	(tm) =	ssettm $0x7FFFFFFF  }
0xc3: {  	_ =	shalt  }
tec
execute0_lowered:
.L_overlay_start_1:
0x0: {  	(tag) =	ssettag $0x1  }
0x1: {  	s4 =	stileid.u32;
	s1 =	srdreg.scid  }
0x2: {  	s0 =	rddreg [dreg:$0x0];
	s1 =	sand.u32 $0x1, s1;
	s2 =	sshll.u32 s4, $0x1  }
0x3: {  	s3 =	rddreg [dreg:$0x1];
	s5 =	sor.u32 s1, s2  }
0x4: {  	s2 =	simm.s32 $0x0;
	s6 =	sshll.u32 s5, $0x4;
	s5 =	sshll.u32 s5, $0x11  }
0x5: {  	[smem:$0x7FF] =	sst s2;
	s18 =	sadd.s32 s3, s5  }
0x6: {  	_ =	strace $0x8000004A;
	s3 =	sadd.s32 $0x1000, s18;
	[smem:$0x7FA] =	sst s18  }
0x7: {  	s24 =	sadd.s32 $0x2000, s18;
	[dreg:$0x4] =	wrdreg s3  }
0x8: {  	s25 =	sadd.s32 $0x3000, s18;
	[dreg:$0x5] =	wrdreg s24  }
0x9: {  	s26 =	sadd.s32 $0x4000, s18;
	[dreg:$0x6] =	wrdreg s25  }
0xa: {  	s28 =	sadd.s32 $0x5000, s18;
	[dreg:$0x7] =	wrdreg s26  }
0xb: {  	s4 =	sshll.u32 s4, $0x6;
	s29 =	sadd.s32 $0x6000, s18;
	[dreg:$0x8] =	wrdreg s28  }
0xc: {  	s4 =	sand.u32 $0x300, s4;
	s30 =	sadd.s32 $0x7000, s18;
	[dreg:$0x9] =	wrdreg s29  }
0xd: {  	s4 =	sadd.s32 s4, s0;
	s31 =	sadd.s32 $0x8000, s18;
	[dreg:$0xa] =	wrdreg s30  }
0xe: {  	s6 =	sand.u32 $0x70, s6;
	s5 =	sadd.s32 $0xA000, s18;
	[dreg:$0xb] =	wrdreg s31  }
0xf: {  	s4 =	sadd.s32 s6, s4;
	s6 =	sadd.s32 $0xB000, s18;
	[dreg:$0xd] =	wrdreg s5  }
0x10: {  	s7 =	sadd.s32 $0xC000, s18;
	[dreg:$0xe] =	wrdreg s6  }
0x11: {  	s8 =	sadd.s32 $0xD000, s18;
	[dreg:$0xf] =	wrdreg s7  }
0x12: {  	s9 =	sadd.s32 $0xE000, s18;
	[dreg:$0x10] =	wrdreg s8  }
0x13: {  	s1 =	ssub.s32 $0x2, s1;
	s10 =	sadd.s32 $0xF000, s18;
	[dreg:$0x11] =	wrdreg s9  }
0x14: {  	s12 =	sshrl.u32 s1, $0x1;
	s11 =	sadd.s32 $0x10000, s18;
	[dreg:$0x12] =	wrdreg s10  }
0x15: {  	s1 =	ssub.s32 s1, s12;
	s13 =	sadd.s32 $0x11000, s18;
	[dreg:$0x13] =	wrdreg s11  }
0x16: {  	s12 =	sadd.s32 $0x2A00, s0;
	s14 =	sadd.s32 $0x12000, s18;
	[dreg:$0x14] =	wrdreg s13  }
0x17: {  	s15 =	sadd.s32 $0x13000, s18;
	s16 =	sadd.s32 $0x14000, s18;
	[dreg:$0x15] =	wrdreg s14  }
0x18: {  	s17 =	sadd.s32 $0x15000, s18;
	s19 =	sadd.s32 $0x16000, s18;
	[dreg:$0x16] =	wrdreg s15  }
0x19: {  	s20 =	sadd.s32 $0x17000, s18;
	s21 =	sadd.s32 $0x18000, s18;
	[dreg:$0x17] =	wrdreg s16  }
0x1a: {  	s22 =	sadd.s32 $0x19000, s18;
	s23 =	sadd.s32 $0x1A000, s18;
	[dreg:$0x18] =	wrdreg s17  }
0x1b: {  	s4 =	sadd.s32 $0x1E00, s4;
	s5 =	sadd.s32 $0x2300, s0;
	[dreg:$0x19] =	wrdreg s19  }
0x1c: {  	s6 =	sadd.s32 $0x2400, s0;
	s7 =	sadd.s32 $0x2500, s0;
	[dreg:$0x1a] =	wrdreg s20  }
0x1d: {  	s8 =	sadd.s32 $0x2600, s0;
	s9 =	sadd.s32 $0x2700, s0;
	[dreg:$0x1b] =	wrdreg s21  }
0x1e: {  	s10 =	sadd.s32 $0x2800, s0;
	s11 =	sadd.s32 $0x2900, s0;
	[dreg:$0x1c] =	wrdreg s22  }
0x1f: {  	s13 =	sadd.s32 $0x2B00, s0;
	[dreg:$0x1d] =	wrdreg s23;
	s24 =	sadd.s32 $0x1B000, s18  }
0x20: {  	s14 =	sadd.s32 $0x2C00, s0;
	s25 =	sadd.s32 $0x1C000, s18;
	s15 =	sadd.s32 $0x2D00, s0  }
0x21: {  	s26 =	sadd.s32 $0x1D000, s18;
	s16 =	sadd.s32 $0x2E00, s0;
	[dreg:$0x3] =	wrdreg s4  }
0x22: {  	s28 =	sadd.s32 $0x1E000, s18;
	s17 =	sadd.s32 $0x2F00, s0;
	[dreg:$0x1e] =	wrdreg s24  }
0x23: {  	s29 =	sadd.s32 $0x1F000, s18;
	s30 =	simm.s32 $0x80;
	[dreg:$0x1f] =	wrdreg s25  }
0x24: {  	s19 =	sadd.s32 $0x3100, s0;
	s31 =	simm.s32 $0x400;
	[smem:$0x7F8] =	sst s26  }
0x25: {  	s3 =	smax.u32 s1, $0x1;
	s22 =	simm.s32 $0x100;
	[smem:$0x7F9] =	sst s28  }
0x26: {  	s1 =	simm.s32 $0x2;
	s21 =	simm.s32 $0x4;
	[smem:$0x7FB] =	sst s29  }
0x27: {  	v0 =	vlaneseq.u32;
	s4 =	sadd.s32 $0x9000, s18;
	s18 =	sadd.s32 $0x3000, s0;
	[smem:$0x7FC] =	sst s30  }
0x28: {  	v1 =	vshrl.u32 v0, $0x3;
	[smem:$0x7FD] =	sst s31;
	s25 =	simm.s32 $0x1;
	s26 =	simm.s32 $0x8100  }
0x29: {  	vm0 =	vmmov $0xffff;
	v0 =	vand.u32 $0x7, v0;
	v1 =	vmul.u32 $0x8, v1;
	[dreg:$0xc] =	wrdreg s4;
	s4 =	sadd.s32 $0x2200, s0;
	s0 =	simm.s32 $0x3  }
.LBB2_1:
0x2a: {  	s20 =	sld [smem:$0x7FC]  }
0x2b: {  	s23 =	sld [smem:$0x7FD]  }
0x2c: {  	[smem:$0x7F7] =	sst s3  }
0x2d: {  	s30 =	rddreg [dreg:$0x3];
	s31 =	simm.s32 $0x5  }
0x2e: {  	[tilespmem:s2], [sflag:$0x5] =	stream.strided.gather [hbm4b:s30+s20], $0x100, s23, s20, $0x38;
	[tilespmem:$0x10100] =	vst v63  }
0x2f: {  	_ =	swait.ge [sflag:s31], $0x100  }
0x30: {  	[sflag:s31] =	ssyncset.done $0x0  }
0x31: {  	[sflag:s31] =	ssyncadd.s32 $0xFFFFFF00  }
0x32: {  	v2 =	vld.msk [tilespmem:$0x0], $0xff;
	_ =	sdelay $0x4  }
0x33: {  	v3 =	vshll.u32 v2, $0x5  }
0x34: {  	v2 =	vand.u32 $0x7, v2;
	v3 =	vand.u32 $0xFFFFFF00, v3  }
0x35: {  	v2 =	vor.u32 v2, v3  }
0x36: {  	v2 =	vperm.xlane v2, v0;
	_ =	sdelay $0x1  }
0x37: {  	v2 =	vadd.s32 v1, v2;
	_ =	sdelay $0x4  }
0x38: {  	[tilespmem:s22], [sflag:$0x1] =	stream.indirect_vreg.gather [hbm4b:s4+s2], $0x80, v2, vm0, $0xb8;
	[tilespmem:$0x10100] =	vst v63  }
0x39: {  	s20 =	simm.s32 $0x900  }
0x3a: {  	[tilespmem:s20], [sflag:$0x1] =	stream.indirect_vreg.gather [hbm4b:s5+s2], $0x80, v2, vm0, $0xb8;
	[tilespmem:$0x10100] =	vst v63  }
0x3b: {  	s23 =	simm.s32 $0x1100  }
0x3c: {  	[tilespmem:s23], [sflag:$0x1] =	stream.indirect_vreg.gather [hbm4b:s6+s2], $0x80, v2, vm0, $0xb8;
	[tilespmem:$0x10100] =	vst v63  }
0x3d: {  	s24 =	simm.s32 $0x1900  }
0x3e: {  	[tilespmem:s24], [sflag:$0x1] =	stream.indirect_vreg.gather [hbm4b:s7+s2], $0x80, v2, vm0, $0xb8;
	[tilespmem:$0x10100] =	vst v63  }
0x3f: {  	s28 =	simm.s32 $0x2100  }
0x40: {  	[tilespmem:s28], [sflag:$0x1] =	stream.indirect_vreg.gather [hbm4b:s8+s2], $0x80, v2, vm0, $0xb8;
	[tilespmem:$0x10100] =	vst v63  }
0x41: {  	s29 =	simm.s32 $0x2900  }
0x42: {  	[tilespmem:s29], [sflag:$0x1] =	stream.indirect_vreg.gather [hbm4b:s9+s2], $0x80, v2, vm0, $0xb8;
	[tilespmem:$0x10100] =	vst v63  }
0x43: {  	s30 =	simm.s32 $0x3100  }
0x44: {  	[tilespmem:s30], [sflag:$0x1] =	stream.indirect_vreg.gather [hbm4b:s10+s2], $0x80, v2, vm0, $0xb8;
	[tilespmem:$0x10100] =	vst v63  }
0x45: {  	s31 =	simm.s32 $0x3900  }
0x46: {  	[tilespmem:s31], [sflag:$0x1] =	stream.indirect_vreg.gather [hbm4b:s11+s2], $0x80, v2, vm0, $0xb8;
	[tilespmem:$0x10100] =	vst v63  }
0x47: {  	s3 =	simm.s32 $0x4100  }
0x48: {  	[tilespmem:s3], [sflag:$0x1] =	stream.indirect_vreg.gather [hbm4b:s12+s2], $0x80, v2, vm0, $0xb8;
	[tilespmem:$0x10100] =	vst v63  }
0x49: {  	s3 =	simm.s32 $0x4900  }
0x4a: {  	[tilespmem:s3], [sflag:$0x1] =	stream.indirect_vreg.gather [hbm4b:s13+s2], $0x80, v2, vm0, $0xb8;
	[tilespmem:$0x10100] =	vst v63  }
0x4b: {  	s3 =	simm.s32 $0x5100  }
0x4c: {  	[tilespmem:s3], [sflag:$0x1] =	stream.indirect_vreg.gather [hbm4b:s14+s2], $0x80, v2, vm0, $0xb8;
	[tilespmem:$0x10100] =	vst v63  }
0x4d: {  	s3 =	simm.s32 $0x5900  }
0x4e: {  	[tilespmem:s3], [sflag:$0x1] =	stream.indirect_vreg.gather [hbm4b:s15+s2], $0x80, v2, vm0, $0xb8;
	[tilespmem:$0x10100] =	vst v63  }
0x4f: {  	s3 =	simm.s32 $0x6100  }
0x50: {  	[tilespmem:s3], [sflag:$0x1] =	stream.indirect_vreg.gather [hbm4b:s16+s2], $0x80, v2, vm0, $0xb8;
	[tilespmem:$0x10100] =	vst v63  }
0x51: {  	s3 =	simm.s32 $0x6900  }
0x52: {  	[tilespmem:s3], [sflag:$0x1] =	stream.indirect_vreg.gather [hbm4b:s17+s2], $0x80, v2, vm0, $0xb8;
	[tilespmem:$0x10100] =	vst v63  }
0x53: {  	s3 =	simm.s32 $0x7100  }
0x54: {  	[tilespmem:s3], [sflag:$0x1] =	stream.indirect_vreg.gather [hbm4b:s18+s2], $0x80, v2, vm0, $0xb8;
	[tilespmem:$0x10100] =	vst v63  }
0x55: {  	s3 =	simm.s32 $0x7900  }
0x56: {  	[tilespmem:s3], [sflag:$0x1] =	stream.indirect_vreg.gather [hbm4b:s19+s2], $0x80, v2, vm0, $0xb8;
	[tilespmem:$0x10100] =	vst v63  }
0x57: {  	_ =	swait.ge [sflag:s25], $0x8000  }
0x58: {  	[sflag:s25] =	ssyncset.done $0x0  }
0x59: {  	[sflag:s25] =	ssyncadd.s32 $0xFFFF8000  }
0x5a: {  	v2 =	vld.msk [tilespmem:$0x8], $0xff;
	_ =	sdelay $0x4  }
0x5b: {  	v3 =	vshll.u32 v2, $0x5  }
0x5c: {  	v2 =	vand.u32 $0x7, v2;
	v3 =	vand.u32 $0xFFFFFF00, v3  }
0x5d: {  	v2 =	vor.u32 v2, v3  }
0x5e: {  	v2 =	vperm.xlane v2, v0;
	_ =	sdelay $0x1  }
0x5f: {  	v2 =	vadd.s32 v1, v2;
	_ =	sdelay $0x4  }
0x60: {  	[tilespmem:s26], [sflag:$0x2] =	stream.indirect_vreg.gather [hbm4b:s4+s2], $0x80, v2, vm0, $0xb8;
	[tilespmem:$0x10100] =	vst v63  }
0x61: {  	s3 =	simm.s32 $0x8900  }
0x62: {  	[tilespmem:s3], [sflag:$0x2] =	stream.indirect_vreg.gather [hbm4b:s5+s2], $0x80, v2, vm0, $0xb8;
	[tilespmem:$0x10100] =	vst v63  }
0x63: {  	s3 =	simm.s32 $0x9100  }
0x64: {  	[tilespmem:s3], [sflag:$0x2] =	stream.indirect_vreg.gather [hbm4b:s6+s2], $0x80, v2, vm0, $0xb8;
	[tilespmem:$0x10100] =	vst v63  }
0x65: {  	s3 =	simm.s32 $0x9900  }
0x66: {  	[tilespmem:s3], [sflag:$0x2] =	stream.indirect_vreg.gather [hbm4b:s7+s2], $0x80, v2, vm0, $0xb8;
	[tilespmem:$0x10100] =	vst v63  }
0x67: {  	s3 =	simm.s32 $0xA100  }
0x68: {  	[tilespmem:s3], [sflag:$0x2] =	stream.indirect_vreg.gather [hbm4b:s8+s2], $0x80, v2, vm0, $0xb8;
	[tilespmem:$0x10100] =	vst v63  }
0x69: {  	s3 =	simm.s32 $0xA900  }
0x6a: {  	[tilespmem:s3], [sflag:$0x2] =	stream.indirect_vreg.gather [hbm4b:s9+s2], $0x80, v2, vm0, $0xb8;
	[tilespmem:$0x10100] =	vst v63  }
0x6b: {  	s3 =	simm.s32 $0xB100  }
0x6c: {  	[tilespmem:s3], [sflag:$0x2] =	stream.indirect_vreg.gather [hbm4b:s10+s2], $0x80, v2, vm0, $0xb8;
	[tilespmem:$0x10100] =	vst v63  }
0x6d: {  	s3 =	simm.s32 $0xB900  }
0x6e: {  	[tilespmem:s3], [sflag:$0x2] =	stream.indirect_vreg.gather [hbm4b:s11+s2], $0x80, v2, vm0, $0xb8;
	[tilespmem:$0x10100] =	vst v63  }
0x6f: {  	s3 =	simm.s32 $0xC100  }
0x70: {  	[tilespmem:s3], [sflag:$0x2] =	stream.indirect_vreg.gather [hbm4b:s12+s2], $0x80, v2, vm0, $0xb8;
	[tilespmem:$0x10100] =	vst v63  }
0x71: {  	s3 =	simm.s32 $0xC900  }
0x72: {  	[tilespmem:s3], [sflag:$0x2] =	stream.indirect_vreg.gather [hbm4b:s13+s2], $0x80, v2, vm0, $0xb8;
	[tilespmem:$0x10100] =	vst v63  }
0x73: {  	s3 =	simm.s32 $0xD100  }
0x74: {  	[tilespmem:s3], [sflag:$0x2] =	stream.indirect_vreg.gather [hbm4b:s14+s2], $0x80, v2, vm0, $0xb8;
	[tilespmem:$0x10100] =	vst v63  }
0x75: {  	s3 =	simm.s32 $0xD900  }
0x76: {  	[tilespmem:s3], [sflag:$0x2] =	stream.indirect_vreg.gather [hbm4b:s15+s2], $0x80, v2, vm0, $0xb8;
	[tilespmem:$0x10100] =	vst v63  }
0x77: {  	s3 =	simm.s32 $0xE100  }
0x78: {  	[tilespmem:s3], [sflag:$0x2] =	stream.indirect_vreg.gather [hbm4b:s16+s2], $0x80, v2, vm0, $0xb8;
	[tilespmem:$0x10100] =	vst v63  }
0x79: {  	s3 =	simm.s32 $0xE900  }
0x7a: {  	[tilespmem:s3], [sflag:$0x2] =	stream.indirect_vreg.gather [hbm4b:s17+s2], $0x80, v2, vm0, $0xb8;
	[tilespmem:$0x10100] =	vst v63  }
0x7b: {  	s3 =	simm.s32 $0xF100  }
0x7c: {  	[tilespmem:s3], [sflag:$0x2] =	stream.indirect_vreg.gather [hbm4b:s18+s2], $0x80, v2, vm0, $0xb8;
	[tilespmem:$0x10100] =	vst v63  }
0x7d: {  	s3 =	simm.s32 $0xF900  }
0x7e: {  	[tilespmem:s3], [sflag:$0x2] =	stream.indirect_vreg.gather [hbm4b:s19+s2], $0x80, v2, vm0, $0xb8;
	[tilespmem:$0x10100] =	vst v63  }
0x7f: {  	s3 =	sld [smem:$0x7FA];
	_ =	sdelay $0x2  }
0x80: {  	[hbm4b:s3+s2] =	stream.linear.scatter [tilespmem:s22], [sflag:$0x3], $0x8000, $0x38;
	[tilespmem:$0x10100] =	vst v63  }
0x81: {  	_ =	swait.ge [sflag:s1], $0x8000  }
0x82: {  	[sflag:s1] =	ssyncset.done $0x0  }
0x83: {  	[sflag:s1] =	ssyncadd.s32 $0xFFFF8000  }
0x84: {  	_ =	swait.ge [sflag:s0], $0x8000  }
0x85: {  	[sflag:s0] =	ssyncset.done $0x0  }
0x86: {  	[sflag:s0] =	ssyncadd.s32 $0xFFFF8000  }
0x87: {  	v2 =	vld.msk [tilespmem:$0x10], $0xff;
	_ =	sdelay $0x4  }
0x88: {  	v3 =	vshll.u32 v2, $0x5  }
0x89: {  	v2 =	vand.u32 $0x7, v2;
	v3 =	vand.u32 $0xFFFFFF00, v3  }
0x8a: {  	v2 =	vor.u32 v2, v3  }
0x8b: {  	v2 =	vperm.xlane v2, v0;
	_ =	sdelay $0x1  }
0x8c: {  	v2 =	vadd.s32 v1, v2;
	_ =	sdelay $0x4  }
0x8d: {  	[tilespmem:s22], [sflag:$0x1] =	stream.indirect_vreg.gather [hbm4b:s4+s2], $0x80, v2, vm0, $0xb8;
	[tilespmem:$0x10100] =	vst v63  }
0x8e: {  	s20 =	simm.s32 $0x900  }
0x8f: {  	[tilespmem:s20], [sflag:$0x1] =	stream.indirect_vreg.gather [hbm4b:s5+s2], $0x80, v2, vm0, $0xb8;
	[tilespmem:$0x10100] =	vst v63  }
0x90: {  	s23 =	simm.s32 $0x1100  }
0x91: {  	[tilespmem:s23], [sflag:$0x1] =	stream.indirect_vreg.gather [hbm4b:s6+s2], $0x80, v2, vm0, $0xb8;
	[tilespmem:$0x10100] =	vst v63  }
0x92: {  	s24 =	simm.s32 $0x1900  }
0x93: {  	[tilespmem:s24], [sflag:$0x1] =	stream.indirect_vreg.gather [hbm4b:s7+s2], $0x80, v2, vm0, $0xb8;
	[tilespmem:$0x10100] =	vst v63  }
0x94: {  	s28 =	simm.s32 $0x2100  }
0x95: {  	[tilespmem:s28], [sflag:$0x1] =	stream.indirect_vreg.gather [hbm4b:s8+s2], $0x80, v2, vm0, $0xb8;
	[tilespmem:$0x10100] =	vst v63  }
0x96: {  	s29 =	simm.s32 $0x2900  }
0x97: {  	[tilespmem:s29], [sflag:$0x1] =	stream.indirect_vreg.gather [hbm4b:s9+s2], $0x80, v2, vm0, $0xb8;
	[tilespmem:$0x10100] =	vst v63  }
0x98: {  	s30 =	simm.s32 $0x3100  }
0x99: {  	[tilespmem:s30], [sflag:$0x1] =	stream.indirect_vreg.gather [hbm4b:s10+s2], $0x80, v2, vm0, $0xb8;
	[tilespmem:$0x10100] =	vst v63  }
0x9a: {  	s31 =	simm.s32 $0x3900  }
0x9b: {  	[tilespmem:s31], [sflag:$0x1] =	stream.indirect_vreg.gather [hbm4b:s11+s2], $0x80, v2, vm0, $0xb8;
	[tilespmem:$0x10100] =	vst v63  }
0x9c: {  	s30 =	simm.s32 $0x4100  }
0x9d: {  	[tilespmem:s30], [sflag:$0x1] =	stream.indirect_vreg.gather [hbm4b:s12+s2], $0x80, v2, vm0, $0xb8;
	[tilespmem:$0x10100] =	vst v63  }
0x9e: {  	s31 =	simm.s32 $0x4900  }
0x9f: {  	[tilespmem:s31], [sflag:$0x1] =	stream.indirect_vreg.gather [hbm4b:s13+s2], $0x80, v2, vm0, $0xb8;
	[tilespmem:$0x10100] =	vst v63  }
0xa0: {  	s20 =	simm.s32 $0x5100  }
0xa1: {  	[tilespmem:s20], [sflag:$0x1] =	stream.indirect_vreg.gather [hbm4b:s14+s2], $0x80, v2, vm0, $0xb8;
	[tilespmem:$0x10100] =	vst v63  }
0xa2: {  	s23 =	simm.s32 $0x5900  }
0xa3: {  	[tilespmem:s23], [sflag:$0x1] =	stream.indirect_vreg.gather [hbm4b:s15+s2], $0x80, v2, vm0, $0xb8;
	[tilespmem:$0x10100] =	vst v63  }
0xa4: {  	s24 =	simm.s32 $0x6100  }
0xa5: {  	[tilespmem:s24], [sflag:$0x1] =	stream.indirect_vreg.gather [hbm4b:s16+s2], $0x80, v2, vm0, $0xb8;
	[tilespmem:$0x10100] =	vst v63  }
0xa6: {  	s28 =	simm.s32 $0x6900  }
0xa7: {  	[tilespmem:s28], [sflag:$0x1] =	stream.indirect_vreg.gather [hbm4b:s17+s2], $0x80, v2, vm0, $0xb8;
	[tilespmem:$0x10100] =	vst v63  }
0xa8: {  	s29 =	simm.s32 $0x7100  }
0xa9: {  	[tilespmem:s29], [sflag:$0x1] =	stream.indirect_vreg.gather [hbm4b:s18+s2], $0x80, v2, vm0, $0xb8;
	[tilespmem:$0x10100] =	vst v63  }
0xaa: {  	s31 =	simm.s32 $0x7900  }
0xab: {  	[tilespmem:s31], [sflag:$0x1] =	stream.indirect_vreg.gather [hbm4b:s19+s2], $0x80, v2, vm0, $0xb8;
	[tilespmem:$0x10100] =	vst v63  }
0xac: {  	s30 =	rddreg [dreg:$0x4]  }
0xad: {  	[hbm4b:s30+s2] =	stream.linear.scatter [tilespmem:s26], [sflag:$0x4], $0x8000, $0x38;
	[tilespmem:$0x10100] =	vst v63  }
0xae: {  	_ =	swait.ge [sflag:s25], $0x8000  }
0xaf: {  	[sflag:s25] =	ssyncset.done $0x0  }
0xb0: {  	[sflag:s25] =	ssyncadd.s32 $0xFFFF8000  }
0xb1: {  	_ =	swait.ge [sflag:s21], $0x8000  }
0xb2: {  	[sflag:s21] =	ssyncset.done $0x0  }
0xb3: {  	[sflag:s21] =	ssyncadd.s32 $0xFFFF8000  }
0xb4: {  	v2 =	vld.msk [tilespmem:$0x18], $0xff;
	_ =	sdelay $0x4  }
0xb5: {  	v3 =	vshll.u32 v2, $0x5  }
0xb6: {  	v2 =	vand.u32 $0x7, v2;
	v3 =	vand.u32 $0xFFFFFF00, v3  }
0xb7: {  	v2 =	vor.u32 v2, v3  }
0xb8: {  	v2 =	vperm.xlane v2, v0;
	_ =	sdelay $0x1  }
0xb9: {  	v2 =	vadd.s32 v1, v2;
	_ =	sdelay $0x4  }
0xba: {  	[tilespmem:s26], [sflag:$0x2] =	stream.indirect_vreg.gather [hbm4b:s4+s2], $0x80, v2, vm0, $0xb8;
	[tilespmem:$0x10100] =	vst v63  }
0xbb: {  	s23 =	simm.s32 $0x8900  }
0xbc: {  	[tilespmem:s23], [sflag:$0x2] =	stream.indirect_vreg.gather [hbm4b:s5+s2], $0x80, v2, vm0, $0xb8;
	[tilespmem:$0x10100] =	vst v63  }
0xbd: {  	s24 =	simm.s32 $0x9100  }
0xbe: {  	[tilespmem:s24], [sflag:$0x2] =	stream.indirect_vreg.gather [hbm4b:s6+s2], $0x80, v2, vm0, $0xb8;
	[tilespmem:$0x10100] =	vst v63  }
0xbf: {  	s28 =	simm.s32 $0x9900  }
0xc0: {  	[tilespmem:s28], [sflag:$0x2] =	stream.indirect_vreg.gather [hbm4b:s7+s2], $0x80, v2, vm0, $0xb8;
	[tilespmem:$0x10100] =	vst v63  }
0xc1: {  	s29 =	simm.s32 $0xA100  }
0xc2: {  	[tilespmem:s29], [sflag:$0x2] =	stream.indirect_vreg.gather [hbm4b:s8+s2], $0x80, v2, vm0, $0xb8;
	[tilespmem:$0x10100] =	vst v63  }
0xc3: {  	s30 =	simm.s32 $0xA900  }
0xc4: {  	[tilespmem:s30], [sflag:$0x2] =	stream.indirect_vreg.gather [hbm4b:s9+s2], $0x80, v2, vm0, $0xb8;
	[tilespmem:$0x10100] =	vst v63  }
0xc5: {  	s31 =	simm.s32 $0xB100  }
0xc6: {  	[tilespmem:s31], [sflag:$0x2] =	stream.indirect_vreg.gather [hbm4b:s10+s2], $0x80, v2, vm0, $0xb8;
	[tilespmem:$0x10100] =	vst v63  }
0xc7: {  	s20 =	simm.s32 $0xB900  }
0xc8: {  	[tilespmem:s20], [sflag:$0x2] =	stream.indirect_vreg.gather [hbm4b:s11+s2], $0x80, v2, vm0, $0xb8;
	[tilespmem:$0x10100] =	vst v63  }
0xc9: {  	s20 =	simm.s32 $0xC100  }
0xca: {  	[tilespmem:s20], [sflag:$0x2] =	stream.indirect_vreg.gather [hbm4b:s12+s2], $0x80, v2, vm0, $0xb8;
	[tilespmem:$0x10100] =	vst v63  }
0xcb: {  	s20 =	simm.s32 $0xC900  }
0xcc: {  	[tilespmem:s20], [sflag:$0x2] =	stream.indirect_vreg.gather [hbm4b:s13+s2], $0x80, v2, vm0, $0xb8;
	[tilespmem:$0x10100] =	vst v63  }
0xcd: {  	s20 =	simm.s32 $0xD100  }
0xce: {  	[tilespmem:s20], [sflag:$0x2] =	stream.indirect_vreg.gather [hbm4b:s14+s2], $0x80, v2, vm0, $0xb8;
	[tilespmem:$0x10100] =	vst v63  }
0xcf: {  	s20 =	simm.s32 $0xD900  }
0xd0: {  	[tilespmem:s20], [sflag:$0x2] =	stream.indirect_vreg.gather [hbm4b:s15+s2], $0x80, v2, vm0, $0xb8;
	[tilespmem:$0x10100] =	vst v63  }
0xd1: {  	s20 =	simm.s32 $0xE100  }
0xd2: {  	[tilespmem:s20], [sflag:$0x2] =	stream.indirect_vreg.gather [hbm4b:s16+s2], $0x80, v2, vm0, $0xb8;
	[tilespmem:$0x10100] =	vst v63  }
0xd3: {  	s20 =	simm.s32 $0xE900  }
0xd4: {  	[tilespmem:s20], [sflag:$0x2] =	stream.indirect_vreg.gather [hbm4b:s17+s2], $0x80, v2, vm0, $0xb8;
	[tilespmem:$0x10100] =	vst v63  }
0xd5: {  	s20 =	simm.s32 $0xF100  }
0xd6: {  	[tilespmem:s20], [sflag:$0x2] =	stream.indirect_vreg.gather [hbm4b:s18+s2], $0x80, v2, vm0, $0xb8;
	[tilespmem:$0x10100] =	vst v63  }
0xd7: {  	s20 =	simm.s32 $0xF900  }
0xd8: {  	[tilespmem:s20], [sflag:$0x2] =	stream.indirect_vreg.gather [hbm4b:s19+s2], $0x80, v2, vm0, $0xb8;
	[tilespmem:$0x10100] =	vst v63  }
0xd9: {  	s3 =	rddreg [dreg:$0x5]  }
0xda: {  	[hbm4b:s3+s2] =	stream.linear.scatter [tilespmem:s22], [sflag:$0x3], $0x8000, $0x38;
	[tilespmem:$0x10100] =	vst v63  }
0xdb: {  	_ =	swait.ge [sflag:s1], $0x8000  }
0xdc: {  	[sflag:s1] =	ssyncset.done $0x0  }
0xdd: {  	[sflag:s1] =	ssyncadd.s32 $0xFFFF8000  }
0xde: {  	_ =	swait.ge [sflag:s0], $0x8000  }
0xdf: {  	[sflag:s0] =	ssyncset.done $0x0  }
0xe0: {  	[sflag:s0] =	ssyncadd.s32 $0xFFFF8000  }
0xe1: {  	v2 =	vld.msk [tilespmem:$0x20], $0xff;
	_ =	sdelay $0x4  }
0xe2: {  	v3 =	vshll.u32 v2, $0x5  }
0xe3: {  	v2 =	vand.u32 $0x7, v2;
	v3 =	vand.u32 $0xFFFFFF00, v3  }
0xe4: {  	v2 =	vor.u32 v2, v3  }
0xe5: {  	v2 =	vperm.xlane v2, v0;
	_ =	sdelay $0x1  }
0xe6: {  	v2 =	vadd.s32 v1, v2;
	_ =	sdelay $0x4  }
0xe7: {  	[tilespmem:s22], [sflag:$0x1] =	stream.indirect_vreg.gather [hbm4b:s4+s2], $0x80, v2, vm0, $0xb8;
	[tilespmem:$0x10100] =	vst v63  }
0xe8: {  	s20 =	simm.s32 $0x900  }
0xe9: {  	[tilespmem:s20], [sflag:$0x1] =	stream.indirect_vreg.gather [hbm4b:s5+s2], $0x80, v2, vm0, $0xb8;
	[tilespmem:$0x10100] =	vst v63  }
0xea: {  	s20 =	simm.s32 $0x1100  }
0xeb: {  	[tilespmem:s20], [sflag:$0x1] =	stream.indirect_vreg.gather [hbm4b:s6+s2], $0x80, v2, vm0, $0xb8;
	[tilespmem:$0x10100] =	vst v63  }
0xec: {  	s20 =	simm.s32 $0x1900  }
0xed: {  	[tilespmem:s20], [sflag:$0x1] =	stream.indirect_vreg.gather [hbm4b:s7+s2], $0x80, v2, vm0, $0xb8;
	[tilespmem:$0x10100] =	vst v63  }
0xee: {  	s20 =	simm.s32 $0x2100  }
0xef: {  	[tilespmem:s20], [sflag:$0x1] =	stream.indirect_vreg.gather [hbm4b:s8+s2], $0x80, v2, vm0, $0xb8;
	[tilespmem:$0x10100] =	vst v63  }
0xf0: {  	s20 =	simm.s32 $0x2900  }
0xf1: {  	[tilespmem:s20], [sflag:$0x1] =	stream.indirect_vreg.gather [hbm4b:s9+s2], $0x80, v2, vm0, $0xb8;
	[tilespmem:$0x10100] =	vst v63  }
0xf2: {  	s20 =	simm.s32 $0x3100  }
0xf3: {  	[tilespmem:s20], [sflag:$0x1] =	stream.indirect_vreg.gather [hbm4b:s10+s2], $0x80, v2, vm0, $0xb8;
	[tilespmem:$0x10100] =	vst v63  }
0xf4: {  	s20 =	simm.s32 $0x3900  }
0xf5: {  	[tilespmem:s20], [sflag:$0x1] =	stream.indirect_vreg.gather [hbm4b:s11+s2], $0x80, v2, vm0, $0xb8;
	[tilespmem:$0x10100] =	vst v63  }
0xf6: {  	s20 =	simm.s32 $0x4100  }
0xf7: {  	[tilespmem:s20], [sflag:$0x1] =	stream.indirect_vreg.gather [hbm4b:s12+s2], $0x80, v2, vm0, $0xb8;
	[tilespmem:$0x10100] =	vst v63  }
0xf8: {  	s20 =	simm.s32 $0x4900  }
0xf9: {  	[tilespmem:s20], [sflag:$0x1] =	stream.indirect_vreg.gather [hbm4b:s13+s2], $0x80, v2, vm0, $0xb8;
	[tilespmem:$0x10100] =	vst v63  }
0xfa: {  	s20 =	simm.s32 $0x5100  }
0xfb: {  	[tilespmem:s20], [sflag:$0x1] =	stream.indirect_vreg.gather [hbm4b:s14+s2], $0x80, v2, vm0, $0xb8;
	[tilespmem:$0x10100] =	vst v63  }
0xfc: {  	s20 =	simm.s32 $0x5900  }
0xfd: {  	[tilespmem:s20], [sflag:$0x1] =	stream.indirect_vreg.gather [hbm4b:s15+s2], $0x80, v2, vm0, $0xb8;
	[tilespmem:$0x10100] =	vst v63  }
0xfe: {  	s20 =	simm.s32 $0x6100  }
0xff: {  	[tilespmem:s20], [sflag:$0x1] =	stream.indirect_vreg.gather [hbm4b:s16+s2], $0x80, v2, vm0, $0xb8;
	[tilespmem:$0x10100] =	vst v63  }
0x100: {  	s20 =	simm.s32 $0x6900  }
0x101: {  	[tilespmem:s20], [sflag:$0x1] =	stream.indirect_vreg.gather [hbm4b:s17+s2], $0x80, v2, vm0, $0xb8;
	[tilespmem:$0x10100] =	vst v63  }
0x102: {  	s20 =	simm.s32 $0x7100  }
0x103: {  	[tilespmem:s20], [sflag:$0x1] =	stream.indirect_vreg.gather [hbm4b:s18+s2], $0x80, v2, vm0, $0xb8;
	[tilespmem:$0x10100] =	vst v63  }
0x104: {  	s20 =	simm.s32 $0x7900  }
0x105: {  	[tilespmem:s20], [sflag:$0x1] =	stream.indirect_vreg.gather [hbm4b:s19+s2], $0x80, v2, vm0, $0xb8;
	[tilespmem:$0x10100] =	vst v63  }
0x106: {  	s3 =	rddreg [dreg:$0x6]  }
0x107: {  	[hbm4b:s3+s2] =	stream.linear.scatter [tilespmem:s26], [sflag:$0x4], $0x8000, $0x38;
	[tilespmem:$0x10100] =	vst v63  }
0x108: {  	_ =	swait.ge [sflag:s25], $0x8000  }
0x109: {  	[sflag:s25] =	ssyncset.done $0x0  }
0x10a: {  	[sflag:s25] =	ssyncadd.s32 $0xFFFF8000  }
0x10b: {  	_ =	swait.ge [sflag:s21], $0x8000  }
0x10c: {  	[sflag:s21] =	ssyncset.done $0x0  }
0x10d: {  	[sflag:s21] =	ssyncadd.s32 $0xFFFF8000  }
0x10e: {  	v2 =	vld.msk [tilespmem:$0x28], $0xff;
	_ =	sdelay $0x4  }
0x10f: {  	v3 =	vshll.u32 v2, $0x5  }
0x110: {  	v2 =	vand.u32 $0x7, v2;
	v3 =	vand.u32 $0xFFFFFF00, v3  }
0x111: {  	v2 =	vor.u32 v2, v3  }
0x112: {  	v2 =	vperm.xlane v2, v0;
	_ =	sdelay $0x1  }
0x113: {  	v2 =	vadd.s32 v1, v2;
	_ =	sdelay $0x4  }
0x114: {  	[tilespmem:s26], [sflag:$0x2] =	stream.indirect_vreg.gather [hbm4b:s4+s2], $0x80, v2, vm0, $0xb8;
	[tilespmem:$0x10100] =	vst v63  }
0x115: {  	s23 =	simm.s32 $0x8900  }
0x116: {  	[tilespmem:s23], [sflag:$0x2] =	stream.indirect_vreg.gather [hbm4b:s5+s2], $0x80, v2, vm0, $0xb8;
	[tilespmem:$0x10100] =	vst v63  }
0x117: {  	s24 =	simm.s32 $0x9100  }
0x118: {  	[tilespmem:s24], [sflag:$0x2] =	stream.indirect_vreg.gather [hbm4b:s6+s2], $0x80, v2, vm0, $0xb8;
	[tilespmem:$0x10100] =	vst v63  }
0x119: {  	s28 =	simm.s32 $0x9900  }
0x11a: {  	[tilespmem:s28], [sflag:$0x2] =	stream.indirect_vreg.gather [hbm4b:s7+s2], $0x80, v2, vm0, $0xb8;
	[tilespmem:$0x10100] =	vst v63  }
0x11b: {  	s29 =	simm.s32 $0xA100  }
0x11c: {  	[tilespmem:s29], [sflag:$0x2] =	stream.indirect_vreg.gather [hbm4b:s8+s2], $0x80, v2, vm0, $0xb8;
	[tilespmem:$0x10100] =	vst v63  }
0x11d: {  	s30 =	simm.s32 $0xA900  }
0x11e: {  	[tilespmem:s30], [sflag:$0x2] =	stream.indirect_vreg.gather [hbm4b:s9+s2], $0x80, v2, vm0, $0xb8;
	[tilespmem:$0x10100] =	vst v63  }
0x11f: {  	s31 =	simm.s32 $0xB100  }
0x120: {  	[tilespmem:s31], [sflag:$0x2] =	stream.indirect_vreg.gather [hbm4b:s10+s2], $0x80, v2, vm0, $0xb8;
	[tilespmem:$0x10100] =	vst v63  }
0x121: {  	s23 =	simm.s32 $0xB900  }
0x122: {  	[tilespmem:s23], [sflag:$0x2] =	stream.indirect_vreg.gather [hbm4b:s11+s2], $0x80, v2, vm0, $0xb8;
	[tilespmem:$0x10100] =	vst v63  }
0x123: {  	s20 =	simm.s32 $0xC100  }
0x124: {  	[tilespmem:s20], [sflag:$0x2] =	stream.indirect_vreg.gather [hbm4b:s12+s2], $0x80, v2, vm0, $0xb8;
	[tilespmem:$0x10100] =	vst v63  }
0x125: {  	s20 =	simm.s32 $0xC900  }
0x126: {  	[tilespmem:s20], [sflag:$0x2] =	stream.indirect_vreg.gather [hbm4b:s13+s2], $0x80, v2, vm0, $0xb8;
	[tilespmem:$0x10100] =	vst v63  }
0x127: {  	s20 =	simm.s32 $0xD100  }
0x128: {  	[tilespmem:s20], [sflag:$0x2] =	stream.indirect_vreg.gather [hbm4b:s14+s2], $0x80, v2, vm0, $0xb8;
	[tilespmem:$0x10100] =	vst v63  }
0x129: {  	s20 =	simm.s32 $0xD900  }
0x12a: {  	[tilespmem:s20], [sflag:$0x2] =	stream.indirect_vreg.gather [hbm4b:s15+s2], $0x80, v2, vm0, $0xb8;
	[tilespmem:$0x10100] =	vst v63  }
0x12b: {  	s20 =	simm.s32 $0xE100  }
0x12c: {  	[tilespmem:s20], [sflag:$0x2] =	stream.indirect_vreg.gather [hbm4b:s16+s2], $0x80, v2, vm0, $0xb8;
	[tilespmem:$0x10100] =	vst v63  }
0x12d: {  	s20 =	simm.s32 $0xE900  }
0x12e: {  	[tilespmem:s20], [sflag:$0x2] =	stream.indirect_vreg.gather [hbm4b:s17+s2], $0x80, v2, vm0, $0xb8;
	[tilespmem:$0x10100] =	vst v63  }
0x12f: {  	s20 =	simm.s32 $0xF100  }
0x130: {  	[tilespmem:s20], [sflag:$0x2] =	stream.indirect_vreg.gather [hbm4b:s18+s2], $0x80, v2, vm0, $0xb8;
	[tilespmem:$0x10100] =	vst v63  }
0x131: {  	s20 =	simm.s32 $0xF900  }
0x132: {  	[tilespmem:s20], [sflag:$0x2] =	stream.indirect_vreg.gather [hbm4b:s19+s2], $0x80, v2, vm0, $0xb8;
	[tilespmem:$0x10100] =	vst v63  }
0x133: {  	s3 =	rddreg [dreg:$0x7]  }
0x134: {  	[hbm4b:s3+s2] =	stream.linear.scatter [tilespmem:s22], [sflag:$0x3], $0x8000, $0x38;
	[tilespmem:$0x10100] =	vst v63  }
0x135: {  	_ =	swait.ge [sflag:s1], $0x8000  }
0x136: {  	[sflag:s1] =	ssyncset.done $0x0  }
0x137: {  	[sflag:s1] =	ssyncadd.s32 $0xFFFF8000  }
0x138: {  	_ =	swait.ge [sflag:s0], $0x8000  }
0x139: {  	[sflag:s0] =	ssyncset.done $0x0  }
0x13a: {  	[sflag:s0] =	ssyncadd.s32 $0xFFFF8000  }
0x13b: {  	v2 =	vld.msk [tilespmem:$0x30], $0xff;
	_ =	sdelay $0x4  }
0x13c: {  	v3 =	vshll.u32 v2, $0x5  }
0x13d: {  	v2 =	vand.u32 $0x7, v2;
	v3 =	vand.u32 $0xFFFFFF00, v3  }
0x13e: {  	v2 =	vor.u32 v2, v3  }
0x13f: {  	v2 =	vperm.xlane v2, v0;
	_ =	sdelay $0x1  }
0x140: {  	v2 =	vadd.s32 v1, v2;
	_ =	sdelay $0x4  }
0x141: {  	[tilespmem:s22], [sflag:$0x1] =	stream.indirect_vreg.gather [hbm4b:s4+s2], $0x80, v2, vm0, $0xb8;
	[tilespmem:$0x10100] =	vst v63  }
0x142: {  	s20 =	simm.s32 $0x900  }
0x143: {  	[tilespmem:s20], [sflag:$0x1] =	stream.indirect_vreg.gather [hbm4b:s5+s2], $0x80, v2, vm0, $0xb8;
	[tilespmem:$0x10100] =	vst v63  }
0x144: {  	s20 =	simm.s32 $0x1100  }
0x145: {  	[tilespmem:s20], [sflag:$0x1] =	stream.indirect_vreg.gather [hbm4b:s6+s2], $0x80, v2, vm0, $0xb8;
	[tilespmem:$0x10100] =	vst v63  }
0x146: {  	s20 =	simm.s32 $0x1900  }
0x147: {  	[tilespmem:s20], [sflag:$0x1] =	stream.indirect_vreg.gather [hbm4b:s7+s2], $0x80, v2, vm0, $0xb8;
	[tilespmem:$0x10100] =	vst v63  }
0x148: {  	s20 =	simm.s32 $0x2100  }
0x149: {  	[tilespmem:s20], [sflag:$0x1] =	stream.indirect_vreg.gather [hbm4b:s8+s2], $0x80, v2, vm0, $0xb8;
	[tilespmem:$0x10100] =	vst v63  }
0x14a: {  	s20 =	simm.s32 $0x2900  }
0x14b: {  	[tilespmem:s20], [sflag:$0x1] =	stream.indirect_vreg.gather [hbm4b:s9+s2], $0x80, v2, vm0, $0xb8;
	[tilespmem:$0x10100] =	vst v63  }
0x14c: {  	s20 =	simm.s32 $0x3100  }
0x14d: {  	[tilespmem:s20], [sflag:$0x1] =	stream.indirect_vreg.gather [hbm4b:s10+s2], $0x80, v2, vm0, $0xb8;
	[tilespmem:$0x10100] =	vst v63  }
0x14e: {  	s20 =	simm.s32 $0x3900  }
0x14f: {  	[tilespmem:s20], [sflag:$0x1] =	stream.indirect_vreg.gather [hbm4b:s11+s2], $0x80, v2, vm0, $0xb8;
	[tilespmem:$0x10100] =	vst v63  }
0x150: {  	s20 =	simm.s32 $0x4100  }
0x151: {  	[tilespmem:s20], [sflag:$0x1] =	stream.indirect_vreg.gather [hbm4b:s12+s2], $0x80, v2, vm0, $0xb8;
	[tilespmem:$0x10100] =	vst v63  }
0x152: {  	s20 =	simm.s32 $0x4900  }
0x153: {  	[tilespmem:s20], [sflag:$0x1] =	stream.indirect_vreg.gather [hbm4b:s13+s2], $0x80, v2, vm0, $0xb8;
	[tilespmem:$0x10100] =	vst v63  }
0x154: {  	s20 =	simm.s32 $0x5100  }
0x155: {  	[tilespmem:s20], [sflag:$0x1] =	stream.indirect_vreg.gather [hbm4b:s14+s2], $0x80, v2, vm0, $0xb8;
	[tilespmem:$0x10100] =	vst v63  }
0x156: {  	s20 =	simm.s32 $0x5900  }
0x157: {  	[tilespmem:s20], [sflag:$0x1] =	stream.indirect_vreg.gather [hbm4b:s15+s2], $0x80, v2, vm0, $0xb8;
	[tilespmem:$0x10100] =	vst v63  }
0x158: {  	s20 =	simm.s32 $0x6100  }
0x159: {  	[tilespmem:s20], [sflag:$0x1] =	stream.indirect_vreg.gather [hbm4b:s16+s2], $0x80, v2, vm0, $0xb8;
	[tilespmem:$0x10100] =	vst v63  }
0x15a: {  	s20 =	simm.s32 $0x6900  }
0x15b: {  	[tilespmem:s20], [sflag:$0x1] =	stream.indirect_vreg.gather [hbm4b:s17+s2], $0x80, v2, vm0, $0xb8;
	[tilespmem:$0x10100] =	vst v63  }
0x15c: {  	s20 =	simm.s32 $0x7100  }
0x15d: {  	[tilespmem:s20], [sflag:$0x1] =	stream.indirect_vreg.gather [hbm4b:s18+s2], $0x80, v2, vm0, $0xb8;
	[tilespmem:$0x10100] =	vst v63  }
0x15e: {  	s20 =	simm.s32 $0x7900  }
0x15f: {  	[tilespmem:s20], [sflag:$0x1] =	stream.indirect_vreg.gather [hbm4b:s19+s2], $0x80, v2, vm0, $0xb8;
	[tilespmem:$0x10100] =	vst v63  }
0x160: {  	s3 =	rddreg [dreg:$0x8]  }
0x161: {  	[hbm4b:s3+s2] =	stream.linear.scatter [tilespmem:s26], [sflag:$0x4], $0x8000, $0x38;
	[tilespmem:$0x10100] =	vst v63  }
0x162: {  	_ =	swait.ge [sflag:s25], $0x8000  }
0x163: {  	[sflag:s25] =	ssyncset.done $0x0  }
0x164: {  	[sflag:s25] =	ssyncadd.s32 $0xFFFF8000  }
0x165: {  	_ =	swait.ge [sflag:s21], $0x8000  }
0x166: {  	[sflag:s21] =	ssyncset.done $0x0  }
0x167: {  	[sflag:s21] =	ssyncadd.s32 $0xFFFF8000  }
0x168: {  	v2 =	vld.msk [tilespmem:$0x38], $0xff;
	_ =	sdelay $0x4  }
0x169: {  	v3 =	vshll.u32 v2, $0x5  }
0x16a: {  	v2 =	vand.u32 $0x7, v2;
	v3 =	vand.u32 $0xFFFFFF00, v3  }
0x16b: {  	v2 =	vor.u32 v2, v3  }
0x16c: {  	v2 =	vperm.xlane v2, v0;
	_ =	sdelay $0x1  }
0x16d: {  	v2 =	vadd.s32 v1, v2;
	_ =	sdelay $0x4  }
0x16e: {  	[tilespmem:s26], [sflag:$0x2] =	stream.indirect_vreg.gather [hbm4b:s4+s2], $0x80, v2, vm0, $0xb8;
	[tilespmem:$0x10100] =	vst v63  }
0x16f: {  	s20 =	simm.s32 $0x8900  }
0x170: {  	[tilespmem:s20], [sflag:$0x2] =	stream.indirect_vreg.gather [hbm4b:s5+s2], $0x80, v2, vm0, $0xb8;
	[tilespmem:$0x10100] =	vst v63  }
0x171: {  	s24 =	simm.s32 $0x9100  }
0x172: {  	[tilespmem:s24], [sflag:$0x2] =	stream.indirect_vreg.gather [hbm4b:s6+s2], $0x80, v2, vm0, $0xb8;
	[tilespmem:$0x10100] =	vst v63  }
0x173: {  	s28 =	simm.s32 $0x9900  }
0x174: {  	[tilespmem:s28], [sflag:$0x2] =	stream.indirect_vreg.gather [hbm4b:s7+s2], $0x80, v2, vm0, $0xb8;
	[tilespmem:$0x10100] =	vst v63  }
0x175: {  	s29 =	simm.s32 $0xA100  }
0x176: {  	[tilespmem:s29], [sflag:$0x2] =	stream.indirect_vreg.gather [hbm4b:s8+s2], $0x80, v2, vm0, $0xb8;
	[tilespmem:$0x10100] =	vst v63  }
0x177: {  	s30 =	simm.s32 $0xA900  }
0x178: {  	[tilespmem:s30], [sflag:$0x2] =	stream.indirect_vreg.gather [hbm4b:s9+s2], $0x80, v2, vm0, $0xb8;
	[tilespmem:$0x10100] =	vst v63  }
0x179: {  	s31 =	simm.s32 $0xB100  }
0x17a: {  	[tilespmem:s31], [sflag:$0x2] =	stream.indirect_vreg.gather [hbm4b:s10+s2], $0x80, v2, vm0, $0xb8;
	[tilespmem:$0x10100] =	vst v63  }
0x17b: {  	s23 =	simm.s32 $0xB900  }
0x17c: {  	[tilespmem:s23], [sflag:$0x2] =	stream.indirect_vreg.gather [hbm4b:s11+s2], $0x80, v2, vm0, $0xb8;
	[tilespmem:$0x10100] =	vst v63  }
0x17d: {  	s20 =	simm.s32 $0xC100  }
0x17e: {  	[tilespmem:s20], [sflag:$0x2] =	stream.indirect_vreg.gather [hbm4b:s12+s2], $0x80, v2, vm0, $0xb8;
	[tilespmem:$0x10100] =	vst v63  }
0x17f: {  	s20 =	simm.s32 $0xC900  }
0x180: {  	[tilespmem:s20], [sflag:$0x2] =	stream.indirect_vreg.gather [hbm4b:s13+s2], $0x80, v2, vm0, $0xb8;
	[tilespmem:$0x10100] =	vst v63  }
0x181: {  	s20 =	simm.s32 $0xD100  }
0x182: {  	[tilespmem:s20], [sflag:$0x2] =	stream.indirect_vreg.gather [hbm4b:s14+s2], $0x80, v2, vm0, $0xb8;
	[tilespmem:$0x10100] =	vst v63  }
0x183: {  	s20 =	simm.s32 $0xD900  }
0x184: {  	[tilespmem:s20], [sflag:$0x2] =	stream.indirect_vreg.gather [hbm4b:s15+s2], $0x80, v2, vm0, $0xb8;
	[tilespmem:$0x10100] =	vst v63  }
0x185: {  	s20 =	simm.s32 $0xE100  }
0x186: {  	[tilespmem:s20], [sflag:$0x2] =	stream.indirect_vreg.gather [hbm4b:s16+s2], $0x80, v2, vm0, $0xb8;
	[tilespmem:$0x10100] =	vst v63  }
0x187: {  	s20 =	simm.s32 $0xE900  }
0x188: {  	[tilespmem:s20], [sflag:$0x2] =	stream.indirect_vreg.gather [hbm4b:s17+s2], $0x80, v2, vm0, $0xb8;
	[tilespmem:$0x10100] =	vst v63  }
0x189: {  	s20 =	simm.s32 $0xF100  }
0x18a: {  	[tilespmem:s20], [sflag:$0x2] =	stream.indirect_vreg.gather [hbm4b:s18+s2], $0x80, v2, vm0, $0xb8;
	[tilespmem:$0x10100] =	vst v63  }
0x18b: {  	s20 =	simm.s32 $0xF900  }
0x18c: {  	[tilespmem:s20], [sflag:$0x2] =	stream.indirect_vreg.gather [hbm4b:s19+s2], $0x80, v2, vm0, $0xb8;
	[tilespmem:$0x10100] =	vst v63  }
0x18d: {  	s3 =	rddreg [dreg:$0x9]  }
0x18e: {  	[hbm4b:s3+s2] =	stream.linear.scatter [tilespmem:s22], [sflag:$0x3], $0x8000, $0x38;
	[tilespmem:$0x10100] =	vst v63  }
0x18f: {  	_ =	swait.ge [sflag:s1], $0x8000  }
0x190: {  	[sflag:s1] =	ssyncset.done $0x0  }
0x191: {  	[sflag:s1] =	ssyncadd.s32 $0xFFFF8000  }
0x192: {  	_ =	swait.ge [sflag:s0], $0x8000  }
0x193: {  	[sflag:s0] =	ssyncset.done $0x0  }
0x194: {  	[sflag:s0] =	ssyncadd.s32 $0xFFFF8000  }
0x195: {  	v2 =	vld.msk [tilespmem:$0x40], $0xff;
	_ =	sdelay $0x4  }
0x196: {  	v3 =	vshll.u32 v2, $0x5  }
0x197: {  	v2 =	vand.u32 $0x7, v2;
	v3 =	vand.u32 $0xFFFFFF00, v3  }
0x198: {  	v2 =	vor.u32 v2, v3  }
0x199: {  	v2 =	vperm.xlane v2, v0;
	_ =	sdelay $0x1  }
0x19a: {  	v2 =	vadd.s32 v1, v2;
	_ =	sdelay $0x4  }
0x19b: {  	[tilespmem:s22], [sflag:$0x1] =	stream.indirect_vreg.gather [hbm4b:s4+s2], $0x80, v2, vm0, $0xb8;
	[tilespmem:$0x10100] =	vst v63  }
0x19c: {  	s20 =	simm.s32 $0x900  }
0x19d: {  	[tilespmem:s20], [sflag:$0x1] =	stream.indirect_vreg.gather [hbm4b:s5+s2], $0x80, v2, vm0, $0xb8;
	[tilespmem:$0x10100] =	vst v63  }
0x19e: {  	s20 =	simm.s32 $0x1100  }
0x19f: {  	[tilespmem:s20], [sflag:$0x1] =	stream.indirect_vreg.gather [hbm4b:s6+s2], $0x80, v2, vm0, $0xb8;
	[tilespmem:$0x10100] =	vst v63  }
0x1a0: {  	s20 =	simm.s32 $0x1900  }
0x1a1: {  	[tilespmem:s20], [sflag:$0x1] =	stream.indirect_vreg.gather [hbm4b:s7+s2], $0x80, v2, vm0, $0xb8;
	[tilespmem:$0x10100] =	vst v63  }
0x1a2: {  	s20 =	simm.s32 $0x2100  }
0x1a3: {  	[tilespmem:s20], [sflag:$0x1] =	stream.indirect_vreg.gather [hbm4b:s8+s2], $0x80, v2, vm0, $0xb8;
	[tilespmem:$0x10100] =	vst v63  }
0x1a4: {  	s20 =	simm.s32 $0x2900  }
0x1a5: {  	[tilespmem:s20], [sflag:$0x1] =	stream.indirect_vreg.gather [hbm4b:s9+s2], $0x80, v2, vm0, $0xb8;
	[tilespmem:$0x10100] =	vst v63  }
0x1a6: {  	s20 =	simm.s32 $0x3100  }
0x1a7: {  	[tilespmem:s20], [sflag:$0x1] =	stream.indirect_vreg.gather [hbm4b:s10+s2], $0x80, v2, vm0, $0xb8;
	[tilespmem:$0x10100] =	vst v63  }
0x1a8: {  	s20 =	simm.s32 $0x3900  }
0x1a9: {  	[tilespmem:s20], [sflag:$0x1] =	stream.indirect_vreg.gather [hbm4b:s11+s2], $0x80, v2, vm0, $0xb8;
	[tilespmem:$0x10100] =	vst v63  }
0x1aa: {  	s20 =	simm.s32 $0x4100  }
0x1ab: {  	[tilespmem:s20], [sflag:$0x1] =	stream.indirect_vreg.gather [hbm4b:s12+s2], $0x80, v2, vm0, $0xb8;
	[tilespmem:$0x10100] =	vst v63  }
0x1ac: {  	s20 =	simm.s32 $0x4900  }
0x1ad: {  	[tilespmem:s20], [sflag:$0x1] =	stream.indirect_vreg.gather [hbm4b:s13+s2], $0x80, v2, vm0, $0xb8;
	[tilespmem:$0x10100] =	vst v63  }
0x1ae: {  	s20 =	simm.s32 $0x5100  }
0x1af: {  	[tilespmem:s20], [sflag:$0x1] =	stream.indirect_vreg.gather [hbm4b:s14+s2], $0x80, v2, vm0, $0xb8;
	[tilespmem:$0x10100] =	vst v63  }
0x1b0: {  	s20 =	simm.s32 $0x5900  }
0x1b1: {  	[tilespmem:s20], [sflag:$0x1] =	stream.indirect_vreg.gather [hbm4b:s15+s2], $0x80, v2, vm0, $0xb8;
	[tilespmem:$0x10100] =	vst v63  }
0x1b2: {  	s20 =	simm.s32 $0x6100  }
0x1b3: {  	[tilespmem:s20], [sflag:$0x1] =	stream.indirect_vreg.gather [hbm4b:s16+s2], $0x80, v2, vm0, $0xb8;
	[tilespmem:$0x10100] =	vst v63  }
0x1b4: {  	s20 =	simm.s32 $0x6900  }
0x1b5: {  	[tilespmem:s20], [sflag:$0x1] =	stream.indirect_vreg.gather [hbm4b:s17+s2], $0x80, v2, vm0, $0xb8;
	[tilespmem:$0x10100] =	vst v63  }
0x1b6: {  	s20 =	simm.s32 $0x7100  }
0x1b7: {  	[tilespmem:s20], [sflag:$0x1] =	stream.indirect_vreg.gather [hbm4b:s18+s2], $0x80, v2, vm0, $0xb8;
	[tilespmem:$0x10100] =	vst v63  }
0x1b8: {  	s20 =	simm.s32 $0x7900  }
0x1b9: {  	[tilespmem:s20], [sflag:$0x1] =	stream.indirect_vreg.gather [hbm4b:s19+s2], $0x80, v2, vm0, $0xb8;
	[tilespmem:$0x10100] =	vst v63  }
0x1ba: {  	s3 =	rddreg [dreg:$0xa]  }
0x1bb: {  	[hbm4b:s3+s2] =	stream.linear.scatter [tilespmem:s26], [sflag:$0x4], $0x8000, $0x38;
	[tilespmem:$0x10100] =	vst v63  }
0x1bc: {  	_ =	swait.ge [sflag:s25], $0x8000  }
0x1bd: {  	[sflag:s25] =	ssyncset.done $0x0  }
0x1be: {  	[sflag:s25] =	ssyncadd.s32 $0xFFFF8000  }
0x1bf: {  	_ =	swait.ge [sflag:s21], $0x8000  }
0x1c0: {  	[sflag:s21] =	ssyncset.done $0x0  }
0x1c1: {  	[sflag:s21] =	ssyncadd.s32 $0xFFFF8000  }
0x1c2: {  	v2 =	vld.msk [tilespmem:$0x48], $0xff;
	_ =	sdelay $0x4  }
0x1c3: {  	v3 =	vshll.u32 v2, $0x5  }
0x1c4: {  	v2 =	vand.u32 $0x7, v2;
	v3 =	vand.u32 $0xFFFFFF00, v3  }
0x1c5: {  	v2 =	vor.u32 v2, v3  }
0x1c6: {  	v2 =	vperm.xlane v2, v0;
	_ =	sdelay $0x1  }
0x1c7: {  	v2 =	vadd.s32 v1, v2;
	_ =	sdelay $0x4  }
0x1c8: {  	[tilespmem:s26], [sflag:$0x2] =	stream.indirect_vreg.gather [hbm4b:s4+s2], $0x80, v2, vm0, $0xb8;
	[tilespmem:$0x10100] =	vst v63  }
0x1c9: {  	s20 =	simm.s32 $0x8900  }
0x1ca: {  	[tilespmem:s20], [sflag:$0x2] =	stream.indirect_vreg.gather [hbm4b:s5+s2], $0x80, v2, vm0, $0xb8;
	[tilespmem:$0x10100] =	vst v63  }
0x1cb: {  	s24 =	simm.s32 $0x9100  }
0x1cc: {  	[tilespmem:s24], [sflag:$0x2] =	stream.indirect_vreg.gather [hbm4b:s6+s2], $0x80, v2, vm0, $0xb8;
	[tilespmem:$0x10100] =	vst v63  }
0x1cd: {  	s28 =	simm.s32 $0x9900  }
0x1ce: {  	[tilespmem:s28], [sflag:$0x2] =	stream.indirect_vreg.gather [hbm4b:s7+s2], $0x80, v2, vm0, $0xb8;
	[tilespmem:$0x10100] =	vst v63  }
0x1cf: {  	s29 =	simm.s32 $0xA100  }
0x1d0: {  	[tilespmem:s29], [sflag:$0x2] =	stream.indirect_vreg.gather [hbm4b:s8+s2], $0x80, v2, vm0, $0xb8;
	[tilespmem:$0x10100] =	vst v63  }
0x1d1: {  	s30 =	simm.s32 $0xA900  }
0x1d2: {  	[tilespmem:s30], [sflag:$0x2] =	stream.indirect_vreg.gather [hbm4b:s9+s2], $0x80, v2, vm0, $0xb8;
	[tilespmem:$0x10100] =	vst v63  }
0x1d3: {  	s31 =	simm.s32 $0xB100  }
0x1d4: {  	[tilespmem:s31], [sflag:$0x2] =	stream.indirect_vreg.gather [hbm4b:s10+s2], $0x80, v2, vm0, $0xb8;
	[tilespmem:$0x10100] =	vst v63  }
0x1d5: {  	s23 =	simm.s32 $0xB900  }
0x1d6: {  	[tilespmem:s23], [sflag:$0x2] =	stream.indirect_vreg.gather [hbm4b:s11+s2], $0x80, v2, vm0, $0xb8;
	[tilespmem:$0x10100] =	vst v63  }
0x1d7: {  	s20 =	simm.s32 $0xC100  }
0x1d8: {  	[tilespmem:s20], [sflag:$0x2] =	stream.indirect_vreg.gather [hbm4b:s12+s2], $0x80, v2, vm0, $0xb8;
	[tilespmem:$0x10100] =	vst v63  }
0x1d9: {  	s20 =	simm.s32 $0xC900  }
0x1da: {  	[tilespmem:s20], [sflag:$0x2] =	stream.indirect_vreg.gather [hbm4b:s13+s2], $0x80, v2, vm0, $0xb8;
	[tilespmem:$0x10100] =	vst v63  }
0x1db: {  	s20 =	simm.s32 $0xD100  }
0x1dc: {  	[tilespmem:s20], [sflag:$0x2] =	stream.indirect_vreg.gather [hbm4b:s14+s2], $0x80, v2, vm0, $0xb8;
	[tilespmem:$0x10100] =	vst v63  }
0x1dd: {  	s20 =	simm.s32 $0xD900  }
0x1de: {  	[tilespmem:s20], [sflag:$0x2] =	stream.indirect_vreg.gather [hbm4b:s15+s2], $0x80, v2, vm0, $0xb8;
	[tilespmem:$0x10100] =	vst v63  }
0x1df: {  	s20 =	simm.s32 $0xE100  }
0x1e0: {  	[tilespmem:s20], [sflag:$0x2] =	stream.indirect_vreg.gather [hbm4b:s16+s2], $0x80, v2, vm0, $0xb8;
	[tilespmem:$0x10100] =	vst v63  }
0x1e1: {  	s20 =	simm.s32 $0xE900  }
0x1e2: {  	[tilespmem:s20], [sflag:$0x2] =	stream.indirect_vreg.gather [hbm4b:s17+s2], $0x80, v2, vm0, $0xb8;
	[tilespmem:$0x10100] =	vst v63  }
0x1e3: {  	s20 =	simm.s32 $0xF100  }
0x1e4: {  	[tilespmem:s20], [sflag:$0x2] =	stream.indirect_vreg.gather [hbm4b:s18+s2], $0x80, v2, vm0, $0xb8;
	[tilespmem:$0x10100] =	vst v63  }
0x1e5: {  	s20 =	simm.s32 $0xF900  }
0x1e6: {  	[tilespmem:s20], [sflag:$0x2] =	stream.indirect_vreg.gather [hbm4b:s19+s2], $0x80, v2, vm0, $0xb8;
	[tilespmem:$0x10100] =	vst v63  }
0x1e7: {  	s3 =	rddreg [dreg:$0xb]  }
0x1e8: {  	[hbm4b:s3+s2] =	stream.linear.scatter [tilespmem:s22], [sflag:$0x3], $0x8000, $0x38;
	[tilespmem:$0x10100] =	vst v63  }
0x1e9: {  	_ =	swait.ge [sflag:s1], $0x8000  }
0x1ea: {  	[sflag:s1] =	ssyncset.done $0x0  }
0x1eb: {  	[sflag:s1] =	ssyncadd.s32 $0xFFFF8000  }
0x1ec: {  	_ =	swait.ge [sflag:s0], $0x8000  }
0x1ed: {  	[sflag:s0] =	ssyncset.done $0x0  }
0x1ee: {  	[sflag:s0] =	ssyncadd.s32 $0xFFFF8000  }
0x1ef: {  	v2 =	vld.msk [tilespmem:$0x50], $0xff;
	_ =	sdelay $0x4  }
0x1f0: {  	v3 =	vshll.u32 v2, $0x5  }
0x1f1: {  	v2 =	vand.u32 $0x7, v2;
	v3 =	vand.u32 $0xFFFFFF00, v3  }
0x1f2: {  	v2 =	vor.u32 v2, v3  }
0x1f3: {  	v2 =	vperm.xlane v2, v0;
	_ =	sdelay $0x1  }
0x1f4: {  	v2 =	vadd.s32 v1, v2;
	_ =	sdelay $0x4  }
0x1f5: {  	[tilespmem:s22], [sflag:$0x1] =	stream.indirect_vreg.gather [hbm4b:s4+s2], $0x80, v2, vm0, $0xb8;
	[tilespmem:$0x10100] =	vst v63  }
0x1f6: {  	s20 =	simm.s32 $0x900  }
0x1f7: {  	[tilespmem:s20], [sflag:$0x1] =	stream.indirect_vreg.gather [hbm4b:s5+s2], $0x80, v2, vm0, $0xb8;
	[tilespmem:$0x10100] =	vst v63  }
0x1f8: {  	s20 =	simm.s32 $0x1100  }
0x1f9: {  	[tilespmem:s20], [sflag:$0x1] =	stream.indirect_vreg.gather [hbm4b:s6+s2], $0x80, v2, vm0, $0xb8;
	[tilespmem:$0x10100] =	vst v63  }
0x1fa: {  	s20 =	simm.s32 $0x1900  }
0x1fb: {  	[tilespmem:s20], [sflag:$0x1] =	stream.indirect_vreg.gather [hbm4b:s7+s2], $0x80, v2, vm0, $0xb8;
	[tilespmem:$0x10100] =	vst v63  }
0x1fc: {  	s20 =	simm.s32 $0x2100  }
0x1fd: {  	[tilespmem:s20], [sflag:$0x1] =	stream.indirect_vreg.gather [hbm4b:s8+s2], $0x80, v2, vm0, $0xb8;
	[tilespmem:$0x10100] =	vst v63  }
0x1fe: {  	s20 =	simm.s32 $0x2900  }
0x1ff: {  	[tilespmem:s20], [sflag:$0x1] =	stream.indirect_vreg.gather [hbm4b:s9+s2], $0x80, v2, vm0, $0xb8;
	[tilespmem:$0x10100] =	vst v63  }
0x200: {  	s20 =	simm.s32 $0x3100  }
0x201: {  	[tilespmem:s20], [sflag:$0x1] =	stream.indirect_vreg.gather [hbm4b:s10+s2], $0x80, v2, vm0, $0xb8;
	[tilespmem:$0x10100] =	vst v63  }
0x202: {  	s20 =	simm.s32 $0x3900  }
0x203: {  	[tilespmem:s20], [sflag:$0x1] =	stream.indirect_vreg.gather [hbm4b:s11+s2], $0x80, v2, vm0, $0xb8;
	[tilespmem:$0x10100] =	vst v63  }
0x204: {  	s20 =	simm.s32 $0x4100  }
0x205: {  	[tilespmem:s20], [sflag:$0x1] =	stream.indirect_vreg.gather [hbm4b:s12+s2], $0x80, v2, vm0, $0xb8;
	[tilespmem:$0x10100] =	vst v63  }
0x206: {  	s20 =	simm.s32 $0x4900  }
0x207: {  	[tilespmem:s20], [sflag:$0x1] =	stream.indirect_vreg.gather [hbm4b:s13+s2], $0x80, v2, vm0, $0xb8;
	[tilespmem:$0x10100] =	vst v63  }
0x208: {  	s20 =	simm.s32 $0x5100  }
0x209: {  	[tilespmem:s20], [sflag:$0x1] =	stream.indirect_vreg.gather [hbm4b:s14+s2], $0x80, v2, vm0, $0xb8;
	[tilespmem:$0x10100] =	vst v63  }
0x20a: {  	s20 =	simm.s32 $0x5900  }
0x20b: {  	[tilespmem:s20], [sflag:$0x1] =	stream.indirect_vreg.gather [hbm4b:s15+s2], $0x80, v2, vm0, $0xb8;
	[tilespmem:$0x10100] =	vst v63  }
0x20c: {  	s20 =	simm.s32 $0x6100  }
0x20d: {  	[tilespmem:s20], [sflag:$0x1] =	stream.indirect_vreg.gather [hbm4b:s16+s2], $0x80, v2, vm0, $0xb8;
	[tilespmem:$0x10100] =	vst v63  }
0x20e: {  	s20 =	simm.s32 $0x6900  }
0x20f: {  	[tilespmem:s20], [sflag:$0x1] =	stream.indirect_vreg.gather [hbm4b:s17+s2], $0x80, v2, vm0, $0xb8;
	[tilespmem:$0x10100] =	vst v63  }
0x210: {  	s20 =	simm.s32 $0x7100  }
0x211: {  	[tilespmem:s20], [sflag:$0x1] =	stream.indirect_vreg.gather [hbm4b:s18+s2], $0x80, v2, vm0, $0xb8;
	[tilespmem:$0x10100] =	vst v63  }
0x212: {  	s20 =	simm.s32 $0x7900  }
0x213: {  	[tilespmem:s20], [sflag:$0x1] =	stream.indirect_vreg.gather [hbm4b:s19+s2], $0x80, v2, vm0, $0xb8;
	[tilespmem:$0x10100] =	vst v63  }
0x214: {  	s3 =	rddreg [dreg:$0xc]  }
0x215: {  	[hbm4b:s3+s2] =	stream.linear.scatter [tilespmem:s26], [sflag:$0x4], $0x8000, $0x38;
	[tilespmem:$0x10100] =	vst v63  }
0x216: {  	_ =	swait.ge [sflag:s25], $0x8000  }
0x217: {  	[sflag:s25] =	ssyncset.done $0x0  }
0x218: {  	[sflag:s25] =	ssyncadd.s32 $0xFFFF8000  }
0x219: {  	_ =	swait.ge [sflag:s21], $0x8000  }
0x21a: {  	[sflag:s21] =	ssyncset.done $0x0  }
0x21b: {  	[sflag:s21] =	ssyncadd.s32 $0xFFFF8000  }
0x21c: {  	v2 =	vld.msk [tilespmem:$0x58], $0xff;
	_ =	sdelay $0x4  }
0x21d: {  	v3 =	vshll.u32 v2, $0x5  }
0x21e: {  	v2 =	vand.u32 $0x7, v2;
	v3 =	vand.u32 $0xFFFFFF00, v3  }
0x21f: {  	v2 =	vor.u32 v2, v3  }
0x220: {  	v2 =	vperm.xlane v2, v0;
	_ =	sdelay $0x1  }
0x221: {  	v2 =	vadd.s32 v1, v2;
	_ =	sdelay $0x4  }
0x222: {  	[tilespmem:s26], [sflag:$0x2] =	stream.indirect_vreg.gather [hbm4b:s4+s2], $0x80, v2, vm0, $0xb8;
	[tilespmem:$0x10100] =	vst v63  }
0x223: {  	s20 =	simm.s32 $0x8900  }
0x224: {  	[tilespmem:s20], [sflag:$0x2] =	stream.indirect_vreg.gather [hbm4b:s5+s2], $0x80, v2, vm0, $0xb8;
	[tilespmem:$0x10100] =	vst v63  }
0x225: {  	s24 =	simm.s32 $0x9100  }
0x226: {  	[tilespmem:s24], [sflag:$0x2] =	stream.indirect_vreg.gather [hbm4b:s6+s2], $0x80, v2, vm0, $0xb8;
	[tilespmem:$0x10100] =	vst v63  }
0x227: {  	s28 =	simm.s32 $0x9900  }
0x228: {  	[tilespmem:s28], [sflag:$0x2] =	stream.indirect_vreg.gather [hbm4b:s7+s2], $0x80, v2, vm0, $0xb8;
	[tilespmem:$0x10100] =	vst v63  }
0x229: {  	s29 =	simm.s32 $0xA100  }
0x22a: {  	[tilespmem:s29], [sflag:$0x2] =	stream.indirect_vreg.gather [hbm4b:s8+s2], $0x80, v2, vm0, $0xb8;
	[tilespmem:$0x10100] =	vst v63  }
0x22b: {  	s30 =	simm.s32 $0xA900  }
0x22c: {  	[tilespmem:s30], [sflag:$0x2] =	stream.indirect_vreg.gather [hbm4b:s9+s2], $0x80, v2, vm0, $0xb8;
	[tilespmem:$0x10100] =	vst v63  }
0x22d: {  	s31 =	simm.s32 $0xB100  }
0x22e: {  	[tilespmem:s31], [sflag:$0x2] =	stream.indirect_vreg.gather [hbm4b:s10+s2], $0x80, v2, vm0, $0xb8;
	[tilespmem:$0x10100] =	vst v63  }
0x22f: {  	s23 =	simm.s32 $0xB900  }
0x230: {  	[tilespmem:s23], [sflag:$0x2] =	stream.indirect_vreg.gather [hbm4b:s11+s2], $0x80, v2, vm0, $0xb8;
	[tilespmem:$0x10100] =	vst v63  }
0x231: {  	s20 =	simm.s32 $0xC100  }
0x232: {  	[tilespmem:s20], [sflag:$0x2] =	stream.indirect_vreg.gather [hbm4b:s12+s2], $0x80, v2, vm0, $0xb8;
	[tilespmem:$0x10100] =	vst v63  }
0x233: {  	s20 =	simm.s32 $0xC900  }
0x234: {  	[tilespmem:s20], [sflag:$0x2] =	stream.indirect_vreg.gather [hbm4b:s13+s2], $0x80, v2, vm0, $0xb8;
	[tilespmem:$0x10100] =	vst v63  }
0x235: {  	s20 =	simm.s32 $0xD100  }
0x236: {  	[tilespmem:s20], [sflag:$0x2] =	stream.indirect_vreg.gather [hbm4b:s14+s2], $0x80, v2, vm0, $0xb8;
	[tilespmem:$0x10100] =	vst v63  }
0x237: {  	s20 =	simm.s32 $0xD900  }
0x238: {  	[tilespmem:s20], [sflag:$0x2] =	stream.indirect_vreg.gather [hbm4b:s15+s2], $0x80, v2, vm0, $0xb8;
	[tilespmem:$0x10100] =	vst v63  }
0x239: {  	s20 =	simm.s32 $0xE100  }
0x23a: {  	[tilespmem:s20], [sflag:$0x2] =	stream.indirect_vreg.gather [hbm4b:s16+s2], $0x80, v2, vm0, $0xb8;
	[tilespmem:$0x10100] =	vst v63  }
0x23b: {  	s20 =	simm.s32 $0xE900  }
0x23c: {  	[tilespmem:s20], [sflag:$0x2] =	stream.indirect_vreg.gather [hbm4b:s17+s2], $0x80, v2, vm0, $0xb8;
	[tilespmem:$0x10100] =	vst v63  }
0x23d: {  	s20 =	simm.s32 $0xF100  }
0x23e: {  	[tilespmem:s20], [sflag:$0x2] =	stream.indirect_vreg.gather [hbm4b:s18+s2], $0x80, v2, vm0, $0xb8;
	[tilespmem:$0x10100] =	vst v63  }
0x23f: {  	s20 =	simm.s32 $0xF900  }
0x240: {  	[tilespmem:s20], [sflag:$0x2] =	stream.indirect_vreg.gather [hbm4b:s19+s2], $0x80, v2, vm0, $0xb8;
	[tilespmem:$0x10100] =	vst v63  }
0x241: {  	s3 =	rddreg [dreg:$0xd]  }
0x242: {  	[hbm4b:s3+s2] =	stream.linear.scatter [tilespmem:s22], [sflag:$0x3], $0x8000, $0x38;
	[tilespmem:$0x10100] =	vst v63  }
0x243: {  	_ =	swait.ge [sflag:s1], $0x8000  }
0x244: {  	[sflag:s1] =	ssyncset.done $0x0  }
0x245: {  	[sflag:s1] =	ssyncadd.s32 $0xFFFF8000  }
0x246: {  	_ =	swait.ge [sflag:s0], $0x8000  }
0x247: {  	[sflag:s0] =	ssyncset.done $0x0  }
0x248: {  	[sflag:s0] =	ssyncadd.s32 $0xFFFF8000  }
0x249: {  	v2 =	vld.msk [tilespmem:$0x60], $0xff;
	_ =	sdelay $0x4  }
0x24a: {  	v3 =	vshll.u32 v2, $0x5  }
0x24b: {  	v2 =	vand.u32 $0x7, v2;
	v3 =	vand.u32 $0xFFFFFF00, v3  }
0x24c: {  	v2 =	vor.u32 v2, v3  }
0x24d: {  	v2 =	vperm.xlane v2, v0;
	_ =	sdelay $0x1  }
0x24e: {  	v2 =	vadd.s32 v1, v2;
	_ =	sdelay $0x4  }
0x24f: {  	[tilespmem:s22], [sflag:$0x1] =	stream.indirect_vreg.gather [hbm4b:s4+s2], $0x80, v2, vm0, $0xb8;
	[tilespmem:$0x10100] =	vst v63  }
0x250: {  	s20 =	simm.s32 $0x900  }
0x251: {  	[tilespmem:s20], [sflag:$0x1] =	stream.indirect_vreg.gather [hbm4b:s5+s2], $0x80, v2, vm0, $0xb8;
	[tilespmem:$0x10100] =	vst v63  }
0x252: {  	s20 =	simm.s32 $0x1100  }
0x253: {  	[tilespmem:s20], [sflag:$0x1] =	stream.indirect_vreg.gather [hbm4b:s6+s2], $0x80, v2, vm0, $0xb8;
	[tilespmem:$0x10100] =	vst v63  }
0x254: {  	s20 =	simm.s32 $0x1900  }
0x255: {  	[tilespmem:s20], [sflag:$0x1] =	stream.indirect_vreg.gather [hbm4b:s7+s2], $0x80, v2, vm0, $0xb8;
	[tilespmem:$0x10100] =	vst v63  }
0x256: {  	s20 =	simm.s32 $0x2100  }
0x257: {  	[tilespmem:s20], [sflag:$0x1] =	stream.indirect_vreg.gather [hbm4b:s8+s2], $0x80, v2, vm0, $0xb8;
	[tilespmem:$0x10100] =	vst v63  }
0x258: {  	s20 =	simm.s32 $0x2900  }
0x259: {  	[tilespmem:s20], [sflag:$0x1] =	stream.indirect_vreg.gather [hbm4b:s9+s2], $0x80, v2, vm0, $0xb8;
	[tilespmem:$0x10100] =	vst v63  }
0x25a: {  	s20 =	simm.s32 $0x3100  }
0x25b: {  	[tilespmem:s20], [sflag:$0x1] =	stream.indirect_vreg.gather [hbm4b:s10+s2], $0x80, v2, vm0, $0xb8;
	[tilespmem:$0x10100] =	vst v63  }
0x25c: {  	s20 =	simm.s32 $0x3900  }
0x25d: {  	[tilespmem:s20], [sflag:$0x1] =	stream.indirect_vreg.gather [hbm4b:s11+s2], $0x80, v2, vm0, $0xb8;
	[tilespmem:$0x10100] =	vst v63  }
0x25e: {  	s20 =	simm.s32 $0x4100  }
0x25f: {  	[tilespmem:s20], [sflag:$0x1] =	stream.indirect_vreg.gather [hbm4b:s12+s2], $0x80, v2, vm0, $0xb8;
	[tilespmem:$0x10100] =	vst v63  }
0x260: {  	s20 =	simm.s32 $0x4900  }
0x261: {  	[tilespmem:s20], [sflag:$0x1] =	stream.indirect_vreg.gather [hbm4b:s13+s2], $0x80, v2, vm0, $0xb8;
	[tilespmem:$0x10100] =	vst v63  }
0x262: {  	s20 =	simm.s32 $0x5100  }
0x263: {  	[tilespmem:s20], [sflag:$0x1] =	stream.indirect_vreg.gather [hbm4b:s14+s2], $0x80, v2, vm0, $0xb8;
	[tilespmem:$0x10100] =	vst v63  }
0x264: {  	s20 =	simm.s32 $0x5900  }
0x265: {  	[tilespmem:s20], [sflag:$0x1] =	stream.indirect_vreg.gather [hbm4b:s15+s2], $0x80, v2, vm0, $0xb8;
	[tilespmem:$0x10100] =	vst v63  }
0x266: {  	s20 =	simm.s32 $0x6100  }
0x267: {  	[tilespmem:s20], [sflag:$0x1] =	stream.indirect_vreg.gather [hbm4b:s16+s2], $0x80, v2, vm0, $0xb8;
	[tilespmem:$0x10100] =	vst v63  }
0x268: {  	s20 =	simm.s32 $0x6900  }
0x269: {  	[tilespmem:s20], [sflag:$0x1] =	stream.indirect_vreg.gather [hbm4b:s17+s2], $0x80, v2, vm0, $0xb8;
	[tilespmem:$0x10100] =	vst v63  }
0x26a: {  	s20 =	simm.s32 $0x7100  }
0x26b: {  	[tilespmem:s20], [sflag:$0x1] =	stream.indirect_vreg.gather [hbm4b:s18+s2], $0x80, v2, vm0, $0xb8;
	[tilespmem:$0x10100] =	vst v63  }
0x26c: {  	s20 =	simm.s32 $0x7900  }
0x26d: {  	[tilespmem:s20], [sflag:$0x1] =	stream.indirect_vreg.gather [hbm4b:s19+s2], $0x80, v2, vm0, $0xb8;
	[tilespmem:$0x10100] =	vst v63  }
0x26e: {  	s3 =	rddreg [dreg:$0xe]  }
0x26f: {  	[hbm4b:s3+s2] =	stream.linear.scatter [tilespmem:s26], [sflag:$0x4], $0x8000, $0x38;
	[tilespmem:$0x10100] =	vst v63  }
0x270: {  	_ =	swait.ge [sflag:s25], $0x8000  }
0x271: {  	[sflag:s25] =	ssyncset.done $0x0  }
0x272: {  	[sflag:s25] =	ssyncadd.s32 $0xFFFF8000  }
0x273: {  	_ =	swait.ge [sflag:s21], $0x8000  }
0x274: {  	[sflag:s21] =	ssyncset.done $0x0  }
0x275: {  	[sflag:s21] =	ssyncadd.s32 $0xFFFF8000  }
0x276: {  	v2 =	vld.msk [tilespmem:$0x68], $0xff;
	_ =	sdelay $0x4  }
0x277: {  	v3 =	vshll.u32 v2, $0x5  }
0x278: {  	v2 =	vand.u32 $0x7, v2;
	v3 =	vand.u32 $0xFFFFFF00, v3  }
0x279: {  	v2 =	vor.u32 v2, v3  }
0x27a: {  	v2 =	vperm.xlane v2, v0;
	_ =	sdelay $0x1  }
0x27b: {  	v2 =	vadd.s32 v1, v2;
	_ =	sdelay $0x4  }
0x27c: {  	[tilespmem:s26], [sflag:$0x2] =	stream.indirect_vreg.gather [hbm4b:s4+s2], $0x80, v2, vm0, $0xb8;
	[tilespmem:$0x10100] =	vst v63  }
0x27d: {  	s20 =	simm.s32 $0x8900  }
0x27e: {  	[tilespmem:s20], [sflag:$0x2] =	stream.indirect_vreg.gather [hbm4b:s5+s2], $0x80, v2, vm0, $0xb8;
	[tilespmem:$0x10100] =	vst v63  }
0x27f: {  	s24 =	simm.s32 $0x9100  }
0x280: {  	[tilespmem:s24], [sflag:$0x2] =	stream.indirect_vreg.gather [hbm4b:s6+s2], $0x80, v2, vm0, $0xb8;
	[tilespmem:$0x10100] =	vst v63  }
0x281: {  	s28 =	simm.s32 $0x9900  }
0x282: {  	[tilespmem:s28], [sflag:$0x2] =	stream.indirect_vreg.gather [hbm4b:s7+s2], $0x80, v2, vm0, $0xb8;
	[tilespmem:$0x10100] =	vst v63  }
0x283: {  	s29 =	simm.s32 $0xA100  }
0x284: {  	[tilespmem:s29], [sflag:$0x2] =	stream.indirect_vreg.gather [hbm4b:s8+s2], $0x80, v2, vm0, $0xb8;
	[tilespmem:$0x10100] =	vst v63  }
0x285: {  	s30 =	simm.s32 $0xA900  }
0x286: {  	[tilespmem:s30], [sflag:$0x2] =	stream.indirect_vreg.gather [hbm4b:s9+s2], $0x80, v2, vm0, $0xb8;
	[tilespmem:$0x10100] =	vst v63  }
0x287: {  	s31 =	simm.s32 $0xB100  }
0x288: {  	[tilespmem:s31], [sflag:$0x2] =	stream.indirect_vreg.gather [hbm4b:s10+s2], $0x80, v2, vm0, $0xb8;
	[tilespmem:$0x10100] =	vst v63  }
0x289: {  	s23 =	simm.s32 $0xB900  }
0x28a: {  	[tilespmem:s23], [sflag:$0x2] =	stream.indirect_vreg.gather [hbm4b:s11+s2], $0x80, v2, vm0, $0xb8;
	[tilespmem:$0x10100] =	vst v63  }
0x28b: {  	s20 =	simm.s32 $0xC100  }
0x28c: {  	[tilespmem:s20], [sflag:$0x2] =	stream.indirect_vreg.gather [hbm4b:s12+s2], $0x80, v2, vm0, $0xb8;
	[tilespmem:$0x10100] =	vst v63  }
0x28d: {  	s20 =	simm.s32 $0xC900  }
0x28e: {  	[tilespmem:s20], [sflag:$0x2] =	stream.indirect_vreg.gather [hbm4b:s13+s2], $0x80, v2, vm0, $0xb8;
	[tilespmem:$0x10100] =	vst v63  }
0x28f: {  	s20 =	simm.s32 $0xD100  }
0x290: {  	[tilespmem:s20], [sflag:$0x2] =	stream.indirect_vreg.gather [hbm4b:s14+s2], $0x80, v2, vm0, $0xb8;
	[tilespmem:$0x10100] =	vst v63  }
0x291: {  	s20 =	simm.s32 $0xD900  }
0x292: {  	[tilespmem:s20], [sflag:$0x2] =	stream.indirect_vreg.gather [hbm4b:s15+s2], $0x80, v2, vm0, $0xb8;
	[tilespmem:$0x10100] =	vst v63  }
0x293: {  	s20 =	simm.s32 $0xE100  }
0x294: {  	[tilespmem:s20], [sflag:$0x2] =	stream.indirect_vreg.gather [hbm4b:s16+s2], $0x80, v2, vm0, $0xb8;
	[tilespmem:$0x10100] =	vst v63  }
0x295: {  	s20 =	simm.s32 $0xE900  }
0x296: {  	[tilespmem:s20], [sflag:$0x2] =	stream.indirect_vreg.gather [hbm4b:s17+s2], $0x80, v2, vm0, $0xb8;
	[tilespmem:$0x10100] =	vst v63  }
0x297: {  	s20 =	simm.s32 $0xF100  }
0x298: {  	[tilespmem:s20], [sflag:$0x2] =	stream.indirect_vreg.gather [hbm4b:s18+s2], $0x80, v2, vm0, $0xb8;
	[tilespmem:$0x10100] =	vst v63  }
0x299: {  	s20 =	simm.s32 $0xF900  }
0x29a: {  	[tilespmem:s20], [sflag:$0x2] =	stream.indirect_vreg.gather [hbm4b:s19+s2], $0x80, v2, vm0, $0xb8;
	[tilespmem:$0x10100] =	vst v63  }
0x29b: {  	s3 =	rddreg [dreg:$0xf]  }
0x29c: {  	[hbm4b:s3+s2] =	stream.linear.scatter [tilespmem:s22], [sflag:$0x3], $0x8000, $0x38;
	[tilespmem:$0x10100] =	vst v63  }
0x29d: {  	_ =	swait.ge [sflag:s1], $0x8000  }
0x29e: {  	[sflag:s1] =	ssyncset.done $0x0  }
0x29f: {  	[sflag:s1] =	ssyncadd.s32 $0xFFFF8000  }
0x2a0: {  	_ =	swait.ge [sflag:s0], $0x8000  }
0x2a1: {  	[sflag:s0] =	ssyncset.done $0x0  }
0x2a2: {  	[sflag:s0] =	ssyncadd.s32 $0xFFFF8000  }
0x2a3: {  	v2 =	vld.msk [tilespmem:$0x70], $0xff;
	_ =	sdelay $0x4  }
0x2a4: {  	v3 =	vshll.u32 v2, $0x5  }
0x2a5: {  	v2 =	vand.u32 $0x7, v2;
	v3 =	vand.u32 $0xFFFFFF00, v3  }
0x2a6: {  	v2 =	vor.u32 v2, v3  }
0x2a7: {  	v2 =	vperm.xlane v2, v0;
	_ =	sdelay $0x1  }
0x2a8: {  	v2 =	vadd.s32 v1, v2;
	_ =	sdelay $0x4  }
0x2a9: {  	[tilespmem:s22], [sflag:$0x1] =	stream.indirect_vreg.gather [hbm4b:s4+s2], $0x80, v2, vm0, $0xb8;
	[tilespmem:$0x10100] =	vst v63  }
0x2aa: {  	s20 =	simm.s32 $0x900  }
0x2ab: {  	[tilespmem:s20], [sflag:$0x1] =	stream.indirect_vreg.gather [hbm4b:s5+s2], $0x80, v2, vm0, $0xb8;
	[tilespmem:$0x10100] =	vst v63  }
0x2ac: {  	s20 =	simm.s32 $0x1100  }
0x2ad: {  	[tilespmem:s20], [sflag:$0x1] =	stream.indirect_vreg.gather [hbm4b:s6+s2], $0x80, v2, vm0, $0xb8;
	[tilespmem:$0x10100] =	vst v63  }
0x2ae: {  	s20 =	simm.s32 $0x1900  }
0x2af: {  	[tilespmem:s20], [sflag:$0x1] =	stream.indirect_vreg.gather [hbm4b:s7+s2], $0x80, v2, vm0, $0xb8;
	[tilespmem:$0x10100] =	vst v63  }
0x2b0: {  	s20 =	simm.s32 $0x2100  }
0x2b1: {  	[tilespmem:s20], [sflag:$0x1] =	stream.indirect_vreg.gather [hbm4b:s8+s2], $0x80, v2, vm0, $0xb8;
	[tilespmem:$0x10100] =	vst v63  }
0x2b2: {  	s20 =	simm.s32 $0x2900  }
0x2b3: {  	[tilespmem:s20], [sflag:$0x1] =	stream.indirect_vreg.gather [hbm4b:s9+s2], $0x80, v2, vm0, $0xb8;
	[tilespmem:$0x10100] =	vst v63  }
0x2b4: {  	s20 =	simm.s32 $0x3100  }
0x2b5: {  	[tilespmem:s20], [sflag:$0x1] =	stream.indirect_vreg.gather [hbm4b:s10+s2], $0x80, v2, vm0, $0xb8;
	[tilespmem:$0x10100] =	vst v63  }
0x2b6: {  	s20 =	simm.s32 $0x3900  }
0x2b7: {  	[tilespmem:s20], [sflag:$0x1] =	stream.indirect_vreg.gather [hbm4b:s11+s2], $0x80, v2, vm0, $0xb8;
	[tilespmem:$0x10100] =	vst v63  }
0x2b8: {  	s20 =	simm.s32 $0x4100  }
0x2b9: {  	[tilespmem:s20], [sflag:$0x1] =	stream.indirect_vreg.gather [hbm4b:s12+s2], $0x80, v2, vm0, $0xb8;
	[tilespmem:$0x10100] =	vst v63  }
0x2ba: {  	s20 =	simm.s32 $0x4900  }
0x2bb: {  	[tilespmem:s20], [sflag:$0x1] =	stream.indirect_vreg.gather [hbm4b:s13+s2], $0x80, v2, vm0, $0xb8;
	[tilespmem:$0x10100] =	vst v63  }
0x2bc: {  	s20 =	simm.s32 $0x5100  }
0x2bd: {  	[tilespmem:s20], [sflag:$0x1] =	stream.indirect_vreg.gather [hbm4b:s14+s2], $0x80, v2, vm0, $0xb8;
	[tilespmem:$0x10100] =	vst v63  }
0x2be: {  	s20 =	simm.s32 $0x5900  }
0x2bf: {  	[tilespmem:s20], [sflag:$0x1] =	stream.indirect_vreg.gather [hbm4b:s15+s2], $0x80, v2, vm0, $0xb8;
	[tilespmem:$0x10100] =	vst v63  }
0x2c0: {  	s20 =	simm.s32 $0x6100  }
0x2c1: {  	[tilespmem:s20], [sflag:$0x1] =	stream.indirect_vreg.gather [hbm4b:s16+s2], $0x80, v2, vm0, $0xb8;
	[tilespmem:$0x10100] =	vst v63  }
0x2c2: {  	s20 =	simm.s32 $0x6900  }
0x2c3: {  	[tilespmem:s20], [sflag:$0x1] =	stream.indirect_vreg.gather [hbm4b:s17+s2], $0x80, v2, vm0, $0xb8;
	[tilespmem:$0x10100] =	vst v63  }
0x2c4: {  	s20 =	simm.s32 $0x7100  }
0x2c5: {  	[tilespmem:s20], [sflag:$0x1] =	stream.indirect_vreg.gather [hbm4b:s18+s2], $0x80, v2, vm0, $0xb8;
	[tilespmem:$0x10100] =	vst v63  }
0x2c6: {  	s20 =	simm.s32 $0x7900  }
0x2c7: {  	[tilespmem:s20], [sflag:$0x1] =	stream.indirect_vreg.gather [hbm4b:s19+s2], $0x80, v2, vm0, $0xb8;
	[tilespmem:$0x10100] =	vst v63  }
0x2c8: {  	s3 =	rddreg [dreg:$0x10]  }
0x2c9: {  	[hbm4b:s3+s2] =	stream.linear.scatter [tilespmem:s26], [sflag:$0x4], $0x8000, $0x38;
	[tilespmem:$0x10100] =	vst v63  }
0x2ca: {  	_ =	swait.ge [sflag:s25], $0x8000  }
0x2cb: {  	[sflag:s25] =	ssyncset.done $0x0  }
0x2cc: {  	[sflag:s25] =	ssyncadd.s32 $0xFFFF8000  }
0x2cd: {  	_ =	swait.ge [sflag:s21], $0x8000  }
0x2ce: {  	[sflag:s21] =	ssyncset.done $0x0  }
0x2cf: {  	[sflag:s21] =	ssyncadd.s32 $0xFFFF8000  }
0x2d0: {  	v2 =	vld.msk [tilespmem:$0x78], $0xff;
	_ =	sdelay $0x4  }
0x2d1: {  	v3 =	vshll.u32 v2, $0x5  }
0x2d2: {  	v2 =	vand.u32 $0x7, v2;
	v3 =	vand.u32 $0xFFFFFF00, v3  }
0x2d3: {  	v2 =	vor.u32 v2, v3  }
0x2d4: {  	v2 =	vperm.xlane v2, v0;
	_ =	sdelay $0x1  }
0x2d5: {  	v2 =	vadd.s32 v1, v2;
	_ =	sdelay $0x4  }
0x2d6: {  	[tilespmem:s26], [sflag:$0x2] =	stream.indirect_vreg.gather [hbm4b:s4+s2], $0x80, v2, vm0, $0xb8;
	[tilespmem:$0x10100] =	vst v63  }
0x2d7: {  	s20 =	simm.s32 $0x8900  }
0x2d8: {  	[tilespmem:s20], [sflag:$0x2] =	stream.indirect_vreg.gather [hbm4b:s5+s2], $0x80, v2, vm0, $0xb8;
	[tilespmem:$0x10100] =	vst v63  }
0x2d9: {  	s24 =	simm.s32 $0x9100  }
0x2da: {  	[tilespmem:s24], [sflag:$0x2] =	stream.indirect_vreg.gather [hbm4b:s6+s2], $0x80, v2, vm0, $0xb8;
	[tilespmem:$0x10100] =	vst v63  }
0x2db: {  	s28 =	simm.s32 $0x9900  }
0x2dc: {  	[tilespmem:s28], [sflag:$0x2] =	stream.indirect_vreg.gather [hbm4b:s7+s2], $0x80, v2, vm0, $0xb8;
	[tilespmem:$0x10100] =	vst v63  }
0x2dd: {  	s29 =	simm.s32 $0xA100  }
0x2de: {  	[tilespmem:s29], [sflag:$0x2] =	stream.indirect_vreg.gather [hbm4b:s8+s2], $0x80, v2, vm0, $0xb8;
	[tilespmem:$0x10100] =	vst v63  }
0x2df: {  	s30 =	simm.s32 $0xA900  }
0x2e0: {  	[tilespmem:s30], [sflag:$0x2] =	stream.indirect_vreg.gather [hbm4b:s9+s2], $0x80, v2, vm0, $0xb8;
	[tilespmem:$0x10100] =	vst v63  }
0x2e1: {  	s31 =	simm.s32 $0xB100  }
0x2e2: {  	[tilespmem:s31], [sflag:$0x2] =	stream.indirect_vreg.gather [hbm4b:s10+s2], $0x80, v2, vm0, $0xb8;
	[tilespmem:$0x10100] =	vst v63  }
0x2e3: {  	s23 =	simm.s32 $0xB900  }
0x2e4: {  	[tilespmem:s23], [sflag:$0x2] =	stream.indirect_vreg.gather [hbm4b:s11+s2], $0x80, v2, vm0, $0xb8;
	[tilespmem:$0x10100] =	vst v63  }
0x2e5: {  	s20 =	simm.s32 $0xC100  }
0x2e6: {  	[tilespmem:s20], [sflag:$0x2] =	stream.indirect_vreg.gather [hbm4b:s12+s2], $0x80, v2, vm0, $0xb8;
	[tilespmem:$0x10100] =	vst v63  }
0x2e7: {  	s20 =	simm.s32 $0xC900  }
0x2e8: {  	[tilespmem:s20], [sflag:$0x2] =	stream.indirect_vreg.gather [hbm4b:s13+s2], $0x80, v2, vm0, $0xb8;
	[tilespmem:$0x10100] =	vst v63  }
0x2e9: {  	s20 =	simm.s32 $0xD100  }
0x2ea: {  	[tilespmem:s20], [sflag:$0x2] =	stream.indirect_vreg.gather [hbm4b:s14+s2], $0x80, v2, vm0, $0xb8;
	[tilespmem:$0x10100] =	vst v63  }
0x2eb: {  	s20 =	simm.s32 $0xD900  }
0x2ec: {  	[tilespmem:s20], [sflag:$0x2] =	stream.indirect_vreg.gather [hbm4b:s15+s2], $0x80, v2, vm0, $0xb8;
	[tilespmem:$0x10100] =	vst v63  }
0x2ed: {  	s20 =	simm.s32 $0xE100  }
0x2ee: {  	[tilespmem:s20], [sflag:$0x2] =	stream.indirect_vreg.gather [hbm4b:s16+s2], $0x80, v2, vm0, $0xb8;
	[tilespmem:$0x10100] =	vst v63  }
0x2ef: {  	s20 =	simm.s32 $0xE900  }
0x2f0: {  	[tilespmem:s20], [sflag:$0x2] =	stream.indirect_vreg.gather [hbm4b:s17+s2], $0x80, v2, vm0, $0xb8;
	[tilespmem:$0x10100] =	vst v63  }
0x2f1: {  	s20 =	simm.s32 $0xF100  }
0x2f2: {  	[tilespmem:s20], [sflag:$0x2] =	stream.indirect_vreg.gather [hbm4b:s18+s2], $0x80, v2, vm0, $0xb8;
	[tilespmem:$0x10100] =	vst v63  }
0x2f3: {  	s20 =	simm.s32 $0xF900  }
0x2f4: {  	[tilespmem:s20], [sflag:$0x2] =	stream.indirect_vreg.gather [hbm4b:s19+s2], $0x80, v2, vm0, $0xb8;
	[tilespmem:$0x10100] =	vst v63  }
0x2f5: {  	s3 =	rddreg [dreg:$0x11]  }
0x2f6: {  	[hbm4b:s3+s2] =	stream.linear.scatter [tilespmem:s22], [sflag:$0x3], $0x8000, $0x38;
	[tilespmem:$0x10100] =	vst v63  }
0x2f7: {  	_ =	swait.ge [sflag:s1], $0x8000  }
0x2f8: {  	[sflag:s1] =	ssyncset.done $0x0  }
0x2f9: {  	[sflag:s1] =	ssyncadd.s32 $0xFFFF8000  }
0x2fa: {  	_ =	swait.ge [sflag:s0], $0x8000  }
0x2fb: {  	[sflag:s0] =	ssyncset.done $0x0  }
0x2fc: {  	[sflag:s0] =	ssyncadd.s32 $0xFFFF8000  }
0x2fd: {  	v2 =	vld.msk [tilespmem:$0x80], $0xff;
	_ =	sdelay $0x4  }
0x2fe: {  	v3 =	vshll.u32 v2, $0x5  }
0x2ff: {  	v2 =	vand.u32 $0x7, v2;
	v3 =	vand.u32 $0xFFFFFF00, v3  }
0x300: {  	v2 =	vor.u32 v2, v3  }
0x301: {  	v2 =	vperm.xlane v2, v0;
	_ =	sdelay $0x1  }
0x302: {  	v2 =	vadd.s32 v1, v2;
	_ =	sdelay $0x4  }
0x303: {  	[tilespmem:s22], [sflag:$0x1] =	stream.indirect_vreg.gather [hbm4b:s4+s2], $0x80, v2, vm0, $0xb8;
	[tilespmem:$0x10100] =	vst v63  }
0x304: {  	s20 =	simm.s32 $0x900  }
0x305: {  	[tilespmem:s20], [sflag:$0x1] =	stream.indirect_vreg.gather [hbm4b:s5+s2], $0x80, v2, vm0, $0xb8;
	[tilespmem:$0x10100] =	vst v63  }
0x306: {  	s20 =	simm.s32 $0x1100  }
0x307: {  	[tilespmem:s20], [sflag:$0x1] =	stream.indirect_vreg.gather [hbm4b:s6+s2], $0x80, v2, vm0, $0xb8;
	[tilespmem:$0x10100] =	vst v63  }
0x308: {  	s20 =	simm.s32 $0x1900  }
0x309: {  	[tilespmem:s20], [sflag:$0x1] =	stream.indirect_vreg.gather [hbm4b:s7+s2], $0x80, v2, vm0, $0xb8;
	[tilespmem:$0x10100] =	vst v63  }
0x30a: {  	s20 =	simm.s32 $0x2100  }
0x30b: {  	[tilespmem:s20], [sflag:$0x1] =	stream.indirect_vreg.gather [hbm4b:s8+s2], $0x80, v2, vm0, $0xb8;
	[tilespmem:$0x10100] =	vst v63  }
0x30c: {  	s20 =	simm.s32 $0x2900  }
0x30d: {  	[tilespmem:s20], [sflag:$0x1] =	stream.indirect_vreg.gather [hbm4b:s9+s2], $0x80, v2, vm0, $0xb8;
	[tilespmem:$0x10100] =	vst v63  }
0x30e: {  	s20 =	simm.s32 $0x3100  }
0x30f: {  	[tilespmem:s20], [sflag:$0x1] =	stream.indirect_vreg.gather [hbm4b:s10+s2], $0x80, v2, vm0, $0xb8;
	[tilespmem:$0x10100] =	vst v63  }
0x310: {  	s20 =	simm.s32 $0x3900  }
0x311: {  	[tilespmem:s20], [sflag:$0x1] =	stream.indirect_vreg.gather [hbm4b:s11+s2], $0x80, v2, vm0, $0xb8;
	[tilespmem:$0x10100] =	vst v63  }
0x312: {  	s20 =	simm.s32 $0x4100  }
0x313: {  	[tilespmem:s20], [sflag:$0x1] =	stream.indirect_vreg.gather [hbm4b:s12+s2], $0x80, v2, vm0, $0xb8;
	[tilespmem:$0x10100] =	vst v63  }
0x314: {  	s20 =	simm.s32 $0x4900  }
0x315: {  	[tilespmem:s20], [sflag:$0x1] =	stream.indirect_vreg.gather [hbm4b:s13+s2], $0x80, v2, vm0, $0xb8;
	[tilespmem:$0x10100] =	vst v63  }
0x316: {  	s20 =	simm.s32 $0x5100  }
0x317: {  	[tilespmem:s20], [sflag:$0x1] =	stream.indirect_vreg.gather [hbm4b:s14+s2], $0x80, v2, vm0, $0xb8;
	[tilespmem:$0x10100] =	vst v63  }
0x318: {  	s20 =	simm.s32 $0x5900  }
0x319: {  	[tilespmem:s20], [sflag:$0x1] =	stream.indirect_vreg.gather [hbm4b:s15+s2], $0x80, v2, vm0, $0xb8;
	[tilespmem:$0x10100] =	vst v63  }
0x31a: {  	s20 =	simm.s32 $0x6100  }
0x31b: {  	[tilespmem:s20], [sflag:$0x1] =	stream.indirect_vreg.gather [hbm4b:s16+s2], $0x80, v2, vm0, $0xb8;
	[tilespmem:$0x10100] =	vst v63  }
0x31c: {  	s20 =	simm.s32 $0x6900  }
0x31d: {  	[tilespmem:s20], [sflag:$0x1] =	stream.indirect_vreg.gather [hbm4b:s17+s2], $0x80, v2, vm0, $0xb8;
	[tilespmem:$0x10100] =	vst v63  }
0x31e: {  	s20 =	simm.s32 $0x7100  }
0x31f: {  	[tilespmem:s20], [sflag:$0x1] =	stream.indirect_vreg.gather [hbm4b:s18+s2], $0x80, v2, vm0, $0xb8;
	[tilespmem:$0x10100] =	vst v63  }
0x320: {  	s20 =	simm.s32 $0x7900  }
0x321: {  	[tilespmem:s20], [sflag:$0x1] =	stream.indirect_vreg.gather [hbm4b:s19+s2], $0x80, v2, vm0, $0xb8;
	[tilespmem:$0x10100] =	vst v63  }
0x322: {  	s3 =	rddreg [dreg:$0x12]  }
0x323: {  	[hbm4b:s3+s2] =	stream.linear.scatter [tilespmem:s26], [sflag:$0x4], $0x8000, $0x38;
	[tilespmem:$0x10100] =	vst v63  }
0x324: {  	_ =	swait.ge [sflag:s25], $0x8000  }
0x325: {  	[sflag:s25] =	ssyncset.done $0x0  }
0x326: {  	[sflag:s25] =	ssyncadd.s32 $0xFFFF8000  }
0x327: {  	_ =	swait.ge [sflag:s21], $0x8000  }
0x328: {  	[sflag:s21] =	ssyncset.done $0x0  }
0x329: {  	[sflag:s21] =	ssyncadd.s32 $0xFFFF8000  }
0x32a: {  	v2 =	vld.msk [tilespmem:$0x88], $0xff;
	_ =	sdelay $0x4  }
0x32b: {  	v3 =	vshll.u32 v2, $0x5  }
0x32c: {  	v2 =	vand.u32 $0x7, v2;
	v3 =	vand.u32 $0xFFFFFF00, v3  }
0x32d: {  	v2 =	vor.u32 v2, v3  }
0x32e: {  	v2 =	vperm.xlane v2, v0;
	_ =	sdelay $0x1  }
0x32f: {  	v2 =	vadd.s32 v1, v2;
	_ =	sdelay $0x4  }
0x330: {  	[tilespmem:s26], [sflag:$0x2] =	stream.indirect_vreg.gather [hbm4b:s4+s2], $0x80, v2, vm0, $0xb8;
	[tilespmem:$0x10100] =	vst v63  }
0x331: {  	s20 =	simm.s32 $0x8900  }
0x332: {  	[tilespmem:s20], [sflag:$0x2] =	stream.indirect_vreg.gather [hbm4b:s5+s2], $0x80, v2, vm0, $0xb8;
	[tilespmem:$0x10100] =	vst v63  }
0x333: {  	s24 =	simm.s32 $0x9100  }
0x334: {  	[tilespmem:s24], [sflag:$0x2] =	stream.indirect_vreg.gather [hbm4b:s6+s2], $0x80, v2, vm0, $0xb8;
	[tilespmem:$0x10100] =	vst v63  }
0x335: {  	s28 =	simm.s32 $0x9900  }
0x336: {  	[tilespmem:s28], [sflag:$0x2] =	stream.indirect_vreg.gather [hbm4b:s7+s2], $0x80, v2, vm0, $0xb8;
	[tilespmem:$0x10100] =	vst v63  }
0x337: {  	s29 =	simm.s32 $0xA100  }
0x338: {  	[tilespmem:s29], [sflag:$0x2] =	stream.indirect_vreg.gather [hbm4b:s8+s2], $0x80, v2, vm0, $0xb8;
	[tilespmem:$0x10100] =	vst v63  }
0x339: {  	s30 =	simm.s32 $0xA900  }
0x33a: {  	[tilespmem:s30], [sflag:$0x2] =	stream.indirect_vreg.gather [hbm4b:s9+s2], $0x80, v2, vm0, $0xb8;
	[tilespmem:$0x10100] =	vst v63  }
0x33b: {  	s31 =	simm.s32 $0xB100  }
0x33c: {  	[tilespmem:s31], [sflag:$0x2] =	stream.indirect_vreg.gather [hbm4b:s10+s2], $0x80, v2, vm0, $0xb8;
	[tilespmem:$0x10100] =	vst v63  }
0x33d: {  	s23 =	simm.s32 $0xB900  }
0x33e: {  	[tilespmem:s23], [sflag:$0x2] =	stream.indirect_vreg.gather [hbm4b:s11+s2], $0x80, v2, vm0, $0xb8;
	[tilespmem:$0x10100] =	vst v63  }
0x33f: {  	s20 =	simm.s32 $0xC100  }
0x340: {  	[tilespmem:s20], [sflag:$0x2] =	stream.indirect_vreg.gather [hbm4b:s12+s2], $0x80, v2, vm0, $0xb8;
	[tilespmem:$0x10100] =	vst v63  }
0x341: {  	s20 =	simm.s32 $0xC900  }
0x342: {  	[tilespmem:s20], [sflag:$0x2] =	stream.indirect_vreg.gather [hbm4b:s13+s2], $0x80, v2, vm0, $0xb8;
	[tilespmem:$0x10100] =	vst v63  }
0x343: {  	s20 =	simm.s32 $0xD100  }
0x344: {  	[tilespmem:s20], [sflag:$0x2] =	stream.indirect_vreg.gather [hbm4b:s14+s2], $0x80, v2, vm0, $0xb8;
	[tilespmem:$0x10100] =	vst v63  }
0x345: {  	s20 =	simm.s32 $0xD900  }
0x346: {  	[tilespmem:s20], [sflag:$0x2] =	stream.indirect_vreg.gather [hbm4b:s15+s2], $0x80, v2, vm0, $0xb8;
	[tilespmem:$0x10100] =	vst v63  }
0x347: {  	s20 =	simm.s32 $0xE100  }
0x348: {  	[tilespmem:s20], [sflag:$0x2] =	stream.indirect_vreg.gather [hbm4b:s16+s2], $0x80, v2, vm0, $0xb8;
	[tilespmem:$0x10100] =	vst v63  }
0x349: {  	s20 =	simm.s32 $0xE900  }
0x34a: {  	[tilespmem:s20], [sflag:$0x2] =	stream.indirect_vreg.gather [hbm4b:s17+s2], $0x80, v2, vm0, $0xb8;
	[tilespmem:$0x10100] =	vst v63  }
0x34b: {  	s20 =	simm.s32 $0xF100  }
0x34c: {  	[tilespmem:s20], [sflag:$0x2] =	stream.indirect_vreg.gather [hbm4b:s18+s2], $0x80, v2, vm0, $0xb8;
	[tilespmem:$0x10100] =	vst v63  }
0x34d: {  	s20 =	simm.s32 $0xF900  }
0x34e: {  	[tilespmem:s20], [sflag:$0x2] =	stream.indirect_vreg.gather [hbm4b:s19+s2], $0x80, v2, vm0, $0xb8;
	[tilespmem:$0x10100] =	vst v63  }
0x34f: {  	s3 =	rddreg [dreg:$0x13]  }
0x350: {  	[hbm4b:s3+s2] =	stream.linear.scatter [tilespmem:s22], [sflag:$0x3], $0x8000, $0x38;
	[tilespmem:$0x10100] =	vst v63  }
0x351: {  	_ =	swait.ge [sflag:s1], $0x8000  }
0x352: {  	[sflag:s1] =	ssyncset.done $0x0  }
0x353: {  	[sflag:s1] =	ssyncadd.s32 $0xFFFF8000  }
0x354: {  	_ =	swait.ge [sflag:s0], $0x8000  }
0x355: {  	[sflag:s0] =	ssyncset.done $0x0  }
0x356: {  	[sflag:s0] =	ssyncadd.s32 $0xFFFF8000  }
0x357: {  	v2 =	vld.msk [tilespmem:$0x90], $0xff;
	_ =	sdelay $0x4  }
0x358: {  	v3 =	vshll.u32 v2, $0x5  }
0x359: {  	v2 =	vand.u32 $0x7, v2;
	v3 =	vand.u32 $0xFFFFFF00, v3  }
0x35a: {  	v2 =	vor.u32 v2, v3  }
0x35b: {  	v2 =	vperm.xlane v2, v0;
	_ =	sdelay $0x1  }
0x35c: {  	v2 =	vadd.s32 v1, v2;
	_ =	sdelay $0x4  }
0x35d: {  	[tilespmem:s22], [sflag:$0x1] =	stream.indirect_vreg.gather [hbm4b:s4+s2], $0x80, v2, vm0, $0xb8;
	[tilespmem:$0x10100] =	vst v63  }
0x35e: {  	s20 =	simm.s32 $0x900  }
0x35f: {  	[tilespmem:s20], [sflag:$0x1] =	stream.indirect_vreg.gather [hbm4b:s5+s2], $0x80, v2, vm0, $0xb8;
	[tilespmem:$0x10100] =	vst v63  }
0x360: {  	s20 =	simm.s32 $0x1100  }
0x361: {  	[tilespmem:s20], [sflag:$0x1] =	stream.indirect_vreg.gather [hbm4b:s6+s2], $0x80, v2, vm0, $0xb8;
	[tilespmem:$0x10100] =	vst v63  }
0x362: {  	s20 =	simm.s32 $0x1900  }
0x363: {  	[tilespmem:s20], [sflag:$0x1] =	stream.indirect_vreg.gather [hbm4b:s7+s2], $0x80, v2, vm0, $0xb8;
	[tilespmem:$0x10100] =	vst v63  }
0x364: {  	s20 =	simm.s32 $0x2100  }
0x365: {  	[tilespmem:s20], [sflag:$0x1] =	stream.indirect_vreg.gather [hbm4b:s8+s2], $0x80, v2, vm0, $0xb8;
	[tilespmem:$0x10100] =	vst v63  }
0x366: {  	s20 =	simm.s32 $0x2900  }
0x367: {  	[tilespmem:s20], [sflag:$0x1] =	stream.indirect_vreg.gather [hbm4b:s9+s2], $0x80, v2, vm0, $0xb8;
	[tilespmem:$0x10100] =	vst v63  }
0x368: {  	s20 =	simm.s32 $0x3100  }
0x369: {  	[tilespmem:s20], [sflag:$0x1] =	stream.indirect_vreg.gather [hbm4b:s10+s2], $0x80, v2, vm0, $0xb8;
	[tilespmem:$0x10100] =	vst v63  }
0x36a: {  	s20 =	simm.s32 $0x3900  }
0x36b: {  	[tilespmem:s20], [sflag:$0x1] =	stream.indirect_vreg.gather [hbm4b:s11+s2], $0x80, v2, vm0, $0xb8;
	[tilespmem:$0x10100] =	vst v63  }
0x36c: {  	s20 =	simm.s32 $0x4100  }
0x36d: {  	[tilespmem:s20], [sflag:$0x1] =	stream.indirect_vreg.gather [hbm4b:s12+s2], $0x80, v2, vm0, $0xb8;
	[tilespmem:$0x10100] =	vst v63  }
0x36e: {  	s20 =	simm.s32 $0x4900  }
0x36f: {  	[tilespmem:s20], [sflag:$0x1] =	stream.indirect_vreg.gather [hbm4b:s13+s2], $0x80, v2, vm0, $0xb8;
	[tilespmem:$0x10100] =	vst v63  }
0x370: {  	s20 =	simm.s32 $0x5100  }
0x371: {  	[tilespmem:s20], [sflag:$0x1] =	stream.indirect_vreg.gather [hbm4b:s14+s2], $0x80, v2, vm0, $0xb8;
	[tilespmem:$0x10100] =	vst v63  }
0x372: {  	s20 =	simm.s32 $0x5900  }
0x373: {  	[tilespmem:s20], [sflag:$0x1] =	stream.indirect_vreg.gather [hbm4b:s15+s2], $0x80, v2, vm0, $0xb8;
	[tilespmem:$0x10100] =	vst v63  }
0x374: {  	s20 =	simm.s32 $0x6100  }
0x375: {  	[tilespmem:s20], [sflag:$0x1] =	stream.indirect_vreg.gather [hbm4b:s16+s2], $0x80, v2, vm0, $0xb8;
	[tilespmem:$0x10100] =	vst v63  }
0x376: {  	s20 =	simm.s32 $0x6900  }
0x377: {  	[tilespmem:s20], [sflag:$0x1] =	stream.indirect_vreg.gather [hbm4b:s17+s2], $0x80, v2, vm0, $0xb8;
	[tilespmem:$0x10100] =	vst v63  }
0x378: {  	s20 =	simm.s32 $0x7100  }
0x379: {  	[tilespmem:s20], [sflag:$0x1] =	stream.indirect_vreg.gather [hbm4b:s18+s2], $0x80, v2, vm0, $0xb8;
	[tilespmem:$0x10100] =	vst v63  }
0x37a: {  	s20 =	simm.s32 $0x7900  }
0x37b: {  	[tilespmem:s20], [sflag:$0x1] =	stream.indirect_vreg.gather [hbm4b:s19+s2], $0x80, v2, vm0, $0xb8;
	[tilespmem:$0x10100] =	vst v63  }
0x37c: {  	s3 =	rddreg [dreg:$0x14]  }
0x37d: {  	[hbm4b:s3+s2] =	stream.linear.scatter [tilespmem:s26], [sflag:$0x4], $0x8000, $0x38;
	[tilespmem:$0x10100] =	vst v63  }
0x37e: {  	_ =	swait.ge [sflag:s25], $0x8000  }
0x37f: {  	[sflag:s25] =	ssyncset.done $0x0  }
0x380: {  	[sflag:s25] =	ssyncadd.s32 $0xFFFF8000  }
0x381: {  	_ =	swait.ge [sflag:s21], $0x8000  }
0x382: {  	[sflag:s21] =	ssyncset.done $0x0  }
0x383: {  	[sflag:s21] =	ssyncadd.s32 $0xFFFF8000  }
0x384: {  	v2 =	vld.msk [tilespmem:$0x98], $0xff;
	_ =	sdelay $0x4  }
0x385: {  	v3 =	vshll.u32 v2, $0x5  }
0x386: {  	v2 =	vand.u32 $0x7, v2;
	v3 =	vand.u32 $0xFFFFFF00, v3  }
0x387: {  	v2 =	vor.u32 v2, v3  }
0x388: {  	v2 =	vperm.xlane v2, v0;
	_ =	sdelay $0x1  }
0x389: {  	v2 =	vadd.s32 v1, v2;
	_ =	sdelay $0x4  }
0x38a: {  	[tilespmem:s26], [sflag:$0x2] =	stream.indirect_vreg.gather [hbm4b:s4+s2], $0x80, v2, vm0, $0xb8;
	[tilespmem:$0x10100] =	vst v63  }
0x38b: {  	s20 =	simm.s32 $0x8900  }
0x38c: {  	[tilespmem:s20], [sflag:$0x2] =	stream.indirect_vreg.gather [hbm4b:s5+s2], $0x80, v2, vm0, $0xb8;
	[tilespmem:$0x10100] =	vst v63  }
0x38d: {  	s24 =	simm.s32 $0x9100  }
0x38e: {  	[tilespmem:s24], [sflag:$0x2] =	stream.indirect_vreg.gather [hbm4b:s6+s2], $0x80, v2, vm0, $0xb8;
	[tilespmem:$0x10100] =	vst v63  }
0x38f: {  	s28 =	simm.s32 $0x9900  }
0x390: {  	[tilespmem:s28], [sflag:$0x2] =	stream.indirect_vreg.gather [hbm4b:s7+s2], $0x80, v2, vm0, $0xb8;
	[tilespmem:$0x10100] =	vst v63  }
0x391: {  	s29 =	simm.s32 $0xA100  }
0x392: {  	[tilespmem:s29], [sflag:$0x2] =	stream.indirect_vreg.gather [hbm4b:s8+s2], $0x80, v2, vm0, $0xb8;
	[tilespmem:$0x10100] =	vst v63  }
0x393: {  	s30 =	simm.s32 $0xA900  }
0x394: {  	[tilespmem:s30], [sflag:$0x2] =	stream.indirect_vreg.gather [hbm4b:s9+s2], $0x80, v2, vm0, $0xb8;
	[tilespmem:$0x10100] =	vst v63  }
0x395: {  	s31 =	simm.s32 $0xB100  }
0x396: {  	[tilespmem:s31], [sflag:$0x2] =	stream.indirect_vreg.gather [hbm4b:s10+s2], $0x80, v2, vm0, $0xb8;
	[tilespmem:$0x10100] =	vst v63  }
0x397: {  	s23 =	simm.s32 $0xB900  }
0x398: {  	[tilespmem:s23], [sflag:$0x2] =	stream.indirect_vreg.gather [hbm4b:s11+s2], $0x80, v2, vm0, $0xb8;
	[tilespmem:$0x10100] =	vst v63  }
0x399: {  	s20 =	simm.s32 $0xC100  }
0x39a: {  	[tilespmem:s20], [sflag:$0x2] =	stream.indirect_vreg.gather [hbm4b:s12+s2], $0x80, v2, vm0, $0xb8;
	[tilespmem:$0x10100] =	vst v63  }
0x39b: {  	s20 =	simm.s32 $0xC900  }
0x39c: {  	[tilespmem:s20], [sflag:$0x2] =	stream.indirect_vreg.gather [hbm4b:s13+s2], $0x80, v2, vm0, $0xb8;
	[tilespmem:$0x10100] =	vst v63  }
0x39d: {  	s20 =	simm.s32 $0xD100  }
0x39e: {  	[tilespmem:s20], [sflag:$0x2] =	stream.indirect_vreg.gather [hbm4b:s14+s2], $0x80, v2, vm0, $0xb8;
	[tilespmem:$0x10100] =	vst v63  }
0x39f: {  	s20 =	simm.s32 $0xD900  }
0x3a0: {  	[tilespmem:s20], [sflag:$0x2] =	stream.indirect_vreg.gather [hbm4b:s15+s2], $0x80, v2, vm0, $0xb8;
	[tilespmem:$0x10100] =	vst v63  }
0x3a1: {  	s20 =	simm.s32 $0xE100  }
0x3a2: {  	[tilespmem:s20], [sflag:$0x2] =	stream.indirect_vreg.gather [hbm4b:s16+s2], $0x80, v2, vm0, $0xb8;
	[tilespmem:$0x10100] =	vst v63  }
0x3a3: {  	s20 =	simm.s32 $0xE900  }
0x3a4: {  	[tilespmem:s20], [sflag:$0x2] =	stream.indirect_vreg.gather [hbm4b:s17+s2], $0x80, v2, vm0, $0xb8;
	[tilespmem:$0x10100] =	vst v63  }
0x3a5: {  	s20 =	simm.s32 $0xF100  }
0x3a6: {  	[tilespmem:s20], [sflag:$0x2] =	stream.indirect_vreg.gather [hbm4b:s18+s2], $0x80, v2, vm0, $0xb8;
	[tilespmem:$0x10100] =	vst v63  }
0x3a7: {  	s20 =	simm.s32 $0xF900  }
0x3a8: {  	[tilespmem:s20], [sflag:$0x2] =	stream.indirect_vreg.gather [hbm4b:s19+s2], $0x80, v2, vm0, $0xb8;
	[tilespmem:$0x10100] =	vst v63  }
0x3a9: {  	s3 =	rddreg [dreg:$0x15]  }
0x3aa: {  	[hbm4b:s3+s2] =	stream.linear.scatter [tilespmem:s22], [sflag:$0x3], $0x8000, $0x38;
	[tilespmem:$0x10100] =	vst v63  }
0x3ab: {  	_ =	swait.ge [sflag:s1], $0x8000  }
0x3ac: {  	[sflag:s1] =	ssyncset.done $0x0  }
0x3ad: {  	[sflag:s1] =	ssyncadd.s32 $0xFFFF8000  }
0x3ae: {  	_ =	swait.ge [sflag:s0], $0x8000  }
0x3af: {  	[sflag:s0] =	ssyncset.done $0x0  }
0x3b0: {  	[sflag:s0] =	ssyncadd.s32 $0xFFFF8000  }
0x3b1: {  	v2 =	vld.msk [tilespmem:$0xA0], $0xff;
	_ =	sdelay $0x4  }
0x3b2: {  	v3 =	vshll.u32 v2, $0x5  }
0x3b3: {  	v2 =	vand.u32 $0x7, v2;
	v3 =	vand.u32 $0xFFFFFF00, v3  }
0x3b4: {  	v2 =	vor.u32 v2, v3  }
0x3b5: {  	v2 =	vperm.xlane v2, v0;
	_ =	sdelay $0x1  }
0x3b6: {  	v2 =	vadd.s32 v1, v2;
	_ =	sdelay $0x4  }
0x3b7: {  	[tilespmem:s22], [sflag:$0x1] =	stream.indirect_vreg.gather [hbm4b:s4+s2], $0x80, v2, vm0, $0xb8;
	[tilespmem:$0x10100] =	vst v63  }
0x3b8: {  	s20 =	simm.s32 $0x900  }
0x3b9: {  	[tilespmem:s20], [sflag:$0x1] =	stream.indirect_vreg.gather [hbm4b:s5+s2], $0x80, v2, vm0, $0xb8;
	[tilespmem:$0x10100] =	vst v63  }
0x3ba: {  	s20 =	simm.s32 $0x1100  }
0x3bb: {  	[tilespmem:s20], [sflag:$0x1] =	stream.indirect_vreg.gather [hbm4b:s6+s2], $0x80, v2, vm0, $0xb8;
	[tilespmem:$0x10100] =	vst v63  }
0x3bc: {  	s20 =	simm.s32 $0x1900  }
0x3bd: {  	[tilespmem:s20], [sflag:$0x1] =	stream.indirect_vreg.gather [hbm4b:s7+s2], $0x80, v2, vm0, $0xb8;
	[tilespmem:$0x10100] =	vst v63  }
0x3be: {  	s20 =	simm.s32 $0x2100  }
0x3bf: {  	[tilespmem:s20], [sflag:$0x1] =	stream.indirect_vreg.gather [hbm4b:s8+s2], $0x80, v2, vm0, $0xb8;
	[tilespmem:$0x10100] =	vst v63  }
0x3c0: {  	s20 =	simm.s32 $0x2900  }
0x3c1: {  	[tilespmem:s20], [sflag:$0x1] =	stream.indirect_vreg.gather [hbm4b:s9+s2], $0x80, v2, vm0, $0xb8;
	[tilespmem:$0x10100] =	vst v63  }
0x3c2: {  	s20 =	simm.s32 $0x3100  }
0x3c3: {  	[tilespmem:s20], [sflag:$0x1] =	stream.indirect_vreg.gather [hbm4b:s10+s2], $0x80, v2, vm0, $0xb8;
	[tilespmem:$0x10100] =	vst v63  }
0x3c4: {  	s20 =	simm.s32 $0x3900  }
0x3c5: {  	[tilespmem:s20], [sflag:$0x1] =	stream.indirect_vreg.gather [hbm4b:s11+s2], $0x80, v2, vm0, $0xb8;
	[tilespmem:$0x10100] =	vst v63  }
0x3c6: {  	s20 =	simm.s32 $0x4100  }
0x3c7: {  	[tilespmem:s20], [sflag:$0x1] =	stream.indirect_vreg.gather [hbm4b:s12+s2], $0x80, v2, vm0, $0xb8;
	[tilespmem:$0x10100] =	vst v63  }
0x3c8: {  	s20 =	simm.s32 $0x4900  }
0x3c9: {  	[tilespmem:s20], [sflag:$0x1] =	stream.indirect_vreg.gather [hbm4b:s13+s2], $0x80, v2, vm0, $0xb8;
	[tilespmem:$0x10100] =	vst v63  }
0x3ca: {  	s20 =	simm.s32 $0x5100  }
0x3cb: {  	[tilespmem:s20], [sflag:$0x1] =	stream.indirect_vreg.gather [hbm4b:s14+s2], $0x80, v2, vm0, $0xb8;
	[tilespmem:$0x10100] =	vst v63  }
0x3cc: {  	s20 =	simm.s32 $0x5900  }
0x3cd: {  	[tilespmem:s20], [sflag:$0x1] =	stream.indirect_vreg.gather [hbm4b:s15+s2], $0x80, v2, vm0, $0xb8;
	[tilespmem:$0x10100] =	vst v63  }
0x3ce: {  	s20 =	simm.s32 $0x6100  }
0x3cf: {  	[tilespmem:s20], [sflag:$0x1] =	stream.indirect_vreg.gather [hbm4b:s16+s2], $0x80, v2, vm0, $0xb8;
	[tilespmem:$0x10100] =	vst v63  }
0x3d0: {  	s20 =	simm.s32 $0x6900  }
0x3d1: {  	[tilespmem:s20], [sflag:$0x1] =	stream.indirect_vreg.gather [hbm4b:s17+s2], $0x80, v2, vm0, $0xb8;
	[tilespmem:$0x10100] =	vst v63  }
0x3d2: {  	s20 =	simm.s32 $0x7100  }
0x3d3: {  	[tilespmem:s20], [sflag:$0x1] =	stream.indirect_vreg.gather [hbm4b:s18+s2], $0x80, v2, vm0, $0xb8;
	[tilespmem:$0x10100] =	vst v63  }
0x3d4: {  	s20 =	simm.s32 $0x7900  }
0x3d5: {  	[tilespmem:s20], [sflag:$0x1] =	stream.indirect_vreg.gather [hbm4b:s19+s2], $0x80, v2, vm0, $0xb8;
	[tilespmem:$0x10100] =	vst v63  }
0x3d6: {  	s3 =	rddreg [dreg:$0x16]  }
0x3d7: {  	[hbm4b:s3+s2] =	stream.linear.scatter [tilespmem:s26], [sflag:$0x4], $0x8000, $0x38;
	[tilespmem:$0x10100] =	vst v63  }
0x3d8: {  	_ =	swait.ge [sflag:s25], $0x8000  }
0x3d9: {  	[sflag:s25] =	ssyncset.done $0x0  }
0x3da: {  	[sflag:s25] =	ssyncadd.s32 $0xFFFF8000  }
0x3db: {  	_ =	swait.ge [sflag:s21], $0x8000  }
0x3dc: {  	[sflag:s21] =	ssyncset.done $0x0  }
0x3dd: {  	[sflag:s21] =	ssyncadd.s32 $0xFFFF8000  }
0x3de: {  	v2 =	vld.msk [tilespmem:$0xA8], $0xff;
	_ =	sdelay $0x4  }
0x3df: {  	v3 =	vshll.u32 v2, $0x5  }
0x3e0: {  	v2 =	vand.u32 $0x7, v2;
	v3 =	vand.u32 $0xFFFFFF00, v3  }
0x3e1: {  	v2 =	vor.u32 v2, v3  }
0x3e2: {  	v2 =	vperm.xlane v2, v0;
	_ =	sdelay $0x1  }
0x3e3: {  	v2 =	vadd.s32 v1, v2;
	_ =	sdelay $0x4  }
0x3e4: {  	[tilespmem:s26], [sflag:$0x2] =	stream.indirect_vreg.gather [hbm4b:s4+s2], $0x80, v2, vm0, $0xb8;
	[tilespmem:$0x10100] =	vst v63  }
0x3e5: {  	s20 =	simm.s32 $0x8900  }
0x3e6: {  	[tilespmem:s20], [sflag:$0x2] =	stream.indirect_vreg.gather [hbm4b:s5+s2], $0x80, v2, vm0, $0xb8;
	[tilespmem:$0x10100] =	vst v63  }
0x3e7: {  	s24 =	simm.s32 $0x9100  }
0x3e8: {  	[tilespmem:s24], [sflag:$0x2] =	stream.indirect_vreg.gather [hbm4b:s6+s2], $0x80, v2, vm0, $0xb8;
	[tilespmem:$0x10100] =	vst v63  }
0x3e9: {  	s28 =	simm.s32 $0x9900  }
0x3ea: {  	[tilespmem:s28], [sflag:$0x2] =	stream.indirect_vreg.gather [hbm4b:s7+s2], $0x80, v2, vm0, $0xb8;
	[tilespmem:$0x10100] =	vst v63  }
0x3eb: {  	s29 =	simm.s32 $0xA100  }
0x3ec: {  	[tilespmem:s29], [sflag:$0x2] =	stream.indirect_vreg.gather [hbm4b:s8+s2], $0x80, v2, vm0, $0xb8;
	[tilespmem:$0x10100] =	vst v63  }
0x3ed: {  	s30 =	simm.s32 $0xA900  }
0x3ee: {  	[tilespmem:s30], [sflag:$0x2] =	stream.indirect_vreg.gather [hbm4b:s9+s2], $0x80, v2, vm0, $0xb8;
	[tilespmem:$0x10100] =	vst v63  }
0x3ef: {  	s31 =	simm.s32 $0xB100  }
0x3f0: {  	[tilespmem:s31], [sflag:$0x2] =	stream.indirect_vreg.gather [hbm4b:s10+s2], $0x80, v2, vm0, $0xb8;
	[tilespmem:$0x10100] =	vst v63  }
0x3f1: {  	s23 =	simm.s32 $0xB900  }
0x3f2: {  	[tilespmem:s23], [sflag:$0x2] =	stream.indirect_vreg.gather [hbm4b:s11+s2], $0x80, v2, vm0, $0xb8;
	[tilespmem:$0x10100] =	vst v63  }
0x3f3: {  	s20 =	simm.s32 $0xC100  }
0x3f4: {  	[tilespmem:s20], [sflag:$0x2] =	stream.indirect_vreg.gather [hbm4b:s12+s2], $0x80, v2, vm0, $0xb8;
	[tilespmem:$0x10100] =	vst v63  }
0x3f5: {  	s20 =	simm.s32 $0xC900  }
0x3f6: {  	[tilespmem:s20], [sflag:$0x2] =	stream.indirect_vreg.gather [hbm4b:s13+s2], $0x80, v2, vm0, $0xb8;
	[tilespmem:$0x10100] =	vst v63  }
0x3f7: {  	s20 =	simm.s32 $0xD100  }
0x3f8: {  	[tilespmem:s20], [sflag:$0x2] =	stream.indirect_vreg.gather [hbm4b:s14+s2], $0x80, v2, vm0, $0xb8;
	[tilespmem:$0x10100] =	vst v63  }
0x3f9: {  	s20 =	simm.s32 $0xD900  }
0x3fa: {  	[tilespmem:s20], [sflag:$0x2] =	stream.indirect_vreg.gather [hbm4b:s15+s2], $0x80, v2, vm0, $0xb8;
	[tilespmem:$0x10100] =	vst v63  }
0x3fb: {  	s20 =	simm.s32 $0xE100  }
0x3fc: {  	[tilespmem:s20], [sflag:$0x2] =	stream.indirect_vreg.gather [hbm4b:s16+s2], $0x80, v2, vm0, $0xb8;
	[tilespmem:$0x10100] =	vst v63  }
0x3fd: {  	s20 =	simm.s32 $0xE900  }
0x3fe: {  	[tilespmem:s20], [sflag:$0x2] =	stream.indirect_vreg.gather [hbm4b:s17+s2], $0x80, v2, vm0, $0xb8;
	[tilespmem:$0x10100] =	vst v63  }
0x3ff: {  	s20 =	simm.s32 $0xF100  }
0x400: {  	[tilespmem:s20], [sflag:$0x2] =	stream.indirect_vreg.gather [hbm4b:s18+s2], $0x80, v2, vm0, $0xb8;
	[tilespmem:$0x10100] =	vst v63  }
0x401: {  	s20 =	simm.s32 $0xF900  }
0x402: {  	[tilespmem:s20], [sflag:$0x2] =	stream.indirect_vreg.gather [hbm4b:s19+s2], $0x80, v2, vm0, $0xb8;
	[tilespmem:$0x10100] =	vst v63  }
0x403: {  	s3 =	rddreg [dreg:$0x17]  }
0x404: {  	[hbm4b:s3+s2] =	stream.linear.scatter [tilespmem:s22], [sflag:$0x3], $0x8000, $0x38;
	[tilespmem:$0x10100] =	vst v63  }
0x405: {  	_ =	swait.ge [sflag:s1], $0x8000  }
0x406: {  	[sflag:s1] =	ssyncset.done $0x0  }
0x407: {  	[sflag:s1] =	ssyncadd.s32 $0xFFFF8000  }
0x408: {  	_ =	swait.ge [sflag:s0], $0x8000  }
0x409: {  	[sflag:s0] =	ssyncset.done $0x0  }
0x40a: {  	[sflag:s0] =	ssyncadd.s32 $0xFFFF8000  }
0x40b: {  	v2 =	vld.msk [tilespmem:$0xB0], $0xff;
	_ =	sdelay $0x4  }
0x40c: {  	v3 =	vshll.u32 v2, $0x5  }
0x40d: {  	v2 =	vand.u32 $0x7, v2;
	v3 =	vand.u32 $0xFFFFFF00, v3  }
0x40e: {  	v2 =	vor.u32 v2, v3  }
0x40f: {  	v2 =	vperm.xlane v2, v0;
	_ =	sdelay $0x1  }
0x410: {  	v2 =	vadd.s32 v1, v2;
	_ =	sdelay $0x4  }
0x411: {  	[tilespmem:s22], [sflag:$0x1] =	stream.indirect_vreg.gather [hbm4b:s4+s2], $0x80, v2, vm0, $0xb8;
	[tilespmem:$0x10100] =	vst v63  }
0x412: {  	s20 =	simm.s32 $0x900  }
0x413: {  	[tilespmem:s20], [sflag:$0x1] =	stream.indirect_vreg.gather [hbm4b:s5+s2], $0x80, v2, vm0, $0xb8;
	[tilespmem:$0x10100] =	vst v63  }
0x414: {  	s20 =	simm.s32 $0x1100  }
0x415: {  	[tilespmem:s20], [sflag:$0x1] =	stream.indirect_vreg.gather [hbm4b:s6+s2], $0x80, v2, vm0, $0xb8;
	[tilespmem:$0x10100] =	vst v63  }
0x416: {  	s20 =	simm.s32 $0x1900  }
0x417: {  	[tilespmem:s20], [sflag:$0x1] =	stream.indirect_vreg.gather [hbm4b:s7+s2], $0x80, v2, vm0, $0xb8;
	[tilespmem:$0x10100] =	vst v63  }
0x418: {  	s20 =	simm.s32 $0x2100  }
0x419: {  	[tilespmem:s20], [sflag:$0x1] =	stream.indirect_vreg.gather [hbm4b:s8+s2], $0x80, v2, vm0, $0xb8;
	[tilespmem:$0x10100] =	vst v63  }
0x41a: {  	s20 =	simm.s32 $0x2900  }
0x41b: {  	[tilespmem:s20], [sflag:$0x1] =	stream.indirect_vreg.gather [hbm4b:s9+s2], $0x80, v2, vm0, $0xb8;
	[tilespmem:$0x10100] =	vst v63  }
0x41c: {  	s20 =	simm.s32 $0x3100  }
0x41d: {  	[tilespmem:s20], [sflag:$0x1] =	stream.indirect_vreg.gather [hbm4b:s10+s2], $0x80, v2, vm0, $0xb8;
	[tilespmem:$0x10100] =	vst v63  }
0x41e: {  	s20 =	simm.s32 $0x3900  }
0x41f: {  	[tilespmem:s20], [sflag:$0x1] =	stream.indirect_vreg.gather [hbm4b:s11+s2], $0x80, v2, vm0, $0xb8;
	[tilespmem:$0x10100] =	vst v63  }
0x420: {  	s20 =	simm.s32 $0x4100  }
0x421: {  	[tilespmem:s20], [sflag:$0x1] =	stream.indirect_vreg.gather [hbm4b:s12+s2], $0x80, v2, vm0, $0xb8;
	[tilespmem:$0x10100] =	vst v63  }
0x422: {  	s20 =	simm.s32 $0x4900  }
0x423: {  	[tilespmem:s20], [sflag:$0x1] =	stream.indirect_vreg.gather [hbm4b:s13+s2], $0x80, v2, vm0, $0xb8;
	[tilespmem:$0x10100] =	vst v63  }
0x424: {  	s20 =	simm.s32 $0x5100  }
0x425: {  	[tilespmem:s20], [sflag:$0x1] =	stream.indirect_vreg.gather [hbm4b:s14+s2], $0x80, v2, vm0, $0xb8;
	[tilespmem:$0x10100] =	vst v63  }
0x426: {  	s20 =	simm.s32 $0x5900  }
0x427: {  	[tilespmem:s20], [sflag:$0x1] =	stream.indirect_vreg.gather [hbm4b:s15+s2], $0x80, v2, vm0, $0xb8;
	[tilespmem:$0x10100] =	vst v63  }
0x428: {  	s20 =	simm.s32 $0x6100  }
0x429: {  	[tilespmem:s20], [sflag:$0x1] =	stream.indirect_vreg.gather [hbm4b:s16+s2], $0x80, v2, vm0, $0xb8;
	[tilespmem:$0x10100] =	vst v63  }
0x42a: {  	s20 =	simm.s32 $0x6900  }
0x42b: {  	[tilespmem:s20], [sflag:$0x1] =	stream.indirect_vreg.gather [hbm4b:s17+s2], $0x80, v2, vm0, $0xb8;
	[tilespmem:$0x10100] =	vst v63  }
0x42c: {  	s20 =	simm.s32 $0x7100  }
0x42d: {  	[tilespmem:s20], [sflag:$0x1] =	stream.indirect_vreg.gather [hbm4b:s18+s2], $0x80, v2, vm0, $0xb8;
	[tilespmem:$0x10100] =	vst v63  }
0x42e: {  	s20 =	simm.s32 $0x7900  }
0x42f: {  	[tilespmem:s20], [sflag:$0x1] =	stream.indirect_vreg.gather [hbm4b:s19+s2], $0x80, v2, vm0, $0xb8;
	[tilespmem:$0x10100] =	vst v63  }
0x430: {  	s3 =	rddreg [dreg:$0x18]  }
0x431: {  	[hbm4b:s3+s2] =	stream.linear.scatter [tilespmem:s26], [sflag:$0x4], $0x8000, $0x38;
	[tilespmem:$0x10100] =	vst v63  }
0x432: {  	_ =	swait.ge [sflag:s25], $0x8000  }
0x433: {  	[sflag:s25] =	ssyncset.done $0x0  }
0x434: {  	[sflag:s25] =	ssyncadd.s32 $0xFFFF8000  }
0x435: {  	_ =	swait.ge [sflag:s21], $0x8000  }
0x436: {  	[sflag:s21] =	ssyncset.done $0x0  }
0x437: {  	[sflag:s21] =	ssyncadd.s32 $0xFFFF8000  }
0x438: {  	v2 =	vld.msk [tilespmem:$0xB8], $0xff;
	_ =	sdelay $0x4  }
0x439: {  	v3 =	vshll.u32 v2, $0x5  }
0x43a: {  	v2 =	vand.u32 $0x7, v2;
	v3 =	vand.u32 $0xFFFFFF00, v3  }
0x43b: {  	v2 =	vor.u32 v2, v3  }
0x43c: {  	v2 =	vperm.xlane v2, v0;
	_ =	sdelay $0x1  }
0x43d: {  	v2 =	vadd.s32 v1, v2;
	_ =	sdelay $0x4  }
0x43e: {  	[tilespmem:s26], [sflag:$0x2] =	stream.indirect_vreg.gather [hbm4b:s4+s2], $0x80, v2, vm0, $0xb8;
	[tilespmem:$0x10100] =	vst v63  }
0x43f: {  	s20 =	simm.s32 $0x8900  }
0x440: {  	[tilespmem:s20], [sflag:$0x2] =	stream.indirect_vreg.gather [hbm4b:s5+s2], $0x80, v2, vm0, $0xb8;
	[tilespmem:$0x10100] =	vst v63  }
0x441: {  	s24 =	simm.s32 $0x9100  }
0x442: {  	[tilespmem:s24], [sflag:$0x2] =	stream.indirect_vreg.gather [hbm4b:s6+s2], $0x80, v2, vm0, $0xb8;
	[tilespmem:$0x10100] =	vst v63  }
0x443: {  	s28 =	simm.s32 $0x9900  }
0x444: {  	[tilespmem:s28], [sflag:$0x2] =	stream.indirect_vreg.gather [hbm4b:s7+s2], $0x80, v2, vm0, $0xb8;
	[tilespmem:$0x10100] =	vst v63  }
0x445: {  	s29 =	simm.s32 $0xA100  }
0x446: {  	[tilespmem:s29], [sflag:$0x2] =	stream.indirect_vreg.gather [hbm4b:s8+s2], $0x80, v2, vm0, $0xb8;
	[tilespmem:$0x10100] =	vst v63  }
0x447: {  	s30 =	simm.s32 $0xA900  }
0x448: {  	[tilespmem:s30], [sflag:$0x2] =	stream.indirect_vreg.gather [hbm4b:s9+s2], $0x80, v2, vm0, $0xb8;
	[tilespmem:$0x10100] =	vst v63  }
0x449: {  	s31 =	simm.s32 $0xB100  }
0x44a: {  	[tilespmem:s31], [sflag:$0x2] =	stream.indirect_vreg.gather [hbm4b:s10+s2], $0x80, v2, vm0, $0xb8;
	[tilespmem:$0x10100] =	vst v63  }
0x44b: {  	s23 =	simm.s32 $0xB900  }
0x44c: {  	[tilespmem:s23], [sflag:$0x2] =	stream.indirect_vreg.gather [hbm4b:s11+s2], $0x80, v2, vm0, $0xb8;
	[tilespmem:$0x10100] =	vst v63  }
0x44d: {  	s20 =	simm.s32 $0xC100  }
0x44e: {  	[tilespmem:s20], [sflag:$0x2] =	stream.indirect_vreg.gather [hbm4b:s12+s2], $0x80, v2, vm0, $0xb8;
	[tilespmem:$0x10100] =	vst v63  }
0x44f: {  	s20 =	simm.s32 $0xC900  }
0x450: {  	[tilespmem:s20], [sflag:$0x2] =	stream.indirect_vreg.gather [hbm4b:s13+s2], $0x80, v2, vm0, $0xb8;
	[tilespmem:$0x10100] =	vst v63  }
0x451: {  	s20 =	simm.s32 $0xD100  }
0x452: {  	[tilespmem:s20], [sflag:$0x2] =	stream.indirect_vreg.gather [hbm4b:s14+s2], $0x80, v2, vm0, $0xb8;
	[tilespmem:$0x10100] =	vst v63  }
0x453: {  	s20 =	simm.s32 $0xD900  }
0x454: {  	[tilespmem:s20], [sflag:$0x2] =	stream.indirect_vreg.gather [hbm4b:s15+s2], $0x80, v2, vm0, $0xb8;
	[tilespmem:$0x10100] =	vst v63  }
0x455: {  	s20 =	simm.s32 $0xE100  }
0x456: {  	[tilespmem:s20], [sflag:$0x2] =	stream.indirect_vreg.gather [hbm4b:s16+s2], $0x80, v2, vm0, $0xb8;
	[tilespmem:$0x10100] =	vst v63  }
0x457: {  	s20 =	simm.s32 $0xE900  }
0x458: {  	[tilespmem:s20], [sflag:$0x2] =	stream.indirect_vreg.gather [hbm4b:s17+s2], $0x80, v2, vm0, $0xb8;
	[tilespmem:$0x10100] =	vst v63  }
0x459: {  	s20 =	simm.s32 $0xF100  }
0x45a: {  	[tilespmem:s20], [sflag:$0x2] =	stream.indirect_vreg.gather [hbm4b:s18+s2], $0x80, v2, vm0, $0xb8;
	[tilespmem:$0x10100] =	vst v63  }
0x45b: {  	s20 =	simm.s32 $0xF900  }
0x45c: {  	[tilespmem:s20], [sflag:$0x2] =	stream.indirect_vreg.gather [hbm4b:s19+s2], $0x80, v2, vm0, $0xb8;
	[tilespmem:$0x10100] =	vst v63  }
0x45d: {  	s3 =	rddreg [dreg:$0x19]  }
0x45e: {  	[hbm4b:s3+s2] =	stream.linear.scatter [tilespmem:s22], [sflag:$0x3], $0x8000, $0x38;
	[tilespmem:$0x10100] =	vst v63  }
0x45f: {  	_ =	swait.ge [sflag:s1], $0x8000  }
0x460: {  	[sflag:s1] =	ssyncset.done $0x0  }
0x461: {  	[sflag:s1] =	ssyncadd.s32 $0xFFFF8000  }
0x462: {  	_ =	swait.ge [sflag:s0], $0x8000  }
0x463: {  	[sflag:s0] =	ssyncset.done $0x0  }
0x464: {  	[sflag:s0] =	ssyncadd.s32 $0xFFFF8000  }
0x465: {  	v2 =	vld.msk [tilespmem:$0xC0], $0xff;
	_ =	sdelay $0x4  }
0x466: {  	v3 =	vshll.u32 v2, $0x5  }
0x467: {  	v2 =	vand.u32 $0x7, v2;
	v3 =	vand.u32 $0xFFFFFF00, v3  }
0x468: {  	v2 =	vor.u32 v2, v3  }
0x469: {  	v2 =	vperm.xlane v2, v0;
	_ =	sdelay $0x1  }
0x46a: {  	v2 =	vadd.s32 v1, v2;
	_ =	sdelay $0x4  }
0x46b: {  	[tilespmem:s22], [sflag:$0x1] =	stream.indirect_vreg.gather [hbm4b:s4+s2], $0x80, v2, vm0, $0xb8;
	[tilespmem:$0x10100] =	vst v63  }
0x46c: {  	s20 =	simm.s32 $0x900  }
0x46d: {  	[tilespmem:s20], [sflag:$0x1] =	stream.indirect_vreg.gather [hbm4b:s5+s2], $0x80, v2, vm0, $0xb8;
	[tilespmem:$0x10100] =	vst v63  }
0x46e: {  	s20 =	simm.s32 $0x1100  }
0x46f: {  	[tilespmem:s20], [sflag:$0x1] =	stream.indirect_vreg.gather [hbm4b:s6+s2], $0x80, v2, vm0, $0xb8;
	[tilespmem:$0x10100] =	vst v63  }
0x470: {  	s20 =	simm.s32 $0x1900  }
0x471: {  	[tilespmem:s20], [sflag:$0x1] =	stream.indirect_vreg.gather [hbm4b:s7+s2], $0x80, v2, vm0, $0xb8;
	[tilespmem:$0x10100] =	vst v63  }
0x472: {  	s20 =	simm.s32 $0x2100  }
0x473: {  	[tilespmem:s20], [sflag:$0x1] =	stream.indirect_vreg.gather [hbm4b:s8+s2], $0x80, v2, vm0, $0xb8;
	[tilespmem:$0x10100] =	vst v63  }
0x474: {  	s20 =	simm.s32 $0x2900  }
0x475: {  	[tilespmem:s20], [sflag:$0x1] =	stream.indirect_vreg.gather [hbm4b:s9+s2], $0x80, v2, vm0, $0xb8;
	[tilespmem:$0x10100] =	vst v63  }
0x476: {  	s20 =	simm.s32 $0x3100  }
0x477: {  	[tilespmem:s20], [sflag:$0x1] =	stream.indirect_vreg.gather [hbm4b:s10+s2], $0x80, v2, vm0, $0xb8;
	[tilespmem:$0x10100] =	vst v63  }
0x478: {  	s20 =	simm.s32 $0x3900  }
0x479: {  	[tilespmem:s20], [sflag:$0x1] =	stream.indirect_vreg.gather [hbm4b:s11+s2], $0x80, v2, vm0, $0xb8;
	[tilespmem:$0x10100] =	vst v63  }
0x47a: {  	s20 =	simm.s32 $0x4100  }
0x47b: {  	[tilespmem:s20], [sflag:$0x1] =	stream.indirect_vreg.gather [hbm4b:s12+s2], $0x80, v2, vm0, $0xb8;
	[tilespmem:$0x10100] =	vst v63  }
0x47c: {  	s20 =	simm.s32 $0x4900  }
0x47d: {  	[tilespmem:s20], [sflag:$0x1] =	stream.indirect_vreg.gather [hbm4b:s13+s2], $0x80, v2, vm0, $0xb8;
	[tilespmem:$0x10100] =	vst v63  }
0x47e: {  	s20 =	simm.s32 $0x5100  }
0x47f: {  	[tilespmem:s20], [sflag:$0x1] =	stream.indirect_vreg.gather [hbm4b:s14+s2], $0x80, v2, vm0, $0xb8;
	[tilespmem:$0x10100] =	vst v63  }
0x480: {  	s20 =	simm.s32 $0x5900  }
0x481: {  	[tilespmem:s20], [sflag:$0x1] =	stream.indirect_vreg.gather [hbm4b:s15+s2], $0x80, v2, vm0, $0xb8;
	[tilespmem:$0x10100] =	vst v63  }
0x482: {  	s20 =	simm.s32 $0x6100  }
0x483: {  	[tilespmem:s20], [sflag:$0x1] =	stream.indirect_vreg.gather [hbm4b:s16+s2], $0x80, v2, vm0, $0xb8;
	[tilespmem:$0x10100] =	vst v63  }
0x484: {  	s20 =	simm.s32 $0x6900  }
0x485: {  	[tilespmem:s20], [sflag:$0x1] =	stream.indirect_vreg.gather [hbm4b:s17+s2], $0x80, v2, vm0, $0xb8;
	[tilespmem:$0x10100] =	vst v63  }
0x486: {  	s20 =	simm.s32 $0x7100  }
0x487: {  	[tilespmem:s20], [sflag:$0x1] =	stream.indirect_vreg.gather [hbm4b:s18+s2], $0x80, v2, vm0, $0xb8;
	[tilespmem:$0x10100] =	vst v63  }
0x488: {  	s20 =	simm.s32 $0x7900  }
0x489: {  	[tilespmem:s20], [sflag:$0x1] =	stream.indirect_vreg.gather [hbm4b:s19+s2], $0x80, v2, vm0, $0xb8;
	[tilespmem:$0x10100] =	vst v63  }
0x48a: {  	s3 =	rddreg [dreg:$0x1a]  }
0x48b: {  	[hbm4b:s3+s2] =	stream.linear.scatter [tilespmem:s26], [sflag:$0x4], $0x8000, $0x38;
	[tilespmem:$0x10100] =	vst v63  }
0x48c: {  	_ =	swait.ge [sflag:s25], $0x8000  }
0x48d: {  	[sflag:s25] =	ssyncset.done $0x0  }
0x48e: {  	[sflag:s25] =	ssyncadd.s32 $0xFFFF8000  }
0x48f: {  	_ =	swait.ge [sflag:s21], $0x8000  }
0x490: {  	[sflag:s21] =	ssyncset.done $0x0  }
0x491: {  	[sflag:s21] =	ssyncadd.s32 $0xFFFF8000  }
0x492: {  	v2 =	vld.msk [tilespmem:$0xC8], $0xff;
	_ =	sdelay $0x4  }
0x493: {  	v3 =	vshll.u32 v2, $0x5  }
0x494: {  	v2 =	vand.u32 $0x7, v2;
	v3 =	vand.u32 $0xFFFFFF00, v3  }
0x495: {  	v2 =	vor.u32 v2, v3  }
0x496: {  	v2 =	vperm.xlane v2, v0;
	_ =	sdelay $0x1  }
0x497: {  	v2 =	vadd.s32 v1, v2;
	_ =	sdelay $0x4  }
0x498: {  	[tilespmem:s26], [sflag:$0x2] =	stream.indirect_vreg.gather [hbm4b:s4+s2], $0x80, v2, vm0, $0xb8;
	[tilespmem:$0x10100] =	vst v63  }
0x499: {  	s20 =	simm.s32 $0x8900  }
0x49a: {  	[tilespmem:s20], [sflag:$0x2] =	stream.indirect_vreg.gather [hbm4b:s5+s2], $0x80, v2, vm0, $0xb8;
	[tilespmem:$0x10100] =	vst v63  }
0x49b: {  	s24 =	simm.s32 $0x9100  }
0x49c: {  	[tilespmem:s24], [sflag:$0x2] =	stream.indirect_vreg.gather [hbm4b:s6+s2], $0x80, v2, vm0, $0xb8;
	[tilespmem:$0x10100] =	vst v63  }
0x49d: {  	s28 =	simm.s32 $0x9900  }
0x49e: {  	[tilespmem:s28], [sflag:$0x2] =	stream.indirect_vreg.gather [hbm4b:s7+s2], $0x80, v2, vm0, $0xb8;
	[tilespmem:$0x10100] =	vst v63  }
0x49f: {  	s29 =	simm.s32 $0xA100  }
0x4a0: {  	[tilespmem:s29], [sflag:$0x2] =	stream.indirect_vreg.gather [hbm4b:s8+s2], $0x80, v2, vm0, $0xb8;
	[tilespmem:$0x10100] =	vst v63  }
0x4a1: {  	s30 =	simm.s32 $0xA900  }
0x4a2: {  	[tilespmem:s30], [sflag:$0x2] =	stream.indirect_vreg.gather [hbm4b:s9+s2], $0x80, v2, vm0, $0xb8;
	[tilespmem:$0x10100] =	vst v63  }
0x4a3: {  	s31 =	simm.s32 $0xB100  }
0x4a4: {  	[tilespmem:s31], [sflag:$0x2] =	stream.indirect_vreg.gather [hbm4b:s10+s2], $0x80, v2, vm0, $0xb8;
	[tilespmem:$0x10100] =	vst v63  }
0x4a5: {  	s23 =	simm.s32 $0xB900  }
0x4a6: {  	[tilespmem:s23], [sflag:$0x2] =	stream.indirect_vreg.gather [hbm4b:s11+s2], $0x80, v2, vm0, $0xb8;
	[tilespmem:$0x10100] =	vst v63  }
0x4a7: {  	s20 =	simm.s32 $0xC100  }
0x4a8: {  	[tilespmem:s20], [sflag:$0x2] =	stream.indirect_vreg.gather [hbm4b:s12+s2], $0x80, v2, vm0, $0xb8;
	[tilespmem:$0x10100] =	vst v63  }
0x4a9: {  	s20 =	simm.s32 $0xC900  }
0x4aa: {  	[tilespmem:s20], [sflag:$0x2] =	stream.indirect_vreg.gather [hbm4b:s13+s2], $0x80, v2, vm0, $0xb8;
	[tilespmem:$0x10100] =	vst v63  }
0x4ab: {  	s20 =	simm.s32 $0xD100  }
0x4ac: {  	[tilespmem:s20], [sflag:$0x2] =	stream.indirect_vreg.gather [hbm4b:s14+s2], $0x80, v2, vm0, $0xb8;
	[tilespmem:$0x10100] =	vst v63  }
0x4ad: {  	s20 =	simm.s32 $0xD900  }
0x4ae: {  	[tilespmem:s20], [sflag:$0x2] =	stream.indirect_vreg.gather [hbm4b:s15+s2], $0x80, v2, vm0, $0xb8;
	[tilespmem:$0x10100] =	vst v63  }
0x4af: {  	s20 =	simm.s32 $0xE100  }
0x4b0: {  	[tilespmem:s20], [sflag:$0x2] =	stream.indirect_vreg.gather [hbm4b:s16+s2], $0x80, v2, vm0, $0xb8;
	[tilespmem:$0x10100] =	vst v63  }
0x4b1: {  	s20 =	simm.s32 $0xE900  }
0x4b2: {  	[tilespmem:s20], [sflag:$0x2] =	stream.indirect_vreg.gather [hbm4b:s17+s2], $0x80, v2, vm0, $0xb8;
	[tilespmem:$0x10100] =	vst v63  }
0x4b3: {  	s20 =	simm.s32 $0xF100  }
0x4b4: {  	[tilespmem:s20], [sflag:$0x2] =	stream.indirect_vreg.gather [hbm4b:s18+s2], $0x80, v2, vm0, $0xb8;
	[tilespmem:$0x10100] =	vst v63  }
0x4b5: {  	s20 =	simm.s32 $0xF900  }
0x4b6: {  	[tilespmem:s20], [sflag:$0x2] =	stream.indirect_vreg.gather [hbm4b:s19+s2], $0x80, v2, vm0, $0xb8;
	[tilespmem:$0x10100] =	vst v63  }
0x4b7: {  	s3 =	rddreg [dreg:$0x1b]  }
0x4b8: {  	[hbm4b:s3+s2] =	stream.linear.scatter [tilespmem:s22], [sflag:$0x3], $0x8000, $0x38;
	[tilespmem:$0x10100] =	vst v63  }
0x4b9: {  	_ =	swait.ge [sflag:s1], $0x8000  }
0x4ba: {  	[sflag:s1] =	ssyncset.done $0x0  }
0x4bb: {  	[sflag:s1] =	ssyncadd.s32 $0xFFFF8000  }
0x4bc: {  	_ =	swait.ge [sflag:s0], $0x8000  }
0x4bd: {  	[sflag:s0] =	ssyncset.done $0x0  }
0x4be: {  	[sflag:s0] =	ssyncadd.s32 $0xFFFF8000  }
0x4bf: {  	v2 =	vld.msk [tilespmem:$0xD0], $0xff;
	_ =	sdelay $0x4  }
0x4c0: {  	v3 =	vshll.u32 v2, $0x5  }
0x4c1: {  	v2 =	vand.u32 $0x7, v2;
	v3 =	vand.u32 $0xFFFFFF00, v3  }
0x4c2: {  	v2 =	vor.u32 v2, v3  }
0x4c3: {  	v2 =	vperm.xlane v2, v0;
	_ =	sdelay $0x1  }
0x4c4: {  	v2 =	vadd.s32 v1, v2;
	_ =	sdelay $0x4  }
0x4c5: {  	[tilespmem:s22], [sflag:$0x1] =	stream.indirect_vreg.gather [hbm4b:s4+s2], $0x80, v2, vm0, $0xb8;
	[tilespmem:$0x10100] =	vst v63  }
0x4c6: {  	s20 =	simm.s32 $0x900  }
0x4c7: {  	[tilespmem:s20], [sflag:$0x1] =	stream.indirect_vreg.gather [hbm4b:s5+s2], $0x80, v2, vm0, $0xb8;
	[tilespmem:$0x10100] =	vst v63  }
0x4c8: {  	s20 =	simm.s32 $0x1100  }
0x4c9: {  	[tilespmem:s20], [sflag:$0x1] =	stream.indirect_vreg.gather [hbm4b:s6+s2], $0x80, v2, vm0, $0xb8;
	[tilespmem:$0x10100] =	vst v63  }
0x4ca: {  	s20 =	simm.s32 $0x1900  }
0x4cb: {  	[tilespmem:s20], [sflag:$0x1] =	stream.indirect_vreg.gather [hbm4b:s7+s2], $0x80, v2, vm0, $0xb8;
	[tilespmem:$0x10100] =	vst v63  }
0x4cc: {  	s20 =	simm.s32 $0x2100  }
0x4cd: {  	[tilespmem:s20], [sflag:$0x1] =	stream.indirect_vreg.gather [hbm4b:s8+s2], $0x80, v2, vm0, $0xb8;
	[tilespmem:$0x10100] =	vst v63  }
0x4ce: {  	s20 =	simm.s32 $0x2900  }
0x4cf: {  	[tilespmem:s20], [sflag:$0x1] =	stream.indirect_vreg.gather [hbm4b:s9+s2], $0x80, v2, vm0, $0xb8;
	[tilespmem:$0x10100] =	vst v63  }
0x4d0: {  	s20 =	simm.s32 $0x3100  }
0x4d1: {  	[tilespmem:s20], [sflag:$0x1] =	stream.indirect_vreg.gather [hbm4b:s10+s2], $0x80, v2, vm0, $0xb8;
	[tilespmem:$0x10100] =	vst v63  }
0x4d2: {  	s20 =	simm.s32 $0x3900  }
0x4d3: {  	[tilespmem:s20], [sflag:$0x1] =	stream.indirect_vreg.gather [hbm4b:s11+s2], $0x80, v2, vm0, $0xb8;
	[tilespmem:$0x10100] =	vst v63  }
0x4d4: {  	s20 =	simm.s32 $0x4100  }
0x4d5: {  	[tilespmem:s20], [sflag:$0x1] =	stream.indirect_vreg.gather [hbm4b:s12+s2], $0x80, v2, vm0, $0xb8;
	[tilespmem:$0x10100] =	vst v63  }
0x4d6: {  	s20 =	simm.s32 $0x4900  }
0x4d7: {  	[tilespmem:s20], [sflag:$0x1] =	stream.indirect_vreg.gather [hbm4b:s13+s2], $0x80, v2, vm0, $0xb8;
	[tilespmem:$0x10100] =	vst v63  }
0x4d8: {  	s20 =	simm.s32 $0x5100  }
0x4d9: {  	[tilespmem:s20], [sflag:$0x1] =	stream.indirect_vreg.gather [hbm4b:s14+s2], $0x80, v2, vm0, $0xb8;
	[tilespmem:$0x10100] =	vst v63  }
0x4da: {  	s20 =	simm.s32 $0x5900  }
0x4db: {  	[tilespmem:s20], [sflag:$0x1] =	stream.indirect_vreg.gather [hbm4b:s15+s2], $0x80, v2, vm0, $0xb8;
	[tilespmem:$0x10100] =	vst v63  }
0x4dc: {  	s20 =	simm.s32 $0x6100  }
0x4dd: {  	[tilespmem:s20], [sflag:$0x1] =	stream.indirect_vreg.gather [hbm4b:s16+s2], $0x80, v2, vm0, $0xb8;
	[tilespmem:$0x10100] =	vst v63  }
0x4de: {  	s20 =	simm.s32 $0x6900  }
0x4df: {  	[tilespmem:s20], [sflag:$0x1] =	stream.indirect_vreg.gather [hbm4b:s17+s2], $0x80, v2, vm0, $0xb8;
	[tilespmem:$0x10100] =	vst v63  }
0x4e0: {  	s20 =	simm.s32 $0x7100  }
0x4e1: {  	[tilespmem:s20], [sflag:$0x1] =	stream.indirect_vreg.gather [hbm4b:s18+s2], $0x80, v2, vm0, $0xb8;
	[tilespmem:$0x10100] =	vst v63  }
0x4e2: {  	s20 =	simm.s32 $0x7900  }
0x4e3: {  	[tilespmem:s20], [sflag:$0x1] =	stream.indirect_vreg.gather [hbm4b:s19+s2], $0x80, v2, vm0, $0xb8;
	[tilespmem:$0x10100] =	vst v63  }
0x4e4: {  	s3 =	rddreg [dreg:$0x1c]  }
0x4e5: {  	[hbm4b:s3+s2] =	stream.linear.scatter [tilespmem:s26], [sflag:$0x4], $0x8000, $0x38;
	[tilespmem:$0x10100] =	vst v63  }
0x4e6: {  	_ =	swait.ge [sflag:s25], $0x8000  }
0x4e7: {  	[sflag:s25] =	ssyncset.done $0x0  }
0x4e8: {  	[sflag:s25] =	ssyncadd.s32 $0xFFFF8000  }
0x4e9: {  	_ =	swait.ge [sflag:s21], $0x8000  }
0x4ea: {  	[sflag:s21] =	ssyncset.done $0x0  }
0x4eb: {  	[sflag:s21] =	ssyncadd.s32 $0xFFFF8000  }
0x4ec: {  	v2 =	vld.msk [tilespmem:$0xD8], $0xff;
	_ =	sdelay $0x4  }
0x4ed: {  	v3 =	vshll.u32 v2, $0x5  }
0x4ee: {  	v2 =	vand.u32 $0x7, v2;
	v3 =	vand.u32 $0xFFFFFF00, v3  }
0x4ef: {  	v2 =	vor.u32 v2, v3  }
0x4f0: {  	v2 =	vperm.xlane v2, v0;
	_ =	sdelay $0x1  }
0x4f1: {  	v2 =	vadd.s32 v1, v2;
	_ =	sdelay $0x4  }
0x4f2: {  	[tilespmem:s26], [sflag:$0x2] =	stream.indirect_vreg.gather [hbm4b:s4+s2], $0x80, v2, vm0, $0xb8;
	[tilespmem:$0x10100] =	vst v63  }
0x4f3: {  	s20 =	simm.s32 $0x8900  }
0x4f4: {  	[tilespmem:s20], [sflag:$0x2] =	stream.indirect_vreg.gather [hbm4b:s5+s2], $0x80, v2, vm0, $0xb8;
	[tilespmem:$0x10100] =	vst v63  }
0x4f5: {  	s24 =	simm.s32 $0x9100  }
0x4f6: {  	[tilespmem:s24], [sflag:$0x2] =	stream.indirect_vreg.gather [hbm4b:s6+s2], $0x80, v2, vm0, $0xb8;
	[tilespmem:$0x10100] =	vst v63  }
0x4f7: {  	s28 =	simm.s32 $0x9900  }
0x4f8: {  	[tilespmem:s28], [sflag:$0x2] =	stream.indirect_vreg.gather [hbm4b:s7+s2], $0x80, v2, vm0, $0xb8;
	[tilespmem:$0x10100] =	vst v63  }
0x4f9: {  	s29 =	simm.s32 $0xA100  }
0x4fa: {  	[tilespmem:s29], [sflag:$0x2] =	stream.indirect_vreg.gather [hbm4b:s8+s2], $0x80, v2, vm0, $0xb8;
	[tilespmem:$0x10100] =	vst v63  }
0x4fb: {  	s30 =	simm.s32 $0xA900  }
0x4fc: {  	[tilespmem:s30], [sflag:$0x2] =	stream.indirect_vreg.gather [hbm4b:s9+s2], $0x80, v2, vm0, $0xb8;
	[tilespmem:$0x10100] =	vst v63  }
0x4fd: {  	s31 =	simm.s32 $0xB100  }
0x4fe: {  	[tilespmem:s31], [sflag:$0x2] =	stream.indirect_vreg.gather [hbm4b:s10+s2], $0x80, v2, vm0, $0xb8;
	[tilespmem:$0x10100] =	vst v63  }
0x4ff: {  	s23 =	simm.s32 $0xB900  }
0x500: {  	[tilespmem:s23], [sflag:$0x2] =	stream.indirect_vreg.gather [hbm4b:s11+s2], $0x80, v2, vm0, $0xb8;
	[tilespmem:$0x10100] =	vst v63  }
0x501: {  	s28 =	simm.s32 $0xC100  }
0x502: {  	[tilespmem:s28], [sflag:$0x2] =	stream.indirect_vreg.gather [hbm4b:s12+s2], $0x80, v2, vm0, $0xb8;
	[tilespmem:$0x10100] =	vst v63  }
0x503: {  	s29 =	simm.s32 $0xC900  }
0x504: {  	[tilespmem:s29], [sflag:$0x2] =	stream.indirect_vreg.gather [hbm4b:s13+s2], $0x80, v2, vm0, $0xb8;
	[tilespmem:$0x10100] =	vst v63  }
0x505: {  	s30 =	simm.s32 $0xD100  }
0x506: {  	[tilespmem:s30], [sflag:$0x2] =	stream.indirect_vreg.gather [hbm4b:s14+s2], $0x80, v2, vm0, $0xb8;
	[tilespmem:$0x10100] =	vst v63  }
0x507: {  	s31 =	simm.s32 $0xD900  }
0x508: {  	[tilespmem:s31], [sflag:$0x2] =	stream.indirect_vreg.gather [hbm4b:s15+s2], $0x80, v2, vm0, $0xb8;
	[tilespmem:$0x10100] =	vst v63  }
0x509: {  	s20 =	simm.s32 $0xE100  }
0x50a: {  	[tilespmem:s20], [sflag:$0x2] =	stream.indirect_vreg.gather [hbm4b:s16+s2], $0x80, v2, vm0, $0xb8;
	[tilespmem:$0x10100] =	vst v63  }
0x50b: {  	s28 =	simm.s32 $0xE900  }
0x50c: {  	[tilespmem:s28], [sflag:$0x2] =	stream.indirect_vreg.gather [hbm4b:s17+s2], $0x80, v2, vm0, $0xb8;
	[tilespmem:$0x10100] =	vst v63  }
0x50d: {  	s29 =	simm.s32 $0xF100  }
0x50e: {  	[tilespmem:s29], [sflag:$0x2] =	stream.indirect_vreg.gather [hbm4b:s18+s2], $0x80, v2, vm0, $0xb8;
	[tilespmem:$0x10100] =	vst v63  }
0x50f: {  	s31 =	simm.s32 $0xF900  }
0x510: {  	[tilespmem:s31], [sflag:$0x2] =	stream.indirect_vreg.gather [hbm4b:s19+s2], $0x80, v2, vm0, $0xb8;
	[tilespmem:$0x10100] =	vst v63  }
0x511: {  	s30 =	rddreg [dreg:$0x1d]  }
0x512: {  	[hbm4b:s30+s2] =	stream.linear.scatter [tilespmem:s22], [sflag:$0x3], $0x8000, $0x38;
	[tilespmem:$0x10100] =	vst v63  }
0x513: {  	_ =	swait.ge [sflag:s1], $0x8000  }
0x514: {  	[sflag:s1] =	ssyncset.done $0x0  }
0x515: {  	[sflag:s1] =	ssyncadd.s32 $0xFFFF8000  }
0x516: {  	_ =	swait.ge [sflag:s0], $0x8000  }
0x517: {  	[sflag:s0] =	ssyncset.done $0x0  }
0x518: {  	[sflag:s0] =	ssyncadd.s32 $0xFFFF8000  }
0x519: {  	v2 =	vld.msk [tilespmem:$0xE0], $0xff;
	_ =	sdelay $0x4  }
0x51a: {  	v3 =	vshll.u32 v2, $0x5  }
0x51b: {  	v2 =	vand.u32 $0x7, v2;
	v3 =	vand.u32 $0xFFFFFF00, v3  }
0x51c: {  	v2 =	vor.u32 v2, v3  }
0x51d: {  	v2 =	vperm.xlane v2, v0;
	_ =	sdelay $0x1  }
0x51e: {  	v2 =	vadd.s32 v1, v2;
	_ =	sdelay $0x4  }
0x51f: {  	[tilespmem:s22], [sflag:$0x1] =	stream.indirect_vreg.gather [hbm4b:s4+s2], $0x80, v2, vm0, $0xb8;
	[tilespmem:$0x10100] =	vst v63  }
0x520: {  	s20 =	simm.s32 $0x900  }
0x521: {  	[tilespmem:s20], [sflag:$0x1] =	stream.indirect_vreg.gather [hbm4b:s5+s2], $0x80, v2, vm0, $0xb8;
	[tilespmem:$0x10100] =	vst v63  }
0x522: {  	s29 =	simm.s32 $0x1100  }
0x523: {  	[tilespmem:s29], [sflag:$0x1] =	stream.indirect_vreg.gather [hbm4b:s6+s2], $0x80, v2, vm0, $0xb8;
	[tilespmem:$0x10100] =	vst v63  }
0x524: {  	s30 =	simm.s32 $0x1900  }
0x525: {  	[tilespmem:s30], [sflag:$0x1] =	stream.indirect_vreg.gather [hbm4b:s7+s2], $0x80, v2, vm0, $0xb8;
	[tilespmem:$0x10100] =	vst v63  }
0x526: {  	s31 =	simm.s32 $0x2100  }
0x527: {  	[tilespmem:s31], [sflag:$0x1] =	stream.indirect_vreg.gather [hbm4b:s8+s2], $0x80, v2, vm0, $0xb8;
	[tilespmem:$0x10100] =	vst v63  }
0x528: {  	s20 =	simm.s32 $0x2900  }
0x529: {  	[tilespmem:s20], [sflag:$0x1] =	stream.indirect_vreg.gather [hbm4b:s9+s2], $0x80, v2, vm0, $0xb8;
	[tilespmem:$0x10100] =	vst v63  }
0x52a: {  	s29 =	simm.s32 $0x3100  }
0x52b: {  	[tilespmem:s29], [sflag:$0x1] =	stream.indirect_vreg.gather [hbm4b:s10+s2], $0x80, v2, vm0, $0xb8;
	[tilespmem:$0x10100] =	vst v63  }
0x52c: {  	s30 =	simm.s32 $0x3900  }
0x52d: {  	[tilespmem:s30], [sflag:$0x1] =	stream.indirect_vreg.gather [hbm4b:s11+s2], $0x80, v2, vm0, $0xb8;
	[tilespmem:$0x10100] =	vst v63  }
0x52e: {  	s31 =	simm.s32 $0x4100  }
0x52f: {  	[tilespmem:s31], [sflag:$0x1] =	stream.indirect_vreg.gather [hbm4b:s12+s2], $0x80, v2, vm0, $0xb8;
	[tilespmem:$0x10100] =	vst v63  }
0x530: {  	s20 =	simm.s32 $0x4900  }
0x531: {  	[tilespmem:s20], [sflag:$0x1] =	stream.indirect_vreg.gather [hbm4b:s13+s2], $0x80, v2, vm0, $0xb8;
	[tilespmem:$0x10100] =	vst v63  }
0x532: {  	s29 =	simm.s32 $0x5100  }
0x533: {  	[tilespmem:s29], [sflag:$0x1] =	stream.indirect_vreg.gather [hbm4b:s14+s2], $0x80, v2, vm0, $0xb8;
	[tilespmem:$0x10100] =	vst v63  }
0x534: {  	s30 =	simm.s32 $0x5900  }
0x535: {  	[tilespmem:s30], [sflag:$0x1] =	stream.indirect_vreg.gather [hbm4b:s15+s2], $0x80, v2, vm0, $0xb8;
	[tilespmem:$0x10100] =	vst v63  }
0x536: {  	s31 =	simm.s32 $0x6100  }
0x537: {  	[tilespmem:s31], [sflag:$0x1] =	stream.indirect_vreg.gather [hbm4b:s16+s2], $0x80, v2, vm0, $0xb8;
	[tilespmem:$0x10100] =	vst v63  }
0x538: {  	s20 =	simm.s32 $0x6900  }
0x539: {  	[tilespmem:s20], [sflag:$0x1] =	stream.indirect_vreg.gather [hbm4b:s17+s2], $0x80, v2, vm0, $0xb8;
	[tilespmem:$0x10100] =	vst v63  }
0x53a: {  	s29 =	simm.s32 $0x7100  }
0x53b: {  	[tilespmem:s29], [sflag:$0x1] =	stream.indirect_vreg.gather [hbm4b:s18+s2], $0x80, v2, vm0, $0xb8;
	[tilespmem:$0x10100] =	vst v63  }
0x53c: {  	s31 =	simm.s32 $0x7900  }
0x53d: {  	[tilespmem:s31], [sflag:$0x1] =	stream.indirect_vreg.gather [hbm4b:s19+s2], $0x80, v2, vm0, $0xb8;
	[tilespmem:$0x10100] =	vst v63  }
0x53e: {  	s30 =	rddreg [dreg:$0x1e]  }
0x53f: {  	[hbm4b:s30+s2] =	stream.linear.scatter [tilespmem:s26], [sflag:$0x4], $0x8000, $0x38;
	[tilespmem:$0x10100] =	vst v63  }
0x540: {  	_ =	swait.ge [sflag:s25], $0x8000  }
0x541: {  	[sflag:s25] =	ssyncset.done $0x0  }
0x542: {  	[sflag:s25] =	ssyncadd.s32 $0xFFFF8000  }
0x543: {  	_ =	swait.ge [sflag:s21], $0x8000  }
0x544: {  	[sflag:s21] =	ssyncset.done $0x0  }
0x545: {  	[sflag:s21] =	ssyncadd.s32 $0xFFFF8000  }
0x546: {  	v2 =	vld.msk [tilespmem:$0xE8], $0xff;
	_ =	sdelay $0x4  }
0x547: {  	v3 =	vshll.u32 v2, $0x5  }
0x548: {  	v2 =	vand.u32 $0x7, v2;
	v3 =	vand.u32 $0xFFFFFF00, v3  }
0x549: {  	v2 =	vor.u32 v2, v3  }
0x54a: {  	v2 =	vperm.xlane v2, v0;
	_ =	sdelay $0x1  }
0x54b: {  	v2 =	vadd.s32 v1, v2;
	_ =	sdelay $0x4  }
0x54c: {  	[tilespmem:s26], [sflag:$0x2] =	stream.indirect_vreg.gather [hbm4b:s4+s2], $0x80, v2, vm0, $0xb8;
	[tilespmem:$0x10100] =	vst v63  }
0x54d: {  	s20 =	simm.s32 $0x8900  }
0x54e: {  	[tilespmem:s20], [sflag:$0x2] =	stream.indirect_vreg.gather [hbm4b:s5+s2], $0x80, v2, vm0, $0xb8;
	[tilespmem:$0x10100] =	vst v63  }
0x54f: {  	s24 =	simm.s32 $0x9100  }
0x550: {  	[tilespmem:s24], [sflag:$0x2] =	stream.indirect_vreg.gather [hbm4b:s6+s2], $0x80, v2, vm0, $0xb8;
	[tilespmem:$0x10100] =	vst v63  }
0x551: {  	s29 =	simm.s32 $0x9900  }
0x552: {  	[tilespmem:s29], [sflag:$0x2] =	stream.indirect_vreg.gather [hbm4b:s7+s2], $0x80, v2, vm0, $0xb8;
	[tilespmem:$0x10100] =	vst v63  }
0x553: {  	s30 =	simm.s32 $0xA100  }
0x554: {  	[tilespmem:s30], [sflag:$0x2] =	stream.indirect_vreg.gather [hbm4b:s8+s2], $0x80, v2, vm0, $0xb8;
	[tilespmem:$0x10100] =	vst v63  }
0x555: {  	s31 =	simm.s32 $0xA900  }
0x556: {  	[tilespmem:s31], [sflag:$0x2] =	stream.indirect_vreg.gather [hbm4b:s9+s2], $0x80, v2, vm0, $0xb8;
	[tilespmem:$0x10100] =	vst v63  }
0x557: {  	s20 =	simm.s32 $0xB100  }
0x558: {  	[tilespmem:s20], [sflag:$0x2] =	stream.indirect_vreg.gather [hbm4b:s10+s2], $0x80, v2, vm0, $0xb8;
	[tilespmem:$0x10100] =	vst v63  }
0x559: {  	s23 =	simm.s32 $0xB900  }
0x55a: {  	[tilespmem:s23], [sflag:$0x2] =	stream.indirect_vreg.gather [hbm4b:s11+s2], $0x80, v2, vm0, $0xb8;
	[tilespmem:$0x10100] =	vst v63  }
0x55b: {  	s20 =	simm.s32 $0xC100  }
0x55c: {  	[tilespmem:s20], [sflag:$0x2] =	stream.indirect_vreg.gather [hbm4b:s12+s2], $0x80, v2, vm0, $0xb8;
	[tilespmem:$0x10100] =	vst v63  }
0x55d: {  	s20 =	simm.s32 $0xC900  }
0x55e: {  	[tilespmem:s20], [sflag:$0x2] =	stream.indirect_vreg.gather [hbm4b:s13+s2], $0x80, v2, vm0, $0xb8;
	[tilespmem:$0x10100] =	vst v63  }
0x55f: {  	s20 =	simm.s32 $0xD100  }
0x560: {  	[tilespmem:s20], [sflag:$0x2] =	stream.indirect_vreg.gather [hbm4b:s14+s2], $0x80, v2, vm0, $0xb8;
	[tilespmem:$0x10100] =	vst v63  }
0x561: {  	s20 =	simm.s32 $0xD900  }
0x562: {  	[tilespmem:s20], [sflag:$0x2] =	stream.indirect_vreg.gather [hbm4b:s15+s2], $0x80, v2, vm0, $0xb8;
	[tilespmem:$0x10100] =	vst v63  }
0x563: {  	s20 =	simm.s32 $0xE100  }
0x564: {  	[tilespmem:s20], [sflag:$0x2] =	stream.indirect_vreg.gather [hbm4b:s16+s2], $0x80, v2, vm0, $0xb8;
	[tilespmem:$0x10100] =	vst v63  }
0x565: {  	s20 =	simm.s32 $0xE900  }
0x566: {  	[tilespmem:s20], [sflag:$0x2] =	stream.indirect_vreg.gather [hbm4b:s17+s2], $0x80, v2, vm0, $0xb8;
	[tilespmem:$0x10100] =	vst v63  }
0x567: {  	s20 =	simm.s32 $0xF100  }
0x568: {  	[tilespmem:s20], [sflag:$0x2] =	stream.indirect_vreg.gather [hbm4b:s18+s2], $0x80, v2, vm0, $0xb8;
	[tilespmem:$0x10100] =	vst v63  }
0x569: {  	s28 =	simm.s32 $0xF900  }
0x56a: {  	[tilespmem:s28], [sflag:$0x2] =	stream.indirect_vreg.gather [hbm4b:s19+s2], $0x80, v2, vm0, $0xb8;
	[tilespmem:$0x10100] =	vst v63  }
0x56b: {  	s20 =	rddreg [dreg:$0x1f]  }
0x56c: {  	[hbm4b:s20+s2] =	stream.linear.scatter [tilespmem:s22], [sflag:$0x3], $0x8000, $0x38;
	[tilespmem:$0x10100] =	vst v63  }
0x56d: {  	_ =	swait.ge [sflag:s1], $0x8000  }
0x56e: {  	[sflag:s1] =	ssyncset.done $0x0  }
0x56f: {  	[sflag:s1] =	ssyncadd.s32 $0xFFFF8000  }
0x570: {  	_ =	swait.ge [sflag:s0], $0x8000  }
0x571: {  	[sflag:s0] =	ssyncset.done $0x0  }
0x572: {  	[sflag:s0] =	ssyncadd.s32 $0xFFFF8000  }
0x573: {  	v2 =	vld.msk [tilespmem:$0xF0], $0xff;
	_ =	sdelay $0x4  }
0x574: {  	v3 =	vshll.u32 v2, $0x5  }
0x575: {  	v2 =	vand.u32 $0x7, v2;
	v3 =	vand.u32 $0xFFFFFF00, v3  }
0x576: {  	v2 =	vor.u32 v2, v3  }
0x577: {  	v2 =	vperm.xlane v2, v0;
	_ =	sdelay $0x1  }
0x578: {  	v2 =	vadd.s32 v1, v2;
	_ =	sdelay $0x4  }
0x579: {  	[tilespmem:s22], [sflag:$0x1] =	stream.indirect_vreg.gather [hbm4b:s4+s2], $0x80, v2, vm0, $0xb8;
	[tilespmem:$0x10100] =	vst v63  }
0x57a: {  	s20 =	simm.s32 $0x900  }
0x57b: {  	[tilespmem:s20], [sflag:$0x1] =	stream.indirect_vreg.gather [hbm4b:s5+s2], $0x80, v2, vm0, $0xb8;
	[tilespmem:$0x10100] =	vst v63  }
0x57c: {  	s20 =	simm.s32 $0x1100  }
0x57d: {  	[tilespmem:s20], [sflag:$0x1] =	stream.indirect_vreg.gather [hbm4b:s6+s2], $0x80, v2, vm0, $0xb8;
	[tilespmem:$0x10100] =	vst v63  }
0x57e: {  	s20 =	simm.s32 $0x1900  }
0x57f: {  	[tilespmem:s20], [sflag:$0x1] =	stream.indirect_vreg.gather [hbm4b:s7+s2], $0x80, v2, vm0, $0xb8;
	[tilespmem:$0x10100] =	vst v63  }
0x580: {  	s20 =	simm.s32 $0x2100  }
0x581: {  	[tilespmem:s20], [sflag:$0x1] =	stream.indirect_vreg.gather [hbm4b:s8+s2], $0x80, v2, vm0, $0xb8;
	[tilespmem:$0x10100] =	vst v63  }
0x582: {  	s20 =	simm.s32 $0x2900  }
0x583: {  	[tilespmem:s20], [sflag:$0x1] =	stream.indirect_vreg.gather [hbm4b:s9+s2], $0x80, v2, vm0, $0xb8;
	[tilespmem:$0x10100] =	vst v63  }
0x584: {  	s20 =	simm.s32 $0x3100  }
0x585: {  	[tilespmem:s20], [sflag:$0x1] =	stream.indirect_vreg.gather [hbm4b:s10+s2], $0x80, v2, vm0, $0xb8;
	[tilespmem:$0x10100] =	vst v63  }
0x586: {  	s20 =	simm.s32 $0x3900  }
0x587: {  	[tilespmem:s20], [sflag:$0x1] =	stream.indirect_vreg.gather [hbm4b:s11+s2], $0x80, v2, vm0, $0xb8;
	[tilespmem:$0x10100] =	vst v63  }
0x588: {  	s20 =	simm.s32 $0x4100  }
0x589: {  	[tilespmem:s20], [sflag:$0x1] =	stream.indirect_vreg.gather [hbm4b:s12+s2], $0x80, v2, vm0, $0xb8;
	[tilespmem:$0x10100] =	vst v63  }
0x58a: {  	s20 =	simm.s32 $0x4900  }
0x58b: {  	[tilespmem:s20], [sflag:$0x1] =	stream.indirect_vreg.gather [hbm4b:s13+s2], $0x80, v2, vm0, $0xb8;
	[tilespmem:$0x10100] =	vst v63  }
0x58c: {  	s20 =	simm.s32 $0x5100  }
0x58d: {  	[tilespmem:s20], [sflag:$0x1] =	stream.indirect_vreg.gather [hbm4b:s14+s2], $0x80, v2, vm0, $0xb8;
	[tilespmem:$0x10100] =	vst v63  }
0x58e: {  	s20 =	simm.s32 $0x5900  }
0x58f: {  	[tilespmem:s20], [sflag:$0x1] =	stream.indirect_vreg.gather [hbm4b:s15+s2], $0x80, v2, vm0, $0xb8;
	[tilespmem:$0x10100] =	vst v63  }
0x590: {  	s20 =	simm.s32 $0x6100  }
0x591: {  	[tilespmem:s20], [sflag:$0x1] =	stream.indirect_vreg.gather [hbm4b:s16+s2], $0x80, v2, vm0, $0xb8;
	[tilespmem:$0x10100] =	vst v63  }
0x592: {  	s20 =	simm.s32 $0x6900  }
0x593: {  	[tilespmem:s20], [sflag:$0x1] =	stream.indirect_vreg.gather [hbm4b:s17+s2], $0x80, v2, vm0, $0xb8;
	[tilespmem:$0x10100] =	vst v63  }
0x594: {  	s20 =	simm.s32 $0x7100  }
0x595: {  	[tilespmem:s20], [sflag:$0x1] =	stream.indirect_vreg.gather [hbm4b:s18+s2], $0x80, v2, vm0, $0xb8;
	[tilespmem:$0x10100] =	vst v63  }
0x596: {  	s3 =	sld [smem:$0x7F8];
	s20 =	simm.s32 $0x7900  }
0x597: {  	[tilespmem:s20], [sflag:$0x1] =	stream.indirect_vreg.gather [hbm4b:s19+s2], $0x80, v2, vm0, $0xb8;
	[tilespmem:$0x10100] =	vst v63  }
0x598: {  	_ = 	snop  }
0x599: {  	[hbm4b:s3+s2] =	stream.linear.scatter [tilespmem:s26], [sflag:$0x4], $0x8000, $0x38;
	[tilespmem:$0x10100] =	vst v63  }
0x59a: {  	_ =	swait.ge [sflag:s25], $0x8000  }
0x59b: {  	[sflag:s25] =	ssyncset.done $0x0  }
0x59c: {  	[sflag:s25] =	ssyncadd.s32 $0xFFFF8000  }
0x59d: {  	_ =	swait.ge [sflag:s21], $0x8000  }
0x59e: {  	[sflag:s21] =	ssyncset.done $0x0  }
0x59f: {  	[sflag:s21] =	ssyncadd.s32 $0xFFFF8000  }
0x5a0: {  	v2 =	vld.msk [tilespmem:$0xF8], $0xff;
	_ =	sdelay $0x4  }
0x5a1: {  	v3 =	vshll.u32 v2, $0x5  }
0x5a2: {  	v2 =	vand.u32 $0x7, v2;
	v3 =	vand.u32 $0xFFFFFF00, v3  }
0x5a3: {  	v2 =	vor.u32 v2, v3  }
0x5a4: {  	v2 =	vperm.xlane v2, v0;
	_ =	sdelay $0x1  }
0x5a5: {  	v2 =	vadd.s32 v1, v2;
	_ =	sdelay $0x4  }
0x5a6: {  	[tilespmem:s26], [sflag:$0x2] =	stream.indirect_vreg.gather [hbm4b:s4+s2], $0x80, v2, vm0, $0xb8;
	[tilespmem:$0x10100] =	vst v63  }
0x5a7: {  	s20 =	simm.s32 $0x8900  }
0x5a8: {  	[tilespmem:s20], [sflag:$0x2] =	stream.indirect_vreg.gather [hbm4b:s5+s2], $0x80, v2, vm0, $0xb8;
	[tilespmem:$0x10100] =	vst v63  }
0x5a9: {  	s24 =	simm.s32 $0x9100  }
0x5aa: {  	[tilespmem:s24], [sflag:$0x2] =	stream.indirect_vreg.gather [hbm4b:s6+s2], $0x80, v2, vm0, $0xb8;
	[tilespmem:$0x10100] =	vst v63  }
0x5ab: {  	s29 =	simm.s32 $0x9900  }
0x5ac: {  	[tilespmem:s29], [sflag:$0x2] =	stream.indirect_vreg.gather [hbm4b:s7+s2], $0x80, v2, vm0, $0xb8;
	[tilespmem:$0x10100] =	vst v63  }
0x5ad: {  	s30 =	simm.s32 $0xA100  }
0x5ae: {  	[tilespmem:s30], [sflag:$0x2] =	stream.indirect_vreg.gather [hbm4b:s8+s2], $0x80, v2, vm0, $0xb8;
	[tilespmem:$0x10100] =	vst v63  }
0x5af: {  	s31 =	simm.s32 $0xA900  }
0x5b0: {  	[tilespmem:s31], [sflag:$0x2] =	stream.indirect_vreg.gather [hbm4b:s9+s2], $0x80, v2, vm0, $0xb8;
	[tilespmem:$0x10100] =	vst v63  }
0x5b1: {  	s20 =	simm.s32 $0xB100  }
0x5b2: {  	[tilespmem:s20], [sflag:$0x2] =	stream.indirect_vreg.gather [hbm4b:s10+s2], $0x80, v2, vm0, $0xb8;
	[tilespmem:$0x10100] =	vst v63  }
0x5b3: {  	s23 =	simm.s32 $0xB900  }
0x5b4: {  	[tilespmem:s23], [sflag:$0x2] =	stream.indirect_vreg.gather [hbm4b:s11+s2], $0x80, v2, vm0, $0xb8;
	[tilespmem:$0x10100] =	vst v63  }
0x5b5: {  	s24 =	simm.s32 $0xC100  }
0x5b6: {  	[tilespmem:s24], [sflag:$0x2] =	stream.indirect_vreg.gather [hbm4b:s12+s2], $0x80, v2, vm0, $0xb8;
	[tilespmem:$0x10100] =	vst v63  }
0x5b7: {  	s29 =	simm.s32 $0xC900  }
0x5b8: {  	[tilespmem:s29], [sflag:$0x2] =	stream.indirect_vreg.gather [hbm4b:s13+s2], $0x80, v2, vm0, $0xb8;
	[tilespmem:$0x10100] =	vst v63  }
0x5b9: {  	s30 =	simm.s32 $0xD100  }
0x5ba: {  	[tilespmem:s30], [sflag:$0x2] =	stream.indirect_vreg.gather [hbm4b:s14+s2], $0x80, v2, vm0, $0xb8;
	[tilespmem:$0x10100] =	vst v63  }
0x5bb: {  	s31 =	simm.s32 $0xD900  }
0x5bc: {  	[tilespmem:s31], [sflag:$0x2] =	stream.indirect_vreg.gather [hbm4b:s15+s2], $0x80, v2, vm0, $0xb8;
	[tilespmem:$0x10100] =	vst v63  }
0x5bd: {  	s20 =	simm.s32 $0xE100  }
0x5be: {  	[tilespmem:s20], [sflag:$0x2] =	stream.indirect_vreg.gather [hbm4b:s16+s2], $0x80, v2, vm0, $0xb8;
	[tilespmem:$0x10100] =	vst v63  }
0x5bf: {  	s23 =	simm.s32 $0xE900  }
0x5c0: {  	[tilespmem:s23], [sflag:$0x2] =	stream.indirect_vreg.gather [hbm4b:s17+s2], $0x80, v2, vm0, $0xb8;
	[tilespmem:$0x10100] =	vst v63  }
0x5c1: {  	s24 =	simm.s32 $0xF100  }
0x5c2: {  	[tilespmem:s24], [sflag:$0x2] =	stream.indirect_vreg.gather [hbm4b:s18+s2], $0x80, v2, vm0, $0xb8;
	[tilespmem:$0x10100] =	vst v63  }
0x5c3: {  	s28 =	simm.s32 $0xF900;
	s29 =	sld [smem:$0x7F9]  }
0x5c4: {  	[tilespmem:s28], [sflag:$0x2] =	stream.indirect_vreg.gather [hbm4b:s19+s2], $0x80, v2, vm0, $0xb8;
	[tilespmem:$0x10100] =	vst v63  }
0x5c5: {  	_ = 	snop  }
0x5c6: {  	[hbm4b:s29+s2] =	stream.linear.scatter [tilespmem:s22], [sflag:$0x3], $0x8000, $0x38;
	[tilespmem:$0x10100] =	vst v63  }
0x5c7: {  	_ =	swait.ge [sflag:s1], $0x8000  }
0x5c8: {  	s30 =	sld [smem:$0x7FB]  }
0x5c9: {  	[sflag:s1] =	ssyncset.done $0x0;
	s31 =	sld [smem:$0x7F7]  }
0x5ca: {  	[sflag:s1] =	ssyncadd.s32 $0xFFFF8000  }
0x5cb: {  	[hbm4b:s30+s2] =	stream.linear.scatter [tilespmem:s26], [sflag:$0x4], $0x8000, $0x38;
	[tilespmem:$0x10100] =	vst v63  }
0x5cc: {  	p0 =	sne.s32 s31, $0x1;
	_ =	swait.ge [sflag:s0], $0x8000  }
.Ltmp0:
0x5cd: {  	[sflag:s0] =	ssyncset.done $0x0;
	(pc) =	sbr.rel @p0 .LBB2_1-.Ltmp0, $4  }
0x5ce: {  	[sflag:s0] =	ssyncadd.s32 $0xFFFF8000  }
0x5cf: {  	_ =	swait.ge [sflag:s21], $0x8000  }
0x5d0: {  	[sflag:s21] =	ssyncset.done $0x0  }
0x5d1: {  	s3 =	sadd.s32 $0xFFFFFFFF, s31;
	[sflag:s21] =	ssyncadd.s32 $0xFFFF8000  }
0x5d2: {  	_ =	sfence.sel $0x180000  }
0x5d3: {  	[bflag:$0x0] =	sbarrier.arrive $0xFFFF  }
0x5d4: {  	_ =	strace $0x9000004A  }
0x5d5: {  	s0 =	stileid.u32;
	[bflag:$0x2] =	sbarrier.arrive $0xFFFF  }
0x5d6: {  	p0 =	sne.s32 s0, $0x0;
	s0 =	rddreg [dreg:$0x2]  }
0x5d7: {  	s0 =	sadd.s32 @!p0 $0x100000, s0  }
0x5d8: {  	[sflag:s0] =	ssyncadd.tile.s32 @!p0 $0x1;
	_ =	shalt  }
.Lfunc_end2:
_tile_overlayer_lowered:
.L_overlay_start_2:
0x5d9: {  	(tag) =	ssettag $0x2  }
0x5da: {  	s0 =	rddreg [dreg:$0x0];
	s2 =	stileid.u32  }
0x5db: {  	s1 =	rddreg [dreg:$0x1];
	p0 =	sne.s32 s2, $0x0  }
0x5dc: {  	s3 =	rddreg [dreg:$0x2];
	[bflag:$0x3] =	sbarrier.arrive $0xFFFF;
	s2 =	simm.s32 @!p0 $0x1C05  }
0x5dd: {  	[timem:s3], [sflag:s2] =	dma.local @!p0 [hbm:s0], s1  }
0x5de: {  	s0 =	simm.s32 @!p0 $0x5  }
0x5df: {  	_ =	swait.ge @!p0 [sflag:s0], s1  }
0x5e0: {  	s1 =	ssub.s32 @!p0 $0x0, s1;
	[sflag:s0] =	ssyncset.done @!p0 $0x0  }
0x5e1: {  	[sflag:s0] =	ssyncadd.s32 @!p0 s1  }
0x5e2: {  	[bflag:$0x3] =	sbarrier.arrive $0xFFFF  }
0x5e3: {  	_ =	shalt  }

// kernel: _run.7.cloned.1.call-start
scs
__scs_entry_jumppad:
0x0: {  	(pc) =	sbr.rel $0x88, $3  }
0x1: {  	(tag) =	ssettag $0x0;
	lr =	simm.s32 $0x1  }
0x2: {  	[smem:$0x3F9A] =	sst lr;
	_ =	strace $0xD0000000  }
0x3: {  	_ = 	snop  }
0x4: {  	_ = 	snop  }
0x5: {  	_ = 	snop  }
0x6: {  	_ = 	snop  }
0x7: {  	_ = 	snop  }
__scs_overlays_trampoline_lowered:
0x8: {  	[smem:$0x3FA9] =	sst s0  }
0x9: {  	[smem:$0x3FAA] =	sst s1  }
0xa: {  	[smem:$0x3FAB] =	sst s2  }
0xb: {  	[smem:$0x3FAC] =	sst s3  }
0xc: {  	[smem:$0x3FAD] =	sst s4  }
0xd: {  	[smem:$0x3FAE] =	sst s5  }
0xe: {  	[smem:$0x3FAF] =	sst s6  }
0xf: {  	[smem:$0x3FB0] =	sst s7  }
0x10: {  	[smem:$0x3FB1] =	sst s8  }
0x11: {  	[smem:$0x3FB2] =	sst s9;
	s0 =	simm.s32 @!p0 $0x0  }
0x12: {  	s1 =	sld [smem:$0x3F98];
	s0 =	simm.s32 @p0 $0x1  }
0x13: {  	[smem:$0x3FB3] =	sst s0;
	s0 =	simm.s32 @!p1 $0x0  }
0x14: {  	s2 =	sld [smem:$0x3F97];
	s0 =	simm.s32 @p1 $0x1  }
0x15: {  	[smem:$0x3FB4] =	sst s0;
	s0 =	simm.s32 @!p2 $0x0  }
0x16: {  	s3 =	sld [smem:$0x3FDB];
	s0 =	simm.s32 @p2 $0x1  }
0x17: {  	s4 =	simm.s32 $0x1BF5;
	[smem:$0x3FB6] =	sst s0  }
0x18: {  	s0 =	sld [smem:$0x3F99];
	_ =	swait.ge [sflag:s4], $0x0  }
0x19: {  	s7 =	sld [smem:$0x3F9A]  }
0x1a: {  	s8 =	sadd.s32 $0xFFFFE003, lr  }
0x1b: {  	s9 =	sadd.s32 $0xFFFFFEF7, lr;
	s5 =	simm.s32 $0xFFFFFFFF;
	p2 =	slt.u32 s8, $0xFFFFF086  }
0x1c: {  	p1 =	slt.u32 s9, $0xF7A;
	s5 =	simm.s32 @!p2 $0x0  }
0x1d: {  	s5 =	simm.s32 @p1 $0x1;
	p0 =	seq.s32 s7, s2  }
0x1e: {  	s7 =	smul.u32 @!p0 $0xF7A, s2;
	p2 =	seq.s32 @!p0 s5, $0x0  }
0x1f: {  	s9 =	smul.u32 $0xF7A, s1;
	s8 =	simm.s32 @!p0 $0x1BF5;
	p2 =	por !p2, p0  }
0x20: {  	[sflag:s8] =	ssyncset.s32 @!p0 $0xFFFFF086;
	s6 =	sadd.s32 @!p0 s3, s7;
	s7 =	simm.s32 @!p0 $0x108  }
0x21: {  	s3 =	sadd.s32 s3, s9;
	s6 =	sadd.s32 @!p0 $0x88, s6;
	s7 =	simm.s32 @p2 $0x1082  }
0x22: {  	[simem:s7], [sflag:s8] =	dma.local @!p0 [hbm:s6], $0xF7A  }
0x23: {  	s9 =	sor.u32 $0xD0000000, s2;
	s6 =	simm.s32 $0x108;
	_ =	swait.ge @!p0 [sflag:s8], $0x0  }
0x24: {  	s3 =	sadd.s32 $0x88, s3;
	s6 =	simm.s32 @!p1 $0x1082;
	[sflag:s4] =	ssyncset.s32 $0xFFFFF086  }
0x25: {  	[simem:s6], [sflag:s4] =	dma.local [hbm:s3], $0xF7A  }
0x26: {  	[smem:$0x3F9A] =	sst s1;
	(tag) =	ssettag s2;
	_ =	strace s9  }
0x27: {  	s1 =	sld [smem:$0x3FAA]  }
0x28: {  	s2 =	sld [smem:$0x3FAB]  }
0x29: {  	s4 =	sld [smem:$0x3FAD]  }
0x2a: {  	p0 =	seq.s32 s5, $0x0;
	s5 =	sld [smem:$0x3FAE]  }
0x2b: {  	s6 =	sld [smem:$0x3FAF]  }
0x2c: {  	s7 =	sld [smem:$0x3FB0]  }
0x2d: {  	s3 =	simm.s32 $0x108;
	s8 =	sld [smem:$0x3FB1]  }
0x2e: {  	s3 =	simm.s32 @!p0 $0x1082;
	s9 =	sld [smem:$0x3FB2]  }
0x2f: {  	lr =	sadd.s32 s0, s3;
	s0 =	sld [smem:$0x3FA9]  }
0x30: {  	s3 =	sld [smem:$0x3FAC]  }
0x31: {  	[smem:$0x3FB5] =	sst s10  }
0x32: {  	s10 =	sld [smem:$0x3FB3];
	_ =	sdelay $0x3  }
0x33: {  	p0 =	seq.s32 s10, $0x1;
	s10 =	sld [smem:$0x3FB5];
	_ =	sdelay $0x3  }
0x34: {  	[smem:$0x3FB5] =	sst s10  }
0x35: {  	s10 =	sld [smem:$0x3FB4];
	_ =	sdelay $0x3  }
0x36: {  	p1 =	seq.s32 s10, $0x1;
	s10 =	sld [smem:$0x3FB5];
	_ =	sdelay $0x3  }
0x37: {  	[smem:$0x3FB5] =	sst s10  }
0x38: {  	s10 =	sld [smem:$0x3FB6]  }
0x39: {  	_ = 	snop;
	(pc) =	sbr.ind lr, $3  }
0x3a: {  	_ = 	snop  }
0x3b: {  	_ = 	snop  }
0x3c: {  	p2 =	seq.s32 s10, $0x1;
	s10 =	sld [smem:$0x3FB5]  }
0x3d: {  	_ =	shalt  }
0x3e: {  	_ =	shalt  }
0x3f: {  	_ =	shalt  }
0x40: {  	_ =	shalt  }
0x41: {  	_ =	shalt  }
0x42: {  	_ =	shalt  }
0x43: {  	_ =	shalt  }
0x44: {  	_ =	shalt  }
0x45: {  	_ =	shalt  }
0x46: {  	_ =	shalt  }
0x47: {  	_ =	shalt  }
0x48: {  	_ =	shalt  }
0x49: {  	_ =	shalt  }
0x4a: {  	_ =	shalt  }
0x4b: {  	_ =	shalt  }
0x4c: {  	_ =	shalt  }
0x4d: {  	_ =	shalt  }
0x4e: {  	_ =	shalt  }
0x4f: {  	_ =	shalt  }
0x50: {  	_ =	shalt  }
0x51: {  	_ =	shalt  }
0x52: {  	_ =	shalt  }
0x53: {  	_ =	shalt  }
0x54: {  	_ =	shalt  }
0x55: {  	_ =	shalt  }
0x56: {  	_ =	shalt  }
0x57: {  	_ =	shalt  }
0x58: {  	_ =	shalt  }
0x59: {  	_ =	shalt  }
0x5a: {  	_ =	shalt  }
0x5b: {  	_ =	shalt  }
0x5c: {  	_ =	shalt  }
0x5d: {  	_ =	shalt  }
0x5e: {  	_ =	shalt  }
0x5f: {  	_ =	shalt  }
0x60: {  	_ =	shalt  }
0x61: {  	_ =	shalt  }
0x62: {  	_ =	shalt  }
0x63: {  	_ =	shalt  }
0x64: {  	_ =	shalt  }
0x65: {  	_ =	shalt  }
0x66: {  	_ =	shalt  }
0x67: {  	_ =	shalt  }
0x68: {  	_ =	shalt  }
0x69: {  	_ =	shalt  }
0x6a: {  	_ =	shalt  }
0x6b: {  	_ =	shalt  }
0x6c: {  	_ =	shalt  }
0x6d: {  	_ =	shalt  }
0x6e: {  	_ =	shalt  }
0x6f: {  	_ =	shalt  }
0x70: {  	_ =	shalt  }
0x71: {  	_ =	shalt  }
0x72: {  	_ =	shalt  }
0x73: {  	_ =	shalt  }
0x74: {  	_ =	shalt  }
0x75: {  	_ =	shalt  }
0x76: {  	_ =	shalt  }
0x77: {  	_ =	shalt  }
0x78: {  	_ =	shalt  }
0x79: {  	_ =	shalt  }
0x7a: {  	_ =	shalt  }
0x7b: {  	_ =	shalt  }
0x7c: {  	_ =	shalt  }
0x7d: {  	_ =	shalt  }
0x7e: {  	_ =	shalt  }
0x7f: {  	_ =	shalt  }
0x80: {  	_ =	shalt  }
0x81: {  	_ =	shalt  }
0x82: {  	_ =	shalt  }
0x83: {  	_ =	shalt  }
0x84: {  	_ =	shalt  }
0x85: {  	_ =	shalt  }
0x86: {  	_ =	shalt  }
0x87: {  	_ =	shalt  }
.Lfunc_end0:
.L_simem_size_0:
called_computation_lowered:
.L_overlay_start_0:
0x88: {  	s2 =	sld [smem:$0x3FD9]  }
0x89: {  	s3 =	sld [smem:$0x3FFE];
	_ =	sdelay $0x1  }
0x8a: {  	s1 =	srdreg.scid  }
0x8b: {  	s0 =	sand.u32 $0x1, s1  }
0x8c: {  	s17 =	sshll.u32 s0, $0xA;
	s2 =	sadd.s32 s3, s2  }
0x8d: {  	s2 =	sadd.s32 s2, s17  }
0x8e: {  	[smem:$0x3FC1] =	sst s2  }
0x8f: {  	_ = 	snop  }
0x90: {  	s2 =	sld [smem:$0x3FC9]  }
0x91: {  	s18 =	sld [smem:$0x3FD0];
	(tm) =	ssettm $0x1  }
0x92: {  	s4 =	sld [smem:$0x3FFB];
	_ =	sdelay $0x3  }
0x93: {  	_ =	strace s4  }
0x94: {  	s4 =	sld [smem:$0x3FFC];
	_ =	sdelay $0x3  }
0x95: {  	_ =	strace s4  }
0x96: {  	s4 =	sld [smem:$0x3FFD];
	_ =	sdelay $0x3  }
0x97: {  	_ =	strace s4  }
0x98: {  	_ =	strace $0x8FFFFFFF  }
0x99: {  	s19 =	sld [smem:$0x3FDB];
	_ =	sdelay $0x1  }
0x9a: {  	s5 =	simm.s32 $_scs_section_size  }
0x9b: {  	s6 =	simm.s32 $_size__tile_overlayer_lowered;
	s7 =	simm.s32 $_tile_overlayer_lowered  }
0x9c: {  	s22 =	simm.s32 $0x1BFF;
	s21 =	sshll.u32 s7, $0x1;
	s4 =	sadd.s32 s5, s19  }
0x9d: {  	s8 =	simm.s32 $0x0;
	s20 =	sshll.u32 s6, $0x1;
	s6 =	sadd.s32 s21, s4  }
0x9e: {  	[timem:s8], [sflag:s22] =	dma.local [hbm:s6], s20  }
0x9f: {  	_ =	swait.ge [sflag:s22], s20  }
0xa0: {  	s5 =	ssub.s32 $0x0, s20;
	[sflag:s22] =	ssyncset.done $0x0  }
0xa1: {  	[sflag:s22] =	ssyncadd.s32 s5;
	_ =	sdelay $0x1  }
0xa2: {  	s23 =	simm.s32 $0x1B8B  }
0xa3: {  	_ =	swait.ge [sflag:s23], $0x1  }
0xa4: {  	[sflag:s23] =	ssyncset.done $0x0  }
0xa5: {  	s25 =	simm.s32 $0x1B8E;
	s24 =	sld [smem:$0x3FFE];
	[sflag:s23] =	ssyncadd.s32 $0xFFFFFFFF  }
0xa6: {  	s26 =	simm.s32 $execute0_lowered;
	[smem:$0x3FD2] =	sst s25  }
0xa7: {  	s6 =	sshll.u32 s26, $0x1;
	_ =	strace $0x80000046;
	[dreg:$0x1] =	wrdreg $0xFFFFFFFF  }
0xa8: {  	s28 =	simm.s32 $_size_execute0_lowered;
	s4 =	sadd.s32 s4, s6;
	[dreg:$0x0] =	wrdreg $0x0  }
0xa9: {  	s6 =	sshll.u32 s28, $0x1;
	[dreg:$0x2] =	wrdreg s4  }
0xaa: {  	[dreg:$0x3] =	wrdreg s6  }
0xab: {  	[dreg:$0x4] =	wrdreg $0xC0  }
0xac: {  	_ =	task [dreg:s8], $0x5FFFF  }
0xad: {  	[dreg:$0x1] =	wrdreg $0xFFFFFFFF  }
0xae: {  	[dreg:$0x0] =	wrdreg $0x60  }
0xaf: {  	[dreg:$0x2] =	wrdreg s24  }
0xb0: {  	[dreg:$0x3] =	wrdreg s2  }
0xb1: {  	[dreg:$0x4] =	wrdreg s18  }
0xb2: {  	[dreg:$0x5] =	wrdreg $0x9  }
0xb3: {  	_ =	task.clear_ibuf [dreg:s8], $0x6FFFF;
	_ =	strace $0x90000046  }
0xb4: {  	s29 =	simm.s32 $0x9;
	_ =	strace $0x80000048  }
0xb5: {  	_ =	swait.ge [sflag:s29], $0x1  }
0xb6: {  	[sflag:s29] =	ssyncadd.s32 $0xFFFFFFFF  }
0xb7: {  	_ =	strace $0x90000048  }
0xb8: {  	_ =	sfence  }
0xb9: {  	s30 =	sld [smem:$0x0];
	_ =	sdelay $0x2  }
0xba: {  	s31 =	sshll.u32 s1, $0xD;
	s1 =	sshrl.u32 s1, $0x2  }
0xbb: {  	s3 =	sand.u32 $0x4000, s31;
	s1 =	sadd.s32 s1, s30  }
0xbc: {  	s0 =	sor.u32 s3, s0;
	s1 =	sshll.u32 s1, $0x11  }
0xbd: {  	s0 =	sor.u32 s1, s0  }
0xbe: {  	s0 =	sadd.s32 $0x8F2B, s0  }
0xbf: {  	[sflag:s0] =	ssyncadd.remote.s32 $0x1  }
0xc0: {  	_ =	sfence.sel $0xFFFF  }
0xc1: {  	[dreg:$0x0] =	wrdreg $0xFFFFFFFF;
	(pc) =	sbr.abs _section_cstart, $3  }
0xc2: {  	[dreg:$0x1] =	wrdreg $0xFFFFFFFF  }
0xc3: {  	_ =	task.clear_ibuf [dreg:s8], $0x2FFFF;
	_ =	strace $0x9FFFFFFF  }
0xc4: {  	(tm) =	ssettm $0x7FFFFFFF  }
0xc5: {  	_ =	shalt  }
tec
execute0_lowered:
.L_overlay_start_1:
0x0: {  	(tag) =	ssettag $0x1  }
0x1: {  	s0 =	rddreg [dreg:$0x0];
	s1 =	srdreg.scid  }
0x2: {  	s2 =	stileid.u32;
	s5 =	rddreg [dreg:$0x1]  }
0x3: {  	s4 =	simm.s32 $0x0;
	s28 =	simm.s32 $0x2580;
	s17 =	simm.s32 $0x1  }
0x4: {  	s10 =	simm.s32 $0x3;
	s3 =	sshll.u32 s2, $0x1;
	s2 =	rddreg [dreg:$0x2]  }
0x5: {  	s14 =	simm.s32 $0x4;
	s1 =	sand.u32 $0x1, s1;
	[smem:$0x7FF] =	sst s4  }
0x6: {  	s18 =	sadd.s32 $0x1800, s0;
	s6 =	sor.u32 s1, s3;
	_ =	strace $0x80000047  }
0x7: {  	s1 =	ssub.s32 $0x2, s1;
	[dreg:$0x4] =	wrdreg s18;
	s11 =	sadd.s32 $0x100, s2  }
0x8: {  	s12 =	sadd.s32 $0x200, s2;
	s13 =	sadd.s32 $0x300, s2;
	s3 =	sshll.u32 s6, $0x8  }
0x9: {  	s18 =	simm.s32 $0x2;
	s21 =	sshll.u32 s6, $0xF;
	s22 =	sor.u32 $0x80, s3  }
0xa: {  	s19 =	sshrl.u32 s1, $0x1;
	s23 =	sadd.s32 s5, s21;
	[dreg:$0x6] =	wrdreg s22  }
0xb: {  	s20 =	ssub.s32 s1, s19;
	s1 =	sadd.s32 $0x1000, s23;
	[dreg:$0x8] =	wrdreg s23  }
0xc: {  	s7 =	sshll.u32 s6, $0x7;
	s24 =	sadd.s32 $0x2000, s23;
	[dreg:$0x9] =	wrdreg s1  }
0xd: {  	v0 =	vlaneseq.u32;
	s8 =	sand.u32 $0x1800, s3;
	s26 =	sadd.s32 $0x3000, s23;
	[dreg:$0xa] =	wrdreg s24  }
0xe: {  	vm0 =	vmmov $0xffff;
	v2 =	vmul.u32 $0xFFFFFFFF, v0;
	s7 =	sand.u32 $0x380, s7;
	s29 =	sadd.s32 $0x5000, s23;
	[dreg:$0xb] =	wrdreg s26  }
0xf: {  	v3 =	vor.u32 $0x10, v0;
	v4 =	vor.u32 $0x20, v0;
	v5 =	vor.u32 $0x30, v0;
	s7 =	sor.u32 s7, s8;
	s30 =	sadd.s32 $0x6000, s23;
	[dreg:$0xd] =	wrdreg s29  }
0x10: {  	v6 =	vor.u32 $0x40, v0;
	v7 =	vor.u32 $0x50, v0;
	v8 =	vor.u32 $0x60, v0;
	s25 =	sshll.u32 s22, $0x7;
	s31 =	sadd.s32 $0x7000, s23;
	[dreg:$0xe] =	wrdreg s30  }
0x11: {  	v9 =	vor.u32 $0x70, v0;
	v10 =	vor.u32 $0x80, v0;
	v11 =	vor.u32 $0x90, v0;
	s7 =	sshrl.u32 s7, $0x3;
	s1 =	sadd.s32 s5, s25;
	[dreg:$0xf] =	wrdreg s31  }
0x12: {  	v12 =	vor.u32 $0xA0, v0;
	v13 =	vor.u32 $0xB0, v0;
	v14 =	vor.u32 $0xC0, v0;
	s7 =	sadd.s32 s7, s0;
	s0 =	sadd.s32 $0x1C00, s0;
	[dreg:$0xc] =	wrdreg s1  }
0x13: {  	v15 =	vor.u32 $0xD0, v0;
	v16 =	vor.u32 $0xE0, v0;
	v17 =	vor.u32 $0xF0, v0;
	p0 =	sne.s32 s6, $0x0;
	[dreg:$0x5] =	wrdreg s0;
	s7 =	sadd.s32 $0x1E00, s7  }
0x14: {  	v18 =	vand.u32 $0x7, v0;
	v19 =	vshrl.u32 v0, $0x3;
	v20 =	vor.u32 $0x8, v0;
	s26 =	simm.s32 $0xA580;
	s0 =	smax.u32 s20, $0x1;
	[dreg:$0x7] =	wrdreg s7  }
0x15: {  	v19 =	vmul.u32 $0x8, v19;
	v2 =	vadd.s32 $0xF, v2;
	v1 =	vmov s3;
	s1 =	simm.s32 $0x0;
	[dreg:$0x10] =	wrdreg s0;
	s0 =	simm.s32 $0x5  }
.LBB2_1:
0x16: {  	[dreg:$0x11] =	wrdreg s1  }
0x17: {  	s15 =	rddreg [dreg:$0x4]  }
0x18: {  	[tilespmem:s4], [sflag:$0x5] =	stream.linear.gather [hbm4b:s15+s4], $0x2000, $0x38;
	[tilespmem:$0x12580] =	vst v63  }
0x19: {  	_ =	swait.ge [sflag:s0], $0x2000  }
0x1a: {  	[sflag:s0] =	ssyncset.done $0x0  }
0x1b: {  	[sflag:s0] =	ssyncadd.s32 $0xFFFFE000  }
0x1c: {  	v22 =	vld [tilespmem:s4+$0x0];
	_ =	sdelay $0x3  }
0x1d: {  	v21 =	vimm.s32 $0x0;
	v24 =	vor.u32 s4, v0  }
0x1e: {  	s16 =	simm.s32 $0x10;
	s15 =	simm.s32 $0x10;
	vm1 =	vlt.u32 v24, v1;
	v23 =	vsub.s32 $0x1, v22;
	v22 =	vimm.s32 $0x0  }
.LBB2_2:
0x1f: {  	v24 =	vld [tilespmem:s16+$0x0];
	p1 =	sne.s32 s15, $0x1FF0;
	v25 =	vnsel vm1, $0x0, v23;
	v21 =	vadd.s32 v21, v23;
	s19 =	smov.u32 s15;
	s15 =	sadd.s32 $0x10, s15  }
.Ltmp0:
0x20: {  	v22 =	vadd.s32 v22, v25;
	(pc) =	sbr.rel @p1 .LBB2_2-.Ltmp0, $3  }
0x21: {  	_ =	sdelay $0x1  }
0x22: {  	v25 =	vor.u32 s19, v0  }
0x23: {  	s16 =	sadd.s32 $0x10, s16;
	vm1 =	vlt.u32 v25, v1;
	v23 =	vsub.s32 $0x1, v24  }
0x24: {  	v24 =	vnsel vm1, $0x0, v23  }
0x25: {  	v22 =	vadd.s32 v22, v24  }
0x26: {  	v24 =	vperm.xlane v22, v2  }
0x27: {  	v21 =	vadd.s32 v21, v23;
	v25 =	vld [tilespmem:s3+$0x0]  }
0x28: {  	v23 =	vperm.xlane v21, v2;
	(xrf0) =	vadd.scan.msk.s32 $0xffff, v24  }
0x29: {  	(xrf0) =	vadd.scan.msk.s32 $0xffff, v22  }
0x2a: {  	(xrf0) =	vadd.scan.msk.s32 $0xffff, v23  }
0x2b: {  	(xrf0) =	vadd.scan.msk.s32 $0xffff, v21  }
0x2c: {  	v37 =	vsub.s32 $0x1, v25  }
0x2d: {  	(xrf0) =	vadd.scan.msk.s32 $0xffff, v37  }
0x2e: {  	v23, _, _ =	vpop (xrf0)  }
0x2f: {  	v26, _, _ =	vpop (xrf0)  }
0x30: {  	v23 =	vperm.xlane v23, v2;
	v27, _, _ =	vpop (xrf0)  }
0x31: {  	v22 =	vsub.s32 v26, v22;
	v38 =	vperm.xlane v27, v2;
	v39, _, _ =	vpop (xrf0)  }
0x32: {  	v22 =	vadd.s32 v23, v22;
	v21 =	vsub.s32 v39, v21  }
0x33: {  	v23 =	vsub.s32 v1, v22;
	v40, _, _ =	vpop (xrf0);
	v21 =	vadd.s32 v38, v21  }
0x34: {  	v41 =	vsub.s32 v40, v37;
	v23 =	vadd.s32 v21, v23  }
0x35: {  	v28 =	vsub.s32 v23, v41  }
0x36: {  	vm1 =	veq.s32 v25, $0x0;
	v27 =	vadd.s32 v22, v41;
	v28 =	vadd.s32 v0, v28  }
0x37: {  	v27 =	vsel vm1, v27, v28  }
0x38: {  	[tilespmem:$0x2000] =	vst v27  }
0x39: {  	[tilespmem:$0x2100] =	vst v27  }
0x3a: {  	v27 =	vld [tilespmem:s3+$0x10]  }
0x3b: {  	v24 =	vperm.xlane v37, v2;
	_ =	sdelay $0x1  }
0x3c: {  	(xrf0) =	vadd.scan.msk.s32 $0xffff, v24;
	_ =	sdelay $0x1  }
0x3d: {  	v42 =	vsub.s32 $0x1, v27  }
0x3e: {  	(xrf0) =	vadd.scan.msk.s32 $0xffff, v42;
	_ =	sdelay $0x2  }
0x3f: {  	v43, _, _ =	vpop (xrf0)  }
0x40: {  	v28 =	vperm.xlane v43, v2  }
0x41: {  	v25 =	vadd.s32 v40, v25  }
0x42: {  	v25 =	vadd.s32 v28, v25;
	v44, _, _ =	vpop (xrf0)  }
0x43: {  	v25 =	vadd.s32 $0xFFFFFFFF, v25;
	v45 =	vsub.s32 v44, v42  }
0x44: {  	v28 =	vadd.s32 v45, v25  }
0x45: {  	v29 =	vsub.s32 v23, v28  }
0x46: {  	vm1 =	veq.s32 v27, $0x0;
	v28 =	vadd.s32 v22, v28;
	v29 =	vadd.s32 v3, v29  }
0x47: {  	v28 =	vsel vm1, v28, v29  }
0x48: {  	[tilespmem:$0x2010] =	vst v28  }
0x49: {  	[tilespmem:$0x2110] =	vst v28  }
0x4a: {  	v28 =	vld [tilespmem:s3+$0x20]  }
0x4b: {  	v24 =	vperm.xlane v42, v2;
	_ =	sdelay $0x1  }
0x4c: {  	(xrf0) =	vadd.scan.msk.s32 $0xffff, v24;
	_ =	sdelay $0x1  }
0x4d: {  	v46 =	vsub.s32 $0x1, v28  }
0x4e: {  	(xrf0) =	vadd.scan.msk.s32 $0xffff, v46;
	_ =	sdelay $0x2  }
0x4f: {  	v47, _, _ =	vpop (xrf0)  }
0x50: {  	v25 =	vadd.s32 v25, v27;
	v48 =	vperm.xlane v47, v2  }
0x51: {  	v25 =	vadd.s32 v44, v25  }
0x52: {  	v25 =	vadd.s32 v48, v25;
	v49, _, _ =	vpop (xrf0)  }
0x53: {  	v25 =	vadd.s32 $0xFFFFFFFF, v25;
	v50 =	vsub.s32 v49, v46  }
0x54: {  	v27 =	vadd.s32 v25, v50  }
0x55: {  	v51 =	vsub.s32 v23, v27  }
0x56: {  	vm1 =	veq.s32 v28, $0x0;
	v27 =	vadd.s32 v22, v27;
	v29 =	vadd.s32 v4, v51  }
0x57: {  	v27 =	vsel vm1, v27, v29  }
0x58: {  	[tilespmem:$0x2020] =	vst v27  }
0x59: {  	[tilespmem:$0x2180] =	vst v27  }
0x5a: {  	v27 =	vld [tilespmem:s3+$0x30]  }
0x5b: {  	v24 =	vperm.xlane v46, v2;
	_ =	sdelay $0x1  }
0x5c: {  	(xrf0) =	vadd.scan.msk.s32 $0xffff, v24;
	_ =	sdelay $0x1  }
0x5d: {  	v52 =	vsub.s32 $0x1, v27  }
0x5e: {  	(xrf0) =	vadd.scan.msk.s32 $0xffff, v52;
	_ =	sdelay $0x2  }
0x5f: {  	v53, _, _ =	vpop (xrf0)  }
0x60: {  	v25 =	vadd.s32 v25, v28;
	v54 =	vperm.xlane v53, v2  }
0x61: {  	v25 =	vadd.s32 v49, v25  }
0x62: {  	v25 =	vadd.s32 v54, v25;
	v55, _, _ =	vpop (xrf0)  }
0x63: {  	v25 =	vadd.s32 $0xFFFFFFFF, v25;
	v56 =	vsub.s32 v55, v52  }
0x64: {  	v28 =	vadd.s32 v25, v56  }
0x65: {  	v57 =	vsub.s32 v23, v28  }
0x66: {  	vm1 =	veq.s32 v27, $0x0;
	v28 =	vadd.s32 v22, v28;
	v29 =	vadd.s32 v5, v57  }
0x67: {  	v28 =	vsel vm1, v28, v29  }
0x68: {  	[tilespmem:$0x2030] =	vst v28  }
0x69: {  	[tilespmem:$0x2190] =	vst v28  }
0x6a: {  	v28 =	vld [tilespmem:s3+$0x40]  }
0x6b: {  	v24 =	vperm.xlane v52, v2;
	_ =	sdelay $0x1  }
0x6c: {  	(xrf0) =	vadd.scan.msk.s32 $0xffff, v24;
	_ =	sdelay $0x1  }
0x6d: {  	v58 =	vsub.s32 $0x1, v28  }
0x6e: {  	(xrf0) =	vadd.scan.msk.s32 $0xffff, v58;
	_ =	sdelay $0x2  }
0x6f: {  	v59, _, _ =	vpop (xrf0)  }
0x70: {  	v25 =	vadd.s32 v25, v27;
	v60 =	vperm.xlane v59, v2  }
0x71: {  	v25 =	vadd.s32 v55, v25  }
0x72: {  	v25 =	vadd.s32 v60, v25;
	v61, _, _ =	vpop (xrf0)  }
0x73: {  	v25 =	vadd.s32 $0xFFFFFFFF, v25;
	v62 =	vsub.s32 v61, v58  }
0x74: {  	v27 =	vadd.s32 v25, v62  }
0x75: {  	v63 =	vsub.s32 v23, v27  }
0x76: {  	vm1 =	veq.s32 v28, $0x0;
	v27 =	vadd.s32 v22, v27;
	v29 =	vadd.s32 v6, v63  }
0x77: {  	v27 =	vsel vm1, v27, v29  }
0x78: {  	[tilespmem:$0x2040] =	vst v27  }
0x79: {  	[tilespmem:$0x2200] =	vst v27  }
0x7a: {  	v27 =	vld [tilespmem:s3+$0x50]  }
0x7b: {  	v24 =	vperm.xlane v58, v2;
	_ =	sdelay $0x1  }
0x7c: {  	(xrf0) =	vadd.scan.msk.s32 $0xffff, v24;
	_ =	sdelay $0x1  }
0x7d: {  	v32 =	vsub.s32 $0x1, v27  }
0x7e: {  	(xrf0) =	vadd.scan.msk.s32 $0xffff, v32;
	_ =	sdelay $0x2  }
0x7f: {  	v33, _, _ =	vpop (xrf0)  }
0x80: {  	v25 =	vadd.s32 v25, v28;
	v34 =	vperm.xlane v33, v2  }
0x81: {  	v25 =	vadd.s32 v61, v25  }
0x82: {  	v25 =	vadd.s32 v34, v25;
	v35, _, _ =	vpop (xrf0)  }
0x83: {  	v25 =	vadd.s32 $0xFFFFFFFF, v25;
	v36 =	vsub.s32 v35, v32  }
0x84: {  	v28 =	vadd.s32 v25, v36  }
0x85: {  	v37 =	vsub.s32 v23, v28  }
0x86: {  	vm1 =	veq.s32 v27, $0x0;
	v28 =	vadd.s32 v22, v28;
	v29 =	vadd.s32 v7, v37  }
0x87: {  	v28 =	vsel vm1, v28, v29  }
0x88: {  	[tilespmem:$0x2050] =	vst v28  }
0x89: {  	[tilespmem:$0x2210] =	vst v28  }
0x8a: {  	v28 =	vld [tilespmem:s3+$0x60]  }
0x8b: {  	v24 =	vperm.xlane v32, v2;
	_ =	sdelay $0x1  }
0x8c: {  	(xrf0) =	vadd.scan.msk.s32 $0xffff, v24;
	_ =	sdelay $0x1  }
0x8d: {  	v38 =	vsub.s32 $0x1, v28  }
0x8e: {  	(xrf0) =	vadd.scan.msk.s32 $0xffff, v38;
	_ =	sdelay $0x2  }
0x8f: {  	v39, _, _ =	vpop (xrf0)  }
0x90: {  	v25 =	vadd.s32 v25, v27;
	v40 =	vperm.xlane v39, v2  }
0x91: {  	v25 =	vadd.s32 v35, v25  }
0x92: {  	v25 =	vadd.s32 v40, v25;
	v41, _, _ =	vpop (xrf0)  }
0x93: {  	v25 =	vadd.s32 $0xFFFFFFFF, v25;
	v42 =	vsub.s32 v41, v38  }
0x94: {  	v27 =	vadd.s32 v25, v42  }
0x95: {  	v43 =	vsub.s32 v23, v27  }
0x96: {  	vm1 =	veq.s32 v28, $0x0;
	v27 =	vadd.s32 v22, v27;
	v29 =	vadd.s32 v8, v43  }
0x97: {  	v27 =	vsel vm1, v27, v29  }
0x98: {  	[tilespmem:$0x2060] =	vst v27  }
0x99: {  	[tilespmem:$0x2280] =	vst v27  }
0x9a: {  	v27 =	vld [tilespmem:s3+$0x70]  }
0x9b: {  	v24 =	vperm.xlane v38, v2;
	_ =	sdelay $0x1  }
0x9c: {  	(xrf0) =	vadd.scan.msk.s32 $0xffff, v24;
	_ =	sdelay $0x1  }
0x9d: {  	v44 =	vsub.s32 $0x1, v27  }
0x9e: {  	(xrf0) =	vadd.scan.msk.s32 $0xffff, v44;
	_ =	sdelay $0x2  }
0x9f: {  	v45, _, _ =	vpop (xrf0)  }
0xa0: {  	v25 =	vadd.s32 v25, v28;
	v46 =	vperm.xlane v45, v2  }
0xa1: {  	v25 =	vadd.s32 v41, v25  }
0xa2: {  	v25 =	vadd.s32 v46, v25;
	v47, _, _ =	vpop (xrf0)  }
0xa3: {  	v25 =	vadd.s32 $0xFFFFFFFF, v25;
	v48 =	vsub.s32 v47, v44  }
0xa4: {  	v28 =	vadd.s32 v25, v48  }
0xa5: {  	v49 =	vsub.s32 v23, v28  }
0xa6: {  	vm1 =	veq.s32 v27, $0x0;
	v28 =	vadd.s32 v22, v28;
	v29 =	vadd.s32 v9, v49  }
0xa7: {  	v28 =	vsel vm1, v28, v29  }
0xa8: {  	[tilespmem:$0x2070] =	vst v28  }
0xa9: {  	s15 =	rddreg [dreg:$0x6];
	[tilespmem:$0x2290] =	vst v28  }
0xaa: {  	v28 =	vld [tilespmem:s15+$0x0]  }
0xab: {  	v24 =	vperm.xlane v44, v2;
	_ =	sdelay $0x1  }
0xac: {  	(xrf0) =	vadd.scan.msk.s32 $0xffff, v24;
	_ =	sdelay $0x1  }
0xad: {  	v50 =	vsub.s32 $0x1, v28  }
0xae: {  	(xrf0) =	vadd.scan.msk.s32 $0xffff, v50;
	_ =	sdelay $0x2  }
0xaf: {  	v51, _, _ =	vpop (xrf0)  }
0xb0: {  	v25 =	vadd.s32 v25, v27;
	v52 =	vperm.xlane v51, v2  }
0xb1: {  	v25 =	vadd.s32 v47, v25  }
0xb2: {  	v25 =	vadd.s32 v52, v25;
	v53, _, _ =	vpop (xrf0)  }
0xb3: {  	v25 =	vadd.s32 $0xFFFFFFFF, v25;
	v54 =	vsub.s32 v53, v50  }
0xb4: {  	v27 =	vadd.s32 v25, v54  }
0xb5: {  	v55 =	vsub.s32 v23, v27  }
0xb6: {  	vm1 =	veq.s32 v28, $0x0;
	v27 =	vadd.s32 v22, v27;
	v29 =	vadd.s32 v10, v55  }
0xb7: {  	v27 =	vsel vm1, v27, v29  }
0xb8: {  	[tilespmem:$0x2080] =	vst v27  }
0xb9: {  	[tilespmem:$0x2300] =	vst v27  }
0xba: {  	v27 =	vld [tilespmem:s3+$0x90]  }
0xbb: {  	v24 =	vperm.xlane v50, v2;
	_ =	sdelay $0x1  }
0xbc: {  	(xrf0) =	vadd.scan.msk.s32 $0xffff, v24;
	_ =	sdelay $0x1  }
0xbd: {  	v56 =	vsub.s32 $0x1, v27  }
0xbe: {  	(xrf0) =	vadd.scan.msk.s32 $0xffff, v56;
	_ =	sdelay $0x2  }
0xbf: {  	v57, _, _ =	vpop (xrf0)  }
0xc0: {  	v25 =	vadd.s32 v25, v28;
	v58 =	vperm.xlane v57, v2  }
0xc1: {  	v25 =	vadd.s32 v53, v25  }
0xc2: {  	v25 =	vadd.s32 v58, v25;
	v59, _, _ =	vpop (xrf0)  }
0xc3: {  	v25 =	vadd.s32 $0xFFFFFFFF, v25;
	v60 =	vsub.s32 v59, v56  }
0xc4: {  	v28 =	vadd.s32 v25, v60  }
0xc5: {  	v61 =	vsub.s32 v23, v28  }
0xc6: {  	vm1 =	veq.s32 v27, $0x0;
	v28 =	vadd.s32 v22, v28;
	v29 =	vadd.s32 v11, v61  }
0xc7: {  	v28 =	vsel vm1, v28, v29  }
0xc8: {  	[tilespmem:$0x2090] =	vst v28  }
0xc9: {  	[tilespmem:$0x2310] =	vst v28  }
0xca: {  	v28 =	vld [tilespmem:s3+$0xA0]  }
0xcb: {  	v24 =	vperm.xlane v56, v2;
	_ =	sdelay $0x1  }
0xcc: {  	(xrf0) =	vadd.scan.msk.s32 $0xffff, v24;
	_ =	sdelay $0x1  }
0xcd: {  	v62 =	vsub.s32 $0x1, v28  }
0xce: {  	(xrf0) =	vadd.scan.msk.s32 $0xffff, v62;
	_ =	sdelay $0x2  }
0xcf: {  	v63, _, _ =	vpop (xrf0)  }
0xd0: {  	v25 =	vadd.s32 v25, v27;
	v32 =	vperm.xlane v63, v2  }
0xd1: {  	v25 =	vadd.s32 v59, v25  }
0xd2: {  	v25 =	vadd.s32 v32, v25;
	v33, _, _ =	vpop (xrf0)  }
0xd3: {  	v25 =	vadd.s32 $0xFFFFFFFF, v25;
	v34 =	vsub.s32 v33, v62  }
0xd4: {  	v27 =	vadd.s32 v25, v34  }
0xd5: {  	v35 =	vsub.s32 v23, v27  }
0xd6: {  	vm1 =	veq.s32 v28, $0x0;
	v27 =	vadd.s32 v22, v27;
	v29 =	vadd.s32 v12, v35  }
0xd7: {  	v27 =	vsel vm1, v27, v29  }
0xd8: {  	[tilespmem:$0x20A0] =	vst v27  }
0xd9: {  	[tilespmem:$0x2380] =	vst v27  }
0xda: {  	v27 =	vld [tilespmem:s3+$0xB0]  }
0xdb: {  	v24 =	vperm.xlane v62, v2;
	_ =	sdelay $0x1  }
0xdc: {  	(xrf0) =	vadd.scan.msk.s32 $0xffff, v24;
	_ =	sdelay $0x1  }
0xdd: {  	v36 =	vsub.s32 $0x1, v27  }
0xde: {  	(xrf0) =	vadd.scan.msk.s32 $0xffff, v36;
	_ =	sdelay $0x2  }
0xdf: {  	v37, _, _ =	vpop (xrf0)  }
0xe0: {  	v25 =	vadd.s32 v25, v28;
	v38 =	vperm.xlane v37, v2  }
0xe1: {  	v25 =	vadd.s32 v33, v25  }
0xe2: {  	v25 =	vadd.s32 v38, v25;
	v39, _, _ =	vpop (xrf0)  }
0xe3: {  	v25 =	vadd.s32 $0xFFFFFFFF, v25;
	v40 =	vsub.s32 v39, v36  }
0xe4: {  	v28 =	vadd.s32 v25, v40  }
0xe5: {  	v41 =	vsub.s32 v23, v28  }
0xe6: {  	vm1 =	veq.s32 v27, $0x0;
	v28 =	vadd.s32 v22, v28;
	v29 =	vadd.s32 v13, v41  }
0xe7: {  	v28 =	vsel vm1, v28, v29  }
0xe8: {  	[tilespmem:$0x20B0] =	vst v28  }
0xe9: {  	[tilespmem:$0x2390] =	vst v28  }
0xea: {  	v28 =	vld [tilespmem:s3+$0xC0]  }
0xeb: {  	v24 =	vperm.xlane v36, v2;
	_ =	sdelay $0x1  }
0xec: {  	(xrf0) =	vadd.scan.msk.s32 $0xffff, v24;
	_ =	sdelay $0x1  }
0xed: {  	v42 =	vsub.s32 $0x1, v28  }
0xee: {  	(xrf0) =	vadd.scan.msk.s32 $0xffff, v42;
	_ =	sdelay $0x2  }
0xef: {  	v43, _, _ =	vpop (xrf0)  }
0xf0: {  	v25 =	vadd.s32 v25, v27;
	v44 =	vperm.xlane v43, v2  }
0xf1: {  	v25 =	vadd.s32 v39, v25  }
0xf2: {  	v25 =	vadd.s32 v44, v25;
	v45, _, _ =	vpop (xrf0)  }
0xf3: {  	v25 =	vadd.s32 $0xFFFFFFFF, v25;
	v46 =	vsub.s32 v45, v42  }
0xf4: {  	v27 =	vadd.s32 v25, v46  }
0xf5: {  	v47 =	vsub.s32 v23, v27  }
0xf6: {  	vm1 =	veq.s32 v28, $0x0;
	v27 =	vadd.s32 v22, v27;
	v29 =	vadd.s32 v14, v47  }
0xf7: {  	v27 =	vsel vm1, v27, v29  }
0xf8: {  	[tilespmem:$0x20C0] =	vst v27  }
0xf9: {  	[tilespmem:$0x2400] =	vst v27  }
0xfa: {  	v27 =	vld [tilespmem:s3+$0xD0]  }
0xfb: {  	v24 =	vperm.xlane v42, v2;
	_ =	sdelay $0x1  }
0xfc: {  	(xrf0) =	vadd.scan.msk.s32 $0xffff, v24;
	_ =	sdelay $0x1  }
0xfd: {  	v48 =	vsub.s32 $0x1, v27  }
0xfe: {  	(xrf0) =	vadd.scan.msk.s32 $0xffff, v48;
	_ =	sdelay $0x2  }
0xff: {  	v49, _, _ =	vpop (xrf0)  }
0x100: {  	v25 =	vadd.s32 v25, v28;
	v50 =	vperm.xlane v49, v2  }
0x101: {  	v25 =	vadd.s32 v45, v25  }
0x102: {  	v25 =	vadd.s32 v50, v25;
	v51, _, _ =	vpop (xrf0)  }
0x103: {  	v25 =	vadd.s32 $0xFFFFFFFF, v25;
	v52 =	vsub.s32 v51, v48  }
0x104: {  	v28 =	vadd.s32 v25, v52  }
0x105: {  	v53 =	vsub.s32 v23, v28  }
0x106: {  	vm1 =	veq.s32 v27, $0x0;
	v28 =	vadd.s32 v22, v28;
	v29 =	vadd.s32 v15, v53  }
0x107: {  	v28 =	vsel vm1, v28, v29  }
0x108: {  	[tilespmem:$0x20D0] =	vst v28  }
0x109: {  	[tilespmem:$0x2410] =	vst v28  }
0x10a: {  	v28 =	vld [tilespmem:s3+$0xE0]  }
0x10b: {  	v24 =	vperm.xlane v48, v2;
	_ =	sdelay $0x1  }
0x10c: {  	(xrf0) =	vadd.scan.msk.s32 $0xffff, v24;
	_ =	sdelay $0x1  }
0x10d: {  	v54 =	vsub.s32 $0x1, v28  }
0x10e: {  	(xrf0) =	vadd.scan.msk.s32 $0xffff, v54;
	_ =	sdelay $0x2  }
0x10f: {  	v55, _, _ =	vpop (xrf0)  }
0x110: {  	v25 =	vadd.s32 v25, v27;
	v56 =	vperm.xlane v55, v2  }
0x111: {  	v25 =	vadd.s32 v51, v25  }
0x112: {  	v25 =	vadd.s32 v56, v25;
	v57, _, _ =	vpop (xrf0)  }
0x113: {  	v25 =	vadd.s32 $0xFFFFFFFF, v25;
	v58 =	vsub.s32 v57, v54  }
0x114: {  	v27 =	vadd.s32 v25, v58  }
0x115: {  	v59 =	vsub.s32 v23, v27  }
0x116: {  	vm1 =	veq.s32 v28, $0x0;
	v27 =	vadd.s32 v22, v27;
	v29 =	vadd.s32 v16, v59  }
0x117: {  	v27 =	vsel vm1, v27, v29  }
0x118: {  	[tilespmem:$0x20E0] =	vst v27  }
0x119: {  	[tilespmem:$0x2480] =	vst v27  }
0x11a: {  	v27 =	vld [tilespmem:s3+$0xF0];
	_ =	sdelay $0x1  }
0x11b: {  	v24 =	vperm.xlane v54, v2;
	_ =	sdelay $0x1  }
0x11c: {  	(xrf0) =	vadd.scan.msk.s32 $0xffff, v24  }
0x11d: {  	v60 =	vsub.s32 $0x1, v27  }
0x11e: {  	(xrf0) =	vadd.scan.msk.s32 $0xffff, v60;
	_ =	sdelay $0x3  }
0x11f: {  	v61, _, _ =	vpop (xrf0)  }
0x120: {  	v25 =	vadd.s32 v25, v28;
	v62 =	vperm.xlane v61, v2  }
0x121: {  	v25 =	vadd.s32 v57, v25;
	v63, _, _ =	vpop (xrf0)  }
0x122: {  	v25 =	vadd.s32 v62, v25;
	v24 =	vsub.s32 v63, v60  }
0x123: {  	v24 =	vadd.s32 v24, v25  }
0x124: {  	v24 =	vadd.s32 $0xFFFFFFFF, v24  }
0x125: {  	v23 =	vsub.s32 v23, v24  }
0x126: {  	vm1 =	veq.s32 v27, $0x0;
	v22 =	vadd.s32 v22, v24;
	v23 =	vadd.s32 v17, v23  }
0x127: {  	v22 =	vsel vm1, v22, v23  }
0x128: {  	s7 =	rddreg [dreg:$0x7];
	[tilespmem:$0x20F0] =	vst v22  }
0x129: {  	s16 =	simm.s32 $0x80;
	s19 =	simm.s32 $0x400;
	s20 =	simm.s32 $0x2000;
	[tilespmem:$0x2490] =	vst v22  }
0x12a: {  	[hbm4b:s7+s16] =	stream.strided.scatter [tilespmem:s20], [sflag:$0x5], $0x100, s19, s16, $0x38;
	[tilespmem:$0x12580] =	vst v63  }
0x12b: {  	_ =	swait.ge [sflag:s0], $0x100  }
0x12c: {  	[sflag:s0] =	ssyncset.done $0x0  }
0x12d: {  	[sflag:s0] =	ssyncadd.s32 $0xFFFFFF00  }
0x12e: {  	s15 =	simm.s32 @!p0 $0x0;
	s16 =	simm.s32 @!p0 $0x2500;
	s19 =	rddreg [dreg:$0x5];
	[tilespmem:$0x2500] =	vst @!p0 v21  }
0x12f: {  	[hbm4b:s19+s15] =	stream.linear.scatter @!p0 [tilespmem:s16], [sflag:$0x5], $0x80, $0x38;
	[tilespmem:$0x12580] =	vst v63  }
0x130: {  	s15 =	simm.s32 @!p0 $0x5  }
0x131: {  	_ =	swait.ge @!p0 [sflag:s15], $0x80  }
0x132: {  	[sflag:s15] =	ssyncset.done @!p0 $0x0  }
0x133: {  	s8 =	rddreg [dreg:$0x8];
	[sflag:s15] =	ssyncadd.s32 @!p0 $0xFFFFFF80  }
0x134: {  	[tilespmem:s28], [sflag:$0x1] =	stream.linear.gather [hbm4b:s8+s4], $0x8000, $0x38;
	[tilespmem:$0x12580] =	vst v63  }
0x135: {  	_ =	swait.ge [sflag:s17], $0x8000  }
0x136: {  	[sflag:s17] =	ssyncset.done $0x0  }
0x137: {  	s9 =	rddreg [dreg:$0x9];
	[sflag:s17] =	ssyncadd.s32 $0xFFFF8000  }
0x138: {  	[tilespmem:s26], [sflag:$0x2] =	stream.linear.gather [hbm4b:s9+s4], $0x8000, $0x38;
	[tilespmem:$0x12580] =	vst v63  }
0x139: {  	v21 =	vld [tilespmem:$0x2100];
	_ =	sdelay $0x4  }
0x13a: {  	v22 =	vshll.u32 v21, $0x3  }
0x13b: {  	v21 =	vand.u32 $0x7, v21;
	v22 =	vand.u32 $0xFFFFFFC0, v22  }
0x13c: {  	v21 =	vor.u32 v21, v22  }
0x13d: {  	v22 =	vperm.xlane v21, v18;
	_ =	sdelay $0x1  }
0x13e: {  	v22 =	vadd.s32 v19, v22;
	_ =	sdelay $0x4  }
0x13f: {  	[hbm4b:s2+s4] =	stream.indirect_vreg.scatter [tilespmem:s28], [sflag:$0x3], $0x80, v22, vm0, $0xb8;
	[tilespmem:$0x12580] =	vst v63  }
0x140: {  	s15 =	simm.s32 $0x2D80;
	v21 =	vperm.xlane v21, v20  }
0x141: {  	[hbm4b:s11+s4] =	stream.indirect_vreg.scatter [tilespmem:s15], [sflag:$0x3], $0x80, v22, vm0, $0xb8;
	[tilespmem:$0x12580] =	vst v63  }
0x142: {  	s16 =	simm.s32 $0x3580;
	v21 =	vadd.s32 v19, v21  }
0x143: {  	[hbm4b:s12+s4] =	stream.indirect_vreg.scatter [tilespmem:s16], [sflag:$0x3], $0x80, v22, vm0, $0xb8;
	[tilespmem:$0x12580] =	vst v63  }
0x144: {  	s19 =	simm.s32 $0x3D80  }
0x145: {  	[hbm4b:s13+s4] =	stream.indirect_vreg.scatter [tilespmem:s19], [sflag:$0x3], $0x80, v22, vm0, $0xb8;
	[tilespmem:$0x12580] =	vst v63  }
0x146: {  	s20 =	simm.s32 $0x4580  }
0x147: {  	[hbm4b:s2+s4] =	stream.indirect_vreg.scatter [tilespmem:s20], [sflag:$0x3], $0x80, v21, vm0, $0xb8;
	[tilespmem:$0x12580] =	vst v63  }
0x148: {  	s21 =	simm.s32 $0x4D80  }
0x149: {  	[hbm4b:s11+s4] =	stream.indirect_vreg.scatter [tilespmem:s21], [sflag:$0x3], $0x80, v21, vm0, $0xb8;
	[tilespmem:$0x12580] =	vst v63  }
0x14a: {  	s22 =	simm.s32 $0x5580  }
0x14b: {  	[hbm4b:s12+s4] =	stream.indirect_vreg.scatter [tilespmem:s22], [sflag:$0x3], $0x80, v21, vm0, $0xb8;
	[tilespmem:$0x12580] =	vst v63  }
0x14c: {  	s23 =	simm.s32 $0x5D80  }
0x14d: {  	[hbm4b:s13+s4] =	stream.indirect_vreg.scatter [tilespmem:s23], [sflag:$0x3], $0x80, v21, vm0, $0xb8;
	[tilespmem:$0x12580] =	vst v63  }
0x14e: {  	v21 =	vld [tilespmem:$0x2110];
	_ =	sdelay $0x4  }
0x14f: {  	v22 =	vshll.u32 v21, $0x3  }
0x150: {  	v21 =	vand.u32 $0x7, v21;
	v22 =	vand.u32 $0xFFFFFFC0, v22  }
0x151: {  	v21 =	vor.u32 v21, v22  }
0x152: {  	v22 =	vperm.xlane v21, v18;
	_ =	sdelay $0x1  }
0x153: {  	v22 =	vadd.s32 v19, v22;
	_ =	sdelay $0x3  }
0x154: {  	s24 =	simm.s32 $0x6580  }
0x155: {  	[hbm4b:s2+s4] =	stream.indirect_vreg.scatter [tilespmem:s24], [sflag:$0x3], $0x80, v22, vm0, $0xb8;
	[tilespmem:$0x12580] =	vst v63  }
0x156: {  	s25 =	simm.s32 $0x6D80;
	v21 =	vperm.xlane v21, v20  }
0x157: {  	[hbm4b:s11+s4] =	stream.indirect_vreg.scatter [tilespmem:s25], [sflag:$0x3], $0x80, v22, vm0, $0xb8;
	[tilespmem:$0x12580] =	vst v63  }
0x158: {  	s29 =	simm.s32 $0x7580;
	v21 =	vadd.s32 v19, v21  }
0x159: {  	[hbm4b:s12+s4] =	stream.indirect_vreg.scatter [tilespmem:s29], [sflag:$0x3], $0x80, v22, vm0, $0xb8;
	[tilespmem:$0x12580] =	vst v63  }
0x15a: {  	s1 =	simm.s32 $0x7D80  }
0x15b: {  	[hbm4b:s13+s4] =	stream.indirect_vreg.scatter [tilespmem:s1], [sflag:$0x3], $0x80, v22, vm0, $0xb8;
	[tilespmem:$0x12580] =	vst v63  }
0x15c: {  	s30 =	simm.s32 $0x8580  }
0x15d: {  	[hbm4b:s2+s4] =	stream.indirect_vreg.scatter [tilespmem:s30], [sflag:$0x3], $0x80, v21, vm0, $0xb8;
	[tilespmem:$0x12580] =	vst v63  }
0x15e: {  	s31 =	simm.s32 $0x8D80  }
0x15f: {  	[hbm4b:s11+s4] =	stream.indirect_vreg.scatter [tilespmem:s31], [sflag:$0x3], $0x80, v21, vm0, $0xb8;
	[tilespmem:$0x12580] =	vst v63  }
0x160: {  	s0 =	simm.s32 $0x9580  }
0x161: {  	[hbm4b:s12+s4] =	stream.indirect_vreg.scatter [tilespmem:s0], [sflag:$0x3], $0x80, v21, vm0, $0xb8;
	[tilespmem:$0x12580] =	vst v63  }
0x162: {  	s6 =	simm.s32 $0x9D80  }
0x163: {  	[hbm4b:s13+s4] =	stream.indirect_vreg.scatter [tilespmem:s6], [sflag:$0x3], $0x80, v21, vm0, $0xb8;
	[tilespmem:$0x12580] =	vst v63  }
0x164: {  	_ =	swait.ge [sflag:s18], $0x8000  }
0x165: {  	[sflag:s18] =	ssyncset.done $0x0  }
0x166: {  	[sflag:s18] =	ssyncadd.s32 $0xFFFF8000  }
0x167: {  	_ =	swait.ge [sflag:s10], $0x8000  }
0x168: {  	[sflag:s10] =	ssyncset.done $0x0  }
0x169: {  	s7 =	rddreg [dreg:$0xa];
	[sflag:s10] =	ssyncadd.s32 $0xFFFF8000  }
0x16a: {  	[tilespmem:s28], [sflag:$0x1] =	stream.linear.gather [hbm4b:s7+s4], $0x8000, $0x38;
	[tilespmem:$0x12580] =	vst v63  }
0x16b: {  	v21 =	vld [tilespmem:$0x2180];
	_ =	sdelay $0x4  }
0x16c: {  	v22 =	vshll.u32 v21, $0x3  }
0x16d: {  	v21 =	vand.u32 $0x7, v21;
	v22 =	vand.u32 $0xFFFFFFC0, v22  }
0x16e: {  	v21 =	vor.u32 v21, v22  }
0x16f: {  	v22 =	vperm.xlane v21, v18;
	_ =	sdelay $0x1  }
0x170: {  	v22 =	vadd.s32 v19, v22;
	_ =	sdelay $0x4  }
0x171: {  	[hbm4b:s2+s4] =	stream.indirect_vreg.scatter [tilespmem:s26], [sflag:$0x4], $0x80, v22, vm0, $0xb8;
	[tilespmem:$0x12580] =	vst v63  }
0x172: {  	s15 =	simm.s32 $0xAD80;
	v21 =	vperm.xlane v21, v20  }
0x173: {  	[hbm4b:s11+s4] =	stream.indirect_vreg.scatter [tilespmem:s15], [sflag:$0x4], $0x80, v22, vm0, $0xb8;
	[tilespmem:$0x12580] =	vst v63  }
0x174: {  	s21 =	simm.s32 $0xB580;
	v21 =	vadd.s32 v19, v21  }
0x175: {  	[hbm4b:s12+s4] =	stream.indirect_vreg.scatter [tilespmem:s21], [sflag:$0x4], $0x80, v22, vm0, $0xb8;
	[tilespmem:$0x12580] =	vst v63  }
0x176: {  	s22 =	simm.s32 $0xBD80  }
0x177: {  	[hbm4b:s13+s4] =	stream.indirect_vreg.scatter [tilespmem:s22], [sflag:$0x4], $0x80, v22, vm0, $0xb8;
	[tilespmem:$0x12580] =	vst v63  }
0x178: {  	s24 =	simm.s32 $0xC580  }
0x179: {  	[hbm4b:s2+s4] =	stream.indirect_vreg.scatter [tilespmem:s24], [sflag:$0x4], $0x80, v21, vm0, $0xb8;
	[tilespmem:$0x12580] =	vst v63  }
0x17a: {  	s25 =	simm.s32 $0xCD80  }
0x17b: {  	[hbm4b:s11+s4] =	stream.indirect_vreg.scatter [tilespmem:s25], [sflag:$0x4], $0x80, v21, vm0, $0xb8;
	[tilespmem:$0x12580] =	vst v63  }
0x17c: {  	s29 =	simm.s32 $0xD580  }
0x17d: {  	[hbm4b:s12+s4] =	stream.indirect_vreg.scatter [tilespmem:s29], [sflag:$0x4], $0x80, v21, vm0, $0xb8;
	[tilespmem:$0x12580] =	vst v63  }
0x17e: {  	s31 =	simm.s32 $0xDD80  }
0x17f: {  	[hbm4b:s13+s4] =	stream.indirect_vreg.scatter [tilespmem:s31], [sflag:$0x4], $0x80, v21, vm0, $0xb8;
	[tilespmem:$0x12580] =	vst v63  }
0x180: {  	v21 =	vld [tilespmem:$0x2190];
	_ =	sdelay $0x4  }
0x181: {  	v22 =	vshll.u32 v21, $0x3  }
0x182: {  	v21 =	vand.u32 $0x7, v21;
	v22 =	vand.u32 $0xFFFFFFC0, v22  }
0x183: {  	v21 =	vor.u32 v21, v22  }
0x184: {  	v22 =	vperm.xlane v21, v18;
	_ =	sdelay $0x1  }
0x185: {  	v22 =	vadd.s32 v19, v22;
	_ =	sdelay $0x3  }
0x186: {  	s1 =	simm.s32 $0xE580  }
0x187: {  	[hbm4b:s2+s4] =	stream.indirect_vreg.scatter [tilespmem:s1], [sflag:$0x4], $0x80, v22, vm0, $0xb8;
	[tilespmem:$0x12580] =	vst v63  }
0x188: {  	s6 =	simm.s32 $0xED80;
	v21 =	vperm.xlane v21, v20  }
0x189: {  	[hbm4b:s11+s4] =	stream.indirect_vreg.scatter [tilespmem:s6], [sflag:$0x4], $0x80, v22, vm0, $0xb8;
	[tilespmem:$0x12580] =	vst v63  }
0x18a: {  	s7 =	simm.s32 $0xF580;
	v21 =	vadd.s32 v19, v21  }
0x18b: {  	[hbm4b:s12+s4] =	stream.indirect_vreg.scatter [tilespmem:s7], [sflag:$0x4], $0x80, v22, vm0, $0xb8;
	[tilespmem:$0x12580] =	vst v63  }
0x18c: {  	s15 =	simm.s32 $0xFD80  }
0x18d: {  	[hbm4b:s13+s4] =	stream.indirect_vreg.scatter [tilespmem:s15], [sflag:$0x4], $0x80, v22, vm0, $0xb8;
	[tilespmem:$0x12580] =	vst v63  }
0x18e: {  	s29 =	simm.s32 $0x10580  }
0x18f: {  	[hbm4b:s2+s4] =	stream.indirect_vreg.scatter [tilespmem:s29], [sflag:$0x4], $0x80, v21, vm0, $0xb8;
	[tilespmem:$0x12580] =	vst v63  }
0x190: {  	s31 =	simm.s32 $0x10D80  }
0x191: {  	[hbm4b:s11+s4] =	stream.indirect_vreg.scatter [tilespmem:s31], [sflag:$0x4], $0x80, v21, vm0, $0xb8;
	[tilespmem:$0x12580] =	vst v63  }
0x192: {  	s1 =	simm.s32 $0x11580  }
0x193: {  	[hbm4b:s12+s4] =	stream.indirect_vreg.scatter [tilespmem:s1], [sflag:$0x4], $0x80, v21, vm0, $0xb8;
	[tilespmem:$0x12580] =	vst v63  }
0x194: {  	s6 =	simm.s32 $0x11D80  }
0x195: {  	[hbm4b:s13+s4] =	stream.indirect_vreg.scatter [tilespmem:s6], [sflag:$0x4], $0x80, v21, vm0, $0xb8;
	[tilespmem:$0x12580] =	vst v63  }
0x196: {  	_ =	swait.ge [sflag:s17], $0x8000  }
0x197: {  	[sflag:s17] =	ssyncset.done $0x0  }
0x198: {  	[sflag:s17] =	ssyncadd.s32 $0xFFFF8000  }
0x199: {  	_ =	swait.ge [sflag:s14], $0x8000  }
0x19a: {  	[sflag:s14] =	ssyncset.done $0x0  }
0x19b: {  	s7 =	rddreg [dreg:$0xb];
	[sflag:s14] =	ssyncadd.s32 $0xFFFF8000  }
0x19c: {  	[tilespmem:s26], [sflag:$0x2] =	stream.linear.gather [hbm4b:s7+s4], $0x8000, $0x38;
	[tilespmem:$0x12580] =	vst v63  }
0x19d: {  	v21 =	vld [tilespmem:$0x2200];
	_ =	sdelay $0x4  }
0x19e: {  	v22 =	vshll.u32 v21, $0x3  }
0x19f: {  	v21 =	vand.u32 $0x7, v21;
	v22 =	vand.u32 $0xFFFFFFC0, v22  }
0x1a0: {  	v21 =	vor.u32 v21, v22  }
0x1a1: {  	v22 =	vperm.xlane v21, v18;
	_ =	sdelay $0x1  }
0x1a2: {  	v22 =	vadd.s32 v19, v22;
	_ =	sdelay $0x4  }
0x1a3: {  	[hbm4b:s2+s4] =	stream.indirect_vreg.scatter [tilespmem:s28], [sflag:$0x3], $0x80, v22, vm0, $0xb8;
	[tilespmem:$0x12580] =	vst v63  }
0x1a4: {  	s5 =	simm.s32 $0x2D80;
	v21 =	vperm.xlane v21, v20  }
0x1a5: {  	[hbm4b:s11+s4] =	stream.indirect_vreg.scatter [tilespmem:s5], [sflag:$0x3], $0x80, v22, vm0, $0xb8;
	[tilespmem:$0x12580] =	vst v63  }
0x1a6: {  	s0 =	simm.s32 $0x3580;
	v21 =	vadd.s32 v19, v21  }
0x1a7: {  	[hbm4b:s12+s4] =	stream.indirect_vreg.scatter [tilespmem:s0], [sflag:$0x3], $0x80, v22, vm0, $0xb8;
	[tilespmem:$0x12580] =	vst v63  }
0x1a8: {  	s1 =	simm.s32 $0x3D80  }
0x1a9: {  	[hbm4b:s13+s4] =	stream.indirect_vreg.scatter [tilespmem:s1], [sflag:$0x3], $0x80, v22, vm0, $0xb8;
	[tilespmem:$0x12580] =	vst v63  }
0x1aa: {  	s5 =	simm.s32 $0x4580  }
0x1ab: {  	[hbm4b:s2+s4] =	stream.indirect_vreg.scatter [tilespmem:s5], [sflag:$0x3], $0x80, v21, vm0, $0xb8;
	[tilespmem:$0x12580] =	vst v63  }
0x1ac: {  	s6 =	simm.s32 $0x4D80  }
0x1ad: {  	[hbm4b:s11+s4] =	stream.indirect_vreg.scatter [tilespmem:s6], [sflag:$0x3], $0x80, v21, vm0, $0xb8;
	[tilespmem:$0x12580] =	vst v63  }
0x1ae: {  	s7 =	simm.s32 $0x5580  }
0x1af: {  	[hbm4b:s12+s4] =	stream.indirect_vreg.scatter [tilespmem:s7], [sflag:$0x3], $0x80, v21, vm0, $0xb8;
	[tilespmem:$0x12580] =	vst v63  }
0x1b0: {  	s9 =	simm.s32 $0x5D80  }
0x1b1: {  	[hbm4b:s13+s4] =	stream.indirect_vreg.scatter [tilespmem:s9], [sflag:$0x3], $0x80, v21, vm0, $0xb8;
	[tilespmem:$0x12580] =	vst v63  }
0x1b2: {  	v21 =	vld [tilespmem:$0x2210];
	_ =	sdelay $0x4  }
0x1b3: {  	v22 =	vshll.u32 v21, $0x3  }
0x1b4: {  	v21 =	vand.u32 $0x7, v21;
	v22 =	vand.u32 $0xFFFFFFC0, v22  }
0x1b5: {  	v21 =	vor.u32 v21, v22  }
0x1b6: {  	v22 =	vperm.xlane v21, v18;
	_ =	sdelay $0x1  }
0x1b7: {  	v22 =	vadd.s32 v19, v22;
	_ =	sdelay $0x3  }
0x1b8: {  	s19 =	simm.s32 $0x6580  }
0x1b9: {  	[hbm4b:s2+s4] =	stream.indirect_vreg.scatter [tilespmem:s19], [sflag:$0x3], $0x80, v22, vm0, $0xb8;
	[tilespmem:$0x12580] =	vst v63  }
0x1ba: {  	s16 =	simm.s32 $0x6D80;
	v21 =	vperm.xlane v21, v20  }
0x1bb: {  	[hbm4b:s11+s4] =	stream.indirect_vreg.scatter [tilespmem:s16], [sflag:$0x3], $0x80, v22, vm0, $0xb8;
	[tilespmem:$0x12580] =	vst v63  }
0x1bc: {  	s8 =	simm.s32 $0x7580;
	v21 =	vadd.s32 v19, v21  }
0x1bd: {  	[hbm4b:s12+s4] =	stream.indirect_vreg.scatter [tilespmem:s8], [sflag:$0x3], $0x80, v22, vm0, $0xb8;
	[tilespmem:$0x12580] =	vst v63  }
0x1be: {  	s8 =	simm.s32 $0x7D80  }
0x1bf: {  	[hbm4b:s13+s4] =	stream.indirect_vreg.scatter [tilespmem:s8], [sflag:$0x3], $0x80, v22, vm0, $0xb8;
	[tilespmem:$0x12580] =	vst v63  }
0x1c0: {  	s9 =	simm.s32 $0x8580  }
0x1c1: {  	[hbm4b:s2+s4] =	stream.indirect_vreg.scatter [tilespmem:s9], [sflag:$0x3], $0x80, v21, vm0, $0xb8;
	[tilespmem:$0x12580] =	vst v63  }
0x1c2: {  	s16 =	simm.s32 $0x8D80  }
0x1c3: {  	[hbm4b:s11+s4] =	stream.indirect_vreg.scatter [tilespmem:s16], [sflag:$0x3], $0x80, v21, vm0, $0xb8;
	[tilespmem:$0x12580] =	vst v63  }
0x1c4: {  	s19 =	simm.s32 $0x9580  }
0x1c5: {  	[hbm4b:s12+s4] =	stream.indirect_vreg.scatter [tilespmem:s19], [sflag:$0x3], $0x80, v21, vm0, $0xb8;
	[tilespmem:$0x12580] =	vst v63  }
0x1c6: {  	s20 =	simm.s32 $0x9D80  }
0x1c7: {  	[hbm4b:s13+s4] =	stream.indirect_vreg.scatter [tilespmem:s20], [sflag:$0x3], $0x80, v21, vm0, $0xb8;
	[tilespmem:$0x12580] =	vst v63  }
0x1c8: {  	_ =	swait.ge [sflag:s18], $0x8000  }
0x1c9: {  	[sflag:s18] =	ssyncset.done $0x0  }
0x1ca: {  	[sflag:s18] =	ssyncadd.s32 $0xFFFF8000  }
0x1cb: {  	_ =	swait.ge [sflag:s10], $0x8000  }
0x1cc: {  	[sflag:s10] =	ssyncset.done $0x0  }
0x1cd: {  	s20 =	rddreg [dreg:$0xc];
	[sflag:s10] =	ssyncadd.s32 $0xFFFF8000  }
0x1ce: {  	[tilespmem:s28], [sflag:$0x1] =	stream.linear.gather [hbm4b:s20+s4], $0x8000, $0x38;
	[tilespmem:$0x12580] =	vst v63  }
0x1cf: {  	v21 =	vld [tilespmem:$0x2280];
	_ =	sdelay $0x4  }
0x1d0: {  	v22 =	vshll.u32 v21, $0x3  }
0x1d1: {  	v21 =	vand.u32 $0x7, v21;
	v22 =	vand.u32 $0xFFFFFFC0, v22  }
0x1d2: {  	v21 =	vor.u32 v21, v22  }
0x1d3: {  	v22 =	vperm.xlane v21, v18;
	_ =	sdelay $0x1  }
0x1d4: {  	v22 =	vadd.s32 v19, v22;
	_ =	sdelay $0x4  }
0x1d5: {  	[hbm4b:s2+s4] =	stream.indirect_vreg.scatter [tilespmem:s26], [sflag:$0x4], $0x80, v22, vm0, $0xb8;
	[tilespmem:$0x12580] =	vst v63  }
0x1d6: {  	s23 =	simm.s32 $0xAD80;
	v21 =	vperm.xlane v21, v20  }
0x1d7: {  	[hbm4b:s11+s4] =	stream.indirect_vreg.scatter [tilespmem:s23], [sflag:$0x4], $0x80, v22, vm0, $0xb8;
	[tilespmem:$0x12580] =	vst v63  }
0x1d8: {  	s21 =	simm.s32 $0xB580;
	v21 =	vadd.s32 v19, v21  }
0x1d9: {  	[hbm4b:s12+s4] =	stream.indirect_vreg.scatter [tilespmem:s21], [sflag:$0x4], $0x80, v22, vm0, $0xb8;
	[tilespmem:$0x12580] =	vst v63  }
0x1da: {  	s22 =	simm.s32 $0xBD80  }
0x1db: {  	[hbm4b:s13+s4] =	stream.indirect_vreg.scatter [tilespmem:s22], [sflag:$0x4], $0x80, v22, vm0, $0xb8;
	[tilespmem:$0x12580] =	vst v63  }
0x1dc: {  	s30 =	simm.s32 $0xC580  }
0x1dd: {  	[hbm4b:s2+s4] =	stream.indirect_vreg.scatter [tilespmem:s30], [sflag:$0x4], $0x80, v21, vm0, $0xb8;
	[tilespmem:$0x12580] =	vst v63  }
0x1de: {  	s20 =	simm.s32 $0xCD80  }
0x1df: {  	[hbm4b:s11+s4] =	stream.indirect_vreg.scatter [tilespmem:s20], [sflag:$0x4], $0x80, v21, vm0, $0xb8;
	[tilespmem:$0x12580] =	vst v63  }
0x1e0: {  	s21 =	simm.s32 $0xD580  }
0x1e1: {  	[hbm4b:s12+s4] =	stream.indirect_vreg.scatter [tilespmem:s21], [sflag:$0x4], $0x80, v21, vm0, $0xb8;
	[tilespmem:$0x12580] =	vst v63  }
0x1e2: {  	s24 =	simm.s32 $0xDD80  }
0x1e3: {  	[hbm4b:s13+s4] =	stream.indirect_vreg.scatter [tilespmem:s24], [sflag:$0x4], $0x80, v21, vm0, $0xb8;
	[tilespmem:$0x12580] =	vst v63  }
0x1e4: {  	v21 =	vld [tilespmem:$0x2290];
	_ =	sdelay $0x4  }
0x1e5: {  	v22 =	vshll.u32 v21, $0x3  }
0x1e6: {  	v21 =	vand.u32 $0x7, v21;
	v22 =	vand.u32 $0xFFFFFFC0, v22  }
0x1e7: {  	v21 =	vor.u32 v21, v22  }
0x1e8: {  	v22 =	vperm.xlane v21, v18;
	_ =	sdelay $0x1  }
0x1e9: {  	v22 =	vadd.s32 v19, v22;
	_ =	sdelay $0x3  }
0x1ea: {  	s25 =	simm.s32 $0xE580  }
0x1eb: {  	[hbm4b:s2+s4] =	stream.indirect_vreg.scatter [tilespmem:s25], [sflag:$0x4], $0x80, v22, vm0, $0xb8;
	[tilespmem:$0x12580] =	vst v63  }
0x1ec: {  	s30 =	simm.s32 $0xED80;
	v21 =	vperm.xlane v21, v20  }
0x1ed: {  	[hbm4b:s11+s4] =	stream.indirect_vreg.scatter [tilespmem:s30], [sflag:$0x4], $0x80, v22, vm0, $0xb8;
	[tilespmem:$0x12580] =	vst v63  }
0x1ee: {  	s22 =	simm.s32 $0xF580;
	v21 =	vadd.s32 v19, v21  }
0x1ef: {  	[hbm4b:s12+s4] =	stream.indirect_vreg.scatter [tilespmem:s22], [sflag:$0x4], $0x80, v22, vm0, $0xb8;
	[tilespmem:$0x12580] =	vst v63  }
0x1f0: {  	s23 =	simm.s32 $0xFD80  }
0x1f1: {  	[hbm4b:s13+s4] =	stream.indirect_vreg.scatter [tilespmem:s23], [sflag:$0x4], $0x80, v22, vm0, $0xb8;
	[tilespmem:$0x12580] =	vst v63  }
0x1f2: {  	s24 =	simm.s32 $0x10580  }
0x1f3: {  	[hbm4b:s2+s4] =	stream.indirect_vreg.scatter [tilespmem:s24], [sflag:$0x4], $0x80, v21, vm0, $0xb8;
	[tilespmem:$0x12580] =	vst v63  }
0x1f4: {  	s25 =	simm.s32 $0x10D80  }
0x1f5: {  	[hbm4b:s11+s4] =	stream.indirect_vreg.scatter [tilespmem:s25], [sflag:$0x4], $0x80, v21, vm0, $0xb8;
	[tilespmem:$0x12580] =	vst v63  }
0x1f6: {  	s15 =	simm.s32 $0x11580  }
0x1f7: {  	[hbm4b:s12+s4] =	stream.indirect_vreg.scatter [tilespmem:s15], [sflag:$0x4], $0x80, v21, vm0, $0xb8;
	[tilespmem:$0x12580] =	vst v63  }
0x1f8: {  	s31 =	simm.s32 $0x11D80  }
0x1f9: {  	[hbm4b:s13+s4] =	stream.indirect_vreg.scatter [tilespmem:s31], [sflag:$0x4], $0x80, v21, vm0, $0xb8;
	[tilespmem:$0x12580] =	vst v63  }
0x1fa: {  	_ =	swait.ge [sflag:s17], $0x8000  }
0x1fb: {  	[sflag:s17] =	ssyncset.done $0x0  }
0x1fc: {  	[sflag:s17] =	ssyncadd.s32 $0xFFFF8000  }
0x1fd: {  	_ =	swait.ge [sflag:s14], $0x8000  }
0x1fe: {  	[sflag:s14] =	ssyncset.done $0x0  }
0x1ff: {  	s31 =	rddreg [dreg:$0xd];
	[sflag:s14] =	ssyncadd.s32 $0xFFFF8000  }
0x200: {  	[tilespmem:s26], [sflag:$0x2] =	stream.linear.gather [hbm4b:s31+s4], $0x8000, $0x38;
	[tilespmem:$0x12580] =	vst v63  }
0x201: {  	v21 =	vld [tilespmem:$0x2300];
	_ =	sdelay $0x4  }
0x202: {  	v22 =	vshll.u32 v21, $0x3  }
0x203: {  	v21 =	vand.u32 $0x7, v21;
	v22 =	vand.u32 $0xFFFFFFC0, v22  }
0x204: {  	v21 =	vor.u32 v21, v22  }
0x205: {  	v22 =	vperm.xlane v21, v18;
	_ =	sdelay $0x1  }
0x206: {  	v22 =	vadd.s32 v19, v22;
	_ =	sdelay $0x4  }
0x207: {  	[hbm4b:s2+s4] =	stream.indirect_vreg.scatter [tilespmem:s28], [sflag:$0x3], $0x80, v22, vm0, $0xb8;
	[tilespmem:$0x12580] =	vst v63  }
0x208: {  	s31 =	simm.s32 $0x2D80;
	v21 =	vperm.xlane v21, v20  }
0x209: {  	[hbm4b:s11+s4] =	stream.indirect_vreg.scatter [tilespmem:s31], [sflag:$0x3], $0x80, v22, vm0, $0xb8;
	[tilespmem:$0x12580] =	vst v63  }
0x20a: {  	v21 =	vadd.s32 v19, v21  }
0x20b: {  	[hbm4b:s12+s4] =	stream.indirect_vreg.scatter [tilespmem:s0], [sflag:$0x3], $0x80, v22, vm0, $0xb8;
	[tilespmem:$0x12580] =	vst v63  }
0x20c: {  	_ = 	snop  }
0x20d: {  	[hbm4b:s13+s4] =	stream.indirect_vreg.scatter [tilespmem:s1], [sflag:$0x3], $0x80, v22, vm0, $0xb8;
	[tilespmem:$0x12580] =	vst v63  }
0x20e: {  	_ = 	snop  }
0x20f: {  	[hbm4b:s2+s4] =	stream.indirect_vreg.scatter [tilespmem:s5], [sflag:$0x3], $0x80, v21, vm0, $0xb8;
	[tilespmem:$0x12580] =	vst v63  }
0x210: {  	_ = 	snop  }
0x211: {  	[hbm4b:s11+s4] =	stream.indirect_vreg.scatter [tilespmem:s6], [sflag:$0x3], $0x80, v21, vm0, $0xb8;
	[tilespmem:$0x12580] =	vst v63  }
0x212: {  	_ = 	snop  }
0x213: {  	[hbm4b:s12+s4] =	stream.indirect_vreg.scatter [tilespmem:s7], [sflag:$0x3], $0x80, v21, vm0, $0xb8;
	[tilespmem:$0x12580] =	vst v63  }
0x214: {  	s1 =	simm.s32 $0x5D80  }
0x215: {  	[hbm4b:s13+s4] =	stream.indirect_vreg.scatter [tilespmem:s1], [sflag:$0x3], $0x80, v21, vm0, $0xb8;
	[tilespmem:$0x12580] =	vst v63  }
0x216: {  	v21 =	vld [tilespmem:$0x2310];
	_ =	sdelay $0x4  }
0x217: {  	v22 =	vshll.u32 v21, $0x3  }
0x218: {  	v21 =	vand.u32 $0x7, v21;
	v22 =	vand.u32 $0xFFFFFFC0, v22  }
0x219: {  	v21 =	vor.u32 v21, v22  }
0x21a: {  	v22 =	vperm.xlane v21, v18;
	_ =	sdelay $0x1  }
0x21b: {  	v22 =	vadd.s32 v19, v22;
	_ =	sdelay $0x3  }
0x21c: {  	s5 =	simm.s32 $0x6580  }
0x21d: {  	[hbm4b:s2+s4] =	stream.indirect_vreg.scatter [tilespmem:s5], [sflag:$0x3], $0x80, v22, vm0, $0xb8;
	[tilespmem:$0x12580] =	vst v63  }
0x21e: {  	s6 =	simm.s32 $0x6D80;
	v21 =	vperm.xlane v21, v20  }
0x21f: {  	[hbm4b:s11+s4] =	stream.indirect_vreg.scatter [tilespmem:s6], [sflag:$0x3], $0x80, v22, vm0, $0xb8;
	[tilespmem:$0x12580] =	vst v63  }
0x220: {  	s7 =	simm.s32 $0x7580;
	v21 =	vadd.s32 v19, v21  }
0x221: {  	[hbm4b:s12+s4] =	stream.indirect_vreg.scatter [tilespmem:s7], [sflag:$0x3], $0x80, v22, vm0, $0xb8;
	[tilespmem:$0x12580] =	vst v63  }
0x222: {  	_ = 	snop  }
0x223: {  	[hbm4b:s13+s4] =	stream.indirect_vreg.scatter [tilespmem:s8], [sflag:$0x3], $0x80, v22, vm0, $0xb8;
	[tilespmem:$0x12580] =	vst v63  }
0x224: {  	_ = 	snop  }
0x225: {  	[hbm4b:s2+s4] =	stream.indirect_vreg.scatter [tilespmem:s9], [sflag:$0x3], $0x80, v21, vm0, $0xb8;
	[tilespmem:$0x12580] =	vst v63  }
0x226: {  	_ = 	snop  }
0x227: {  	[hbm4b:s11+s4] =	stream.indirect_vreg.scatter [tilespmem:s16], [sflag:$0x3], $0x80, v21, vm0, $0xb8;
	[tilespmem:$0x12580] =	vst v63  }
0x228: {  	_ = 	snop  }
0x229: {  	[hbm4b:s12+s4] =	stream.indirect_vreg.scatter [tilespmem:s19], [sflag:$0x3], $0x80, v21, vm0, $0xb8;
	[tilespmem:$0x12580] =	vst v63  }
0x22a: {  	s29 =	simm.s32 $0x9D80  }
0x22b: {  	[hbm4b:s13+s4] =	stream.indirect_vreg.scatter [tilespmem:s29], [sflag:$0x3], $0x80, v21, vm0, $0xb8;
	[tilespmem:$0x12580] =	vst v63  }
0x22c: {  	_ =	swait.ge [sflag:s18], $0x8000  }
0x22d: {  	[sflag:s18] =	ssyncset.done $0x0  }
0x22e: {  	[sflag:s18] =	ssyncadd.s32 $0xFFFF8000  }
0x22f: {  	_ =	swait.ge [sflag:s10], $0x8000  }
0x230: {  	[sflag:s10] =	ssyncset.done $0x0  }
0x231: {  	s8 =	rddreg [dreg:$0xe];
	[sflag:s10] =	ssyncadd.s32 $0xFFFF8000  }
0x232: {  	[tilespmem:s28], [sflag:$0x1] =	stream.linear.gather [hbm4b:s8+s4], $0x8000, $0x38;
	[tilespmem:$0x12580] =	vst v63  }
0x233: {  	v21 =	vld [tilespmem:$0x2380];
	_ =	sdelay $0x4  }
0x234: {  	v22 =	vshll.u32 v21, $0x3  }
0x235: {  	v21 =	vand.u32 $0x7, v21;
	v22 =	vand.u32 $0xFFFFFFC0, v22  }
0x236: {  	v21 =	vor.u32 v21, v22  }
0x237: {  	v22 =	vperm.xlane v21, v18;
	_ =	sdelay $0x1  }
0x238: {  	v22 =	vadd.s32 v19, v22;
	_ =	sdelay $0x4  }
0x239: {  	[hbm4b:s2+s4] =	stream.indirect_vreg.scatter [tilespmem:s26], [sflag:$0x4], $0x80, v22, vm0, $0xb8;
	[tilespmem:$0x12580] =	vst v63  }
0x23a: {  	s9 =	simm.s32 $0xAD80;
	v21 =	vperm.xlane v21, v20  }
0x23b: {  	[hbm4b:s11+s4] =	stream.indirect_vreg.scatter [tilespmem:s9], [sflag:$0x4], $0x80, v22, vm0, $0xb8;
	[tilespmem:$0x12580] =	vst v63  }
0x23c: {  	s15 =	simm.s32 $0xB580;
	v21 =	vadd.s32 v19, v21  }
0x23d: {  	[hbm4b:s12+s4] =	stream.indirect_vreg.scatter [tilespmem:s15], [sflag:$0x4], $0x80, v22, vm0, $0xb8;
	[tilespmem:$0x12580] =	vst v63  }
0x23e: {  	s16 =	simm.s32 $0xBD80  }
0x23f: {  	[hbm4b:s13+s4] =	stream.indirect_vreg.scatter [tilespmem:s16], [sflag:$0x4], $0x80, v22, vm0, $0xb8;
	[tilespmem:$0x12580] =	vst v63  }
0x240: {  	s29 =	simm.s32 $0xC580  }
0x241: {  	[hbm4b:s2+s4] =	stream.indirect_vreg.scatter [tilespmem:s29], [sflag:$0x4], $0x80, v21, vm0, $0xb8;
	[tilespmem:$0x12580] =	vst v63  }
0x242: {  	_ = 	snop  }
0x243: {  	[hbm4b:s11+s4] =	stream.indirect_vreg.scatter [tilespmem:s20], [sflag:$0x4], $0x80, v21, vm0, $0xb8;
	[tilespmem:$0x12580] =	vst v63  }
0x244: {  	_ = 	snop  }
0x245: {  	[hbm4b:s12+s4] =	stream.indirect_vreg.scatter [tilespmem:s21], [sflag:$0x4], $0x80, v21, vm0, $0xb8;
	[tilespmem:$0x12580] =	vst v63  }
0x246: {  	s1 =	simm.s32 $0xDD80  }
0x247: {  	[hbm4b:s13+s4] =	stream.indirect_vreg.scatter [tilespmem:s1], [sflag:$0x4], $0x80, v21, vm0, $0xb8;
	[tilespmem:$0x12580] =	vst v63  }
0x248: {  	v21 =	vld [tilespmem:$0x2390];
	_ =	sdelay $0x4  }
0x249: {  	v22 =	vshll.u32 v21, $0x3  }
0x24a: {  	v21 =	vand.u32 $0x7, v21;
	v22 =	vand.u32 $0xFFFFFFC0, v22  }
0x24b: {  	v21 =	vor.u32 v21, v22  }
0x24c: {  	v22 =	vperm.xlane v21, v18;
	_ =	sdelay $0x1  }
0x24d: {  	v22 =	vadd.s32 v19, v22;
	_ =	sdelay $0x3  }
0x24e: {  	s5 =	simm.s32 $0xE580  }
0x24f: {  	[hbm4b:s2+s4] =	stream.indirect_vreg.scatter [tilespmem:s5], [sflag:$0x4], $0x80, v22, vm0, $0xb8;
	[tilespmem:$0x12580] =	vst v63  }
0x250: {  	v21 =	vperm.xlane v21, v20  }
0x251: {  	[hbm4b:s11+s4] =	stream.indirect_vreg.scatter [tilespmem:s30], [sflag:$0x4], $0x80, v22, vm0, $0xb8;
	[tilespmem:$0x12580] =	vst v63  }
0x252: {  	v21 =	vadd.s32 v19, v21  }
0x253: {  	[hbm4b:s12+s4] =	stream.indirect_vreg.scatter [tilespmem:s22], [sflag:$0x4], $0x80, v22, vm0, $0xb8;
	[tilespmem:$0x12580] =	vst v63  }
0x254: {  	_ = 	snop  }
0x255: {  	[hbm4b:s13+s4] =	stream.indirect_vreg.scatter [tilespmem:s23], [sflag:$0x4], $0x80, v22, vm0, $0xb8;
	[tilespmem:$0x12580] =	vst v63  }
0x256: {  	_ = 	snop  }
0x257: {  	[hbm4b:s2+s4] =	stream.indirect_vreg.scatter [tilespmem:s24], [sflag:$0x4], $0x80, v21, vm0, $0xb8;
	[tilespmem:$0x12580] =	vst v63  }
0x258: {  	_ = 	snop  }
0x259: {  	[hbm4b:s11+s4] =	stream.indirect_vreg.scatter [tilespmem:s25], [sflag:$0x4], $0x80, v21, vm0, $0xb8;
	[tilespmem:$0x12580] =	vst v63  }
0x25a: {  	s30 =	simm.s32 $0x11580  }
0x25b: {  	[hbm4b:s12+s4] =	stream.indirect_vreg.scatter [tilespmem:s30], [sflag:$0x4], $0x80, v21, vm0, $0xb8;
	[tilespmem:$0x12580] =	vst v63  }
0x25c: {  	s5 =	simm.s32 $0x11D80  }
0x25d: {  	[hbm4b:s13+s4] =	stream.indirect_vreg.scatter [tilespmem:s5], [sflag:$0x4], $0x80, v21, vm0, $0xb8;
	[tilespmem:$0x12580] =	vst v63  }
0x25e: {  	_ =	swait.ge [sflag:s17], $0x8000  }
0x25f: {  	[sflag:s17] =	ssyncset.done $0x0  }
0x260: {  	[sflag:s17] =	ssyncadd.s32 $0xFFFF8000  }
0x261: {  	_ =	swait.ge [sflag:s14], $0x8000  }
0x262: {  	[sflag:s14] =	ssyncset.done $0x0  }
0x263: {  	s15 =	rddreg [dreg:$0xf];
	[sflag:s14] =	ssyncadd.s32 $0xFFFF8000  }
0x264: {  	[tilespmem:s26], [sflag:$0x2] =	stream.linear.gather [hbm4b:s15+s4], $0x8000, $0x38;
	[tilespmem:$0x12580] =	vst v63  }
0x265: {  	v21 =	vld [tilespmem:$0x2400];
	_ =	sdelay $0x4  }
0x266: {  	v22 =	vshll.u32 v21, $0x3  }
0x267: {  	v21 =	vand.u32 $0x7, v21;
	v22 =	vand.u32 $0xFFFFFFC0, v22  }
0x268: {  	v21 =	vor.u32 v21, v22  }
0x269: {  	v22 =	vperm.xlane v21, v18;
	_ =	sdelay $0x1  }
0x26a: {  	v22 =	vadd.s32 v19, v22;
	_ =	sdelay $0x4  }
0x26b: {  	[hbm4b:s2+s4] =	stream.indirect_vreg.scatter [tilespmem:s28], [sflag:$0x3], $0x80, v22, vm0, $0xb8;
	[tilespmem:$0x12580] =	vst v63  }
0x26c: {  	s15 =	simm.s32 $0x2D80;
	v21 =	vperm.xlane v21, v20  }
0x26d: {  	[hbm4b:s11+s4] =	stream.indirect_vreg.scatter [tilespmem:s15], [sflag:$0x3], $0x80, v22, vm0, $0xb8;
	[tilespmem:$0x12580] =	vst v63  }
0x26e: {  	s0 =	simm.s32 $0x3580;
	v21 =	vadd.s32 v19, v21  }
0x26f: {  	[hbm4b:s12+s4] =	stream.indirect_vreg.scatter [tilespmem:s0], [sflag:$0x3], $0x80, v22, vm0, $0xb8;
	[tilespmem:$0x12580] =	vst v63  }
0x270: {  	s15 =	simm.s32 $0x3D80  }
0x271: {  	[hbm4b:s13+s4] =	stream.indirect_vreg.scatter [tilespmem:s15], [sflag:$0x3], $0x80, v22, vm0, $0xb8;
	[tilespmem:$0x12580] =	vst v63  }
0x272: {  	s15 =	simm.s32 $0x4580  }
0x273: {  	[hbm4b:s2+s4] =	stream.indirect_vreg.scatter [tilespmem:s15], [sflag:$0x3], $0x80, v21, vm0, $0xb8;
	[tilespmem:$0x12580] =	vst v63  }
0x274: {  	s15 =	simm.s32 $0x4D80  }
0x275: {  	[hbm4b:s11+s4] =	stream.indirect_vreg.scatter [tilespmem:s15], [sflag:$0x3], $0x80, v21, vm0, $0xb8;
	[tilespmem:$0x12580] =	vst v63  }
0x276: {  	s15 =	simm.s32 $0x5580  }
0x277: {  	[hbm4b:s12+s4] =	stream.indirect_vreg.scatter [tilespmem:s15], [sflag:$0x3], $0x80, v21, vm0, $0xb8;
	[tilespmem:$0x12580] =	vst v63  }
0x278: {  	s15 =	simm.s32 $0x5D80  }
0x279: {  	[hbm4b:s13+s4] =	stream.indirect_vreg.scatter [tilespmem:s15], [sflag:$0x3], $0x80, v21, vm0, $0xb8;
	[tilespmem:$0x12580] =	vst v63  }
0x27a: {  	v21 =	vld [tilespmem:$0x2410];
	_ =	sdelay $0x4  }
0x27b: {  	v22 =	vshll.u32 v21, $0x3  }
0x27c: {  	v21 =	vand.u32 $0x7, v21;
	v22 =	vand.u32 $0xFFFFFFC0, v22  }
0x27d: {  	v21 =	vor.u32 v21, v22  }
0x27e: {  	v22 =	vperm.xlane v21, v18;
	_ =	sdelay $0x1  }
0x27f: {  	v22 =	vadd.s32 v19, v22;
	_ =	sdelay $0x3  }
0x280: {  	s15 =	simm.s32 $0x6580  }
0x281: {  	[hbm4b:s2+s4] =	stream.indirect_vreg.scatter [tilespmem:s15], [sflag:$0x3], $0x80, v22, vm0, $0xb8;
	[tilespmem:$0x12580] =	vst v63  }
0x282: {  	v21 =	vperm.xlane v21, v20;
	s15 =	simm.s32 $0x6D80  }
0x283: {  	[hbm4b:s11+s4] =	stream.indirect_vreg.scatter [tilespmem:s15], [sflag:$0x3], $0x80, v22, vm0, $0xb8;
	[tilespmem:$0x12580] =	vst v63  }
0x284: {  	s31 =	simm.s32 $0x7580;
	v21 =	vadd.s32 v19, v21  }
0x285: {  	[hbm4b:s12+s4] =	stream.indirect_vreg.scatter [tilespmem:s31], [sflag:$0x3], $0x80, v22, vm0, $0xb8;
	[tilespmem:$0x12580] =	vst v63  }
0x286: {  	s31 =	simm.s32 $0x7D80  }
0x287: {  	[hbm4b:s13+s4] =	stream.indirect_vreg.scatter [tilespmem:s31], [sflag:$0x3], $0x80, v22, vm0, $0xb8;
	[tilespmem:$0x12580] =	vst v63  }
0x288: {  	s31 =	simm.s32 $0x8580  }
0x289: {  	[hbm4b:s2+s4] =	stream.indirect_vreg.scatter [tilespmem:s31], [sflag:$0x3], $0x80, v21, vm0, $0xb8;
	[tilespmem:$0x12580] =	vst v63  }
0x28a: {  	s31 =	simm.s32 $0x8D80  }
0x28b: {  	[hbm4b:s11+s4] =	stream.indirect_vreg.scatter [tilespmem:s31], [sflag:$0x3], $0x80, v21, vm0, $0xb8;
	[tilespmem:$0x12580] =	vst v63  }
0x28c: {  	s19 =	simm.s32 $0x9580  }
0x28d: {  	[hbm4b:s12+s4] =	stream.indirect_vreg.scatter [tilespmem:s19], [sflag:$0x3], $0x80, v21, vm0, $0xb8;
	[tilespmem:$0x12580] =	vst v63  }
0x28e: {  	s19 =	simm.s32 $0x9D80  }
0x28f: {  	[hbm4b:s13+s4] =	stream.indirect_vreg.scatter [tilespmem:s19], [sflag:$0x3], $0x80, v21, vm0, $0xb8;
	[tilespmem:$0x12580] =	vst v63  }
0x290: {  	_ =	swait.ge [sflag:s18], $0x8000  }
0x291: {  	[sflag:s18] =	ssyncset.done $0x0  }
0x292: {  	[sflag:s18] =	ssyncadd.s32 $0xFFFF8000  }
0x293: {  	v21 =	vld [tilespmem:$0x2480];
	_ =	sdelay $0x4  }
0x294: {  	v22 =	vshll.u32 v21, $0x3  }
0x295: {  	v21 =	vand.u32 $0x7, v21;
	v22 =	vand.u32 $0xFFFFFFC0, v22  }
0x296: {  	v21 =	vor.u32 v21, v22  }
0x297: {  	v22 =	vperm.xlane v21, v18;
	_ =	sdelay $0x1  }
0x298: {  	v22 =	vadd.s32 v19, v22;
	_ =	sdelay $0x4  }
0x299: {  	[hbm4b:s2+s4] =	stream.indirect_vreg.scatter [tilespmem:s26], [sflag:$0x4], $0x80, v22, vm0, $0xb8;
	[tilespmem:$0x12580] =	vst v63  }
0x29a: {  	s6 =	simm.s32 $0xAD80;
	v21 =	vperm.xlane v21, v20  }
0x29b: {  	[hbm4b:s11+s4] =	stream.indirect_vreg.scatter [tilespmem:s6], [sflag:$0x4], $0x80, v22, vm0, $0xb8;
	[tilespmem:$0x12580] =	vst v63  }
0x29c: {  	s9 =	simm.s32 $0xB580;
	v21 =	vadd.s32 v19, v21  }
0x29d: {  	[hbm4b:s12+s4] =	stream.indirect_vreg.scatter [tilespmem:s9], [sflag:$0x4], $0x80, v22, vm0, $0xb8;
	[tilespmem:$0x12580] =	vst v63  }
0x29e: {  	s16 =	simm.s32 $0xBD80  }
0x29f: {  	[hbm4b:s13+s4] =	stream.indirect_vreg.scatter [tilespmem:s16], [sflag:$0x4], $0x80, v22, vm0, $0xb8;
	[tilespmem:$0x12580] =	vst v63  }
0x2a0: {  	s7 =	simm.s32 $0xC580  }
0x2a1: {  	[hbm4b:s2+s4] =	stream.indirect_vreg.scatter [tilespmem:s7], [sflag:$0x4], $0x80, v21, vm0, $0xb8;
	[tilespmem:$0x12580] =	vst v63  }
0x2a2: {  	s20 =	simm.s32 $0xCD80  }
0x2a3: {  	[hbm4b:s11+s4] =	stream.indirect_vreg.scatter [tilespmem:s20], [sflag:$0x4], $0x80, v21, vm0, $0xb8;
	[tilespmem:$0x12580] =	vst v63  }
0x2a4: {  	s21 =	simm.s32 $0xD580  }
0x2a5: {  	[hbm4b:s12+s4] =	stream.indirect_vreg.scatter [tilespmem:s21], [sflag:$0x4], $0x80, v21, vm0, $0xb8;
	[tilespmem:$0x12580] =	vst v63  }
0x2a6: {  	_ = 	snop  }
0x2a7: {  	[hbm4b:s13+s4] =	stream.indirect_vreg.scatter [tilespmem:s1], [sflag:$0x4], $0x80, v21, vm0, $0xb8;
	[tilespmem:$0x12580] =	vst v63  }
0x2a8: {  	v21 =	vld [tilespmem:$0x2490];
	_ =	sdelay $0x4  }
0x2a9: {  	v22 =	vshll.u32 v21, $0x3  }
0x2aa: {  	v21 =	vand.u32 $0x7, v21;
	v22 =	vand.u32 $0xFFFFFFC0, v22  }
0x2ab: {  	v21 =	vor.u32 v21, v22  }
0x2ac: {  	v22 =	vperm.xlane v21, v18;
	_ =	sdelay $0x1  }
0x2ad: {  	v22 =	vadd.s32 v19, v22;
	_ =	sdelay $0x3  }
0x2ae: {  	s8 =	simm.s32 $0xE580  }
0x2af: {  	[hbm4b:s2+s4] =	stream.indirect_vreg.scatter [tilespmem:s8], [sflag:$0x4], $0x80, v22, vm0, $0xb8;
	[tilespmem:$0x12580] =	vst v63  }
0x2b0: {  	s29 =	simm.s32 $0xED80;
	v21 =	vperm.xlane v21, v20  }
0x2b1: {  	[hbm4b:s11+s4] =	stream.indirect_vreg.scatter [tilespmem:s29], [sflag:$0x4], $0x80, v22, vm0, $0xb8;
	[tilespmem:$0x12580] =	vst v63  }
0x2b2: {  	s22 =	simm.s32 $0xF580;
	v21 =	vadd.s32 v19, v21  }
0x2b3: {  	[hbm4b:s12+s4] =	stream.indirect_vreg.scatter [tilespmem:s22], [sflag:$0x4], $0x80, v22, vm0, $0xb8;
	[tilespmem:$0x12580] =	vst v63  }
0x2b4: {  	s23 =	simm.s32 $0xFD80  }
0x2b5: {  	[hbm4b:s13+s4] =	stream.indirect_vreg.scatter [tilespmem:s23], [sflag:$0x4], $0x80, v22, vm0, $0xb8;
	[tilespmem:$0x12580] =	vst v63  }
0x2b6: {  	s24 =	simm.s32 $0x10580  }
0x2b7: {  	[hbm4b:s2+s4] =	stream.indirect_vreg.scatter [tilespmem:s24], [sflag:$0x4], $0x80, v21, vm0, $0xb8;
	[tilespmem:$0x12580] =	vst v63  }
0x2b8: {  	s25 =	simm.s32 $0x10D80  }
0x2b9: {  	[hbm4b:s11+s4] =	stream.indirect_vreg.scatter [tilespmem:s25], [sflag:$0x4], $0x80, v21, vm0, $0xb8;
	[tilespmem:$0x12580] =	vst v63  }
0x2ba: {  	_ = 	snop  }
0x2bb: {  	[hbm4b:s12+s4] =	stream.indirect_vreg.scatter [tilespmem:s30], [sflag:$0x4], $0x80, v21, vm0, $0xb8;
	[tilespmem:$0x12580] =	vst v63  }
0x2bc: {  	_ = 	snop  }
0x2bd: {  	[hbm4b:s13+s4] =	stream.indirect_vreg.scatter [tilespmem:s5], [sflag:$0x4], $0x80, v21, vm0, $0xb8;
	[tilespmem:$0x12580] =	vst v63  }
0x2be: {  	_ =	swait.ge [sflag:s10], $0x8000  }
0x2bf: {  	[sflag:s10] =	ssyncset.done $0x0  }
0x2c0: {  	[sflag:s10] =	ssyncadd.s32 $0xFFFF8000  }
0x2c1: {  	_ =	swait.ge [sflag:s14], $0x8000  }
0x2c2: {  	s30 =	rddreg [dreg:$0x11]  }
0x2c3: {  	s31 =	rddreg [dreg:$0x10];
	s1 =	sadd.s32 $0x1, s30  }
0x2c4: {  	p1 =	sne.s32 s1, s31  }
.Ltmp1:
0x2c5: {  	_ = 	snop;
	(pc) =	sbr.rel @p1 .LBB2_1-.Ltmp1, $3  }
0x2c6: {  	_ =	sdelay $0x1  }
0x2c7: {  	[sflag:s14] =	ssyncset.done $0x0  }
0x2c8: {  	s0 =	simm.s32 $0x5;
	[sflag:s14] =	ssyncadd.s32 $0xFFFF8000  }
0x2c9: {  	_ =	sfence.sel $0x180000  }
0x2ca: {  	[bflag:$0x0] =	sbarrier.arrive $0xFFFF  }
0x2cb: {  	_ =	strace $0x90000047  }
0x2cc: {  	s0 =	stileid.u32;
	[bflag:$0x2] =	sbarrier.arrive $0xFFFF  }
0x2cd: {  	p0 =	sne.s32 s0, $0x0;
	s0 =	rddreg [dreg:$0x3]  }
0x2ce: {  	s0 =	sadd.s32 @!p0 $0x100000, s0  }
0x2cf: {  	[sflag:s0] =	ssyncadd.tile.s32 @!p0 $0x1;
	_ =	shalt  }
.Lfunc_end2:
_tile_overlayer_lowered:
.L_overlay_start_2:
0x2d0: {  	(tag) =	ssettag $0x2  }
0x2d1: {  	s0 =	rddreg [dreg:$0x0];
	s2 =	stileid.u32  }
0x2d2: {  	s1 =	rddreg [dreg:$0x1];
	p0 =	sne.s32 s2, $0x0  }
0x2d3: {  	s3 =	rddreg [dreg:$0x2];
	[bflag:$0x3] =	sbarrier.arrive $0xFFFF;
	s2 =	simm.s32 @!p0 $0x1C05  }
0x2d4: {  	[timem:s3], [sflag:s2] =	dma.local @!p0 [hbm:s0], s1  }
0x2d5: {  	s0 =	simm.s32 @!p0 $0x5  }
0x2d6: {  	_ =	swait.ge @!p0 [sflag:s0], s1  }
0x2d7: {  	s1 =	ssub.s32 @!p0 $0x0, s1;
	[sflag:s0] =	ssyncset.done @!p0 $0x0  }
0x2d8: {  	[sflag:s0] =	ssyncadd.s32 @!p0 s1  }
0x2d9: {  	[bflag:$0x3] =	sbarrier.arrive $0xFFFF  }
0x2da: {  	_ =	shalt  }

</sc_bundles>
